<compile_context>
chip_gen: v7x
topology: tpu7x:2x2x1
jax: 0.10.2.dev20260603
libtpu: 0.0.44.dev20260713+nightly
codegen_flags: <defaults>
</compile_context>

<pallas_src>
import functools

import jax
import jax.numpy as jnp
from jax import lax
from jax.experimental import pallas as pl
from jax.experimental.pallas import tpu as pltpu
from jax.experimental.pallas import tpu_sc as plsc

N = 1_600_000
D = 32
L = 16
NC, NS = 2, 16
NW = NC * NS
EW = 49920
TAILW = (N - EW * NW) // 128
BE = 640
CT = BE // 128
C = EW // BE
G = BE // L
NCOMB = 11 * 16 * 9
NT = N // 128

_mesh = plsc.VectorSubcoreMesh(core_axis_name="c", subcore_axis_name="s")


@functools.partial(
    pl.kernel,
    out_type=jax.ShapeDtypeStruct((4, NT, 8, 128), jnp.float32),
    mesh=_mesh,
    compiler_params=pltpu.CompilerParams(needs_layout_passes=False,
                                         use_tc_tiling_on_sc=False),
    scratch_types=[
        pltpu.VMEM((124 * D,), jnp.float32),
        pltpu.VMEM((16 * D,), jnp.float32),
        pltpu.VMEM((24 * D,), jnp.float32),
        pltpu.VMEM((16 * D,), jnp.float32),
        pltpu.VMEM((NCOMB * D,), jnp.float32),
        pltpu.VMEM((2, 4, BE), jnp.int32),
        pltpu.VMEM((2, 4, CT, 8, 129), jnp.float32),
        pltpu.SemaphoreType.DMA,
        pltpu.SemaphoreType.DMA,
        pltpu.SemaphoreType.DMA,
        pltpu.SemaphoreType.DMA,
    ],
)
def _emb_kernel(an_hbm, de_hbm, fc_hbm, hy_hbm,
                wa_hbm, wd_hbm, wf_hbm, wh_hbm,
                out_hbm,
                wa_v, wd_v, wf_v, wh_v, wc_v, idx_v, out_v,
                sem_in0, sem_in1, sem_out0, sem_out1):
    wid = lax.axis_index("s") * NC + lax.axis_index("c")
    base_e = wid * EW

    pltpu.sync_copy(wa_hbm, wa_v)
    pltpu.sync_copy(wd_hbm, wd_v)
    pltpu.sync_copy(wf_hbm, wf_v)
    pltpu.sync_copy(wh_hbm, wh_v)

    idx_hbms = (an_hbm, de_hbm, fc_hbm, hy_hbm)
    sems_in = (sem_in0, sem_in1)
    sems_out = (sem_out0, sem_out1)

    def issue_in(k, s):
        e0 = base_e + k * BE
        for f in range(4):
            pltpu.async_copy(idx_hbms[f].at[pl.ds(e0, BE)], idx_v.at[s, f],
                             sems_in[s])

    def wait_in(s):
        for f in range(4):
            pltpu.make_async_copy(idx_hbms[f].at[pl.ds(0, BE)],
                                  idx_v.at[s, f], sems_in[s]).wait()

    def issue_out(k, s):
        ct0 = (base_e + k * BE) // 128
        for r in range(4):
            pltpu.async_copy(out_v.at[s, r, :, :, pl.ds(0, 128)],
                             out_hbm.at[r, pl.ds(ct0, CT)], sems_out[s])

    def wait_out(s):
        for r in range(4):
            pltpu.make_async_copy(out_v.at[s, r, :, :, pl.ds(0, 128)],
                                  out_hbm.at[r, pl.ds(0, CT)],
                                  sems_out[s]).wait()

    def build_ij(ij, carry):
        i = ij // 16
        j = ij - i * 16
        dl = wd_v[pl.ds(i * D, L)]
        dh = wd_v[pl.ds(i * D + L, L)]
        fl = wf_v[pl.ds(j * D, L)]
        fh = wf_v[pl.ds(j * D + L, L)]
        sl_ = dl + fl
        sh_ = dh + fh
        r0 = ij * 9 * D
        for k in range(9):
            wc_v[pl.ds(r0 + k * D, L)] = sl_ + wh_v[pl.ds(k * D, L)]
            wc_v[pl.ds(r0 + k * D + L, L)] = sh_ + wh_v[pl.ds(k * D + L, L)]
        return carry

    lax.fori_loop(0, 11 * 16, build_ij, 0)

    io0 = lax.broadcasted_iota(jnp.int32, (L,), 0)
    rv0 = io0 >> 3
    rv1 = rv0 + 2
    r8v = io0 & 7

    def compute(s):
        out_s = out_v.at[s]

        def gbody(g, carry):
            sl = pl.ds(g * L, L)
            a32 = idx_v[s, 0, sl] * D
            d = idx_v[s, 1, sl]
            f = idx_v[s, 2, sl]
            h = idx_v[s, 3, sl]
            c32 = ((d * 16 + f) * 9 + h) * D
            cg = g >> 3
            cb = (g & 7) * L
            cgv = jnp.full((L,), cg, jnp.int32)

            def prep(e):
                ee = jnp.full((L,), e, jnp.int32)
                ba = jnp.take(a32, ee) + io0
                bc = jnp.take(c32, ee) + io0
                return (plsc.load_gather(wa_v, [ba]),
                        plsc.load_gather(wc_v, [bc]),
                        plsc.load_gather(wa_v, [ba + L]),
                        plsc.load_gather(wc_v, [bc + L]))

            def fin(e, la, lc, ha, hc):
                cev = jnp.full((L,), cb + e, jnp.int32)
                plsc.store_scatter(out_s, [rv0, cgv, r8v, cev], la + lc)
                plsc.store_scatter(out_s, [rv1, cgv, r8v, cev], ha + hc)

            p1 = prep(0)
            p0 = prep(1)
            for e in range(2, L):
                cur = prep(e)
                fin(e - 2, *p1)
                p1, p0 = p0, cur
            fin(L - 2, *p1)
            fin(L - 1, *p0)
            return carry

        lax.fori_loop(0, G, gbody, 0)

    issue_in(0, 0)
    issue_in(1, 1)

    def pair(i, carry):
        for s in (0, 1):
            k = 2 * i + s
            wait_in(s)

            @pl.when(i > 0)
            def _():
                wait_out(s)

            compute(s)
            issue_out(k, s)

            @pl.when(i < (C // 2) - 1)
            def _():
                issue_in(k + 2, s)

        return carry

    lax.fori_loop(0, C // 2, pair, 0)
    wait_out(0)
    wait_out(1)

    @pl.when(wid < TAILW)
    def _():
        et = NW * EW + wid * 128
        for f in range(4):
            pltpu.async_copy(idx_hbms[f].at[pl.ds(et, 128)],
                             idx_v.at[0, f, pl.ds(0, 128)], sem_in0)
        for f in range(4):
            pltpu.make_async_copy(idx_hbms[f].at[pl.ds(et, 128)],
                                  idx_v.at[0, f, pl.ds(0, 128)], sem_in0).wait()

        out_s = out_v.at[0]
        zv = jnp.zeros((L,), jnp.int32)

        def tbody(g, carry):
            sl = pl.ds(g * L, L)
            a32 = idx_v[0, 0, sl] * D
            d = idx_v[0, 1, sl]
            f = idx_v[0, 2, sl]
            h = idx_v[0, 3, sl]
            c32 = ((d * 16 + f) * 9 + h) * D
            for e in range(L):
                ee = jnp.full((L,), e, jnp.int32)
                ba = jnp.take(a32, ee) + io0
                bc = jnp.take(c32, ee) + io0
                lo = plsc.load_gather(wa_v, [ba]) + plsc.load_gather(wc_v, [bc])
                hi = (plsc.load_gather(wa_v, [ba + L])
                      + plsc.load_gather(wc_v, [bc + L]))
                cev = jnp.full((L,), g * L + e, jnp.int32)
                plsc.store_scatter(out_s, [rv0, zv, r8v, cev], lo)
                plsc.store_scatter(out_s, [rv1, zv, r8v, cev], hi)
            return carry

        lax.fori_loop(0, 128 // L, tbody, 0)
        ctt = et // 128
        for r in range(4):
            pltpu.async_copy(out_v.at[0, r, pl.ds(0, 1), :, pl.ds(0, 128)],
                             out_hbm.at[r, pl.ds(ctt, 1)], sem_out0)
        for r in range(4):
            pltpu.make_async_copy(out_v.at[0, r, pl.ds(0, 1), :, pl.ds(0, 128)],
                                  out_hbm.at[r, pl.ds(ctt, 1)],
                                  sem_out0).wait()


def kernel(atomic_num, degree, formal_charge, hybridization,
           W_atomic_num, W_degree, W_formal_charge, W_hybridization):
    wa = W_atomic_num.reshape(-1)
    wd = W_degree.reshape(-1)
    wf = jnp.pad(W_formal_charge, ((0, 3), (0, 0))).reshape(-1)
    wh = jnp.pad(W_hybridization, ((0, 2), (0, 0))).reshape(-1)
    out4 = _emb_kernel(atomic_num, degree, formal_charge, hybridization,
                       wa, wd, wf, wh)
    return out4.transpose(1, 3, 0, 2).reshape(N, D)

# --- scband reference (transcript-rebuilt; emitter-appended) ---
"""Pipeline reference for scband-features-embedding-84859963834491 (READ-ONLY COPY).

The authoritative reference and input builder live on the scoring server;
editing this copy changes nothing except your own understanding.
"""

import jax, jax.numpy as jnp
import numpy as np

N = 1_600_000
EMBED_DIM = 32
FEAT_PADDING = 5
FEATS = {"atomic_num": 119, "degree": 11, "formal_charge": 16, "hybridization": 9}


def _xavier_uniform(key, shape):
    fan_in, fan_out = shape
    bound = float(np.sqrt(6.0 / (fan_in + fan_out)))
    return jax.random.uniform(key, shape, jnp.float32, -bound, bound)


def setup_inputs(seed: int = 0) -> dict:
    key = jax.random.key(seed)
    inp = {}
    i = 0
    for name, num_vals in FEATS.items():
        inp[name] = jax.random.randint(jax.random.fold_in(key, i), (N,), 0, num_vals, dtype=jnp.int32)
        i += 1
    for name, num_vals in FEATS.items():
        inp["W_" + name] = _xavier_uniform(jax.random.fold_in(key, 100 + i), (num_vals + FEAT_PADDING, EMBED_DIM))
        i += 1
    return inp


def reference(atomic_num, degree, formal_charge, hybridization, W_atomic_num, W_degree, W_formal_charge, W_hybridization):
    # output_embed = zeros(num_elements, embed_dim); then += embedding(feat) for each feature
    num_elements = atomic_num.shape[0]
    out = jnp.zeros((num_elements, W_atomic_num.shape[1]), dtype=jnp.float32)
    out = out + jnp.take(W_atomic_num, atomic_num, axis=0)
    out = out + jnp.take(W_degree, degree, axis=0)
    out = out + jnp.take(W_formal_charge, formal_charge, axis=0)
    out = out + jnp.take(W_hybridization, hybridization, axis=0)
    return out

if __name__ == "__main__":
    import jax
    _d = setup_inputs()
    print(jax.jit(kernel)(*tuple(_d.values())))

</pallas_src>

<mosaic_0001>
#map = affine_map<(d0, d1) -> (0)>
#map1 = affine_map<(d0, d1) -> (0, 0, 0, 0)>
module attributes {stable_mosaic.version = 14 : i64} {
  func.func @_emb_kernel(%arg0: i32, %arg1: i32, %arg2: memref<1600000xi32, #tpu.memory_space<hbm>>, %arg3: memref<1600000xi32, #tpu.memory_space<hbm>>, %arg4: memref<1600000xi32, #tpu.memory_space<hbm>>, %arg5: memref<1600000xi32, #tpu.memory_space<hbm>>, %arg6: memref<3968xf32, #tpu.memory_space<hbm>>, %arg7: memref<512xf32, #tpu.memory_space<hbm>>, %arg8: memref<768xf32, #tpu.memory_space<hbm>>, %arg9: memref<512xf32, #tpu.memory_space<hbm>>, %arg10: memref<4x12500x8x128xf32, #tpu.memory_space<hbm>>, %arg11: memref<3968xf32, #tpu.memory_space<vmem>>, %arg12: memref<512xf32, #tpu.memory_space<vmem>>, %arg13: memref<768xf32, #tpu.memory_space<vmem>>, %arg14: memref<512xf32, #tpu.memory_space<vmem>>, %arg15: memref<50688xf32, #tpu.memory_space<vmem>>, %arg16: memref<2x4x640xi32, #tpu.memory_space<vmem>>, %arg17: memref<2x4x5x8x129xf32, #tpu.memory_space<vmem>>, %arg18: memref<!tpu.dma_semaphore, #tpu.memory_space<semaphore_mem>>, %arg19: memref<!tpu.dma_semaphore, #tpu.memory_space<semaphore_mem>>, %arg20: memref<!tpu.dma_semaphore, #tpu.memory_space<semaphore_mem>>, %arg21: memref<!tpu.dma_semaphore, #tpu.memory_space<semaphore_mem>>) attributes {dimension_semantics = [#tpu.dimension_semantics<core_parallel>, #tpu.dimension_semantics<subcore_parallel>], iteration_bounds = array<i64: 2, 16>, scalar_prefetch = 0 : i64, scratch_operands = 11 : i64, tpu.core_type = #tpu.core_type<sc_vector_subcore>, window_params = [{transform_indices = #map}, {transform_indices = #map}, {transform_indices = #map}, {transform_indices = #map}, {transform_indices = #map}, {transform_indices = #map}, {transform_indices = #map}, {transform_indices = #map}, {transform_indices = #map1}]} {
    %mul3A = arith.constant 2 : i32
    %mul3A_0 = arith.muli %arg1, %mul3A : i32
    %add3A = arith.addi %mul3A_0, %arg0 : i32
    %mul3A_1 = arith.constant 49920 : i32
    %mul3A_2 = arith.muli %add3A, %mul3A_1 : i32
    "tpu.region"() ({
      %run_scoped3A = tpu.sem_alloc : memref<!tpu.dma_semaphore, #tpu.memory_space<semaphore_mem>>
      tpu.enqueue_dma source(%arg6 : memref<3968xf32, #tpu.memory_space<hbm>>) target(%arg11 : memref<3968xf32, #tpu.memory_space<vmem>>) target_semaphore(%run_scoped3A : memref<!tpu.dma_semaphore, #tpu.memory_space<semaphore_mem>>)
      tpu.wait_dma2 semaphore(%run_scoped3A : memref<!tpu.dma_semaphore, #tpu.memory_space<semaphore_mem>>) src(%arg6 : memref<3968xf32, #tpu.memory_space<hbm>>) dst(%arg11 : memref<3968xf32, #tpu.memory_space<vmem>>)
      tpu.yield
    }) : () -> ()
    "tpu.region"() ({
      %run_scoped3A = tpu.sem_alloc : memref<!tpu.dma_semaphore, #tpu.memory_space<semaphore_mem>>
      tpu.enqueue_dma source(%arg7 : memref<512xf32, #tpu.memory_space<hbm>>) target(%arg12 : memref<512xf32, #tpu.memory_space<vmem>>) target_semaphore(%run_scoped3A : memref<!tpu.dma_semaphore, #tpu.memory_space<semaphore_mem>>)
      tpu.wait_dma2 semaphore(%run_scoped3A : memref<!tpu.dma_semaphore, #tpu.memory_space<semaphore_mem>>) src(%arg7 : memref<512xf32, #tpu.memory_space<hbm>>) dst(%arg12 : memref<512xf32, #tpu.memory_space<vmem>>)
      tpu.yield
    }) : () -> ()
    "tpu.region"() ({
      %run_scoped3A = tpu.sem_alloc : memref<!tpu.dma_semaphore, #tpu.memory_space<semaphore_mem>>
      tpu.enqueue_dma source(%arg8 : memref<768xf32, #tpu.memory_space<hbm>>) target(%arg13 : memref<768xf32, #tpu.memory_space<vmem>>) target_semaphore(%run_scoped3A : memref<!tpu.dma_semaphore, #tpu.memory_space<semaphore_mem>>)
      tpu.wait_dma2 semaphore(%run_scoped3A : memref<!tpu.dma_semaphore, #tpu.memory_space<semaphore_mem>>) src(%arg8 : memref<768xf32, #tpu.memory_space<hbm>>) dst(%arg13 : memref<768xf32, #tpu.memory_space<vmem>>)
      tpu.yield
    }) : () -> ()
    "tpu.region"() ({
      %run_scoped3A = tpu.sem_alloc : memref<!tpu.dma_semaphore, #tpu.memory_space<semaphore_mem>>
      tpu.enqueue_dma source(%arg9 : memref<512xf32, #tpu.memory_space<hbm>>) target(%arg14 : memref<512xf32, #tpu.memory_space<vmem>>) target_semaphore(%run_scoped3A : memref<!tpu.dma_semaphore, #tpu.memory_space<semaphore_mem>>)
      tpu.wait_dma2 semaphore(%run_scoped3A : memref<!tpu.dma_semaphore, #tpu.memory_space<semaphore_mem>>) src(%arg9 : memref<512xf32, #tpu.memory_space<hbm>>) dst(%arg14 : memref<512xf32, #tpu.memory_space<vmem>>)
      tpu.yield
    }) : () -> ()
    %scan3A = arith.constant 0 : i32
    %scan3A_3 = arith.constant 0 : i32
    %scan3A_4 = arith.constant 176 : i32
    %scan3A_5 = arith.addi %scan3A_3, %scan3A_4 : i32
    %scan3A_6 = arith.constant 1 : i32
    scf.for %scan3A_289 = %scan3A_3 to %scan3A_5 step %scan3A_6  : i32 {
      %jit3A = arith.constant 16 : i32
      %div3A = arith.divsi %scan3A_289, %jit3A : i32
      %sign3A = arith.constant 0 : i32
      %sign3A_290 = arith.cmpi sgt, %scan3A_289, %sign3A : i32
      %sign3A_291 = arith.extui %sign3A_290 : i1 to i32
      %sign3A_292 = arith.constant 0 : i32
      %sign3A_293 = arith.cmpi slt, %scan3A_289, %sign3A_292 : i32
      %sign3A_294 = arith.extui %sign3A_293 : i1 to i32
      %sign3A_295 = arith.subi %sign3A_291, %sign3A_294 : i32
      %sign3A_296 = arith.constant 0 : i32
      %sign3A_297 = arith.cmpi sgt, %jit3A, %sign3A_296 : i32
      %sign3A_298 = arith.extui %sign3A_297 : i1 to i32
      %sign3A_299 = arith.constant 0 : i32
      %sign3A_300 = arith.cmpi slt, %jit3A, %sign3A_299 : i32
      %sign3A_301 = arith.extui %sign3A_300 : i1 to i32
      %sign3A_302 = arith.subi %sign3A_298, %sign3A_301 : i32
      %ne3A = arith.cmpi ne, %sign3A_295, %sign3A_302 : i32
      %rem3A = arith.remsi %scan3A_289, %jit3A : i32
      %ne3A_303 = arith.constant 0 : i32
      %ne3A_304 = arith.cmpi ne, %rem3A, %ne3A_303 : i32
      %and3A_305 = arith.andi %ne3A, %ne3A_304 : i1
      %sub3A = arith.constant 1 : i32
      %sub3A_306 = arith.subi %div3A, %sub3A : i32
      %select_n3A = arith.select %and3A_305, %sub3A_306, %div3A : i32
      %mul3A_307 = arith.constant 16 : i32
      %mul3A_308 = arith.muli %select_n3A, %mul3A_307 : i32
      %sub3A_309 = arith.subi %scan3A_289, %mul3A_308 : i32
      %mul3A_310 = arith.constant 32 : i32
      %mul3A_311 = arith.muli %select_n3A, %mul3A_310 : i32
      %get3A = arith.index_cast %mul3A_311 : i32 to index
      %get3A_312 = tpu.vector_load %arg12[%get3A] {strides = array<i32>} : memref<512xf32, #tpu.memory_space<vmem>>, vector<16xf32>,
      %mul3A_313 = arith.constant 32 : i32
      %mul3A_314 = arith.muli %select_n3A, %mul3A_313 : i32
      %add3A_315 = arith.constant 16 : i32
      %add3A_316 = arith.addi %mul3A_314, %add3A_315 : i32
      %get3A_317 = arith.index_cast %add3A_316 : i32 to index
      %get3A_318 = tpu.vector_load %arg12[%get3A_317] {strides = array<i32>} : memref<512xf32, #tpu.memory_space<vmem>>, vector<16xf32>,
      %mul3A_319 = arith.constant 32 : i32
      %mul3A_320 = arith.muli %sub3A_309, %mul3A_319 : i32
      %get3A_321 = arith.index_cast %mul3A_320 : i32 to index
      %get3A_322 = tpu.vector_load %arg13[%get3A_321] {strides = array<i32>} : memref<768xf32, #tpu.memory_space<vmem>>, vector<16xf32>,
      %mul3A_323 = arith.constant 32 : i32
      %mul3A_324 = arith.muli %sub3A_309, %mul3A_323 : i32
      %add3A_325 = arith.constant 16 : i32
      %add3A_326 = arith.addi %mul3A_324, %add3A_325 : i32
      %get3A_327 = arith.index_cast %add3A_326 : i32 to index
      %get3A_328 = tpu.vector_load %arg13[%get3A_327] {strides = array<i32>} : memref<768xf32, #tpu.memory_space<vmem>>, vector<16xf32>,
      %add3A_329 = arith.addf %get3A_312, %get3A_322 : vector<16xf32>
      %add3A_330 = arith.addf %get3A_318, %get3A_328 : vector<16xf32>
      %mul3A_331 = arith.constant 9 : i32
      %mul3A_332 = arith.muli %scan3A_289, %mul3A_331 : i32
      %mul3A_333 = arith.constant 32 : i32
      %mul3A_334 = arith.muli %mul3A_332, %mul3A_333 : i32
      %get3A_335 = arith.constant 0 : index
      %get3A_336 = tpu.vector_load %arg14[%get3A_335] {strides = array<i32>} : memref<512xf32, #tpu.memory_space<vmem>>, vector<16xf32>,
      %add3A_337 = arith.addf %add3A_329, %get3A_336 : vector<16xf32>
      %add3A_338 = arith.constant 0 : i32
      %add3A_339 = arith.addi %mul3A_334, %add3A_338 : i32
      %swap3A = arith.index_cast %add3A_339 : i32 to index
      %swap3A_340 = tpu.vector_load %arg15[%swap3A] {strides = array<i32>} : memref<50688xf32, #tpu.memory_space<vmem>>, vector<16xf32>,
      tpu.vector_store %arg15[%swap3A], %add3A_337 {strides = array<i32>} : memref<50688xf32, #tpu.memory_space<vmem>>, vector<16xf32>,
      %get3A_341 = arith.constant 16 : index
      %get3A_342 = tpu.vector_load %arg14[%get3A_341] {strides = array<i32>} : memref<512xf32, #tpu.memory_space<vmem>>, vector<16xf32>,
      %add3A_343 = arith.addf %add3A_330, %get3A_342 : vector<16xf32>
      %add3A_344 = arith.constant 0 : i32
      %add3A_345 = arith.addi %mul3A_334, %add3A_344 : i32
      %add3A_346 = arith.constant 16 : i32
      %add3A_347 = arith.addi %add3A_345, %add3A_346 : i32
      %swap3A_348 = arith.index_cast %add3A_347 : i32 to index
      %swap3A_349 = tpu.vector_load %arg15[%swap3A_348] {strides = array<i32>} : memref<50688xf32, #tpu.memory_space<vmem>>, vector<16xf32>,
      tpu.vector_store %arg15[%swap3A_348], %add3A_343 {strides = array<i32>} : memref<50688xf32, #tpu.memory_space<vmem>>, vector<16xf32>,
      %get3A_350 = arith.constant 32 : index
      %get3A_351 = tpu.vector_load %arg14[%get3A_350] {strides = array<i32>} : memref<512xf32, #tpu.memory_space<vmem>>, vector<16xf32>,
      %add3A_352 = arith.addf %add3A_329, %get3A_351 : vector<16xf32>
      %add3A_353 = arith.constant 32 : i32
      %add3A_354 = arith.addi %mul3A_334, %add3A_353 : i32
      %swap3A_355 = arith.index_cast %add3A_354 : i32 to index
      %swap3A_356 = tpu.vector_load %arg15[%swap3A_355] {strides = array<i32>} : memref<50688xf32, #tpu.memory_space<vmem>>, vector<16xf32>,
      tpu.vector_store %arg15[%swap3A_355], %add3A_352 {strides = array<i32>} : memref<50688xf32, #tpu.memory_space<vmem>>, vector<16xf32>,
      %get3A_357 = arith.constant 48 : index
      %get3A_358 = tpu.vector_load %arg14[%get3A_357] {strides = array<i32>} : memref<512xf32, #tpu.memory_space<vmem>>, vector<16xf32>,
      %add3A_359 = arith.addf %add3A_330, %get3A_358 : vector<16xf32>
      %add3A_360 = arith.constant 32 : i32
      %add3A_361 = arith.addi %mul3A_334, %add3A_360 : i32
      %add3A_362 = arith.constant 16 : i32
      %add3A_363 = arith.addi %add3A_361, %add3A_362 : i32
      %swap3A_364 = arith.index_cast %add3A_363 : i32 to index
      %swap3A_365 = tpu.vector_load %arg15[%swap3A_364] {strides = array<i32>} : memref<50688xf32, #tpu.memory_space<vmem>>, vector<16xf32>,
      tpu.vector_store %arg15[%swap3A_364], %add3A_359 {strides = array<i32>} : memref<50688xf32, #tpu.memory_space<vmem>>, vector<16xf32>,
      %get3A_366 = arith.constant 64 : index
      %get3A_367 = tpu.vector_load %arg14[%get3A_366] {strides = array<i32>} : memref<512xf32, #tpu.memory_space<vmem>>, vector<16xf32>,
      %add3A_368 = arith.addf %add3A_329, %get3A_367 : vector<16xf32>
      %add3A_369 = arith.constant 64 : i32
      %add3A_370 = arith.addi %mul3A_334, %add3A_369 : i32
      %swap3A_371 = arith.index_cast %add3A_370 : i32 to index
      %swap3A_372 = tpu.vector_load %arg15[%swap3A_371] {strides = array<i32>} : memref<50688xf32, #tpu.memory_space<vmem>>, vector<16xf32>,
      tpu.vector_store %arg15[%swap3A_371], %add3A_368 {strides = array<i32>} : memref<50688xf32, #tpu.memory_space<vmem>>, vector<16xf32>,
      %get3A_373 = arith.constant 80 : index
      %get3A_374 = tpu.vector_load %arg14[%get3A_373] {strides = array<i32>} : memref<512xf32, #tpu.memory_space<vmem>>, vector<16xf32>,
      %add3A_375 = arith.addf %add3A_330, %get3A_374 : vector<16xf32>
      %add3A_376 = arith.constant 64 : i32
      %add3A_377 = arith.addi %mul3A_334, %add3A_376 : i32
      %add3A_378 = arith.constant 16 : i32
      %add3A_379 = arith.addi %add3A_377, %add3A_378 : i32
      %swap3A_380 = arith.index_cast %add3A_379 : i32 to index
      %swap3A_381 = tpu.vector_load %arg15[%swap3A_380] {strides = array<i32>} : memref<50688xf32, #tpu.memory_space<vmem>>, vector<16xf32>,
      tpu.vector_store %arg15[%swap3A_380], %add3A_375 {strides = array<i32>} : memref<50688xf32, #tpu.memory_space<vmem>>, vector<16xf32>,
      %get3A_382 = arith.constant 96 : index
      %get3A_383 = tpu.vector_load %arg14[%get3A_382] {strides = array<i32>} : memref<512xf32, #tpu.memory_space<vmem>>, vector<16xf32>,
      %add3A_384 = arith.addf %add3A_329, %get3A_383 : vector<16xf32>
      %add3A_385 = arith.constant 96 : i32
      %add3A_386 = arith.addi %mul3A_334, %add3A_385 : i32
      %swap3A_387 = arith.index_cast %add3A_386 : i32 to index
      %swap3A_388 = tpu.vector_load %arg15[%swap3A_387] {strides = array<i32>} : memref<50688xf32, #tpu.memory_space<vmem>>, vector<16xf32>,
      tpu.vector_store %arg15[%swap3A_387], %add3A_384 {strides = array<i32>} : memref<50688xf32, #tpu.memory_space<vmem>>, vector<16xf32>,
      %get3A_389 = arith.constant 112 : index
      %get3A_390 = tpu.vector_load %arg14[%get3A_389] {strides = array<i32>} : memref<512xf32, #tpu.memory_space<vmem>>, vector<16xf32>,
      %add3A_391 = arith.addf %add3A_330, %get3A_390 : vector<16xf32>
      %add3A_392 = arith.constant 96 : i32
      %add3A_393 = arith.addi %mul3A_334, %add3A_392 : i32
      %add3A_394 = arith.constant 16 : i32
      %add3A_395 = arith.addi %add3A_393, %add3A_394 : i32
      %swap3A_396 = arith.index_cast %add3A_395 : i32 to index
      %swap3A_397 = tpu.vector_load %arg15[%swap3A_396] {strides = array<i32>} : memref<50688xf32, #tpu.memory_space<vmem>>, vector<16xf32>,
      tpu.vector_store %arg15[%swap3A_396], %add3A_391 {strides = array<i32>} : memref<50688xf32, #tpu.memory_space<vmem>>, vector<16xf32>,
      %get3A_398 = arith.constant 128 : index
      %get3A_399 = tpu.vector_load %arg14[%get3A_398] {strides = array<i32>} : memref<512xf32, #tpu.memory_space<vmem>>, vector<16xf32>,
      %add3A_400 = arith.addf %add3A_329, %get3A_399 : vector<16xf32>
      %add3A_401 = arith.constant 128 : i32
      %add3A_402 = arith.addi %mul3A_334, %add3A_401 : i32
      %swap3A_403 = arith.index_cast %add3A_402 : i32 to index
      %swap3A_404 = tpu.vector_load %arg15[%swap3A_403] {strides = array<i32>} : memref<50688xf32, #tpu.memory_space<vmem>>, vector<16xf32>,
      tpu.vector_store %arg15[%swap3A_403], %add3A_400 {strides = array<i32>} : memref<50688xf32, #tpu.memory_space<vmem>>, vector<16xf32>,
      %get3A_405 = arith.constant 144 : index
      %get3A_406 = tpu.vector_load %arg14[%get3A_405] {strides = array<i32>} : memref<512xf32, #tpu.memory_space<vmem>>, vector<16xf32>,
      %add3A_407 = arith.addf %add3A_330, %get3A_406 : vector<16xf32>
      %add3A_408 = arith.constant 128 : i32
      %add3A_409 = arith.addi %mul3A_334, %add3A_408 : i32
      %add3A_410 = arith.constant 16 : i32
      %add3A_411 = arith.addi %add3A_409, %add3A_410 : i32
      %swap3A_412 = arith.index_cast %add3A_411 : i32 to index
      %swap3A_413 = tpu.vector_load %arg15[%swap3A_412] {strides = array<i32>} : memref<50688xf32, #tpu.memory_space<vmem>>, vector<16xf32>,
      tpu.vector_store %arg15[%swap3A_412], %add3A_407 {strides = array<i32>} : memref<50688xf32, #tpu.memory_space<vmem>>, vector<16xf32>,
      %get3A_414 = arith.constant 160 : index
      %get3A_415 = tpu.vector_load %arg14[%get3A_414] {strides = array<i32>} : memref<512xf32, #tpu.memory_space<vmem>>, vector<16xf32>,
      %add3A_416 = arith.addf %add3A_329, %get3A_415 : vector<16xf32>
      %add3A_417 = arith.constant 160 : i32
      %add3A_418 = arith.addi %mul3A_334, %add3A_417 : i32
      %swap3A_419 = arith.index_cast %add3A_418 : i32 to index
      %swap3A_420 = tpu.vector_load %arg15[%swap3A_419] {strides = array<i32>} : memref<50688xf32, #tpu.memory_space<vmem>>, vector<16xf32>,
      tpu.vector_store %arg15[%swap3A_419], %add3A_416 {strides = array<i32>} : memref<50688xf32, #tpu.memory_space<vmem>>, vector<16xf32>,
      %get3A_421 = arith.constant 176 : index
      %get3A_422 = tpu.vector_load %arg14[%get3A_421] {strides = array<i32>} : memref<512xf32, #tpu.memory_space<vmem>>, vector<16xf32>,
      %add3A_423 = arith.addf %add3A_330, %get3A_422 : vector<16xf32>
      %add3A_424 = arith.constant 160 : i32
      %add3A_425 = arith.addi %mul3A_334, %add3A_424 : i32
      %add3A_426 = arith.constant 16 : i32
      %add3A_427 = arith.addi %add3A_425, %add3A_426 : i32
      %swap3A_428 = arith.index_cast %add3A_427 : i32 to index
      %swap3A_429 = tpu.vector_load %arg15[%swap3A_428] {strides = array<i32>} : memref<50688xf32, #tpu.memory_space<vmem>>, vector<16xf32>,
      tpu.vector_store %arg15[%swap3A_428], %add3A_423 {strides = array<i32>} : memref<50688xf32, #tpu.memory_space<vmem>>, vector<16xf32>,
      %get3A_430 = arith.constant 192 : index
      %get3A_431 = tpu.vector_load %arg14[%get3A_430] {strides = array<i32>} : memref<512xf32, #tpu.memory_space<vmem>>, vector<16xf32>,
      %add3A_432 = arith.addf %add3A_329, %get3A_431 : vector<16xf32>
      %add3A_433 = arith.constant 192 : i32
      %add3A_434 = arith.addi %mul3A_334, %add3A_433 : i32
      %swap3A_435 = arith.index_cast %add3A_434 : i32 to index
      %swap3A_436 = tpu.vector_load %arg15[%swap3A_435] {strides = array<i32>} : memref<50688xf32, #tpu.memory_space<vmem>>, vector<16xf32>,
      tpu.vector_store %arg15[%swap3A_435], %add3A_432 {strides = array<i32>} : memref<50688xf32, #tpu.memory_space<vmem>>, vector<16xf32>,
      %get3A_437 = arith.constant 208 : index
      %get3A_438 = tpu.vector_load %arg14[%get3A_437] {strides = array<i32>} : memref<512xf32, #tpu.memory_space<vmem>>, vector<16xf32>,
      %add3A_439 = arith.addf %add3A_330, %get3A_438 : vector<16xf32>
      %add3A_440 = arith.constant 192 : i32
      %add3A_441 = arith.addi %mul3A_334, %add3A_440 : i32
      %add3A_442 = arith.constant 16 : i32
      %add3A_443 = arith.addi %add3A_441, %add3A_442 : i32
      %swap3A_444 = arith.index_cast %add3A_443 : i32 to index
      %swap3A_445 = tpu.vector_load %arg15[%swap3A_444] {strides = array<i32>} : memref<50688xf32, #tpu.memory_space<vmem>>, vector<16xf32>,
      tpu.vector_store %arg15[%swap3A_444], %add3A_439 {strides = array<i32>} : memref<50688xf32, #tpu.memory_space<vmem>>, vector<16xf32>,
      %get3A_446 = arith.constant 224 : index
      %get3A_447 = tpu.vector_load %arg14[%get3A_446] {strides = array<i32>} : memref<512xf32, #tpu.memory_space<vmem>>, vector<16xf32>,
      %add3A_448 = arith.addf %add3A_329, %get3A_447 : vector<16xf32>
      %add3A_449 = arith.constant 224 : i32
      %add3A_450 = arith.addi %mul3A_334, %add3A_449 : i32
      %swap3A_451 = arith.index_cast %add3A_450 : i32 to index
      %swap3A_452 = tpu.vector_load %arg15[%swap3A_451] {strides = array<i32>} : memref<50688xf32, #tpu.memory_space<vmem>>, vector<16xf32>,
      tpu.vector_store %arg15[%swap3A_451], %add3A_448 {strides = array<i32>} : memref<50688xf32, #tpu.memory_space<vmem>>, vector<16xf32>,
      %get3A_453 = arith.constant 240 : index
      %get3A_454 = tpu.vector_load %arg14[%get3A_453] {strides = array<i32>} : memref<512xf32, #tpu.memory_space<vmem>>, vector<16xf32>,
      %add3A_455 = arith.addf %add3A_330, %get3A_454 : vector<16xf32>
      %add3A_456 = arith.constant 224 : i32
      %add3A_457 = arith.addi %mul3A_334, %add3A_456 : i32
      %add3A_458 = arith.constant 16 : i32
      %add3A_459 = arith.addi %add3A_457, %add3A_458 : i32
      %swap3A_460 = arith.index_cast %add3A_459 : i32 to index
      %swap3A_461 = tpu.vector_load %arg15[%swap3A_460] {strides = array<i32>} : memref<50688xf32, #tpu.memory_space<vmem>>, vector<16xf32>,
      tpu.vector_store %arg15[%swap3A_460], %add3A_455 {strides = array<i32>} : memref<50688xf32, #tpu.memory_space<vmem>>, vector<16xf32>,
      %get3A_462 = arith.constant 256 : index
      %get3A_463 = tpu.vector_load %arg14[%get3A_462] {strides = array<i32>} : memref<512xf32, #tpu.memory_space<vmem>>, vector<16xf32>,
      %add3A_464 = arith.addf %add3A_329, %get3A_463 : vector<16xf32>
      %add3A_465 = arith.constant 256 : i32
      %add3A_466 = arith.addi %mul3A_334, %add3A_465 : i32
      %swap3A_467 = arith.index_cast %add3A_466 : i32 to index
      %swap3A_468 = tpu.vector_load %arg15[%swap3A_467] {strides = array<i32>} : memref<50688xf32, #tpu.memory_space<vmem>>, vector<16xf32>,
      tpu.vector_store %arg15[%swap3A_467], %add3A_464 {strides = array<i32>} : memref<50688xf32, #tpu.memory_space<vmem>>, vector<16xf32>,
      %get3A_469 = arith.constant 272 : index
      %get3A_470 = tpu.vector_load %arg14[%get3A_469] {strides = array<i32>} : memref<512xf32, #tpu.memory_space<vmem>>, vector<16xf32>,
      %add3A_471 = arith.addf %add3A_330, %get3A_470 : vector<16xf32>
      %add3A_472 = arith.constant 256 : i32
      %add3A_473 = arith.addi %mul3A_334, %add3A_472 : i32
      %add3A_474 = arith.constant 16 : i32
      %add3A_475 = arith.addi %add3A_473, %add3A_474 : i32
      %swap3A_476 = arith.index_cast %add3A_475 : i32 to index
      %swap3A_477 = tpu.vector_load %arg15[%swap3A_476] {strides = array<i32>} : memref<50688xf32, #tpu.memory_space<vmem>>, vector<16xf32>,
      tpu.vector_store %arg15[%swap3A_476], %add3A_471 {strides = array<i32>} : memref<50688xf32, #tpu.memory_space<vmem>>, vector<16xf32>,
    }
    %scan3A_7 = arith.constant 176 : i32
    %iota3A = tpu.iota {dimensions = array<i32: 0>} : vector<16xi32>
    %shift_right_arithmetic3A = arith.constant 3 : i32
    %shift_right_arithmetic3A_8 = vector.broadcast %shift_right_arithmetic3A : i32 to vector<16xi32>
    %shift_right_arithmetic3A_9 = arith.shrsi %iota3A, %shift_right_arithmetic3A_8 : vector<16xi32>
    %add3A_10 = arith.constant 2 : i32
    %add3A_11 = vector.broadcast %add3A_10 : i32 to vector<16xi32>
    %add3A_12 = arith.addi %shift_right_arithmetic3A_9, %add3A_11 : vector<16xi32>
    %and3A = arith.constant 7 : i32
    %and3A_13 = vector.broadcast %and3A : i32 to vector<16xi32>
    %and3A_14 = arith.andi %iota3A, %and3A_13 : vector<16xi32>
    %add3A_15 = arith.constant 0 : i32
    %add3A_16 = arith.addi %mul3A_2, %add3A_15 : i32
    %dma_start3A = arith.constant 0 : i32
    %dma_start3A_17 = arith.constant 0 : i32
    %dma_start3A_18 = arith.constant 0 : i32
    %dma_start3A_19 = tpu.memref_slice %arg16[%dma_start3A, %dma_start3A_17, %dma_start3A_18] : memref<2x4x640xi32, #tpu.memory_space<vmem>> -> memref<1x1x640xi32, #tpu.memory_space<vmem>>
    %dma_start3A_20 = tpu.memref_squeeze %dma_start3A_19 : memref<1x1x640xi32, #tpu.memory_space<vmem>> -> memref<640xi32, #tpu.memory_space<vmem>>
    %dma_start3A_21 = tpu.memref_slice %arg2[%add3A_16] : memref<1600000xi32, #tpu.memory_space<hbm>> -> memref<640xi32, #tpu.memory_space<hbm>>
    %dma_start3A_22 = arith.constant 0 : i32
    %dma_start3A_23 = tpu.memref_slice %arg16[%dma_start3A, %dma_start3A_17, %dma_start3A_22] : memref<2x4x640xi32, #tpu.memory_space<vmem>> -> memref<1x1x640xi32, #tpu.memory_space<vmem>>
    %dma_start3A_24 = tpu.memref_squeeze %dma_start3A_23 : memref<1x1x640xi32, #tpu.memory_space<vmem>> -> memref<640xi32, #tpu.memory_space<vmem>>
    %dma_start3A_25 = tpu.memref_slice %arg2[%add3A_16] : memref<1600000xi32, #tpu.memory_space<hbm>> -> memref<640xi32, #tpu.memory_space<hbm>>
    tpu.enqueue_dma source(%dma_start3A_25 : memref<640xi32, #tpu.memory_space<hbm>>) target(%dma_start3A_24 : memref<640xi32, #tpu.memory_space<vmem>>) target_semaphore(%arg18 : memref<!tpu.dma_semaphore, #tpu.memory_space<semaphore_mem>>)
    %dma_start3A_26 = arith.constant 0 : i32
    %dma_start3A_27 = arith.constant 1 : i32
    %dma_start3A_28 = arith.constant 0 : i32
    %dma_start3A_29 = tpu.memref_slice %arg16[%dma_start3A_26, %dma_start3A_27, %dma_start3A_28] : memref<2x4x640xi32, #tpu.memory_space<vmem>> -> memref<1x1x640xi32, #tpu.memory_space<vmem>>
    %dma_start3A_30 = tpu.memref_squeeze %dma_start3A_29 : memref<1x1x640xi32, #tpu.memory_space<vmem>> -> memref<640xi32, #tpu.memory_space<vmem>>
    %dma_start3A_31 = tpu.memref_slice %arg3[%add3A_16] : memref<1600000xi32, #tpu.memory_space<hbm>> -> memref<640xi32, #tpu.memory_space<hbm>>
    %dma_start3A_32 = arith.constant 0 : i32
    %dma_start3A_33 = tpu.memref_slice %arg16[%dma_start3A_26, %dma_start3A_27, %dma_start3A_32] : memref<2x4x640xi32, #tpu.memory_space<vmem>> -> memref<1x1x640xi32, #tpu.memory_space<vmem>>
    %dma_start3A_34 = tpu.memref_squeeze %dma_start3A_33 : memref<1x1x640xi32, #tpu.memory_space<vmem>> -> memref<640xi32, #tpu.memory_space<vmem>>
    %dma_start3A_35 = tpu.memref_slice %arg3[%add3A_16] : memref<1600000xi32, #tpu.memory_space<hbm>> -> memref<640xi32, #tpu.memory_space<hbm>>
    tpu.enqueue_dma source(%dma_start3A_35 : memref<640xi32, #tpu.memory_space<hbm>>) target(%dma_start3A_34 : memref<640xi32, #tpu.memory_space<vmem>>) target_semaphore(%arg18 : memref<!tpu.dma_semaphore, #tpu.memory_space<semaphore_mem>>)
    %dma_start3A_36 = arith.constant 0 : i32
    %dma_start3A_37 = arith.constant 2 : i32
    %dma_start3A_38 = arith.constant 0 : i32
    %dma_start3A_39 = tpu.memref_slice %arg16[%dma_start3A_36, %dma_start3A_37, %dma_start3A_38] : memref<2x4x640xi32, #tpu.memory_space<vmem>> -> memref<1x1x640xi32, #tpu.memory_space<vmem>>
    %dma_start3A_40 = tpu.memref_squeeze %dma_start3A_39 : memref<1x1x640xi32, #tpu.memory_space<vmem>> -> memref<640xi32, #tpu.memory_space<vmem>>
    %dma_start3A_41 = tpu.memref_slice %arg4[%add3A_16] : memref<1600000xi32, #tpu.memory_space<hbm>> -> memref<640xi32, #tpu.memory_space<hbm>>
    %dma_start3A_42 = arith.constant 0 : i32
    %dma_start3A_43 = tpu.memref_slice %arg16[%dma_start3A_36, %dma_start3A_37, %dma_start3A_42] : memref<2x4x640xi32, #tpu.memory_space<vmem>> -> memref<1x1x640xi32, #tpu.memory_space<vmem>>
    %dma_start3A_44 = tpu.memref_squeeze %dma_start3A_43 : memref<1x1x640xi32, #tpu.memory_space<vmem>> -> memref<640xi32, #tpu.memory_space<vmem>>
    %dma_start3A_45 = tpu.memref_slice %arg4[%add3A_16] : memref<1600000xi32, #tpu.memory_space<hbm>> -> memref<640xi32, #tpu.memory_space<hbm>>
    tpu.enqueue_dma source(%dma_start3A_45 : memref<640xi32, #tpu.memory_space<hbm>>) target(%dma_start3A_44 : memref<640xi32, #tpu.memory_space<vmem>>) target_semaphore(%arg18 : memref<!tpu.dma_semaphore, #tpu.memory_space<semaphore_mem>>)
    %dma_start3A_46 = arith.constant 0 : i32
    %dma_start3A_47 = arith.constant 3 : i32
    %dma_start3A_48 = arith.constant 0 : i32
    %dma_start3A_49 = tpu.memref_slice %arg16[%dma_start3A_46, %dma_start3A_47, %dma_start3A_48] : memref<2x4x640xi32, #tpu.memory_space<vmem>> -> memref<1x1x640xi32, #tpu.memory_space<vmem>>
    %dma_start3A_50 = tpu.memref_squeeze %dma_start3A_49 : memref<1x1x640xi32, #tpu.memory_space<vmem>> -> memref<640xi32, #tpu.memory_space<vmem>>
    %dma_start3A_51 = tpu.memref_slice %arg5[%add3A_16] : memref<1600000xi32, #tpu.memory_space<hbm>> -> memref<640xi32, #tpu.memory_space<hbm>>
    %dma_start3A_52 = arith.constant 0 : i32
    %dma_start3A_53 = tpu.memref_slice %arg16[%dma_start3A_46, %dma_start3A_47, %dma_start3A_52] : memref<2x4x640xi32, #tpu.memory_space<vmem>> -> memref<1x1x640xi32, #tpu.memory_space<vmem>>
    %dma_start3A_54 = tpu.memref_squeeze %dma_start3A_53 : memref<1x1x640xi32, #tpu.memory_space<vmem>> -> memref<640xi32, #tpu.memory_space<vmem>>
    %dma_start3A_55 = tpu.memref_slice %arg5[%add3A_16] : memref<1600000xi32, #tpu.memory_space<hbm>> -> memref<640xi32, #tpu.memory_space<hbm>>
    tpu.enqueue_dma source(%dma_start3A_55 : memref<640xi32, #tpu.memory_space<hbm>>) target(%dma_start3A_54 : memref<640xi32, #tpu.memory_space<vmem>>) target_semaphore(%arg18 : memref<!tpu.dma_semaphore, #tpu.memory_space<semaphore_mem>>)
    %add3A_56 = arith.constant 640 : i32
    %add3A_57 = arith.addi %mul3A_2, %add3A_56 : i32
    %dma_start3A_58 = arith.constant 1 : i32
    %dma_start3A_59 = arith.constant 0 : i32
    %dma_start3A_60 = arith.constant 0 : i32
    %dma_start3A_61 = tpu.memref_slice %arg16[%dma_start3A_58, %dma_start3A_59, %dma_start3A_60] : memref<2x4x640xi32, #tpu.memory_space<vmem>> -> memref<1x1x640xi32, #tpu.memory_space<vmem>>
    %dma_start3A_62 = tpu.memref_squeeze %dma_start3A_61 : memref<1x1x640xi32, #tpu.memory_space<vmem>> -> memref<640xi32, #tpu.memory_space<vmem>>
    %dma_start3A_63 = tpu.memref_slice %arg2[%add3A_57] : memref<1600000xi32, #tpu.memory_space<hbm>> -> memref<640xi32, #tpu.memory_space<hbm>>
    %dma_start3A_64 = arith.constant 0 : i32
    %dma_start3A_65 = tpu.memref_slice %arg16[%dma_start3A_58, %dma_start3A_59, %dma_start3A_64] : memref<2x4x640xi32, #tpu.memory_space<vmem>> -> memref<1x1x640xi32, #tpu.memory_space<vmem>>
    %dma_start3A_66 = tpu.memref_squeeze %dma_start3A_65 : memref<1x1x640xi32, #tpu.memory_space<vmem>> -> memref<640xi32, #tpu.memory_space<vmem>>
    %dma_start3A_67 = tpu.memref_slice %arg2[%add3A_57] : memref<1600000xi32, #tpu.memory_space<hbm>> -> memref<640xi32, #tpu.memory_space<hbm>>
    tpu.enqueue_dma source(%dma_start3A_67 : memref<640xi32, #tpu.memory_space<hbm>>) target(%dma_start3A_66 : memref<640xi32, #tpu.memory_space<vmem>>) target_semaphore(%arg19 : memref<!tpu.dma_semaphore, #tpu.memory_space<semaphore_mem>>)
    %dma_start3A_68 = arith.constant 1 : i32
    %dma_start3A_69 = arith.constant 1 : i32
    %dma_start3A_70 = arith.constant 0 : i32
    %dma_start3A_71 = tpu.memref_slice %arg16[%dma_start3A_68, %dma_start3A_69, %dma_start3A_70] : memref<2x4x640xi32, #tpu.memory_space<vmem>> -> memref<1x1x640xi32, #tpu.memory_space<vmem>>
    %dma_start3A_72 = tpu.memref_squeeze %dma_start3A_71 : memref<1x1x640xi32, #tpu.memory_space<vmem>> -> memref<640xi32, #tpu.memory_space<vmem>>
    %dma_start3A_73 = tpu.memref_slice %arg3[%add3A_57] : memref<1600000xi32, #tpu.memory_space<hbm>> -> memref<640xi32, #tpu.memory_space<hbm>>
    %dma_start3A_74 = arith.constant 0 : i32
    %dma_start3A_75 = tpu.memref_slice %arg16[%dma_start3A_68, %dma_start3A_69, %dma_start3A_74] : memref<2x4x640xi32, #tpu.memory_space<vmem>> -> memref<1x1x640xi32, #tpu.memory_space<vmem>>
    %dma_start3A_76 = tpu.memref_squeeze %dma_start3A_75 : memref<1x1x640xi32, #tpu.memory_space<vmem>> -> memref<640xi32, #tpu.memory_space<vmem>>
    %dma_start3A_77 = tpu.memref_slice %arg3[%add3A_57] : memref<1600000xi32, #tpu.memory_space<hbm>> -> memref<640xi32, #tpu.memory_space<hbm>>
    tpu.enqueue_dma source(%dma_start3A_77 : memref<640xi32, #tpu.memory_space<hbm>>) target(%dma_start3A_76 : memref<640xi32, #tpu.memory_space<vmem>>) target_semaphore(%arg19 : memref<!tpu.dma_semaphore, #tpu.memory_space<semaphore_mem>>)
    %dma_start3A_78 = arith.constant 1 : i32
    %dma_start3A_79 = arith.constant 2 : i32
    %dma_start3A_80 = arith.constant 0 : i32
    %dma_start3A_81 = tpu.memref_slice %arg16[%dma_start3A_78, %dma_start3A_79, %dma_start3A_80] : memref<2x4x640xi32, #tpu.memory_space<vmem>> -> memref<1x1x640xi32, #tpu.memory_space<vmem>>
    %dma_start3A_82 = tpu.memref_squeeze %dma_start3A_81 : memref<1x1x640xi32, #tpu.memory_space<vmem>> -> memref<640xi32, #tpu.memory_space<vmem>>
    %dma_start3A_83 = tpu.memref_slice %arg4[%add3A_57] : memref<1600000xi32, #tpu.memory_space<hbm>> -> memref<640xi32, #tpu.memory_space<hbm>>
    %dma_start3A_84 = arith.constant 0 : i32
    %dma_start3A_85 = tpu.memref_slice %arg16[%dma_start3A_78, %dma_start3A_79, %dma_start3A_84] : memref<2x4x640xi32, #tpu.memory_space<vmem>> -> memref<1x1x640xi32, #tpu.memory_space<vmem>>
    %dma_start3A_86 = tpu.memref_squeeze %dma_start3A_85 : memref<1x1x640xi32, #tpu.memory_space<vmem>> -> memref<640xi32, #tpu.memory_space<vmem>>
    %dma_start3A_87 = tpu.memref_slice %arg4[%add3A_57] : memref<1600000xi32, #tpu.memory_space<hbm>> -> memref<640xi32, #tpu.memory_space<hbm>>
    tpu.enqueue_dma source(%dma_start3A_87 : memref<640xi32, #tpu.memory_space<hbm>>) target(%dma_start3A_86 : memref<640xi32, #tpu.memory_space<vmem>>) target_semaphore(%arg19 : memref<!tpu.dma_semaphore, #tpu.memory_space<semaphore_mem>>)
    %dma_start3A_88 = arith.constant 1 : i32
    %dma_start3A_89 = arith.constant 3 : i32
    %dma_start3A_90 = arith.constant 0 : i32
    %dma_start3A_91 = tpu.memref_slice %arg16[%dma_start3A_88, %dma_start3A_89, %dma_start3A_90] : memref<2x4x640xi32, #tpu.memory_space<vmem>> -> memref<1x1x640xi32, #tpu.memory_space<vmem>>
    %dma_start3A_92 = tpu.memref_squeeze %dma_start3A_91 : memref<1x1x640xi32, #tpu.memory_space<vmem>> -> memref<640xi32, #tpu.memory_space<vmem>>
    %dma_start3A_93 = tpu.memref_slice %arg5[%add3A_57] : memref<1600000xi32, #tpu.memory_space<hbm>> -> memref<640xi32, #tpu.memory_space<hbm>>
    %dma_start3A_94 = arith.constant 0 : i32
    %dma_start3A_95 = tpu.memref_slice %arg16[%dma_start3A_88, %dma_start3A_89, %dma_start3A_94] : memref<2x4x640xi32, #tpu.memory_space<vmem>> -> memref<1x1x640xi32, #tpu.memory_space<vmem>>
    %dma_start3A_96 = tpu.memref_squeeze %dma_start3A_95 : memref<1x1x640xi32, #tpu.memory_space<vmem>> -> memref<640xi32, #tpu.memory_space<vmem>>
    %dma_start3A_97 = tpu.memref_slice %arg5[%add3A_57] : memref<1600000xi32, #tpu.memory_space<hbm>> -> memref<640xi32, #tpu.memory_space<hbm>>
    tpu.enqueue_dma source(%dma_start3A_97 : memref<640xi32, #tpu.memory_space<hbm>>) target(%dma_start3A_96 : memref<640xi32, #tpu.memory_space<vmem>>) target_semaphore(%arg19 : memref<!tpu.dma_semaphore, #tpu.memory_space<semaphore_mem>>)
    %scan3A_98 = arith.constant 0 : i32
    %scan3A_99 = arith.constant 0 : i32
    %scan3A_100 = arith.constant 39 : i32
    %scan3A_101 = arith.addi %scan3A_99, %scan3A_100 : i32
    %scan3A_102 = arith.constant 1 : i32
    scf.for %scan3A_289 = %scan3A_99 to %scan3A_101 step %scan3A_102  : i32 {
      %mul3A_290 = arith.constant 2 : i32
      %mul3A_291 = arith.muli %mul3A_290, %scan3A_289 : i32
      %add3A_292 = arith.constant 0 : i32
      %add3A_293 = arith.addi %mul3A_291, %add3A_292 : i32
      %dma_wait3A_294 = arith.constant 0 : i32
      %dma_wait3A_295 = arith.constant 0 : i32
      %dma_wait3A_296 = arith.constant 0 : i32
      %dma_wait3A_297 = tpu.memref_slice %arg16[%dma_wait3A_294, %dma_wait3A_295, %dma_wait3A_296] : memref<2x4x640xi32, #tpu.memory_space<vmem>> -> memref<1x1x640xi32, #tpu.memory_space<vmem>>
      %dma_wait3A_298 = tpu.memref_squeeze %dma_wait3A_297 : memref<1x1x640xi32, #tpu.memory_space<vmem>> -> memref<640xi32, #tpu.memory_space<vmem>>
      %dma_wait3A_299 = arith.constant 0 : i32
      %dma_wait3A_300 = tpu.memref_slice %arg2[%dma_wait3A_299] : memref<1600000xi32, #tpu.memory_space<hbm>> -> memref<640xi32, #tpu.memory_space<hbm>>
      %dma_wait3A_301 = arith.constant 0 : i32
      %dma_wait3A_302 = tpu.memref_slice %arg16[%dma_wait3A_294, %dma_wait3A_295, %dma_wait3A_301] : memref<2x4x640xi32, #tpu.memory_space<vmem>> -> memref<1x1x640xi32, #tpu.memory_space<vmem>>
      %dma_wait3A_303 = tpu.memref_squeeze %dma_wait3A_302 : memref<1x1x640xi32, #tpu.memory_space<vmem>> -> memref<640xi32, #tpu.memory_space<vmem>>
      %dma_wait3A_304 = arith.constant 0 : i32
      %dma_wait3A_305 = tpu.memref_slice %arg2[%dma_wait3A_304] : memref<1600000xi32, #tpu.memory_space<hbm>> -> memref<640xi32, #tpu.memory_space<hbm>>
      tpu.wait_dma2 semaphore(%arg18 : memref<!tpu.dma_semaphore, #tpu.memory_space<semaphore_mem>>) src(%dma_wait3A_305 : memref<640xi32, #tpu.memory_space<hbm>>) dst(%dma_wait3A_303 : memref<640xi32, #tpu.memory_space<vmem>>)
      %dma_wait3A_306 = arith.constant 0 : i32
      %dma_wait3A_307 = arith.constant 1 : i32
      %dma_wait3A_308 = arith.constant 0 : i32
      %dma_wait3A_309 = tpu.memref_slice %arg16[%dma_wait3A_306, %dma_wait3A_307, %dma_wait3A_308] : memref<2x4x640xi32, #tpu.memory_space<vmem>> -> memref<1x1x640xi32, #tpu.memory_space<vmem>>
      %dma_wait3A_310 = tpu.memref_squeeze %dma_wait3A_309 : memref<1x1x640xi32, #tpu.memory_space<vmem>> -> memref<640xi32, #tpu.memory_space<vmem>>
      %dma_wait3A_311 = arith.constant 0 : i32
      %dma_wait3A_312 = tpu.memref_slice %arg3[%dma_wait3A_311] : memref<1600000xi32, #tpu.memory_space<hbm>> -> memref<640xi32, #tpu.memory_space<hbm>>
      %dma_wait3A_313 = arith.constant 0 : i32
      %dma_wait3A_314 = tpu.memref_slice %arg16[%dma_wait3A_306, %dma_wait3A_307, %dma_wait3A_313] : memref<2x4x640xi32, #tpu.memory_space<vmem>> -> memref<1x1x640xi32, #tpu.memory_space<vmem>>
      %dma_wait3A_315 = tpu.memref_squeeze %dma_wait3A_314 : memref<1x1x640xi32, #tpu.memory_space<vmem>> -> memref<640xi32, #tpu.memory_space<vmem>>
      %dma_wait3A_316 = arith.constant 0 : i32
      %dma_wait3A_317 = tpu.memref_slice %arg3[%dma_wait3A_316] : memref<1600000xi32, #tpu.memory_space<hbm>> -> memref<640xi32, #tpu.memory_space<hbm>>
      tpu.wait_dma2 semaphore(%arg18 : memref<!tpu.dma_semaphore, #tpu.memory_space<semaphore_mem>>) src(%dma_wait3A_317 : memref<640xi32, #tpu.memory_space<hbm>>) dst(%dma_wait3A_315 : memref<640xi32, #tpu.memory_space<vmem>>)
      %dma_wait3A_318 = arith.constant 0 : i32
      %dma_wait3A_319 = arith.constant 2 : i32
      %dma_wait3A_320 = arith.constant 0 : i32
      %dma_wait3A_321 = tpu.memref_slice %arg16[%dma_wait3A_318, %dma_wait3A_319, %dma_wait3A_320] : memref<2x4x640xi32, #tpu.memory_space<vmem>> -> memref<1x1x640xi32, #tpu.memory_space<vmem>>
      %dma_wait3A_322 = tpu.memref_squeeze %dma_wait3A_321 : memref<1x1x640xi32, #tpu.memory_space<vmem>> -> memref<640xi32, #tpu.memory_space<vmem>>
      %dma_wait3A_323 = arith.constant 0 : i32
      %dma_wait3A_324 = tpu.memref_slice %arg4[%dma_wait3A_323] : memref<1600000xi32, #tpu.memory_space<hbm>> -> memref<640xi32, #tpu.memory_space<hbm>>
      %dma_wait3A_325 = arith.constant 0 : i32
      %dma_wait3A_326 = tpu.memref_slice %arg16[%dma_wait3A_318, %dma_wait3A_319, %dma_wait3A_325] : memref<2x4x640xi32, #tpu.memory_space<vmem>> -> memref<1x1x640xi32, #tpu.memory_space<vmem>>
      %dma_wait3A_327 = tpu.memref_squeeze %dma_wait3A_326 : memref<1x1x640xi32, #tpu.memory_space<vmem>> -> memref<640xi32, #tpu.memory_space<vmem>>
      %dma_wait3A_328 = arith.constant 0 : i32
      %dma_wait3A_329 = tpu.memref_slice %arg4[%dma_wait3A_328] : memref<1600000xi32, #tpu.memory_space<hbm>> -> memref<640xi32, #tpu.memory_space<hbm>>
      tpu.wait_dma2 semaphore(%arg18 : memref<!tpu.dma_semaphore, #tpu.memory_space<semaphore_mem>>) src(%dma_wait3A_329 : memref<640xi32, #tpu.memory_space<hbm>>) dst(%dma_wait3A_327 : memref<640xi32, #tpu.memory_space<vmem>>)
      %dma_wait3A_330 = arith.constant 0 : i32
      %dma_wait3A_331 = arith.constant 3 : i32
      %dma_wait3A_332 = arith.constant 0 : i32
      %dma_wait3A_333 = tpu.memref_slice %arg16[%dma_wait3A_330, %dma_wait3A_331, %dma_wait3A_332] : memref<2x4x640xi32, #tpu.memory_space<vmem>> -> memref<1x1x640xi32, #tpu.memory_space<vmem>>
      %dma_wait3A_334 = tpu.memref_squeeze %dma_wait3A_333 : memref<1x1x640xi32, #tpu.memory_space<vmem>> -> memref<640xi32, #tpu.memory_space<vmem>>
      %dma_wait3A_335 = arith.constant 0 : i32
      %dma_wait3A_336 = tpu.memref_slice %arg5[%dma_wait3A_335] : memref<1600000xi32, #tpu.memory_space<hbm>> -> memref<640xi32, #tpu.memory_space<hbm>>
      %dma_wait3A_337 = arith.constant 0 : i32
      %dma_wait3A_338 = tpu.memref_slice %arg16[%dma_wait3A_330, %dma_wait3A_331, %dma_wait3A_337] : memref<2x4x640xi32, #tpu.memory_space<vmem>> -> memref<1x1x640xi32, #tpu.memory_space<vmem>>
      %dma_wait3A_339 = tpu.memref_squeeze %dma_wait3A_338 : memref<1x1x640xi32, #tpu.memory_space<vmem>> -> memref<640xi32, #tpu.memory_space<vmem>>
      %dma_wait3A_340 = arith.constant 0 : i32
      %dma_wait3A_341 = tpu.memref_slice %arg5[%dma_wait3A_340] : memref<1600000xi32, #tpu.memory_space<hbm>> -> memref<640xi32, #tpu.memory_space<hbm>>
      tpu.wait_dma2 semaphore(%arg18 : memref<!tpu.dma_semaphore, #tpu.memory_space<semaphore_mem>>) src(%dma_wait3A_341 : memref<640xi32, #tpu.memory_space<hbm>>) dst(%dma_wait3A_339 : memref<640xi32, #tpu.memory_space<vmem>>)
      %gt3A = arith.constant 0 : i32
      %gt3A_342 = arith.cmpi sgt, %scan3A_289, %gt3A : i32
      %convert_element_type3A_343 = arith.extui %gt3A_342 : i1 to i32
      %cond3A_344 = arith.constant 0 : i32
      %cond3A_345 = arith.cmpi ne, %convert_element_type3A_343, %cond3A_344 : i32
      scf.if %cond3A_345 {
        %dma_wait3A_642 = arith.constant 0 : i32
        %dma_wait3A_643 = arith.constant 0 : i32
        %dma_wait3A_644 = arith.constant 0 : i32
        %dma_wait3A_645 = arith.constant 0 : i32
        %dma_wait3A_646 = arith.constant 0 : i32
        %dma_wait3A_647 = arith.constant 0 : i32
        %dma_wait3A_648 = tpu.memref_slice %arg17[%dma_wait3A_642, %dma_wait3A_643, %dma_wait3A_645, %dma_wait3A_646, %dma_wait3A_647] : memref<2x4x5x8x129xf32, #tpu.memory_space<vmem>> -> memref<1x1x5x8x128xf32, #tpu.memory_space<vmem>>
        %dma_wait3A_649 = tpu.memref_squeeze %dma_wait3A_648 : memref<1x1x5x8x128xf32, #tpu.memory_space<vmem>> -> memref<5x8x128xf32, #tpu.memory_space<vmem>>
        %dma_wait3A_650 = arith.constant 0 : i32
        %dma_wait3A_651 = arith.constant 0 : i32
        %dma_wait3A_652 = arith.constant 0 : i32
        %dma_wait3A_653 = tpu.memref_slice %arg10[%dma_wait3A_644, %dma_wait3A_650, %dma_wait3A_651, %dma_wait3A_652] : memref<4x12500x8x128xf32, #tpu.memory_space<hbm>> -> memref<1x5x8x128xf32, #tpu.memory_space<hbm>>
        %dma_wait3A_654 = tpu.memref_squeeze %dma_wait3A_653 : memref<1x5x8x128xf32, #tpu.memory_space<hbm>> -> memref<5x8x128xf32, #tpu.memory_space<hbm>>
        %dma_wait3A_655 = arith.constant 0 : i32
        %dma_wait3A_656 = arith.constant 0 : i32
        %dma_wait3A_657 = arith.constant 0 : i32
        %dma_wait3A_658 = tpu.memref_slice %arg10[%dma_wait3A_644, %dma_wait3A_655, %dma_wait3A_656, %dma_wait3A_657] : memref<4x12500x8x128xf32, #tpu.memory_space<hbm>> -> memref<1x5x8x128xf32, #tpu.memory_space<hbm>>
        %dma_wait3A_659 = tpu.memref_squeeze %dma_wait3A_658 : memref<1x5x8x128xf32, #tpu.memory_space<hbm>> -> memref<5x8x128xf32, #tpu.memory_space<hbm>>
        %dma_wait3A_660 = arith.constant 0 : i32
        %dma_wait3A_661 = arith.constant 0 : i32
        %dma_wait3A_662 = arith.constant 0 : i32
        %dma_wait3A_663 = tpu.memref_slice %arg17[%dma_wait3A_642, %dma_wait3A_643, %dma_wait3A_660, %dma_wait3A_661, %dma_wait3A_662] : memref<2x4x5x8x129xf32, #tpu.memory_space<vmem>> -> memref<1x1x5x8x128xf32, #tpu.memory_space<vmem>>
        %dma_wait3A_664 = tpu.memref_squeeze %dma_wait3A_663 : memref<1x1x5x8x128xf32, #tpu.memory_space<vmem>> -> memref<5x8x128xf32, #tpu.memory_space<vmem>>
        tpu.wait_dma2 semaphore(%arg20 : memref<!tpu.dma_semaphore, #tpu.memory_space<semaphore_mem>>) src(%dma_wait3A_664 : memref<5x8x128xf32, #tpu.memory_space<vmem>>) dst(%dma_wait3A_659 : memref<5x8x128xf32, #tpu.memory_space<hbm>>)
        %dma_wait3A_665 = arith.constant 0 : i32
        %dma_wait3A_666 = arith.constant 1 : i32
        %dma_wait3A_667 = arith.constant 1 : i32
        %dma_wait3A_668 = arith.constant 0 : i32
        %dma_wait3A_669 = arith.constant 0 : i32
        %dma_wait3A_670 = arith.constant 0 : i32
        %dma_wait3A_671 = tpu.memref_slice %arg17[%dma_wait3A_665, %dma_wait3A_666, %dma_wait3A_668, %dma_wait3A_669, %dma_wait3A_670] : memref<2x4x5x8x129xf32, #tpu.memory_space<vmem>> -> memref<1x1x5x8x128xf32, #tpu.memory_space<vmem>>
        %dma_wait3A_672 = tpu.memref_squeeze %dma_wait3A_671 : memref<1x1x5x8x128xf32, #tpu.memory_space<vmem>> -> memref<5x8x128xf32, #tpu.memory_space<vmem>>
        %dma_wait3A_673 = arith.constant 0 : i32
        %dma_wait3A_674 = arith.constant 0 : i32
        %dma_wait3A_675 = arith.constant 0 : i32
        %dma_wait3A_676 = tpu.memref_slice %arg10[%dma_wait3A_667, %dma_wait3A_673, %dma_wait3A_674, %dma_wait3A_675] : memref<4x12500x8x128xf32, #tpu.memory_space<hbm>> -> memref<1x5x8x128xf32, #tpu.memory_space<hbm>>
        %dma_wait3A_677 = tpu.memref_squeeze %dma_wait3A_676 : memref<1x5x8x128xf32, #tpu.memory_space<hbm>> -> memref<5x8x128xf32, #tpu.memory_space<hbm>>
        %dma_wait3A_678 = arith.constant 0 : i32
        %dma_wait3A_679 = arith.constant 0 : i32
        %dma_wait3A_680 = arith.constant 0 : i32
        %dma_wait3A_681 = tpu.memref_slice %arg10[%dma_wait3A_667, %dma_wait3A_678, %dma_wait3A_679, %dma_wait3A_680] : memref<4x12500x8x128xf32, #tpu.memory_space<hbm>> -> memref<1x5x8x128xf32, #tpu.memory_space<hbm>>
        %dma_wait3A_682 = tpu.memref_squeeze %dma_wait3A_681 : memref<1x5x8x128xf32, #tpu.memory_space<hbm>> -> memref<5x8x128xf32, #tpu.memory_space<hbm>>
        %dma_wait3A_683 = arith.constant 0 : i32
        %dma_wait3A_684 = arith.constant 0 : i32
        %dma_wait3A_685 = arith.constant 0 : i32
        %dma_wait3A_686 = tpu.memref_slice %arg17[%dma_wait3A_665, %dma_wait3A_666, %dma_wait3A_683, %dma_wait3A_684, %dma_wait3A_685] : memref<2x4x5x8x129xf32, #tpu.memory_space<vmem>> -> memref<1x1x5x8x128xf32, #tpu.memory_space<vmem>>
        %dma_wait3A_687 = tpu.memref_squeeze %dma_wait3A_686 : memref<1x1x5x8x128xf32, #tpu.memory_space<vmem>> -> memref<5x8x128xf32, #tpu.memory_space<vmem>>
        tpu.wait_dma2 semaphore(%arg20 : memref<!tpu.dma_semaphore, #tpu.memory_space<semaphore_mem>>) src(%dma_wait3A_687 : memref<5x8x128xf32, #tpu.memory_space<vmem>>) dst(%dma_wait3A_682 : memref<5x8x128xf32, #tpu.memory_space<hbm>>)
        %dma_wait3A_688 = arith.constant 0 : i32
        %dma_wait3A_689 = arith.constant 2 : i32
        %dma_wait3A_690 = arith.constant 2 : i32
        %dma_wait3A_691 = arith.constant 0 : i32
        %dma_wait3A_692 = arith.constant 0 : i32
        %dma_wait3A_693 = arith.constant 0 : i32
        %dma_wait3A_694 = tpu.memref_slice %arg17[%dma_wait3A_688, %dma_wait3A_689, %dma_wait3A_691, %dma_wait3A_692, %dma_wait3A_693] : memref<2x4x5x8x129xf32, #tpu.memory_space<vmem>> -> memref<1x1x5x8x128xf32, #tpu.memory_space<vmem>>
        %dma_wait3A_695 = tpu.memref_squeeze %dma_wait3A_694 : memref<1x1x5x8x128xf32, #tpu.memory_space<vmem>> -> memref<5x8x128xf32, #tpu.memory_space<vmem>>
        %dma_wait3A_696 = arith.constant 0 : i32
        %dma_wait3A_697 = arith.constant 0 : i32
        %dma_wait3A_698 = arith.constant 0 : i32
        %dma_wait3A_699 = tpu.memref_slice %arg10[%dma_wait3A_690, %dma_wait3A_696, %dma_wait3A_697, %dma_wait3A_698] : memref<4x12500x8x128xf32, #tpu.memory_space<hbm>> -> memref<1x5x8x128xf32, #tpu.memory_space<hbm>>
        %dma_wait3A_700 = tpu.memref_squeeze %dma_wait3A_699 : memref<1x5x8x128xf32, #tpu.memory_space<hbm>> -> memref<5x8x128xf32, #tpu.memory_space<hbm>>
        %dma_wait3A_701 = arith.constant 0 : i32
        %dma_wait3A_702 = arith.constant 0 : i32
        %dma_wait3A_703 = arith.constant 0 : i32
        %dma_wait3A_704 = tpu.memref_slice %arg10[%dma_wait3A_690, %dma_wait3A_701, %dma_wait3A_702, %dma_wait3A_703] : memref<4x12500x8x128xf32, #tpu.memory_space<hbm>> -> memref<1x5x8x128xf32, #tpu.memory_space<hbm>>
        %dma_wait3A_705 = tpu.memref_squeeze %dma_wait3A_704 : memref<1x5x8x128xf32, #tpu.memory_space<hbm>> -> memref<5x8x128xf32, #tpu.memory_space<hbm>>
        %dma_wait3A_706 = arith.constant 0 : i32
        %dma_wait3A_707 = arith.constant 0 : i32
        %dma_wait3A_708 = arith.constant 0 : i32
        %dma_wait3A_709 = tpu.memref_slice %arg17[%dma_wait3A_688, %dma_wait3A_689, %dma_wait3A_706, %dma_wait3A_707, %dma_wait3A_708] : memref<2x4x5x8x129xf32, #tpu.memory_space<vmem>> -> memref<1x1x5x8x128xf32, #tpu.memory_space<vmem>>
        %dma_wait3A_710 = tpu.memref_squeeze %dma_wait3A_709 : memref<1x1x5x8x128xf32, #tpu.memory_space<vmem>> -> memref<5x8x128xf32, #tpu.memory_space<vmem>>
        tpu.wait_dma2 semaphore(%arg20 : memref<!tpu.dma_semaphore, #tpu.memory_space<semaphore_mem>>) src(%dma_wait3A_710 : memref<5x8x128xf32, #tpu.memory_space<vmem>>) dst(%dma_wait3A_705 : memref<5x8x128xf32, #tpu.memory_space<hbm>>)
        %dma_wait3A_711 = arith.constant 0 : i32
        %dma_wait3A_712 = arith.constant 3 : i32
        %dma_wait3A_713 = arith.constant 3 : i32
        %dma_wait3A_714 = arith.constant 0 : i32
        %dma_wait3A_715 = arith.constant 0 : i32
        %dma_wait3A_716 = arith.constant 0 : i32
        %dma_wait3A_717 = tpu.memref_slice %arg17[%dma_wait3A_711, %dma_wait3A_712, %dma_wait3A_714, %dma_wait3A_715, %dma_wait3A_716] : memref<2x4x5x8x129xf32, #tpu.memory_space<vmem>> -> memref<1x1x5x8x128xf32, #tpu.memory_space<vmem>>
        %dma_wait3A_718 = tpu.memref_squeeze %dma_wait3A_717 : memref<1x1x5x8x128xf32, #tpu.memory_space<vmem>> -> memref<5x8x128xf32, #tpu.memory_space<vmem>>
        %dma_wait3A_719 = arith.constant 0 : i32
        %dma_wait3A_720 = arith.constant 0 : i32
        %dma_wait3A_721 = arith.constant 0 : i32
        %dma_wait3A_722 = tpu.memref_slice %arg10[%dma_wait3A_713, %dma_wait3A_719, %dma_wait3A_720, %dma_wait3A_721] : memref<4x12500x8x128xf32, #tpu.memory_space<hbm>> -> memref<1x5x8x128xf32, #tpu.memory_space<hbm>>
        %dma_wait3A_723 = tpu.memref_squeeze %dma_wait3A_722 : memref<1x5x8x128xf32, #tpu.memory_space<hbm>> -> memref<5x8x128xf32, #tpu.memory_space<hbm>>
        %dma_wait3A_724 = arith.constant 0 : i32
        %dma_wait3A_725 = arith.constant 0 : i32
        %dma_wait3A_726 = arith.constant 0 : i32
        %dma_wait3A_727 = tpu.memref_slice %arg10[%dma_wait3A_713, %dma_wait3A_724, %dma_wait3A_725, %dma_wait3A_726] : memref<4x12500x8x128xf32, #tpu.memory_space<hbm>> -> memref<1x5x8x128xf32, #tpu.memory_space<hbm>>
        %dma_wait3A_728 = tpu.memref_squeeze %dma_wait3A_727 : memref<1x5x8x128xf32, #tpu.memory_space<hbm>> -> memref<5x8x128xf32, #tpu.memory_space<hbm>>
        %dma_wait3A_729 = arith.constant 0 : i32
        %dma_wait3A_730 = arith.constant 0 : i32
        %dma_wait3A_731 = arith.constant 0 : i32
        %dma_wait3A_732 = tpu.memref_slice %arg17[%dma_wait3A_711, %dma_wait3A_712, %dma_wait3A_729, %dma_wait3A_730, %dma_wait3A_731] : memref<2x4x5x8x129xf32, #tpu.memory_space<vmem>> -> memref<1x1x5x8x128xf32, #tpu.memory_space<vmem>>
        %dma_wait3A_733 = tpu.memref_squeeze %dma_wait3A_732 : memref<1x1x5x8x128xf32, #tpu.memory_space<vmem>> -> memref<5x8x128xf32, #tpu.memory_space<vmem>>
        tpu.wait_dma2 semaphore(%arg20 : memref<!tpu.dma_semaphore, #tpu.memory_space<semaphore_mem>>) src(%dma_wait3A_733 : memref<5x8x128xf32, #tpu.memory_space<vmem>>) dst(%dma_wait3A_728 : memref<5x8x128xf32, #tpu.memory_space<hbm>>)
      } else {
      }
      %scan3A_346 = arith.constant 0 : i32
      %scan3A_347 = arith.constant 0 : i32
      %scan3A_348 = arith.constant 0 : i32
      %scan3A_349 = arith.constant 40 : i32
      %scan3A_350 = arith.addi %scan3A_348, %scan3A_349 : i32
      %scan3A_351 = arith.constant 1 : i32
      scf.for %scan3A_642 = %scan3A_348 to %scan3A_350 step %scan3A_351  : i32 {
        %mul3A_643 = arith.constant 16 : i32
        %mul3A_644 = arith.muli %scan3A_642, %mul3A_643 : i32
        %get3A = arith.constant 0 : i32
        %get3A_645 = arith.constant 0 : i32
        %get3A_646 = arith.index_cast %get3A : i32 to index
        %get3A_647 = arith.index_cast %get3A_645 : i32 to index
        %get3A_648 = arith.index_cast %mul3A_644 : i32 to index
        %get3A_649 = tpu.vector_load %arg16[%get3A_646, %get3A_647, %get3A_648] {strides = array<i32>} : memref<2x4x640xi32, #tpu.memory_space<vmem>>, vector<16xi32>,
        %mul3A_650 = arith.constant 32 : i32
        %mul3A_651 = vector.broadcast %mul3A_650 : i32 to vector<16xi32>
        %mul3A_652 = arith.muli %get3A_649, %mul3A_651 : vector<16xi32>
        %get3A_653 = arith.constant 0 : i32
        %get3A_654 = arith.constant 1 : i32
        %get3A_655 = arith.index_cast %get3A_653 : i32 to index
        %get3A_656 = arith.index_cast %get3A_654 : i32 to index
        %get3A_657 = arith.index_cast %mul3A_644 : i32 to index
        %get3A_658 = tpu.vector_load %arg16[%get3A_655, %get3A_656, %get3A_657] {strides = array<i32>} : memref<2x4x640xi32, #tpu.memory_space<vmem>>, vector<16xi32>,
        %get3A_659 = arith.constant 0 : i32
        %get3A_660 = arith.constant 2 : i32
        %get3A_661 = arith.index_cast %get3A_659 : i32 to index
        %get3A_662 = arith.index_cast %get3A_660 : i32 to index
        %get3A_663 = arith.index_cast %mul3A_644 : i32 to index
        %get3A_664 = tpu.vector_load %arg16[%get3A_661, %get3A_662, %get3A_663] {strides = array<i32>} : memref<2x4x640xi32, #tpu.memory_space<vmem>>, vector<16xi32>,
        %get3A_665 = arith.constant 0 : i32
        %get3A_666 = arith.constant 3 : i32
        %get3A_667 = arith.index_cast %get3A_665 : i32 to index
        %get3A_668 = arith.index_cast %get3A_666 : i32 to index
        %get3A_669 = arith.index_cast %mul3A_644 : i32 to index
        %get3A_670 = tpu.vector_load %arg16[%get3A_667, %get3A_668, %get3A_669] {strides = array<i32>} : memref<2x4x640xi32, #tpu.memory_space<vmem>>, vector<16xi32>,
        %mul3A_671 = arith.constant 16 : i32
        %mul3A_672 = vector.broadcast %mul3A_671 : i32 to vector<16xi32>
        %mul3A_673 = arith.muli %get3A_658, %mul3A_672 : vector<16xi32>
        %add3A_674 = arith.addi %mul3A_673, %get3A_664 : vector<16xi32>
        %mul3A_675 = arith.constant 9 : i32
        %mul3A_676 = vector.broadcast %mul3A_675 : i32 to vector<16xi32>
        %mul3A_677 = arith.muli %add3A_674, %mul3A_676 : vector<16xi32>
        %add3A_678 = arith.addi %mul3A_677, %get3A_670 : vector<16xi32>
        %mul3A_679 = arith.constant 32 : i32
        %mul3A_680 = vector.broadcast %mul3A_679 : i32 to vector<16xi32>
        %mul3A_681 = arith.muli %add3A_678, %mul3A_680 : vector<16xi32>
        %shift_right_arithmetic3A_682 = arith.constant 3 : i32
        %shift_right_arithmetic3A_683 = arith.shrsi %scan3A_642, %shift_right_arithmetic3A_682 : i32
        %and3A_684 = arith.constant 7 : i32
        %and3A_685 = arith.andi %scan3A_642, %and3A_684 : i32
        %mul3A_686 = arith.constant 16 : i32
        %mul3A_687 = arith.muli %and3A_685, %mul3A_686 : i32
        %broadcast_in_dim3A = vector.broadcast %shift_right_arithmetic3A_683 : i32 to vector<16xi32>
        %broadcast_in_dim3A_688 = arith.constant 0 : i32
        %broadcast_in_dim3A_689 = vector.broadcast %broadcast_in_dim3A_688 : i32 to vector<16xi32>
        %lt3A_690 = arith.constant 0 : i32
        %lt3A_691 = vector.broadcast %lt3A_690 : i32 to vector<16xi32>
        %lt3A_692 = arith.cmpi slt, %broadcast_in_dim3A_689, %lt3A_691 : vector<16xi32>
        %add3A_693 = arith.constant 16 : i32
        %add3A_694 = vector.broadcast %add3A_693 : i32 to vector<16xi32>
        %add3A_695 = arith.addi %broadcast_in_dim3A_689, %add3A_694 : vector<16xi32>
        %select_n3A_696 = arith.select %lt3A_692, %add3A_695, %broadcast_in_dim3A_689 : vector<16xi1>, vector<16xi32>
        %broadcast_in_dim3A_697 = vector.shape_cast %select_n3A_696 : vector<16xi32> to vector<16x1xi32>
        %gather3A = vector.shape_cast %broadcast_in_dim3A_697 : vector<16x1xi32> to vector<16xi32>
        %gather3A_698 = tpu.dynamic_gather %mul3A_652[%gather3A] in [0] : vector<16xi32>, vector<16xi32> -> vector<16xi32>
        %add3A_699 = arith.addi %gather3A_698, %iota3A : vector<16xi32>
        %lt3A_700 = arith.constant 0 : i32
        %lt3A_701 = vector.broadcast %lt3A_700 : i32 to vector<16xi32>
        %lt3A_702 = arith.cmpi slt, %broadcast_in_dim3A_689, %lt3A_701 : vector<16xi32>
        %add3A_703 = arith.constant 16 : i32
        %add3A_704 = vector.broadcast %add3A_703 : i32 to vector<16xi32>
        %add3A_705 = arith.addi %broadcast_in_dim3A_689, %add3A_704 : vector<16xi32>
        %select_n3A_706 = arith.select %lt3A_702, %add3A_705, %broadcast_in_dim3A_689 : vector<16xi1>, vector<16xi32>
        %broadcast_in_dim3A_707 = vector.shape_cast %select_n3A_706 : vector<16xi32> to vector<16x1xi32>
        %gather3A_708 = vector.shape_cast %broadcast_in_dim3A_707 : vector<16x1xi32> to vector<16xi32>
        %gather3A_709 = tpu.dynamic_gather %mul3A_681[%gather3A_708] in [0] : vector<16xi32>, vector<16xi32> -> vector<16xi32>
        %add3A_710 = arith.addi %gather3A_709, %iota3A : vector<16xi32>
        %gather3A_711 = tpu.vector_load_idx %arg11[%add3A_699] : memref<3968xf32, #tpu.memory_space<vmem>>[vector<16xi32>], vector<16xf32>,
        %gather3A_712 = tpu.vector_load_idx %arg15[%add3A_710] : memref<50688xf32, #tpu.memory_space<vmem>>[vector<16xi32>], vector<16xf32>,
        %add3A_713 = arith.constant 16 : i32
        %add3A_714 = vector.broadcast %add3A_713 : i32 to vector<16xi32>
        %add3A_715 = arith.addi %add3A_699, %add3A_714 : vector<16xi32>
        %gather3A_716 = tpu.vector_load_idx %arg11[%add3A_715] : memref<3968xf32, #tpu.memory_space<vmem>>[vector<16xi32>], vector<16xf32>,
        %add3A_717 = arith.constant 16 : i32
        %add3A_718 = vector.broadcast %add3A_717 : i32 to vector<16xi32>
        %add3A_719 = arith.addi %add3A_710, %add3A_718 : vector<16xi32>
        %gather3A_720 = tpu.vector_load_idx %arg15[%add3A_719] : memref<50688xf32, #tpu.memory_space<vmem>>[vector<16xi32>], vector<16xf32>,
        %broadcast_in_dim3A_721 = arith.constant 1 : i32
        %broadcast_in_dim3A_722 = vector.broadcast %broadcast_in_dim3A_721 : i32 to vector<16xi32>
        %lt3A_723 = arith.constant 0 : i32
        %lt3A_724 = vector.broadcast %lt3A_723 : i32 to vector<16xi32>
        %lt3A_725 = arith.cmpi slt, %broadcast_in_dim3A_722, %lt3A_724 : vector<16xi32>
        %add3A_726 = arith.constant 16 : i32
        %add3A_727 = vector.broadcast %add3A_726 : i32 to vector<16xi32>
        %add3A_728 = arith.addi %broadcast_in_dim3A_722, %add3A_727 : vector<16xi32>
        %select_n3A_729 = arith.select %lt3A_725, %add3A_728, %broadcast_in_dim3A_722 : vector<16xi1>, vector<16xi32>
        %broadcast_in_dim3A_730 = vector.shape_cast %select_n3A_729 : vector<16xi32> to vector<16x1xi32>
        %gather3A_731 = vector.shape_cast %broadcast_in_dim3A_730 : vector<16x1xi32> to vector<16xi32>
        %gather3A_732 = tpu.dynamic_gather %mul3A_652[%gather3A_731] in [0] : vector<16xi32>, vector<16xi32> -> vector<16xi32>
        %add3A_733 = arith.addi %gather3A_732, %iota3A : vector<16xi32>
        %lt3A_734 = arith.constant 0 : i32
        %lt3A_735 = vector.broadcast %lt3A_734 : i32 to vector<16xi32>
        %lt3A_736 = arith.cmpi slt, %broadcast_in_dim3A_722, %lt3A_735 : vector<16xi32>
        %add3A_737 = arith.constant 16 : i32
        %add3A_738 = vector.broadcast %add3A_737 : i32 to vector<16xi32>
        %add3A_739 = arith.addi %broadcast_in_dim3A_722, %add3A_738 : vector<16xi32>
        %select_n3A_740 = arith.select %lt3A_736, %add3A_739, %broadcast_in_dim3A_722 : vector<16xi1>, vector<16xi32>
        %broadcast_in_dim3A_741 = vector.shape_cast %select_n3A_740 : vector<16xi32> to vector<16x1xi32>
        %gather3A_742 = vector.shape_cast %broadcast_in_dim3A_741 : vector<16x1xi32> to vector<16xi32>
        %gather3A_743 = tpu.dynamic_gather %mul3A_681[%gather3A_742] in [0] : vector<16xi32>, vector<16xi32> -> vector<16xi32>
        %add3A_744 = arith.addi %gather3A_743, %iota3A : vector<16xi32>
        %gather3A_745 = tpu.vector_load_idx %arg11[%add3A_733] : memref<3968xf32, #tpu.memory_space<vmem>>[vector<16xi32>], vector<16xf32>,
        %gather3A_746 = tpu.vector_load_idx %arg15[%add3A_744] : memref<50688xf32, #tpu.memory_space<vmem>>[vector<16xi32>], vector<16xf32>,
        %add3A_747 = arith.constant 16 : i32
        %add3A_748 = vector.broadcast %add3A_747 : i32 to vector<16xi32>
        %add3A_749 = arith.addi %add3A_733, %add3A_748 : vector<16xi32>
        %gather3A_750 = tpu.vector_load_idx %arg11[%add3A_749] : memref<3968xf32, #tpu.memory_space<vmem>>[vector<16xi32>], vector<16xf32>,
        %add3A_751 = arith.constant 16 : i32
        %add3A_752 = vector.broadcast %add3A_751 : i32 to vector<16xi32>
        %add3A_753 = arith.addi %add3A_744, %add3A_752 : vector<16xi32>
        %gather3A_754 = tpu.vector_load_idx %arg15[%add3A_753] : memref<50688xf32, #tpu.memory_space<vmem>>[vector<16xi32>], vector<16xf32>,
        %broadcast_in_dim3A_755 = arith.constant 2 : i32
        %broadcast_in_dim3A_756 = vector.broadcast %broadcast_in_dim3A_755 : i32 to vector<16xi32>
        %lt3A_757 = arith.constant 0 : i32
        %lt3A_758 = vector.broadcast %lt3A_757 : i32 to vector<16xi32>
        %lt3A_759 = arith.cmpi slt, %broadcast_in_dim3A_756, %lt3A_758 : vector<16xi32>
        %add3A_760 = arith.constant 16 : i32
        %add3A_761 = vector.broadcast %add3A_760 : i32 to vector<16xi32>
        %add3A_762 = arith.addi %broadcast_in_dim3A_756, %add3A_761 : vector<16xi32>
        %select_n3A_763 = arith.select %lt3A_759, %add3A_762, %broadcast_in_dim3A_756 : vector<16xi1>, vector<16xi32>
        %broadcast_in_dim3A_764 = vector.shape_cast %select_n3A_763 : vector<16xi32> to vector<16x1xi32>
        %gather3A_765 = vector.shape_cast %broadcast_in_dim3A_764 : vector<16x1xi32> to vector<16xi32>
        %gather3A_766 = tpu.dynamic_gather %mul3A_652[%gather3A_765] in [0] : vector<16xi32>, vector<16xi32> -> vector<16xi32>
        %add3A_767 = arith.addi %gather3A_766, %iota3A : vector<16xi32>
        %lt3A_768 = arith.constant 0 : i32
        %lt3A_769 = vector.broadcast %lt3A_768 : i32 to vector<16xi32>
        %lt3A_770 = arith.cmpi slt, %broadcast_in_dim3A_756, %lt3A_769 : vector<16xi32>
        %add3A_771 = arith.constant 16 : i32
        %add3A_772 = vector.broadcast %add3A_771 : i32 to vector<16xi32>
        %add3A_773 = arith.addi %broadcast_in_dim3A_756, %add3A_772 : vector<16xi32>
        %select_n3A_774 = arith.select %lt3A_770, %add3A_773, %broadcast_in_dim3A_756 : vector<16xi1>, vector<16xi32>
        %broadcast_in_dim3A_775 = vector.shape_cast %select_n3A_774 : vector<16xi32> to vector<16x1xi32>
        %gather3A_776 = vector.shape_cast %broadcast_in_dim3A_775 : vector<16x1xi32> to vector<16xi32>
        %gather3A_777 = tpu.dynamic_gather %mul3A_681[%gather3A_776] in [0] : vector<16xi32>, vector<16xi32> -> vector<16xi32>
        %add3A_778 = arith.addi %gather3A_777, %iota3A : vector<16xi32>
        %gather3A_779 = tpu.vector_load_idx %arg11[%add3A_767] : memref<3968xf32, #tpu.memory_space<vmem>>[vector<16xi32>], vector<16xf32>,
        %gather3A_780 = tpu.vector_load_idx %arg15[%add3A_778] : memref<50688xf32, #tpu.memory_space<vmem>>[vector<16xi32>], vector<16xf32>,
        %add3A_781 = arith.constant 16 : i32
        %add3A_782 = vector.broadcast %add3A_781 : i32 to vector<16xi32>
        %add3A_783 = arith.addi %add3A_767, %add3A_782 : vector<16xi32>
        %gather3A_784 = tpu.vector_load_idx %arg11[%add3A_783] : memref<3968xf32, #tpu.memory_space<vmem>>[vector<16xi32>], vector<16xf32>,
        %add3A_785 = arith.constant 16 : i32
        %add3A_786 = vector.broadcast %add3A_785 : i32 to vector<16xi32>
        %add3A_787 = arith.addi %add3A_778, %add3A_786 : vector<16xi32>
        %gather3A_788 = tpu.vector_load_idx %arg15[%add3A_787] : memref<50688xf32, #tpu.memory_space<vmem>>[vector<16xi32>], vector<16xf32>,
        %add3A_789 = arith.constant 0 : i32
        %add3A_790 = arith.addi %mul3A_687, %add3A_789 : i32
        %broadcast_in_dim3A_791 = vector.broadcast %add3A_790 : i32 to vector<16xi32>
        %add3A_792 = arith.addf %gather3A_711, %gather3A_712 : vector<16xf32>
        %scatter3A = arith.constant 0 : i32
        %scatter3A_793 = arith.constant 0 : i32
        %scatter3A_794 = arith.constant 0 : i32
        %scatter3A_795 = arith.constant 0 : i32
        %scatter3A_796 = tpu.memref_slice %arg17[%scan3A_347, %scatter3A, %scatter3A_793, %scatter3A_794, %scatter3A_795] : memref<2x4x5x8x129xf32, #tpu.memory_space<vmem>> -> memref<1x4x5x8x129xf32, #tpu.memory_space<vmem>>
        %scatter3A_797 = tpu.memref_squeeze %scatter3A_796 : memref<1x4x5x8x129xf32, #tpu.memory_space<vmem>> -> memref<4x5x8x129xf32, #tpu.memory_space<vmem>>
        tpu.vector_store_idx %scatter3A_797[%shift_right_arithmetic3A_9, %broadcast_in_dim3A, %and3A_14, %broadcast_in_dim3A_791], %add3A_792 : memref<4x5x8x129xf32, #tpu.memory_space<vmem>>[vector<16xi32>, vector<16xi32>, vector<16xi32>, vector<16xi32>], vector<16xf32>,
        %add3A_798 = arith.addf %gather3A_716, %gather3A_720 : vector<16xf32>
        %scatter3A_799 = arith.constant 0 : i32
        %scatter3A_800 = arith.constant 0 : i32
        %scatter3A_801 = arith.constant 0 : i32
        %scatter3A_802 = arith.constant 0 : i32
        %scatter3A_803 = tpu.memref_slice %arg17[%scan3A_347, %scatter3A_799, %scatter3A_800, %scatter3A_801, %scatter3A_802] : memref<2x4x5x8x129xf32, #tpu.memory_space<vmem>> -> memref<1x4x5x8x129xf32, #tpu.memory_space<vmem>>
        %scatter3A_804 = tpu.memref_squeeze %scatter3A_803 : memref<1x4x5x8x129xf32, #tpu.memory_space<vmem>> -> memref<4x5x8x129xf32, #tpu.memory_space<vmem>>
        tpu.vector_store_idx %scatter3A_804[%add3A_12, %broadcast_in_dim3A, %and3A_14, %broadcast_in_dim3A_791], %add3A_798 : memref<4x5x8x129xf32, #tpu.memory_space<vmem>>[vector<16xi32>, vector<16xi32>, vector<16xi32>, vector<16xi32>], vector<16xf32>,
        %broadcast_in_dim3A_805 = arith.constant 3 : i32
        %broadcast_in_dim3A_806 = vector.broadcast %broadcast_in_dim3A_805 : i32 to vector<16xi32>
        %lt3A_807 = arith.constant 0 : i32
        %lt3A_808 = vector.broadcast %lt3A_807 : i32 to vector<16xi32>
        %lt3A_809 = arith.cmpi slt, %broadcast_in_dim3A_806, %lt3A_808 : vector<16xi32>
        %add3A_810 = arith.constant 16 : i32
        %add3A_811 = vector.broadcast %add3A_810 : i32 to vector<16xi32>
        %add3A_812 = arith.addi %broadcast_in_dim3A_806, %add3A_811 : vector<16xi32>
        %select_n3A_813 = arith.select %lt3A_809, %add3A_812, %broadcast_in_dim3A_806 : vector<16xi1>, vector<16xi32>
        %broadcast_in_dim3A_814 = vector.shape_cast %select_n3A_813 : vector<16xi32> to vector<16x1xi32>
        %gather3A_815 = vector.shape_cast %broadcast_in_dim3A_814 : vector<16x1xi32> to vector<16xi32>
        %gather3A_816 = tpu.dynamic_gather %mul3A_652[%gather3A_815] in [0] : vector<16xi32>, vector<16xi32> -> vector<16xi32>
        %add3A_817 = arith.addi %gather3A_816, %iota3A : vector<16xi32>
        %lt3A_818 = arith.constant 0 : i32
        %lt3A_819 = vector.broadcast %lt3A_818 : i32 to vector<16xi32>
        %lt3A_820 = arith.cmpi slt, %broadcast_in_dim3A_806, %lt3A_819 : vector<16xi32>
        %add3A_821 = arith.constant 16 : i32
        %add3A_822 = vector.broadcast %add3A_821 : i32 to vector<16xi32>
        %add3A_823 = arith.addi %broadcast_in_dim3A_806, %add3A_822 : vector<16xi32>
        %select_n3A_824 = arith.select %lt3A_820, %add3A_823, %broadcast_in_dim3A_806 : vector<16xi1>, vector<16xi32>
        %broadcast_in_dim3A_825 = vector.shape_cast %select_n3A_824 : vector<16xi32> to vector<16x1xi32>
        %gather3A_826 = vector.shape_cast %broadcast_in_dim3A_825 : vector<16x1xi32> to vector<16xi32>
        %gather3A_827 = tpu.dynamic_gather %mul3A_681[%gather3A_826] in [0] : vector<16xi32>, vector<16xi32> -> vector<16xi32>
        %add3A_828 = arith.addi %gather3A_827, %iota3A : vector<16xi32>
        %gather3A_829 = tpu.vector_load_idx %arg11[%add3A_817] : memref<3968xf32, #tpu.memory_space<vmem>>[vector<16xi32>], vector<16xf32>,
        %gather3A_830 = tpu.vector_load_idx %arg15[%add3A_828] : memref<50688xf32, #tpu.memory_space<vmem>>[vector<16xi32>], vector<16xf32>,
        %add3A_831 = arith.constant 16 : i32
        %add3A_832 = vector.broadcast %add3A_831 : i32 to vector<16xi32>
        %add3A_833 = arith.addi %add3A_817, %add3A_832 : vector<16xi32>
        %gather3A_834 = tpu.vector_load_idx %arg11[%add3A_833] : memref<3968xf32, #tpu.memory_space<vmem>>[vector<16xi32>], vector<16xf32>,
        %add3A_835 = arith.constant 16 : i32
        %add3A_836 = vector.broadcast %add3A_835 : i32 to vector<16xi32>
        %add3A_837 = arith.addi %add3A_828, %add3A_836 : vector<16xi32>
        %gather3A_838 = tpu.vector_load_idx %arg15[%add3A_837] : memref<50688xf32, #tpu.memory_space<vmem>>[vector<16xi32>], vector<16xf32>,
        %add3A_839 = arith.constant 1 : i32
        %add3A_840 = arith.addi %mul3A_687, %add3A_839 : i32
        %broadcast_in_dim3A_841 = vector.broadcast %add3A_840 : i32 to vector<16xi32>
        %add3A_842 = arith.addf %gather3A_745, %gather3A_746 : vector<16xf32>
        %scatter3A_843 = arith.constant 0 : i32
        %scatter3A_844 = arith.constant 0 : i32
        %scatter3A_845 = arith.constant 0 : i32
        %scatter3A_846 = arith.constant 0 : i32
        %scatter3A_847 = tpu.memref_slice %arg17[%scan3A_347, %scatter3A_843, %scatter3A_844, %scatter3A_845, %scatter3A_846] : memref<2x4x5x8x129xf32, #tpu.memory_space<vmem>> -> memref<1x4x5x8x129xf32, #tpu.memory_space<vmem>>
        %scatter3A_848 = tpu.memref_squeeze %scatter3A_847 : memref<1x4x5x8x129xf32, #tpu.memory_space<vmem>> -> memref<4x5x8x129xf32, #tpu.memory_space<vmem>>
        tpu.vector_store_idx %scatter3A_848[%shift_right_arithmetic3A_9, %broadcast_in_dim3A, %and3A_14, %broadcast_in_dim3A_841], %add3A_842 : memref<4x5x8x129xf32, #tpu.memory_space<vmem>>[vector<16xi32>, vector<16xi32>, vector<16xi32>, vector<16xi32>], vector<16xf32>,
        %add3A_849 = arith.addf %gather3A_750, %gather3A_754 : vector<16xf32>
        %scatter3A_850 = arith.constant 0 : i32
        %scatter3A_851 = arith.constant 0 : i32
        %scatter3A_852 = arith.constant 0 : i32
        %scatter3A_853 = arith.constant 0 : i32
        %scatter3A_854 = tpu.memref_slice %arg17[%scan3A_347, %scatter3A_850, %scatter3A_851, %scatter3A_852, %scatter3A_853] : memref<2x4x5x8x129xf32, #tpu.memory_space<vmem>> -> memref<1x4x5x8x129xf32, #tpu.memory_space<vmem>>
        %scatter3A_855 = tpu.memref_squeeze %scatter3A_854 : memref<1x4x5x8x129xf32, #tpu.memory_space<vmem>> -> memref<4x5x8x129xf32, #tpu.memory_space<vmem>>
        tpu.vector_store_idx %scatter3A_855[%add3A_12, %broadcast_in_dim3A, %and3A_14, %broadcast_in_dim3A_841], %add3A_849 : memref<4x5x8x129xf32, #tpu.memory_space<vmem>>[vector<16xi32>, vector<16xi32>, vector<16xi32>, vector<16xi32>], vector<16xf32>,
        %broadcast_in_dim3A_856 = arith.constant 4 : i32
        %broadcast_in_dim3A_857 = vector.broadcast %broadcast_in_dim3A_856 : i32 to vector<16xi32>
        %lt3A_858 = arith.constant 0 : i32
        %lt3A_859 = vector.broadcast %lt3A_858 : i32 to vector<16xi32>
        %lt3A_860 = arith.cmpi slt, %broadcast_in_dim3A_857, %lt3A_859 : vector<16xi32>
        %add3A_861 = arith.constant 16 : i32
        %add3A_862 = vector.broadcast %add3A_861 : i32 to vector<16xi32>
        %add3A_863 = arith.addi %broadcast_in_dim3A_857, %add3A_862 : vector<16xi32>
        %select_n3A_864 = arith.select %lt3A_860, %add3A_863, %broadcast_in_dim3A_857 : vector<16xi1>, vector<16xi32>
        %broadcast_in_dim3A_865 = vector.shape_cast %select_n3A_864 : vector<16xi32> to vector<16x1xi32>
        %gather3A_866 = vector.shape_cast %broadcast_in_dim3A_865 : vector<16x1xi32> to vector<16xi32>
        %gather3A_867 = tpu.dynamic_gather %mul3A_652[%gather3A_866] in [0] : vector<16xi32>, vector<16xi32> -> vector<16xi32>
        %add3A_868 = arith.addi %gather3A_867, %iota3A : vector<16xi32>
        %lt3A_869 = arith.constant 0 : i32
        %lt3A_870 = vector.broadcast %lt3A_869 : i32 to vector<16xi32>
        %lt3A_871 = arith.cmpi slt, %broadcast_in_dim3A_857, %lt3A_870 : vector<16xi32>
        %add3A_872 = arith.constant 16 : i32
        %add3A_873 = vector.broadcast %add3A_872 : i32 to vector<16xi32>
        %add3A_874 = arith.addi %broadcast_in_dim3A_857, %add3A_873 : vector<16xi32>
        %select_n3A_875 = arith.select %lt3A_871, %add3A_874, %broadcast_in_dim3A_857 : vector<16xi1>, vector<16xi32>
        %broadcast_in_dim3A_876 = vector.shape_cast %select_n3A_875 : vector<16xi32> to vector<16x1xi32>
        %gather3A_877 = vector.shape_cast %broadcast_in_dim3A_876 : vector<16x1xi32> to vector<16xi32>
        %gather3A_878 = tpu.dynamic_gather %mul3A_681[%gather3A_877] in [0] : vector<16xi32>, vector<16xi32> -> vector<16xi32>
        %add3A_879 = arith.addi %gather3A_878, %iota3A : vector<16xi32>
        %gather3A_880 = tpu.vector_load_idx %arg11[%add3A_868] : memref<3968xf32, #tpu.memory_space<vmem>>[vector<16xi32>], vector<16xf32>,
        %gather3A_881 = tpu.vector_load_idx %arg15[%add3A_879] : memref<50688xf32, #tpu.memory_space<vmem>>[vector<16xi32>], vector<16xf32>,
        %add3A_882 = arith.constant 16 : i32
        %add3A_883 = vector.broadcast %add3A_882 : i32 to vector<16xi32>
        %add3A_884 = arith.addi %add3A_868, %add3A_883 : vector<16xi32>
        %gather3A_885 = tpu.vector_load_idx %arg11[%add3A_884] : memref<3968xf32, #tpu.memory_space<vmem>>[vector<16xi32>], vector<16xf32>,
        %add3A_886 = arith.constant 16 : i32
        %add3A_887 = vector.broadcast %add3A_886 : i32 to vector<16xi32>
        %add3A_888 = arith.addi %add3A_879, %add3A_887 : vector<16xi32>
        %gather3A_889 = tpu.vector_load_idx %arg15[%add3A_888] : memref<50688xf32, #tpu.memory_space<vmem>>[vector<16xi32>], vector<16xf32>,
        %add3A_890 = arith.constant 2 : i32
        %add3A_891 = arith.addi %mul3A_687, %add3A_890 : i32
        %broadcast_in_dim3A_892 = vector.broadcast %add3A_891 : i32 to vector<16xi32>
        %add3A_893 = arith.addf %gather3A_779, %gather3A_780 : vector<16xf32>
        %scatter3A_894 = arith.constant 0 : i32
        %scatter3A_895 = arith.constant 0 : i32
        %scatter3A_896 = arith.constant 0 : i32
        %scatter3A_897 = arith.constant 0 : i32
        %scatter3A_898 = tpu.memref_slice %arg17[%scan3A_347, %scatter3A_894, %scatter3A_895, %scatter3A_896, %scatter3A_897] : memref<2x4x5x8x129xf32, #tpu.memory_space<vmem>> -> memref<1x4x5x8x129xf32, #tpu.memory_space<vmem>>
        %scatter3A_899 = tpu.memref_squeeze %scatter3A_898 : memref<1x4x5x8x129xf32, #tpu.memory_space<vmem>> -> memref<4x5x8x129xf32, #tpu.memory_space<vmem>>
        tpu.vector_store_idx %scatter3A_899[%shift_right_arithmetic3A_9, %broadcast_in_dim3A, %and3A_14, %broadcast_in_dim3A_892], %add3A_893 : memref<4x5x8x129xf32, #tpu.memory_space<vmem>>[vector<16xi32>, vector<16xi32>, vector<16xi32>, vector<16xi32>], vector<16xf32>,
        %add3A_900 = arith.addf %gather3A_784, %gather3A_788 : vector<16xf32>
        %scatter3A_901 = arith.constant 0 : i32
        %scatter3A_902 = arith.constant 0 : i32
        %scatter3A_903 = arith.constant 0 : i32
        %scatter3A_904 = arith.constant 0 : i32
        %scatter3A_905 = tpu.memref_slice %arg17[%scan3A_347, %scatter3A_901, %scatter3A_902, %scatter3A_903, %scatter3A_904] : memref<2x4x5x8x129xf32, #tpu.memory_space<vmem>> -> memref<1x4x5x8x129xf32, #tpu.memory_space<vmem>>
        %scatter3A_906 = tpu.memref_squeeze %scatter3A_905 : memref<1x4x5x8x129xf32, #tpu.memory_space<vmem>> -> memref<4x5x8x129xf32, #tpu.memory_space<vmem>>
        tpu.vector_store_idx %scatter3A_906[%add3A_12, %broadcast_in_dim3A, %and3A_14, %broadcast_in_dim3A_892], %add3A_900 : memref<4x5x8x129xf32, #tpu.memory_space<vmem>>[vector<16xi32>, vector<16xi32>, vector<16xi32>, vector<16xi32>], vector<16xf32>,
        %broadcast_in_dim3A_907 = arith.constant 5 : i32
        %broadcast_in_dim3A_908 = vector.broadcast %broadcast_in_dim3A_907 : i32 to vector<16xi32>
        %lt3A_909 = arith.constant 0 : i32
        %lt3A_910 = vector.broadcast %lt3A_909 : i32 to vector<16xi32>
        %lt3A_911 = arith.cmpi slt, %broadcast_in_dim3A_908, %lt3A_910 : vector<16xi32>
        %add3A_912 = arith.constant 16 : i32
        %add3A_913 = vector.broadcast %add3A_912 : i32 to vector<16xi32>
        %add3A_914 = arith.addi %broadcast_in_dim3A_908, %add3A_913 : vector<16xi32>
        %select_n3A_915 = arith.select %lt3A_911, %add3A_914, %broadcast_in_dim3A_908 : vector<16xi1>, vector<16xi32>
        %broadcast_in_dim3A_916 = vector.shape_cast %select_n3A_915 : vector<16xi32> to vector<16x1xi32>
        %gather3A_917 = vector.shape_cast %broadcast_in_dim3A_916 : vector<16x1xi32> to vector<16xi32>
        %gather3A_918 = tpu.dynamic_gather %mul3A_652[%gather3A_917] in [0] : vector<16xi32>, vector<16xi32> -> vector<16xi32>
        %add3A_919 = arith.addi %gather3A_918, %iota3A : vector<16xi32>
        %lt3A_920 = arith.constant 0 : i32
        %lt3A_921 = vector.broadcast %lt3A_920 : i32 to vector<16xi32>
        %lt3A_922 = arith.cmpi slt, %broadcast_in_dim3A_908, %lt3A_921 : vector<16xi32>
        %add3A_923 = arith.constant 16 : i32
        %add3A_924 = vector.broadcast %add3A_923 : i32 to vector<16xi32>
        %add3A_925 = arith.addi %broadcast_in_dim3A_908, %add3A_924 : vector<16xi32>
        %select_n3A_926 = arith.select %lt3A_922, %add3A_925, %broadcast_in_dim3A_908 : vector<16xi1>, vector<16xi32>
        %broadcast_in_dim3A_927 = vector.shape_cast %select_n3A_926 : vector<16xi32> to vector<16x1xi32>
        %gather3A_928 = vector.shape_cast %broadcast_in_dim3A_927 : vector<16x1xi32> to vector<16xi32>
        %gather3A_929 = tpu.dynamic_gather %mul3A_681[%gather3A_928] in [0] : vector<16xi32>, vector<16xi32> -> vector<16xi32>
        %add3A_930 = arith.addi %gather3A_929, %iota3A : vector<16xi32>
        %gather3A_931 = tpu.vector_load_idx %arg11[%add3A_919] : memref<3968xf32, #tpu.memory_space<vmem>>[vector<16xi32>], vector<16xf32>,
        %gather3A_932 = tpu.vector_load_idx %arg15[%add3A_930] : memref<50688xf32, #tpu.memory_space<vmem>>[vector<16xi32>], vector<16xf32>,
        %add3A_933 = arith.constant 16 : i32
        %add3A_934 = vector.broadcast %add3A_933 : i32 to vector<16xi32>
        %add3A_935 = arith.addi %add3A_919, %add3A_934 : vector<16xi32>
        %gather3A_936 = tpu.vector_load_idx %arg11[%add3A_935] : memref<3968xf32, #tpu.memory_space<vmem>>[vector<16xi32>], vector<16xf32>,
        %add3A_937 = arith.constant 16 : i32
        %add3A_938 = vector.broadcast %add3A_937 : i32 to vector<16xi32>
        %add3A_939 = arith.addi %add3A_930, %add3A_938 : vector<16xi32>
        %gather3A_940 = tpu.vector_load_idx %arg15[%add3A_939] : memref<50688xf32, #tpu.memory_space<vmem>>[vector<16xi32>], vector<16xf32>,
        %add3A_941 = arith.constant 3 : i32
        %add3A_942 = arith.addi %mul3A_687, %add3A_941 : i32
        %broadcast_in_dim3A_943 = vector.broadcast %add3A_942 : i32 to vector<16xi32>
        %add3A_944 = arith.addf %gather3A_829, %gather3A_830 : vector<16xf32>
        %scatter3A_945 = arith.constant 0 : i32
        %scatter3A_946 = arith.constant 0 : i32
        %scatter3A_947 = arith.constant 0 : i32
        %scatter3A_948 = arith.constant 0 : i32
        %scatter3A_949 = tpu.memref_slice %arg17[%scan3A_347, %scatter3A_945, %scatter3A_946, %scatter3A_947, %scatter3A_948] : memref<2x4x5x8x129xf32, #tpu.memory_space<vmem>> -> memref<1x4x5x8x129xf32, #tpu.memory_space<vmem>>
        %scatter3A_950 = tpu.memref_squeeze %scatter3A_949 : memref<1x4x5x8x129xf32, #tpu.memory_space<vmem>> -> memref<4x5x8x129xf32, #tpu.memory_space<vmem>>
        tpu.vector_store_idx %scatter3A_950[%shift_right_arithmetic3A_9, %broadcast_in_dim3A, %and3A_14, %broadcast_in_dim3A_943], %add3A_944 : memref<4x5x8x129xf32, #tpu.memory_space<vmem>>[vector<16xi32>, vector<16xi32>, vector<16xi32>, vector<16xi32>], vector<16xf32>,
        %add3A_951 = arith.addf %gather3A_834, %gather3A_838 : vector<16xf32>
        %scatter3A_952 = arith.constant 0 : i32
        %scatter3A_953 = arith.constant 0 : i32
        %scatter3A_954 = arith.constant 0 : i32
        %scatter3A_955 = arith.constant 0 : i32
        %scatter3A_956 = tpu.memref_slice %arg17[%scan3A_347, %scatter3A_952, %scatter3A_953, %scatter3A_954, %scatter3A_955] : memref<2x4x5x8x129xf32, #tpu.memory_space<vmem>> -> memref<1x4x5x8x129xf32, #tpu.memory_space<vmem>>
        %scatter3A_957 = tpu.memref_squeeze %scatter3A_956 : memref<1x4x5x8x129xf32, #tpu.memory_space<vmem>> -> memref<4x5x8x129xf32, #tpu.memory_space<vmem>>
        tpu.vector_store_idx %scatter3A_957[%add3A_12, %broadcast_in_dim3A, %and3A_14, %broadcast_in_dim3A_943], %add3A_951 : memref<4x5x8x129xf32, #tpu.memory_space<vmem>>[vector<16xi32>, vector<16xi32>, vector<16xi32>, vector<16xi32>], vector<16xf32>,
        %broadcast_in_dim3A_958 = arith.constant 6 : i32
        %broadcast_in_dim3A_959 = vector.broadcast %broadcast_in_dim3A_958 : i32 to vector<16xi32>
        %lt3A_960 = arith.constant 0 : i32
        %lt3A_961 = vector.broadcast %lt3A_960 : i32 to vector<16xi32>
        %lt3A_962 = arith.cmpi slt, %broadcast_in_dim3A_959, %lt3A_961 : vector<16xi32>
        %add3A_963 = arith.constant 16 : i32
        %add3A_964 = vector.broadcast %add3A_963 : i32 to vector<16xi32>
        %add3A_965 = arith.addi %broadcast_in_dim3A_959, %add3A_964 : vector<16xi32>
        %select_n3A_966 = arith.select %lt3A_962, %add3A_965, %broadcast_in_dim3A_959 : vector<16xi1>, vector<16xi32>
        %broadcast_in_dim3A_967 = vector.shape_cast %select_n3A_966 : vector<16xi32> to vector<16x1xi32>
        %gather3A_968 = vector.shape_cast %broadcast_in_dim3A_967 : vector<16x1xi32> to vector<16xi32>
        %gather3A_969 = tpu.dynamic_gather %mul3A_652[%gather3A_968] in [0] : vector<16xi32>, vector<16xi32> -> vector<16xi32>
        %add3A_970 = arith.addi %gather3A_969, %iota3A : vector<16xi32>
        %lt3A_971 = arith.constant 0 : i32
        %lt3A_972 = vector.broadcast %lt3A_971 : i32 to vector<16xi32>
        %lt3A_973 = arith.cmpi slt, %broadcast_in_dim3A_959, %lt3A_972 : vector<16xi32>
        %add3A_974 = arith.constant 16 : i32
        %add3A_975 = vector.broadcast %add3A_974 : i32 to vector<16xi32>
        %add3A_976 = arith.addi %broadcast_in_dim3A_959, %add3A_975 : vector<16xi32>
        %select_n3A_977 = arith.select %lt3A_973, %add3A_976, %broadcast_in_dim3A_959 : vector<16xi1>, vector<16xi32>
        %broadcast_in_dim3A_978 = vector.shape_cast %select_n3A_977 : vector<16xi32> to vector<16x1xi32>
        %gather3A_979 = vector.shape_cast %broadcast_in_dim3A_978 : vector<16x1xi32> to vector<16xi32>
        %gather3A_980 = tpu.dynamic_gather %mul3A_681[%gather3A_979] in [0] : vector<16xi32>, vector<16xi32> -> vector<16xi32>
        %add3A_981 = arith.addi %gather3A_980, %iota3A : vector<16xi32>
        %gather3A_982 = tpu.vector_load_idx %arg11[%add3A_970] : memref<3968xf32, #tpu.memory_space<vmem>>[vector<16xi32>], vector<16xf32>,
        %gather3A_983 = tpu.vector_load_idx %arg15[%add3A_981] : memref<50688xf32, #tpu.memory_space<vmem>>[vector<16xi32>], vector<16xf32>,
        %add3A_984 = arith.constant 16 : i32
        %add3A_985 = vector.broadcast %add3A_984 : i32 to vector<16xi32>
        %add3A_986 = arith.addi %add3A_970, %add3A_985 : vector<16xi32>
        %gather3A_987 = tpu.vector_load_idx %arg11[%add3A_986] : memref<3968xf32, #tpu.memory_space<vmem>>[vector<16xi32>], vector<16xf32>,
        %add3A_988 = arith.constant 16 : i32
        %add3A_989 = vector.broadcast %add3A_988 : i32 to vector<16xi32>
        %add3A_990 = arith.addi %add3A_981, %add3A_989 : vector<16xi32>
        %gather3A_991 = tpu.vector_load_idx %arg15[%add3A_990] : memref<50688xf32, #tpu.memory_space<vmem>>[vector<16xi32>], vector<16xf32>,
        %add3A_992 = arith.constant 4 : i32
        %add3A_993 = arith.addi %mul3A_687, %add3A_992 : i32
        %broadcast_in_dim3A_994 = vector.broadcast %add3A_993 : i32 to vector<16xi32>
        %add3A_995 = arith.addf %gather3A_880, %gather3A_881 : vector<16xf32>
        %scatter3A_996 = arith.constant 0 : i32
        %scatter3A_997 = arith.constant 0 : i32
        %scatter3A_998 = arith.constant 0 : i32
        %scatter3A_999 = arith.constant 0 : i32
        %scatter3A_1000 = tpu.memref_slice %arg17[%scan3A_347, %scatter3A_996, %scatter3A_997, %scatter3A_998, %scatter3A_999] : memref<2x4x5x8x129xf32, #tpu.memory_space<vmem>> -> memref<1x4x5x8x129xf32, #tpu.memory_space<vmem>>
        %scatter3A_1001 = tpu.memref_squeeze %scatter3A_1000 : memref<1x4x5x8x129xf32, #tpu.memory_space<vmem>> -> memref<4x5x8x129xf32, #tpu.memory_space<vmem>>
        tpu.vector_store_idx %scatter3A_1001[%shift_right_arithmetic3A_9, %broadcast_in_dim3A, %and3A_14, %broadcast_in_dim3A_994], %add3A_995 : memref<4x5x8x129xf32, #tpu.memory_space<vmem>>[vector<16xi32>, vector<16xi32>, vector<16xi32>, vector<16xi32>], vector<16xf32>,
        %add3A_1002 = arith.addf %gather3A_885, %gather3A_889 : vector<16xf32>
        %scatter3A_1003 = arith.constant 0 : i32
        %scatter3A_1004 = arith.constant 0 : i32
        %scatter3A_1005 = arith.constant 0 : i32
        %scatter3A_1006 = arith.constant 0 : i32
        %scatter3A_1007 = tpu.memref_slice %arg17[%scan3A_347, %scatter3A_1003, %scatter3A_1004, %scatter3A_1005, %scatter3A_1006] : memref<2x4x5x8x129xf32, #tpu.memory_space<vmem>> -> memref<1x4x5x8x129xf32, #tpu.memory_space<vmem>>
        %scatter3A_1008 = tpu.memref_squeeze %scatter3A_1007 : memref<1x4x5x8x129xf32, #tpu.memory_space<vmem>> -> memref<4x5x8x129xf32, #tpu.memory_space<vmem>>
        tpu.vector_store_idx %scatter3A_1008[%add3A_12, %broadcast_in_dim3A, %and3A_14, %broadcast_in_dim3A_994], %add3A_1002 : memref<4x5x8x129xf32, #tpu.memory_space<vmem>>[vector<16xi32>, vector<16xi32>, vector<16xi32>, vector<16xi32>], vector<16xf32>,
        %broadcast_in_dim3A_1009 = arith.constant 7 : i32
        %broadcast_in_dim3A_1010 = vector.broadcast %broadcast_in_dim3A_1009 : i32 to vector<16xi32>
        %lt3A_1011 = arith.constant 0 : i32
        %lt3A_1012 = vector.broadcast %lt3A_1011 : i32 to vector<16xi32>
        %lt3A_1013 = arith.cmpi slt, %broadcast_in_dim3A_1010, %lt3A_1012 : vector<16xi32>
        %add3A_1014 = arith.constant 16 : i32
        %add3A_1015 = vector.broadcast %add3A_1014 : i32 to vector<16xi32>
        %add3A_1016 = arith.addi %broadcast_in_dim3A_1010, %add3A_1015 : vector<16xi32>
        %select_n3A_1017 = arith.select %lt3A_1013, %add3A_1016, %broadcast_in_dim3A_1010 : vector<16xi1>, vector<16xi32>
        %broadcast_in_dim3A_1018 = vector.shape_cast %select_n3A_1017 : vector<16xi32> to vector<16x1xi32>
        %gather3A_1019 = vector.shape_cast %broadcast_in_dim3A_1018 : vector<16x1xi32> to vector<16xi32>
        %gather3A_1020 = tpu.dynamic_gather %mul3A_652[%gather3A_1019] in [0] : vector<16xi32>, vector<16xi32> -> vector<16xi32>
        %add3A_1021 = arith.addi %gather3A_1020, %iota3A : vector<16xi32>
        %lt3A_1022 = arith.constant 0 : i32
        %lt3A_1023 = vector.broadcast %lt3A_1022 : i32 to vector<16xi32>
        %lt3A_1024 = arith.cmpi slt, %broadcast_in_dim3A_1010, %lt3A_1023 : vector<16xi32>
        %add3A_1025 = arith.constant 16 : i32
        %add3A_1026 = vector.broadcast %add3A_1025 : i32 to vector<16xi32>
        %add3A_1027 = arith.addi %broadcast_in_dim3A_1010, %add3A_1026 : vector<16xi32>
        %select_n3A_1028 = arith.select %lt3A_1024, %add3A_1027, %broadcast_in_dim3A_1010 : vector<16xi1>, vector<16xi32>
        %broadcast_in_dim3A_1029 = vector.shape_cast %select_n3A_1028 : vector<16xi32> to vector<16x1xi32>
        %gather3A_1030 = vector.shape_cast %broadcast_in_dim3A_1029 : vector<16x1xi32> to vector<16xi32>
        %gather3A_1031 = tpu.dynamic_gather %mul3A_681[%gather3A_1030] in [0] : vector<16xi32>, vector<16xi32> -> vector<16xi32>
        %add3A_1032 = arith.addi %gather3A_1031, %iota3A : vector<16xi32>
        %gather3A_1033 = tpu.vector_load_idx %arg11[%add3A_1021] : memref<3968xf32, #tpu.memory_space<vmem>>[vector<16xi32>], vector<16xf32>,
        %gather3A_1034 = tpu.vector_load_idx %arg15[%add3A_1032] : memref<50688xf32, #tpu.memory_space<vmem>>[vector<16xi32>], vector<16xf32>,
        %add3A_1035 = arith.constant 16 : i32
        %add3A_1036 = vector.broadcast %add3A_1035 : i32 to vector<16xi32>
        %add3A_1037 = arith.addi %add3A_1021, %add3A_1036 : vector<16xi32>
        %gather3A_1038 = tpu.vector_load_idx %arg11[%add3A_1037] : memref<3968xf32, #tpu.memory_space<vmem>>[vector<16xi32>], vector<16xf32>,
        %add3A_1039 = arith.constant 16 : i32
        %add3A_1040 = vector.broadcast %add3A_1039 : i32 to vector<16xi32>
        %add3A_1041 = arith.addi %add3A_1032, %add3A_1040 : vector<16xi32>
        %gather3A_1042 = tpu.vector_load_idx %arg15[%add3A_1041] : memref<50688xf32, #tpu.memory_space<vmem>>[vector<16xi32>], vector<16xf32>,
        %add3A_1043 = arith.constant 5 : i32
        %add3A_1044 = arith.addi %mul3A_687, %add3A_1043 : i32
        %broadcast_in_dim3A_1045 = vector.broadcast %add3A_1044 : i32 to vector<16xi32>
        %add3A_1046 = arith.addf %gather3A_931, %gather3A_932 : vector<16xf32>
        %scatter3A_1047 = arith.constant 0 : i32
        %scatter3A_1048 = arith.constant 0 : i32
        %scatter3A_1049 = arith.constant 0 : i32
        %scatter3A_1050 = arith.constant 0 : i32
        %scatter3A_1051 = tpu.memref_slice %arg17[%scan3A_347, %scatter3A_1047, %scatter3A_1048, %scatter3A_1049, %scatter3A_1050] : memref<2x4x5x8x129xf32, #tpu.memory_space<vmem>> -> memref<1x4x5x8x129xf32, #tpu.memory_space<vmem>>
        %scatter3A_1052 = tpu.memref_squeeze %scatter3A_1051 : memref<1x4x5x8x129xf32, #tpu.memory_space<vmem>> -> memref<4x5x8x129xf32, #tpu.memory_space<vmem>>
        tpu.vector_store_idx %scatter3A_1052[%shift_right_arithmetic3A_9, %broadcast_in_dim3A, %and3A_14, %broadcast_in_dim3A_1045], %add3A_1046 : memref<4x5x8x129xf32, #tpu.memory_space<vmem>>[vector<16xi32>, vector<16xi32>, vector<16xi32>, vector<16xi32>], vector<16xf32>,
        %add3A_1053 = arith.addf %gather3A_936, %gather3A_940 : vector<16xf32>
        %scatter3A_1054 = arith.constant 0 : i32
        %scatter3A_1055 = arith.constant 0 : i32
        %scatter3A_1056 = arith.constant 0 : i32
        %scatter3A_1057 = arith.constant 0 : i32
        %scatter3A_1058 = tpu.memref_slice %arg17[%scan3A_347, %scatter3A_1054, %scatter3A_1055, %scatter3A_1056, %scatter3A_1057] : memref<2x4x5x8x129xf32, #tpu.memory_space<vmem>> -> memref<1x4x5x8x129xf32, #tpu.memory_space<vmem>>
        %scatter3A_1059 = tpu.memref_squeeze %scatter3A_1058 : memref<1x4x5x8x129xf32, #tpu.memory_space<vmem>> -> memref<4x5x8x129xf32, #tpu.memory_space<vmem>>
        tpu.vector_store_idx %scatter3A_1059[%add3A_12, %broadcast_in_dim3A, %and3A_14, %broadcast_in_dim3A_1045], %add3A_1053 : memref<4x5x8x129xf32, #tpu.memory_space<vmem>>[vector<16xi32>, vector<16xi32>, vector<16xi32>, vector<16xi32>], vector<16xf32>,
        %broadcast_in_dim3A_1060 = arith.constant 8 : i32
        %broadcast_in_dim3A_1061 = vector.broadcast %broadcast_in_dim3A_1060 : i32 to vector<16xi32>
        %lt3A_1062 = arith.constant 0 : i32
        %lt3A_1063 = vector.broadcast %lt3A_1062 : i32 to vector<16xi32>
        %lt3A_1064 = arith.cmpi slt, %broadcast_in_dim3A_1061, %lt3A_1063 : vector<16xi32>
        %add3A_1065 = arith.constant 16 : i32
        %add3A_1066 = vector.broadcast %add3A_1065 : i32 to vector<16xi32>
        %add3A_1067 = arith.addi %broadcast_in_dim3A_1061, %add3A_1066 : vector<16xi32>
        %select_n3A_1068 = arith.select %lt3A_1064, %add3A_1067, %broadcast_in_dim3A_1061 : vector<16xi1>, vector<16xi32>
        %broadcast_in_dim3A_1069 = vector.shape_cast %select_n3A_1068 : vector<16xi32> to vector<16x1xi32>
        %gather3A_1070 = vector.shape_cast %broadcast_in_dim3A_1069 : vector<16x1xi32> to vector<16xi32>
        %gather3A_1071 = tpu.dynamic_gather %mul3A_652[%gather3A_1070] in [0] : vector<16xi32>, vector<16xi32> -> vector<16xi32>
        %add3A_1072 = arith.addi %gather3A_1071, %iota3A : vector<16xi32>
        %lt3A_1073 = arith.constant 0 : i32
        %lt3A_1074 = vector.broadcast %lt3A_1073 : i32 to vector<16xi32>
        %lt3A_1075 = arith.cmpi slt, %broadcast_in_dim3A_1061, %lt3A_1074 : vector<16xi32>
        %add3A_1076 = arith.constant 16 : i32
        %add3A_1077 = vector.broadcast %add3A_1076 : i32 to vector<16xi32>
        %add3A_1078 = arith.addi %broadcast_in_dim3A_1061, %add3A_1077 : vector<16xi32>
        %select_n3A_1079 = arith.select %lt3A_1075, %add3A_1078, %broadcast_in_dim3A_1061 : vector<16xi1>, vector<16xi32>
        %broadcast_in_dim3A_1080 = vector.shape_cast %select_n3A_1079 : vector<16xi32> to vector<16x1xi32>
        %gather3A_1081 = vector.shape_cast %broadcast_in_dim3A_1080 : vector<16x1xi32> to vector<16xi32>
        %gather3A_1082 = tpu.dynamic_gather %mul3A_681[%gather3A_1081] in [0] : vector<16xi32>, vector<16xi32> -> vector<16xi32>
        %add3A_1083 = arith.addi %gather3A_1082, %iota3A : vector<16xi32>
        %gather3A_1084 = tpu.vector_load_idx %arg11[%add3A_1072] : memref<3968xf32, #tpu.memory_space<vmem>>[vector<16xi32>], vector<16xf32>,
        %gather3A_1085 = tpu.vector_load_idx %arg15[%add3A_1083] : memref<50688xf32, #tpu.memory_space<vmem>>[vector<16xi32>], vector<16xf32>,
        %add3A_1086 = arith.constant 16 : i32
        %add3A_1087 = vector.broadcast %add3A_1086 : i32 to vector<16xi32>
        %add3A_1088 = arith.addi %add3A_1072, %add3A_1087 : vector<16xi32>
        %gather3A_1089 = tpu.vector_load_idx %arg11[%add3A_1088] : memref<3968xf32, #tpu.memory_space<vmem>>[vector<16xi32>], vector<16xf32>,
        %add3A_1090 = arith.constant 16 : i32
        %add3A_1091 = vector.broadcast %add3A_1090 : i32 to vector<16xi32>
        %add3A_1092 = arith.addi %add3A_1083, %add3A_1091 : vector<16xi32>
        %gather3A_1093 = tpu.vector_load_idx %arg15[%add3A_1092] : memref<50688xf32, #tpu.memory_space<vmem>>[vector<16xi32>], vector<16xf32>,
        %add3A_1094 = arith.constant 6 : i32
        %add3A_1095 = arith.addi %mul3A_687, %add3A_1094 : i32
        %broadcast_in_dim3A_1096 = vector.broadcast %add3A_1095 : i32 to vector<16xi32>
        %add3A_1097 = arith.addf %gather3A_982, %gather3A_983 : vector<16xf32>
        %scatter3A_1098 = arith.constant 0 : i32
        %scatter3A_1099 = arith.constant 0 : i32
        %scatter3A_1100 = arith.constant 0 : i32
        %scatter3A_1101 = arith.constant 0 : i32
        %scatter3A_1102 = tpu.memref_slice %arg17[%scan3A_347, %scatter3A_1098, %scatter3A_1099, %scatter3A_1100, %scatter3A_1101] : memref<2x4x5x8x129xf32, #tpu.memory_space<vmem>> -> memref<1x4x5x8x129xf32, #tpu.memory_space<vmem>>
        %scatter3A_1103 = tpu.memref_squeeze %scatter3A_1102 : memref<1x4x5x8x129xf32, #tpu.memory_space<vmem>> -> memref<4x5x8x129xf32, #tpu.memory_space<vmem>>
        tpu.vector_store_idx %scatter3A_1103[%shift_right_arithmetic3A_9, %broadcast_in_dim3A, %and3A_14, %broadcast_in_dim3A_1096], %add3A_1097 : memref<4x5x8x129xf32, #tpu.memory_space<vmem>>[vector<16xi32>, vector<16xi32>, vector<16xi32>, vector<16xi32>], vector<16xf32>,
        %add3A_1104 = arith.addf %gather3A_987, %gather3A_991 : vector<16xf32>
        %scatter3A_1105 = arith.constant 0 : i32
        %scatter3A_1106 = arith.constant 0 : i32
        %scatter3A_1107 = arith.constant 0 : i32
        %scatter3A_1108 = arith.constant 0 : i32
        %scatter3A_1109 = tpu.memref_slice %arg17[%scan3A_347, %scatter3A_1105, %scatter3A_1106, %scatter3A_1107, %scatter3A_1108] : memref<2x4x5x8x129xf32, #tpu.memory_space<vmem>> -> memref<1x4x5x8x129xf32, #tpu.memory_space<vmem>>
        %scatter3A_1110 = tpu.memref_squeeze %scatter3A_1109 : memref<1x4x5x8x129xf32, #tpu.memory_space<vmem>> -> memref<4x5x8x129xf32, #tpu.memory_space<vmem>>
        tpu.vector_store_idx %scatter3A_1110[%add3A_12, %broadcast_in_dim3A, %and3A_14, %broadcast_in_dim3A_1096], %add3A_1104 : memref<4x5x8x129xf32, #tpu.memory_space<vmem>>[vector<16xi32>, vector<16xi32>, vector<16xi32>, vector<16xi32>], vector<16xf32>,
        %broadcast_in_dim3A_1111 = arith.constant 9 : i32
        %broadcast_in_dim3A_1112 = vector.broadcast %broadcast_in_dim3A_1111 : i32 to vector<16xi32>
        %lt3A_1113 = arith.constant 0 : i32
        %lt3A_1114 = vector.broadcast %lt3A_1113 : i32 to vector<16xi32>
        %lt3A_1115 = arith.cmpi slt, %broadcast_in_dim3A_1112, %lt3A_1114 : vector<16xi32>
        %add3A_1116 = arith.constant 16 : i32
        %add3A_1117 = vector.broadcast %add3A_1116 : i32 to vector<16xi32>
        %add3A_1118 = arith.addi %broadcast_in_dim3A_1112, %add3A_1117 : vector<16xi32>
        %select_n3A_1119 = arith.select %lt3A_1115, %add3A_1118, %broadcast_in_dim3A_1112 : vector<16xi1>, vector<16xi32>
        %broadcast_in_dim3A_1120 = vector.shape_cast %select_n3A_1119 : vector<16xi32> to vector<16x1xi32>
        %gather3A_1121 = vector.shape_cast %broadcast_in_dim3A_1120 : vector<16x1xi32> to vector<16xi32>
        %gather3A_1122 = tpu.dynamic_gather %mul3A_652[%gather3A_1121] in [0] : vector<16xi32>, vector<16xi32> -> vector<16xi32>
        %add3A_1123 = arith.addi %gather3A_1122, %iota3A : vector<16xi32>
        %lt3A_1124 = arith.constant 0 : i32
        %lt3A_1125 = vector.broadcast %lt3A_1124 : i32 to vector<16xi32>
        %lt3A_1126 = arith.cmpi slt, %broadcast_in_dim3A_1112, %lt3A_1125 : vector<16xi32>
        %add3A_1127 = arith.constant 16 : i32
        %add3A_1128 = vector.broadcast %add3A_1127 : i32 to vector<16xi32>
        %add3A_1129 = arith.addi %broadcast_in_dim3A_1112, %add3A_1128 : vector<16xi32>
        %select_n3A_1130 = arith.select %lt3A_1126, %add3A_1129, %broadcast_in_dim3A_1112 : vector<16xi1>, vector<16xi32>
        %broadcast_in_dim3A_1131 = vector.shape_cast %select_n3A_1130 : vector<16xi32> to vector<16x1xi32>
        %gather3A_1132 = vector.shape_cast %broadcast_in_dim3A_1131 : vector<16x1xi32> to vector<16xi32>
        %gather3A_1133 = tpu.dynamic_gather %mul3A_681[%gather3A_1132] in [0] : vector<16xi32>, vector<16xi32> -> vector<16xi32>
        %add3A_1134 = arith.addi %gather3A_1133, %iota3A : vector<16xi32>
        %gather3A_1135 = tpu.vector_load_idx %arg11[%add3A_1123] : memref<3968xf32, #tpu.memory_space<vmem>>[vector<16xi32>], vector<16xf32>,
        %gather3A_1136 = tpu.vector_load_idx %arg15[%add3A_1134] : memref<50688xf32, #tpu.memory_space<vmem>>[vector<16xi32>], vector<16xf32>,
        %add3A_1137 = arith.constant 16 : i32
        %add3A_1138 = vector.broadcast %add3A_1137 : i32 to vector<16xi32>
        %add3A_1139 = arith.addi %add3A_1123, %add3A_1138 : vector<16xi32>
        %gather3A_1140 = tpu.vector_load_idx %arg11[%add3A_1139] : memref<3968xf32, #tpu.memory_space<vmem>>[vector<16xi32>], vector<16xf32>,
        %add3A_1141 = arith.constant 16 : i32
        %add3A_1142 = vector.broadcast %add3A_1141 : i32 to vector<16xi32>
        %add3A_1143 = arith.addi %add3A_1134, %add3A_1142 : vector<16xi32>
        %gather3A_1144 = tpu.vector_load_idx %arg15[%add3A_1143] : memref<50688xf32, #tpu.memory_space<vmem>>[vector<16xi32>], vector<16xf32>,
        %add3A_1145 = arith.constant 7 : i32
        %add3A_1146 = arith.addi %mul3A_687, %add3A_1145 : i32
        %broadcast_in_dim3A_1147 = vector.broadcast %add3A_1146 : i32 to vector<16xi32>
        %add3A_1148 = arith.addf %gather3A_1033, %gather3A_1034 : vector<16xf32>
        %scatter3A_1149 = arith.constant 0 : i32
        %scatter3A_1150 = arith.constant 0 : i32
        %scatter3A_1151 = arith.constant 0 : i32
        %scatter3A_1152 = arith.constant 0 : i32
        %scatter3A_1153 = tpu.memref_slice %arg17[%scan3A_347, %scatter3A_1149, %scatter3A_1150, %scatter3A_1151, %scatter3A_1152] : memref<2x4x5x8x129xf32, #tpu.memory_space<vmem>> -> memref<1x4x5x8x129xf32, #tpu.memory_space<vmem>>
        %scatter3A_1154 = tpu.memref_squeeze %scatter3A_1153 : memref<1x4x5x8x129xf32, #tpu.memory_space<vmem>> -> memref<4x5x8x129xf32, #tpu.memory_space<vmem>>
        tpu.vector_store_idx %scatter3A_1154[%shift_right_arithmetic3A_9, %broadcast_in_dim3A, %and3A_14, %broadcast_in_dim3A_1147], %add3A_1148 : memref<4x5x8x129xf32, #tpu.memory_space<vmem>>[vector<16xi32>, vector<16xi32>, vector<16xi32>, vector<16xi32>], vector<16xf32>,
        %add3A_1155 = arith.addf %gather3A_1038, %gather3A_1042 : vector<16xf32>
        %scatter3A_1156 = arith.constant 0 : i32
        %scatter3A_1157 = arith.constant 0 : i32
        %scatter3A_1158 = arith.constant 0 : i32
        %scatter3A_1159 = arith.constant 0 : i32
        %scatter3A_1160 = tpu.memref_slice %arg17[%scan3A_347, %scatter3A_1156, %scatter3A_1157, %scatter3A_1158, %scatter3A_1159] : memref<2x4x5x8x129xf32, #tpu.memory_space<vmem>> -> memref<1x4x5x8x129xf32, #tpu.memory_space<vmem>>
        %scatter3A_1161 = tpu.memref_squeeze %scatter3A_1160 : memref<1x4x5x8x129xf32, #tpu.memory_space<vmem>> -> memref<4x5x8x129xf32, #tpu.memory_space<vmem>>
        tpu.vector_store_idx %scatter3A_1161[%add3A_12, %broadcast_in_dim3A, %and3A_14, %broadcast_in_dim3A_1147], %add3A_1155 : memref<4x5x8x129xf32, #tpu.memory_space<vmem>>[vector<16xi32>, vector<16xi32>, vector<16xi32>, vector<16xi32>], vector<16xf32>,
        %broadcast_in_dim3A_1162 = arith.constant 10 : i32
        %broadcast_in_dim3A_1163 = vector.broadcast %broadcast_in_dim3A_1162 : i32 to vector<16xi32>
        %lt3A_1164 = arith.constant 0 : i32
        %lt3A_1165 = vector.broadcast %lt3A_1164 : i32 to vector<16xi32>
        %lt3A_1166 = arith.cmpi slt, %broadcast_in_dim3A_1163, %lt3A_1165 : vector<16xi32>
        %add3A_1167 = arith.constant 16 : i32
        %add3A_1168 = vector.broadcast %add3A_1167 : i32 to vector<16xi32>
        %add3A_1169 = arith.addi %broadcast_in_dim3A_1163, %add3A_1168 : vector<16xi32>
        %select_n3A_1170 = arith.select %lt3A_1166, %add3A_1169, %broadcast_in_dim3A_1163 : vector<16xi1>, vector<16xi32>
        %broadcast_in_dim3A_1171 = vector.shape_cast %select_n3A_1170 : vector<16xi32> to vector<16x1xi32>
        %gather3A_1172 = vector.shape_cast %broadcast_in_dim3A_1171 : vector<16x1xi32> to vector<16xi32>
        %gather3A_1173 = tpu.dynamic_gather %mul3A_652[%gather3A_1172] in [0] : vector<16xi32>, vector<16xi32> -> vector<16xi32>
        %add3A_1174 = arith.addi %gather3A_1173, %iota3A : vector<16xi32>
        %lt3A_1175 = arith.constant 0 : i32
        %lt3A_1176 = vector.broadcast %lt3A_1175 : i32 to vector<16xi32>
        %lt3A_1177 = arith.cmpi slt, %broadcast_in_dim3A_1163, %lt3A_1176 : vector<16xi32>
        %add3A_1178 = arith.constant 16 : i32
        %add3A_1179 = vector.broadcast %add3A_1178 : i32 to vector<16xi32>
        %add3A_1180 = arith.addi %broadcast_in_dim3A_1163, %add3A_1179 : vector<16xi32>
        %select_n3A_1181 = arith.select %lt3A_1177, %add3A_1180, %broadcast_in_dim3A_1163 : vector<16xi1>, vector<16xi32>
        %broadcast_in_dim3A_1182 = vector.shape_cast %select_n3A_1181 : vector<16xi32> to vector<16x1xi32>
        %gather3A_1183 = vector.shape_cast %broadcast_in_dim3A_1182 : vector<16x1xi32> to vector<16xi32>
        %gather3A_1184 = tpu.dynamic_gather %mul3A_681[%gather3A_1183] in [0] : vector<16xi32>, vector<16xi32> -> vector<16xi32>
        %add3A_1185 = arith.addi %gather3A_1184, %iota3A : vector<16xi32>
        %gather3A_1186 = tpu.vector_load_idx %arg11[%add3A_1174] : memref<3968xf32, #tpu.memory_space<vmem>>[vector<16xi32>], vector<16xf32>,
        %gather3A_1187 = tpu.vector_load_idx %arg15[%add3A_1185] : memref<50688xf32, #tpu.memory_space<vmem>>[vector<16xi32>], vector<16xf32>,
        %add3A_1188 = arith.constant 16 : i32
        %add3A_1189 = vector.broadcast %add3A_1188 : i32 to vector<16xi32>
        %add3A_1190 = arith.addi %add3A_1174, %add3A_1189 : vector<16xi32>
        %gather3A_1191 = tpu.vector_load_idx %arg11[%add3A_1190] : memref<3968xf32, #tpu.memory_space<vmem>>[vector<16xi32>], vector<16xf32>,
        %add3A_1192 = arith.constant 16 : i32
        %add3A_1193 = vector.broadcast %add3A_1192 : i32 to vector<16xi32>
        %add3A_1194 = arith.addi %add3A_1185, %add3A_1193 : vector<16xi32>
        %gather3A_1195 = tpu.vector_load_idx %arg15[%add3A_1194] : memref<50688xf32, #tpu.memory_space<vmem>>[vector<16xi32>], vector<16xf32>,
        %add3A_1196 = arith.constant 8 : i32
        %add3A_1197 = arith.addi %mul3A_687, %add3A_1196 : i32
        %broadcast_in_dim3A_1198 = vector.broadcast %add3A_1197 : i32 to vector<16xi32>
        %add3A_1199 = arith.addf %gather3A_1084, %gather3A_1085 : vector<16xf32>
        %scatter3A_1200 = arith.constant 0 : i32
        %scatter3A_1201 = arith.constant 0 : i32
        %scatter3A_1202 = arith.constant 0 : i32
        %scatter3A_1203 = arith.constant 0 : i32
        %scatter3A_1204 = tpu.memref_slice %arg17[%scan3A_347, %scatter3A_1200, %scatter3A_1201, %scatter3A_1202, %scatter3A_1203] : memref<2x4x5x8x129xf32, #tpu.memory_space<vmem>> -> memref<1x4x5x8x129xf32, #tpu.memory_space<vmem>>
        %scatter3A_1205 = tpu.memref_squeeze %scatter3A_1204 : memref<1x4x5x8x129xf32, #tpu.memory_space<vmem>> -> memref<4x5x8x129xf32, #tpu.memory_space<vmem>>
        tpu.vector_store_idx %scatter3A_1205[%shift_right_arithmetic3A_9, %broadcast_in_dim3A, %and3A_14, %broadcast_in_dim3A_1198], %add3A_1199 : memref<4x5x8x129xf32, #tpu.memory_space<vmem>>[vector<16xi32>, vector<16xi32>, vector<16xi32>, vector<16xi32>], vector<16xf32>,
        %add3A_1206 = arith.addf %gather3A_1089, %gather3A_1093 : vector<16xf32>
        %scatter3A_1207 = arith.constant 0 : i32
        %scatter3A_1208 = arith.constant 0 : i32
        %scatter3A_1209 = arith.constant 0 : i32
        %scatter3A_1210 = arith.constant 0 : i32
        %scatter3A_1211 = tpu.memref_slice %arg17[%scan3A_347, %scatter3A_1207, %scatter3A_1208, %scatter3A_1209, %scatter3A_1210] : memref<2x4x5x8x129xf32, #tpu.memory_space<vmem>> -> memref<1x4x5x8x129xf32, #tpu.memory_space<vmem>>
        %scatter3A_1212 = tpu.memref_squeeze %scatter3A_1211 : memref<1x4x5x8x129xf32, #tpu.memory_space<vmem>> -> memref<4x5x8x129xf32, #tpu.memory_space<vmem>>
        tpu.vector_store_idx %scatter3A_1212[%add3A_12, %broadcast_in_dim3A, %and3A_14, %broadcast_in_dim3A_1198], %add3A_1206 : memref<4x5x8x129xf32, #tpu.memory_space<vmem>>[vector<16xi32>, vector<16xi32>, vector<16xi32>, vector<16xi32>], vector<16xf32>,
        %broadcast_in_dim3A_1213 = arith.constant 11 : i32
        %broadcast_in_dim3A_1214 = vector.broadcast %broadcast_in_dim3A_1213 : i32 to vector<16xi32>
        %lt3A_1215 = arith.constant 0 : i32
        %lt3A_1216 = vector.broadcast %lt3A_1215 : i32 to vector<16xi32>
        %lt3A_1217 = arith.cmpi slt, %broadcast_in_dim3A_1214, %lt3A_1216 : vector<16xi32>
        %add3A_1218 = arith.constant 16 : i32
        %add3A_1219 = vector.broadcast %add3A_1218 : i32 to vector<16xi32>
        %add3A_1220 = arith.addi %broadcast_in_dim3A_1214, %add3A_1219 : vector<16xi32>
        %select_n3A_1221 = arith.select %lt3A_1217, %add3A_1220, %broadcast_in_dim3A_1214 : vector<16xi1>, vector<16xi32>
        %broadcast_in_dim3A_1222 = vector.shape_cast %select_n3A_1221 : vector<16xi32> to vector<16x1xi32>
        %gather3A_1223 = vector.shape_cast %broadcast_in_dim3A_1222 : vector<16x1xi32> to vector<16xi32>
        %gather3A_1224 = tpu.dynamic_gather %mul3A_652[%gather3A_1223] in [0] : vector<16xi32>, vector<16xi32> -> vector<16xi32>
        %add3A_1225 = arith.addi %gather3A_1224, %iota3A : vector<16xi32>
        %lt3A_1226 = arith.constant 0 : i32
        %lt3A_1227 = vector.broadcast %lt3A_1226 : i32 to vector<16xi32>
        %lt3A_1228 = arith.cmpi slt, %broadcast_in_dim3A_1214, %lt3A_1227 : vector<16xi32>
        %add3A_1229 = arith.constant 16 : i32
        %add3A_1230 = vector.broadcast %add3A_1229 : i32 to vector<16xi32>
        %add3A_1231 = arith.addi %broadcast_in_dim3A_1214, %add3A_1230 : vector<16xi32>
        %select_n3A_1232 = arith.select %lt3A_1228, %add3A_1231, %broadcast_in_dim3A_1214 : vector<16xi1>, vector<16xi32>
        %broadcast_in_dim3A_1233 = vector.shape_cast %select_n3A_1232 : vector<16xi32> to vector<16x1xi32>
        %gather3A_1234 = vector.shape_cast %broadcast_in_dim3A_1233 : vector<16x1xi32> to vector<16xi32>
        %gather3A_1235 = tpu.dynamic_gather %mul3A_681[%gather3A_1234] in [0] : vector<16xi32>, vector<16xi32> -> vector<16xi32>
        %add3A_1236 = arith.addi %gather3A_1235, %iota3A : vector<16xi32>
        %gather3A_1237 = tpu.vector_load_idx %arg11[%add3A_1225] : memref<3968xf32, #tpu.memory_space<vmem>>[vector<16xi32>], vector<16xf32>,
        %gather3A_1238 = tpu.vector_load_idx %arg15[%add3A_1236] : memref<50688xf32, #tpu.memory_space<vmem>>[vector<16xi32>], vector<16xf32>,
        %add3A_1239 = arith.constant 16 : i32
        %add3A_1240 = vector.broadcast %add3A_1239 : i32 to vector<16xi32>
        %add3A_1241 = arith.addi %add3A_1225, %add3A_1240 : vector<16xi32>
        %gather3A_1242 = tpu.vector_load_idx %arg11[%add3A_1241] : memref<3968xf32, #tpu.memory_space<vmem>>[vector<16xi32>], vector<16xf32>,
        %add3A_1243 = arith.constant 16 : i32
        %add3A_1244 = vector.broadcast %add3A_1243 : i32 to vector<16xi32>
        %add3A_1245 = arith.addi %add3A_1236, %add3A_1244 : vector<16xi32>
        %gather3A_1246 = tpu.vector_load_idx %arg15[%add3A_1245] : memref<50688xf32, #tpu.memory_space<vmem>>[vector<16xi32>], vector<16xf32>,
        %add3A_1247 = arith.constant 9 : i32
        %add3A_1248 = arith.addi %mul3A_687, %add3A_1247 : i32
        %broadcast_in_dim3A_1249 = vector.broadcast %add3A_1248 : i32 to vector<16xi32>
        %add3A_1250 = arith.addf %gather3A_1135, %gather3A_1136 : vector<16xf32>
        %scatter3A_1251 = arith.constant 0 : i32
        %scatter3A_1252 = arith.constant 0 : i32
        %scatter3A_1253 = arith.constant 0 : i32
        %scatter3A_1254 = arith.constant 0 : i32
        %scatter3A_1255 = tpu.memref_slice %arg17[%scan3A_347, %scatter3A_1251, %scatter3A_1252, %scatter3A_1253, %scatter3A_1254] : memref<2x4x5x8x129xf32, #tpu.memory_space<vmem>> -> memref<1x4x5x8x129xf32, #tpu.memory_space<vmem>>
        %scatter3A_1256 = tpu.memref_squeeze %scatter3A_1255 : memref<1x4x5x8x129xf32, #tpu.memory_space<vmem>> -> memref<4x5x8x129xf32, #tpu.memory_space<vmem>>
        tpu.vector_store_idx %scatter3A_1256[%shift_right_arithmetic3A_9, %broadcast_in_dim3A, %and3A_14, %broadcast_in_dim3A_1249], %add3A_1250 : memref<4x5x8x129xf32, #tpu.memory_space<vmem>>[vector<16xi32>, vector<16xi32>, vector<16xi32>, vector<16xi32>], vector<16xf32>,
        %add3A_1257 = arith.addf %gather3A_1140, %gather3A_1144 : vector<16xf32>
        %scatter3A_1258 = arith.constant 0 : i32
        %scatter3A_1259 = arith.constant 0 : i32
        %scatter3A_1260 = arith.constant 0 : i32
        %scatter3A_1261 = arith.constant 0 : i32
        %scatter3A_1262 = tpu.memref_slice %arg17[%scan3A_347, %scatter3A_1258, %scatter3A_1259, %scatter3A_1260, %scatter3A_1261] : memref<2x4x5x8x129xf32, #tpu.memory_space<vmem>> -> memref<1x4x5x8x129xf32, #tpu.memory_space<vmem>>
        %scatter3A_1263 = tpu.memref_squeeze %scatter3A_1262 : memref<1x4x5x8x129xf32, #tpu.memory_space<vmem>> -> memref<4x5x8x129xf32, #tpu.memory_space<vmem>>
        tpu.vector_store_idx %scatter3A_1263[%add3A_12, %broadcast_in_dim3A, %and3A_14, %broadcast_in_dim3A_1249], %add3A_1257 : memref<4x5x8x129xf32, #tpu.memory_space<vmem>>[vector<16xi32>, vector<16xi32>, vector<16xi32>, vector<16xi32>], vector<16xf32>,
        %broadcast_in_dim3A_1264 = arith.constant 12 : i32
        %broadcast_in_dim3A_1265 = vector.broadcast %broadcast_in_dim3A_1264 : i32 to vector<16xi32>
        %lt3A_1266 = arith.constant 0 : i32
        %lt3A_1267 = vector.broadcast %lt3A_1266 : i32 to vector<16xi32>
        %lt3A_1268 = arith.cmpi slt, %broadcast_in_dim3A_1265, %lt3A_1267 : vector<16xi32>
        %add3A_1269 = arith.constant 16 : i32
        %add3A_1270 = vector.broadcast %add3A_1269 : i32 to vector<16xi32>
        %add3A_1271 = arith.addi %broadcast_in_dim3A_1265, %add3A_1270 : vector<16xi32>
        %select_n3A_1272 = arith.select %lt3A_1268, %add3A_1271, %broadcast_in_dim3A_1265 : vector<16xi1>, vector<16xi32>
        %broadcast_in_dim3A_1273 = vector.shape_cast %select_n3A_1272 : vector<16xi32> to vector<16x1xi32>
        %gather3A_1274 = vector.shape_cast %broadcast_in_dim3A_1273 : vector<16x1xi32> to vector<16xi32>
        %gather3A_1275 = tpu.dynamic_gather %mul3A_652[%gather3A_1274] in [0] : vector<16xi32>, vector<16xi32> -> vector<16xi32>
        %add3A_1276 = arith.addi %gather3A_1275, %iota3A : vector<16xi32>
        %lt3A_1277 = arith.constant 0 : i32
        %lt3A_1278 = vector.broadcast %lt3A_1277 : i32 to vector<16xi32>
        %lt3A_1279 = arith.cmpi slt, %broadcast_in_dim3A_1265, %lt3A_1278 : vector<16xi32>
        %add3A_1280 = arith.constant 16 : i32
        %add3A_1281 = vector.broadcast %add3A_1280 : i32 to vector<16xi32>
        %add3A_1282 = arith.addi %broadcast_in_dim3A_1265, %add3A_1281 : vector<16xi32>
        %select_n3A_1283 = arith.select %lt3A_1279, %add3A_1282, %broadcast_in_dim3A_1265 : vector<16xi1>, vector<16xi32>
        %broadcast_in_dim3A_1284 = vector.shape_cast %select_n3A_1283 : vector<16xi32> to vector<16x1xi32>
        %gather3A_1285 = vector.shape_cast %broadcast_in_dim3A_1284 : vector<16x1xi32> to vector<16xi32>
        %gather3A_1286 = tpu.dynamic_gather %mul3A_681[%gather3A_1285] in [0] : vector<16xi32>, vector<16xi32> -> vector<16xi32>
        %add3A_1287 = arith.addi %gather3A_1286, %iota3A : vector<16xi32>
        %gather3A_1288 = tpu.vector_load_idx %arg11[%add3A_1276] : memref<3968xf32, #tpu.memory_space<vmem>>[vector<16xi32>], vector<16xf32>,
        %gather3A_1289 = tpu.vector_load_idx %arg15[%add3A_1287] : memref<50688xf32, #tpu.memory_space<vmem>>[vector<16xi32>], vector<16xf32>,
        %add3A_1290 = arith.constant 16 : i32
        %add3A_1291 = vector.broadcast %add3A_1290 : i32 to vector<16xi32>
        %add3A_1292 = arith.addi %add3A_1276, %add3A_1291 : vector<16xi32>
        %gather3A_1293 = tpu.vector_load_idx %arg11[%add3A_1292] : memref<3968xf32, #tpu.memory_space<vmem>>[vector<16xi32>], vector<16xf32>,
        %add3A_1294 = arith.constant 16 : i32
        %add3A_1295 = vector.broadcast %add3A_1294 : i32 to vector<16xi32>
        %add3A_1296 = arith.addi %add3A_1287, %add3A_1295 : vector<16xi32>
        %gather3A_1297 = tpu.vector_load_idx %arg15[%add3A_1296] : memref<50688xf32, #tpu.memory_space<vmem>>[vector<16xi32>], vector<16xf32>,
        %add3A_1298 = arith.constant 10 : i32
        %add3A_1299 = arith.addi %mul3A_687, %add3A_1298 : i32
        %broadcast_in_dim3A_1300 = vector.broadcast %add3A_1299 : i32 to vector<16xi32>
        %add3A_1301 = arith.addf %gather3A_1186, %gather3A_1187 : vector<16xf32>
        %scatter3A_1302 = arith.constant 0 : i32
        %scatter3A_1303 = arith.constant 0 : i32
        %scatter3A_1304 = arith.constant 0 : i32
        %scatter3A_1305 = arith.constant 0 : i32
        %scatter3A_1306 = tpu.memref_slice %arg17[%scan3A_347, %scatter3A_1302, %scatter3A_1303, %scatter3A_1304, %scatter3A_1305] : memref<2x4x5x8x129xf32, #tpu.memory_space<vmem>> -> memref<1x4x5x8x129xf32, #tpu.memory_space<vmem>>
        %scatter3A_1307 = tpu.memref_squeeze %scatter3A_1306 : memref<1x4x5x8x129xf32, #tpu.memory_space<vmem>> -> memref<4x5x8x129xf32, #tpu.memory_space<vmem>>
        tpu.vector_store_idx %scatter3A_1307[%shift_right_arithmetic3A_9, %broadcast_in_dim3A, %and3A_14, %broadcast_in_dim3A_1300], %add3A_1301 : memref<4x5x8x129xf32, #tpu.memory_space<vmem>>[vector<16xi32>, vector<16xi32>, vector<16xi32>, vector<16xi32>], vector<16xf32>,
        %add3A_1308 = arith.addf %gather3A_1191, %gather3A_1195 : vector<16xf32>
        %scatter3A_1309 = arith.constant 0 : i32
        %scatter3A_1310 = arith.constant 0 : i32
        %scatter3A_1311 = arith.constant 0 : i32
        %scatter3A_1312 = arith.constant 0 : i32
        %scatter3A_1313 = tpu.memref_slice %arg17[%scan3A_347, %scatter3A_1309, %scatter3A_1310, %scatter3A_1311, %scatter3A_1312] : memref<2x4x5x8x129xf32, #tpu.memory_space<vmem>> -> memref<1x4x5x8x129xf32, #tpu.memory_space<vmem>>
        %scatter3A_1314 = tpu.memref_squeeze %scatter3A_1313 : memref<1x4x5x8x129xf32, #tpu.memory_space<vmem>> -> memref<4x5x8x129xf32, #tpu.memory_space<vmem>>
        tpu.vector_store_idx %scatter3A_1314[%add3A_12, %broadcast_in_dim3A, %and3A_14, %broadcast_in_dim3A_1300], %add3A_1308 : memref<4x5x8x129xf32, #tpu.memory_space<vmem>>[vector<16xi32>, vector<16xi32>, vector<16xi32>, vector<16xi32>], vector<16xf32>,
        %broadcast_in_dim3A_1315 = arith.constant 13 : i32
        %broadcast_in_dim3A_1316 = vector.broadcast %broadcast_in_dim3A_1315 : i32 to vector<16xi32>
        %lt3A_1317 = arith.constant 0 : i32
        %lt3A_1318 = vector.broadcast %lt3A_1317 : i32 to vector<16xi32>
        %lt3A_1319 = arith.cmpi slt, %broadcast_in_dim3A_1316, %lt3A_1318 : vector<16xi32>
        %add3A_1320 = arith.constant 16 : i32
        %add3A_1321 = vector.broadcast %add3A_1320 : i32 to vector<16xi32>
        %add3A_1322 = arith.addi %broadcast_in_dim3A_1316, %add3A_1321 : vector<16xi32>
        %select_n3A_1323 = arith.select %lt3A_1319, %add3A_1322, %broadcast_in_dim3A_1316 : vector<16xi1>, vector<16xi32>
        %broadcast_in_dim3A_1324 = vector.shape_cast %select_n3A_1323 : vector<16xi32> to vector<16x1xi32>
        %gather3A_1325 = vector.shape_cast %broadcast_in_dim3A_1324 : vector<16x1xi32> to vector<16xi32>
        %gather3A_1326 = tpu.dynamic_gather %mul3A_652[%gather3A_1325] in [0] : vector<16xi32>, vector<16xi32> -> vector<16xi32>
        %add3A_1327 = arith.addi %gather3A_1326, %iota3A : vector<16xi32>
        %lt3A_1328 = arith.constant 0 : i32
        %lt3A_1329 = vector.broadcast %lt3A_1328 : i32 to vector<16xi32>
        %lt3A_1330 = arith.cmpi slt, %broadcast_in_dim3A_1316, %lt3A_1329 : vector<16xi32>
        %add3A_1331 = arith.constant 16 : i32
        %add3A_1332 = vector.broadcast %add3A_1331 : i32 to vector<16xi32>
        %add3A_1333 = arith.addi %broadcast_in_dim3A_1316, %add3A_1332 : vector<16xi32>
        %select_n3A_1334 = arith.select %lt3A_1330, %add3A_1333, %broadcast_in_dim3A_1316 : vector<16xi1>, vector<16xi32>
        %broadcast_in_dim3A_1335 = vector.shape_cast %select_n3A_1334 : vector<16xi32> to vector<16x1xi32>
        %gather3A_1336 = vector.shape_cast %broadcast_in_dim3A_1335 : vector<16x1xi32> to vector<16xi32>
        %gather3A_1337 = tpu.dynamic_gather %mul3A_681[%gather3A_1336] in [0] : vector<16xi32>, vector<16xi32> -> vector<16xi32>
        %add3A_1338 = arith.addi %gather3A_1337, %iota3A : vector<16xi32>
        %gather3A_1339 = tpu.vector_load_idx %arg11[%add3A_1327] : memref<3968xf32, #tpu.memory_space<vmem>>[vector<16xi32>], vector<16xf32>,
        %gather3A_1340 = tpu.vector_load_idx %arg15[%add3A_1338] : memref<50688xf32, #tpu.memory_space<vmem>>[vector<16xi32>], vector<16xf32>,
        %add3A_1341 = arith.constant 16 : i32
        %add3A_1342 = vector.broadcast %add3A_1341 : i32 to vector<16xi32>
        %add3A_1343 = arith.addi %add3A_1327, %add3A_1342 : vector<16xi32>
        %gather3A_1344 = tpu.vector_load_idx %arg11[%add3A_1343] : memref<3968xf32, #tpu.memory_space<vmem>>[vector<16xi32>], vector<16xf32>,
        %add3A_1345 = arith.constant 16 : i32
        %add3A_1346 = vector.broadcast %add3A_1345 : i32 to vector<16xi32>
        %add3A_1347 = arith.addi %add3A_1338, %add3A_1346 : vector<16xi32>
        %gather3A_1348 = tpu.vector_load_idx %arg15[%add3A_1347] : memref<50688xf32, #tpu.memory_space<vmem>>[vector<16xi32>], vector<16xf32>,
        %add3A_1349 = arith.constant 11 : i32
        %add3A_1350 = arith.addi %mul3A_687, %add3A_1349 : i32
        %broadcast_in_dim3A_1351 = vector.broadcast %add3A_1350 : i32 to vector<16xi32>
        %add3A_1352 = arith.addf %gather3A_1237, %gather3A_1238 : vector<16xf32>
        %scatter3A_1353 = arith.constant 0 : i32
        %scatter3A_1354 = arith.constant 0 : i32
        %scatter3A_1355 = arith.constant 0 : i32
        %scatter3A_1356 = arith.constant 0 : i32
        %scatter3A_1357 = tpu.memref_slice %arg17[%scan3A_347, %scatter3A_1353, %scatter3A_1354, %scatter3A_1355, %scatter3A_1356] : memref<2x4x5x8x129xf32, #tpu.memory_space<vmem>> -> memref<1x4x5x8x129xf32, #tpu.memory_space<vmem>>
        %scatter3A_1358 = tpu.memref_squeeze %scatter3A_1357 : memref<1x4x5x8x129xf32, #tpu.memory_space<vmem>> -> memref<4x5x8x129xf32, #tpu.memory_space<vmem>>
        tpu.vector_store_idx %scatter3A_1358[%shift_right_arithmetic3A_9, %broadcast_in_dim3A, %and3A_14, %broadcast_in_dim3A_1351], %add3A_1352 : memref<4x5x8x129xf32, #tpu.memory_space<vmem>>[vector<16xi32>, vector<16xi32>, vector<16xi32>, vector<16xi32>], vector<16xf32>,
        %add3A_1359 = arith.addf %gather3A_1242, %gather3A_1246 : vector<16xf32>
        %scatter3A_1360 = arith.constant 0 : i32
        %scatter3A_1361 = arith.constant 0 : i32
        %scatter3A_1362 = arith.constant 0 : i32
        %scatter3A_1363 = arith.constant 0 : i32
        %scatter3A_1364 = tpu.memref_slice %arg17[%scan3A_347, %scatter3A_1360, %scatter3A_1361, %scatter3A_1362, %scatter3A_1363] : memref<2x4x5x8x129xf32, #tpu.memory_space<vmem>> -> memref<1x4x5x8x129xf32, #tpu.memory_space<vmem>>
        %scatter3A_1365 = tpu.memref_squeeze %scatter3A_1364 : memref<1x4x5x8x129xf32, #tpu.memory_space<vmem>> -> memref<4x5x8x129xf32, #tpu.memory_space<vmem>>
        tpu.vector_store_idx %scatter3A_1365[%add3A_12, %broadcast_in_dim3A, %and3A_14, %broadcast_in_dim3A_1351], %add3A_1359 : memref<4x5x8x129xf32, #tpu.memory_space<vmem>>[vector<16xi32>, vector<16xi32>, vector<16xi32>, vector<16xi32>], vector<16xf32>,
        %broadcast_in_dim3A_1366 = arith.constant 14 : i32
        %broadcast_in_dim3A_1367 = vector.broadcast %broadcast_in_dim3A_1366 : i32 to vector<16xi32>
        %lt3A_1368 = arith.constant 0 : i32
        %lt3A_1369 = vector.broadcast %lt3A_1368 : i32 to vector<16xi32>
        %lt3A_1370 = arith.cmpi slt, %broadcast_in_dim3A_1367, %lt3A_1369 : vector<16xi32>
        %add3A_1371 = arith.constant 16 : i32
        %add3A_1372 = vector.broadcast %add3A_1371 : i32 to vector<16xi32>
        %add3A_1373 = arith.addi %broadcast_in_dim3A_1367, %add3A_1372 : vector<16xi32>
        %select_n3A_1374 = arith.select %lt3A_1370, %add3A_1373, %broadcast_in_dim3A_1367 : vector<16xi1>, vector<16xi32>
        %broadcast_in_dim3A_1375 = vector.shape_cast %select_n3A_1374 : vector<16xi32> to vector<16x1xi32>
        %gather3A_1376 = vector.shape_cast %broadcast_in_dim3A_1375 : vector<16x1xi32> to vector<16xi32>
        %gather3A_1377 = tpu.dynamic_gather %mul3A_652[%gather3A_1376] in [0] : vector<16xi32>, vector<16xi32> -> vector<16xi32>
        %add3A_1378 = arith.addi %gather3A_1377, %iota3A : vector<16xi32>
        %lt3A_1379 = arith.constant 0 : i32
        %lt3A_1380 = vector.broadcast %lt3A_1379 : i32 to vector<16xi32>
        %lt3A_1381 = arith.cmpi slt, %broadcast_in_dim3A_1367, %lt3A_1380 : vector<16xi32>
        %add3A_1382 = arith.constant 16 : i32
        %add3A_1383 = vector.broadcast %add3A_1382 : i32 to vector<16xi32>
        %add3A_1384 = arith.addi %broadcast_in_dim3A_1367, %add3A_1383 : vector<16xi32>
        %select_n3A_1385 = arith.select %lt3A_1381, %add3A_1384, %broadcast_in_dim3A_1367 : vector<16xi1>, vector<16xi32>
        %broadcast_in_dim3A_1386 = vector.shape_cast %select_n3A_1385 : vector<16xi32> to vector<16x1xi32>
        %gather3A_1387 = vector.shape_cast %broadcast_in_dim3A_1386 : vector<16x1xi32> to vector<16xi32>
        %gather3A_1388 = tpu.dynamic_gather %mul3A_681[%gather3A_1387] in [0] : vector<16xi32>, vector<16xi32> -> vector<16xi32>
        %add3A_1389 = arith.addi %gather3A_1388, %iota3A : vector<16xi32>
        %gather3A_1390 = tpu.vector_load_idx %arg11[%add3A_1378] : memref<3968xf32, #tpu.memory_space<vmem>>[vector<16xi32>], vector<16xf32>,
        %gather3A_1391 = tpu.vector_load_idx %arg15[%add3A_1389] : memref<50688xf32, #tpu.memory_space<vmem>>[vector<16xi32>], vector<16xf32>,
        %add3A_1392 = arith.constant 16 : i32
        %add3A_1393 = vector.broadcast %add3A_1392 : i32 to vector<16xi32>
        %add3A_1394 = arith.addi %add3A_1378, %add3A_1393 : vector<16xi32>
        %gather3A_1395 = tpu.vector_load_idx %arg11[%add3A_1394] : memref<3968xf32, #tpu.memory_space<vmem>>[vector<16xi32>], vector<16xf32>,
        %add3A_1396 = arith.constant 16 : i32
        %add3A_1397 = vector.broadcast %add3A_1396 : i32 to vector<16xi32>
        %add3A_1398 = arith.addi %add3A_1389, %add3A_1397 : vector<16xi32>
        %gather3A_1399 = tpu.vector_load_idx %arg15[%add3A_1398] : memref<50688xf32, #tpu.memory_space<vmem>>[vector<16xi32>], vector<16xf32>,
        %add3A_1400 = arith.constant 12 : i32
        %add3A_1401 = arith.addi %mul3A_687, %add3A_1400 : i32
        %broadcast_in_dim3A_1402 = vector.broadcast %add3A_1401 : i32 to vector<16xi32>
        %add3A_1403 = arith.addf %gather3A_1288, %gather3A_1289 : vector<16xf32>
        %scatter3A_1404 = arith.constant 0 : i32
        %scatter3A_1405 = arith.constant 0 : i32
        %scatter3A_1406 = arith.constant 0 : i32
        %scatter3A_1407 = arith.constant 0 : i32
        %scatter3A_1408 = tpu.memref_slice %arg17[%scan3A_347, %scatter3A_1404, %scatter3A_1405, %scatter3A_1406, %scatter3A_1407] : memref<2x4x5x8x129xf32, #tpu.memory_space<vmem>> -> memref<1x4x5x8x129xf32, #tpu.memory_space<vmem>>
        %scatter3A_1409 = tpu.memref_squeeze %scatter3A_1408 : memref<1x4x5x8x129xf32, #tpu.memory_space<vmem>> -> memref<4x5x8x129xf32, #tpu.memory_space<vmem>>
        tpu.vector_store_idx %scatter3A_1409[%shift_right_arithmetic3A_9, %broadcast_in_dim3A, %and3A_14, %broadcast_in_dim3A_1402], %add3A_1403 : memref<4x5x8x129xf32, #tpu.memory_space<vmem>>[vector<16xi32>, vector<16xi32>, vector<16xi32>, vector<16xi32>], vector<16xf32>,
        %add3A_1410 = arith.addf %gather3A_1293, %gather3A_1297 : vector<16xf32>
        %scatter3A_1411 = arith.constant 0 : i32
        %scatter3A_1412 = arith.constant 0 : i32
        %scatter3A_1413 = arith.constant 0 : i32
        %scatter3A_1414 = arith.constant 0 : i32
        %scatter3A_1415 = tpu.memref_slice %arg17[%scan3A_347, %scatter3A_1411, %scatter3A_1412, %scatter3A_1413, %scatter3A_1414] : memref<2x4x5x8x129xf32, #tpu.memory_space<vmem>> -> memref<1x4x5x8x129xf32, #tpu.memory_space<vmem>>
        %scatter3A_1416 = tpu.memref_squeeze %scatter3A_1415 : memref<1x4x5x8x129xf32, #tpu.memory_space<vmem>> -> memref<4x5x8x129xf32, #tpu.memory_space<vmem>>
        tpu.vector_store_idx %scatter3A_1416[%add3A_12, %broadcast_in_dim3A, %and3A_14, %broadcast_in_dim3A_1402], %add3A_1410 : memref<4x5x8x129xf32, #tpu.memory_space<vmem>>[vector<16xi32>, vector<16xi32>, vector<16xi32>, vector<16xi32>], vector<16xf32>,
        %broadcast_in_dim3A_1417 = arith.constant 15 : i32
        %broadcast_in_dim3A_1418 = vector.broadcast %broadcast_in_dim3A_1417 : i32 to vector<16xi32>
        %lt3A_1419 = arith.constant 0 : i32
        %lt3A_1420 = vector.broadcast %lt3A_1419 : i32 to vector<16xi32>
        %lt3A_1421 = arith.cmpi slt, %broadcast_in_dim3A_1418, %lt3A_1420 : vector<16xi32>
        %add3A_1422 = arith.constant 16 : i32
        %add3A_1423 = vector.broadcast %add3A_1422 : i32 to vector<16xi32>
        %add3A_1424 = arith.addi %broadcast_in_dim3A_1418, %add3A_1423 : vector<16xi32>
        %select_n3A_1425 = arith.select %lt3A_1421, %add3A_1424, %broadcast_in_dim3A_1418 : vector<16xi1>, vector<16xi32>
        %broadcast_in_dim3A_1426 = vector.shape_cast %select_n3A_1425 : vector<16xi32> to vector<16x1xi32>
        %gather3A_1427 = vector.shape_cast %broadcast_in_dim3A_1426 : vector<16x1xi32> to vector<16xi32>
        %gather3A_1428 = tpu.dynamic_gather %mul3A_652[%gather3A_1427] in [0] : vector<16xi32>, vector<16xi32> -> vector<16xi32>
        %add3A_1429 = arith.addi %gather3A_1428, %iota3A : vector<16xi32>
        %lt3A_1430 = arith.constant 0 : i32
        %lt3A_1431 = vector.broadcast %lt3A_1430 : i32 to vector<16xi32>
        %lt3A_1432 = arith.cmpi slt, %broadcast_in_dim3A_1418, %lt3A_1431 : vector<16xi32>
        %add3A_1433 = arith.constant 16 : i32
        %add3A_1434 = vector.broadcast %add3A_1433 : i32 to vector<16xi32>
        %add3A_1435 = arith.addi %broadcast_in_dim3A_1418, %add3A_1434 : vector<16xi32>
        %select_n3A_1436 = arith.select %lt3A_1432, %add3A_1435, %broadcast_in_dim3A_1418 : vector<16xi1>, vector<16xi32>
        %broadcast_in_dim3A_1437 = vector.shape_cast %select_n3A_1436 : vector<16xi32> to vector<16x1xi32>
        %gather3A_1438 = vector.shape_cast %broadcast_in_dim3A_1437 : vector<16x1xi32> to vector<16xi32>
        %gather3A_1439 = tpu.dynamic_gather %mul3A_681[%gather3A_1438] in [0] : vector<16xi32>, vector<16xi32> -> vector<16xi32>
        %add3A_1440 = arith.addi %gather3A_1439, %iota3A : vector<16xi32>
        %gather3A_1441 = tpu.vector_load_idx %arg11[%add3A_1429] : memref<3968xf32, #tpu.memory_space<vmem>>[vector<16xi32>], vector<16xf32>,
        %gather3A_1442 = tpu.vector_load_idx %arg15[%add3A_1440] : memref<50688xf32, #tpu.memory_space<vmem>>[vector<16xi32>], vector<16xf32>,
        %add3A_1443 = arith.constant 16 : i32
        %add3A_1444 = vector.broadcast %add3A_1443 : i32 to vector<16xi32>
        %add3A_1445 = arith.addi %add3A_1429, %add3A_1444 : vector<16xi32>
        %gather3A_1446 = tpu.vector_load_idx %arg11[%add3A_1445] : memref<3968xf32, #tpu.memory_space<vmem>>[vector<16xi32>], vector<16xf32>,
        %add3A_1447 = arith.constant 16 : i32
        %add3A_1448 = vector.broadcast %add3A_1447 : i32 to vector<16xi32>
        %add3A_1449 = arith.addi %add3A_1440, %add3A_1448 : vector<16xi32>
        %gather3A_1450 = tpu.vector_load_idx %arg15[%add3A_1449] : memref<50688xf32, #tpu.memory_space<vmem>>[vector<16xi32>], vector<16xf32>,
        %add3A_1451 = arith.constant 13 : i32
        %add3A_1452 = arith.addi %mul3A_687, %add3A_1451 : i32
        %broadcast_in_dim3A_1453 = vector.broadcast %add3A_1452 : i32 to vector<16xi32>
        %add3A_1454 = arith.addf %gather3A_1339, %gather3A_1340 : vector<16xf32>
        %scatter3A_1455 = arith.constant 0 : i32
        %scatter3A_1456 = arith.constant 0 : i32
        %scatter3A_1457 = arith.constant 0 : i32
        %scatter3A_1458 = arith.constant 0 : i32
        %scatter3A_1459 = tpu.memref_slice %arg17[%scan3A_347, %scatter3A_1455, %scatter3A_1456, %scatter3A_1457, %scatter3A_1458] : memref<2x4x5x8x129xf32, #tpu.memory_space<vmem>> -> memref<1x4x5x8x129xf32, #tpu.memory_space<vmem>>
        %scatter3A_1460 = tpu.memref_squeeze %scatter3A_1459 : memref<1x4x5x8x129xf32, #tpu.memory_space<vmem>> -> memref<4x5x8x129xf32, #tpu.memory_space<vmem>>
        tpu.vector_store_idx %scatter3A_1460[%shift_right_arithmetic3A_9, %broadcast_in_dim3A, %and3A_14, %broadcast_in_dim3A_1453], %add3A_1454 : memref<4x5x8x129xf32, #tpu.memory_space<vmem>>[vector<16xi32>, vector<16xi32>, vector<16xi32>, vector<16xi32>], vector<16xf32>,
        %add3A_1461 = arith.addf %gather3A_1344, %gather3A_1348 : vector<16xf32>
        %scatter3A_1462 = arith.constant 0 : i32
        %scatter3A_1463 = arith.constant 0 : i32
        %scatter3A_1464 = arith.constant 0 : i32
        %scatter3A_1465 = arith.constant 0 : i32
        %scatter3A_1466 = tpu.memref_slice %arg17[%scan3A_347, %scatter3A_1462, %scatter3A_1463, %scatter3A_1464, %scatter3A_1465] : memref<2x4x5x8x129xf32, #tpu.memory_space<vmem>> -> memref<1x4x5x8x129xf32, #tpu.memory_space<vmem>>
        %scatter3A_1467 = tpu.memref_squeeze %scatter3A_1466 : memref<1x4x5x8x129xf32, #tpu.memory_space<vmem>> -> memref<4x5x8x129xf32, #tpu.memory_space<vmem>>
        tpu.vector_store_idx %scatter3A_1467[%add3A_12, %broadcast_in_dim3A, %and3A_14, %broadcast_in_dim3A_1453], %add3A_1461 : memref<4x5x8x129xf32, #tpu.memory_space<vmem>>[vector<16xi32>, vector<16xi32>, vector<16xi32>, vector<16xi32>], vector<16xf32>,
        %add3A_1468 = arith.constant 14 : i32
        %add3A_1469 = arith.addi %mul3A_687, %add3A_1468 : i32
        %broadcast_in_dim3A_1470 = vector.broadcast %add3A_1469 : i32 to vector<16xi32>
        %add3A_1471 = arith.addf %gather3A_1390, %gather3A_1391 : vector<16xf32>
        %scatter3A_1472 = arith.constant 0 : i32
        %scatter3A_1473 = arith.constant 0 : i32
        %scatter3A_1474 = arith.constant 0 : i32
        %scatter3A_1475 = arith.constant 0 : i32
        %scatter3A_1476 = tpu.memref_slice %arg17[%scan3A_347, %scatter3A_1472, %scatter3A_1473, %scatter3A_1474, %scatter3A_1475] : memref<2x4x5x8x129xf32, #tpu.memory_space<vmem>> -> memref<1x4x5x8x129xf32, #tpu.memory_space<vmem>>
        %scatter3A_1477 = tpu.memref_squeeze %scatter3A_1476 : memref<1x4x5x8x129xf32, #tpu.memory_space<vmem>> -> memref<4x5x8x129xf32, #tpu.memory_space<vmem>>
        tpu.vector_store_idx %scatter3A_1477[%shift_right_arithmetic3A_9, %broadcast_in_dim3A, %and3A_14, %broadcast_in_dim3A_1470], %add3A_1471 : memref<4x5x8x129xf32, #tpu.memory_space<vmem>>[vector<16xi32>, vector<16xi32>, vector<16xi32>, vector<16xi32>], vector<16xf32>,
        %add3A_1478 = arith.addf %gather3A_1395, %gather3A_1399 : vector<16xf32>
        %scatter3A_1479 = arith.constant 0 : i32
        %scatter3A_1480 = arith.constant 0 : i32
        %scatter3A_1481 = arith.constant 0 : i32
        %scatter3A_1482 = arith.constant 0 : i32
        %scatter3A_1483 = tpu.memref_slice %arg17[%scan3A_347, %scatter3A_1479, %scatter3A_1480, %scatter3A_1481, %scatter3A_1482] : memref<2x4x5x8x129xf32, #tpu.memory_space<vmem>> -> memref<1x4x5x8x129xf32, #tpu.memory_space<vmem>>
        %scatter3A_1484 = tpu.memref_squeeze %scatter3A_1483 : memref<1x4x5x8x129xf32, #tpu.memory_space<vmem>> -> memref<4x5x8x129xf32, #tpu.memory_space<vmem>>
        tpu.vector_store_idx %scatter3A_1484[%add3A_12, %broadcast_in_dim3A, %and3A_14, %broadcast_in_dim3A_1470], %add3A_1478 : memref<4x5x8x129xf32, #tpu.memory_space<vmem>>[vector<16xi32>, vector<16xi32>, vector<16xi32>, vector<16xi32>], vector<16xf32>,
        %add3A_1485 = arith.constant 15 : i32
        %add3A_1486 = arith.addi %mul3A_687, %add3A_1485 : i32
        %broadcast_in_dim3A_1487 = vector.broadcast %add3A_1486 : i32 to vector<16xi32>
        %add3A_1488 = arith.addf %gather3A_1441, %gather3A_1442 : vector<16xf32>
        %scatter3A_1489 = arith.constant 0 : i32
        %scatter3A_1490 = arith.constant 0 : i32
        %scatter3A_1491 = arith.constant 0 : i32
        %scatter3A_1492 = arith.constant 0 : i32
        %scatter3A_1493 = tpu.memref_slice %arg17[%scan3A_347, %scatter3A_1489, %scatter3A_1490, %scatter3A_1491, %scatter3A_1492] : memref<2x4x5x8x129xf32, #tpu.memory_space<vmem>> -> memref<1x4x5x8x129xf32, #tpu.memory_space<vmem>>
        %scatter3A_1494 = tpu.memref_squeeze %scatter3A_1493 : memref<1x4x5x8x129xf32, #tpu.memory_space<vmem>> -> memref<4x5x8x129xf32, #tpu.memory_space<vmem>>
        tpu.vector_store_idx %scatter3A_1494[%shift_right_arithmetic3A_9, %broadcast_in_dim3A, %and3A_14, %broadcast_in_dim3A_1487], %add3A_1488 : memref<4x5x8x129xf32, #tpu.memory_space<vmem>>[vector<16xi32>, vector<16xi32>, vector<16xi32>, vector<16xi32>], vector<16xf32>,
        %add3A_1495 = arith.addf %gather3A_1446, %gather3A_1450 : vector<16xf32>
        %scatter3A_1496 = arith.constant 0 : i32
        %scatter3A_1497 = arith.constant 0 : i32
        %scatter3A_1498 = arith.constant 0 : i32
        %scatter3A_1499 = arith.constant 0 : i32
        %scatter3A_1500 = tpu.memref_slice %arg17[%scan3A_347, %scatter3A_1496, %scatter3A_1497, %scatter3A_1498, %scatter3A_1499] : memref<2x4x5x8x129xf32, #tpu.memory_space<vmem>> -> memref<1x4x5x8x129xf32, #tpu.memory_space<vmem>>
        %scatter3A_1501 = tpu.memref_squeeze %scatter3A_1500 : memref<1x4x5x8x129xf32, #tpu.memory_space<vmem>> -> memref<4x5x8x129xf32, #tpu.memory_space<vmem>>
        tpu.vector_store_idx %scatter3A_1501[%add3A_12, %broadcast_in_dim3A, %and3A_14, %broadcast_in_dim3A_1487], %add3A_1495 : memref<4x5x8x129xf32, #tpu.memory_space<vmem>>[vector<16xi32>, vector<16xi32>, vector<16xi32>, vector<16xi32>], vector<16xf32>,
      }
      %scan3A_352 = arith.constant 40 : i32
      %mul3A_353 = arith.constant 640 : i32
      %mul3A_354 = arith.muli %add3A_293, %mul3A_353 : i32
      %add3A_355 = arith.addi %mul3A_2, %mul3A_354 : i32
      %jit3A = arith.constant 128 : i32
      %div3A = arith.divsi %add3A_355, %jit3A : i32
      %sign3A = arith.constant 0 : i32
      %sign3A_356 = arith.cmpi sgt, %add3A_355, %sign3A : i32
      %sign3A_357 = arith.extui %sign3A_356 : i1 to i32
      %sign3A_358 = arith.constant 0 : i32
      %sign3A_359 = arith.cmpi slt, %add3A_355, %sign3A_358 : i32
      %sign3A_360 = arith.extui %sign3A_359 : i1 to i32
      %sign3A_361 = arith.subi %sign3A_357, %sign3A_360 : i32
      %sign3A_362 = arith.constant 0 : i32
      %sign3A_363 = arith.cmpi sgt, %jit3A, %sign3A_362 : i32
      %sign3A_364 = arith.extui %sign3A_363 : i1 to i32
      %sign3A_365 = arith.constant 0 : i32
      %sign3A_366 = arith.cmpi slt, %jit3A, %sign3A_365 : i32
      %sign3A_367 = arith.extui %sign3A_366 : i1 to i32
      %sign3A_368 = arith.subi %sign3A_364, %sign3A_367 : i32
      %ne3A = arith.cmpi ne, %sign3A_361, %sign3A_368 : i32
      %rem3A = arith.remsi %add3A_355, %jit3A : i32
      %ne3A_369 = arith.constant 0 : i32
      %ne3A_370 = arith.cmpi ne, %rem3A, %ne3A_369 : i32
      %and3A_371 = arith.andi %ne3A, %ne3A_370 : i1
      %sub3A = arith.constant 1 : i32
      %sub3A_372 = arith.subi %div3A, %sub3A : i32
      %select_n3A = arith.select %and3A_371, %sub3A_372, %div3A : i32
      %dma_start3A_373 = arith.constant 0 : i32
      %dma_start3A_374 = arith.constant 0 : i32
      %dma_start3A_375 = arith.constant 0 : i32
      %dma_start3A_376 = arith.constant 0 : i32
      %dma_start3A_377 = arith.constant 0 : i32
      %dma_start3A_378 = arith.constant 0 : i32
      %dma_start3A_379 = tpu.memref_slice %arg17[%dma_start3A_373, %dma_start3A_374, %dma_start3A_376, %dma_start3A_377, %dma_start3A_378] : memref<2x4x5x8x129xf32, #tpu.memory_space<vmem>> -> memref<1x1x5x8x128xf32, #tpu.memory_space<vmem>>
      %dma_start3A_380 = tpu.memref_squeeze %dma_start3A_379 : memref<1x1x5x8x128xf32, #tpu.memory_space<vmem>> -> memref<5x8x128xf32, #tpu.memory_space<vmem>>
      %dma_start3A_381 = arith.constant 0 : i32
      %dma_start3A_382 = arith.constant 0 : i32
      %dma_start3A_383 = tpu.memref_slice %arg10[%dma_start3A_375, %select_n3A, %dma_start3A_381, %dma_start3A_382] : memref<4x12500x8x128xf32, #tpu.memory_space<hbm>> -> memref<1x5x8x128xf32, #tpu.memory_space<hbm>>
      %dma_start3A_384 = tpu.memref_squeeze %dma_start3A_383 : memref<1x5x8x128xf32, #tpu.memory_space<hbm>> -> memref<5x8x128xf32, #tpu.memory_space<hbm>>
      %dma_start3A_385 = arith.constant 0 : i32
      %dma_start3A_386 = arith.constant 0 : i32
      %dma_start3A_387 = tpu.memref_slice %arg10[%dma_start3A_375, %select_n3A, %dma_start3A_385, %dma_start3A_386] : memref<4x12500x8x128xf32, #tpu.memory_space<hbm>> -> memref<1x5x8x128xf32, #tpu.memory_space<hbm>>
      %dma_start3A_388 = tpu.memref_squeeze %dma_start3A_387 : memref<1x5x8x128xf32, #tpu.memory_space<hbm>> -> memref<5x8x128xf32, #tpu.memory_space<hbm>>
      %dma_start3A_389 = arith.constant 0 : i32
      %dma_start3A_390 = arith.constant 0 : i32
      %dma_start3A_391 = arith.constant 0 : i32
      %dma_start3A_392 = tpu.memref_slice %arg17[%dma_start3A_373, %dma_start3A_374, %dma_start3A_389, %dma_start3A_390, %dma_start3A_391] : memref<2x4x5x8x129xf32, #tpu.memory_space<vmem>> -> memref<1x1x5x8x128xf32, #tpu.memory_space<vmem>>
      %dma_start3A_393 = tpu.memref_squeeze %dma_start3A_392 : memref<1x1x5x8x128xf32, #tpu.memory_space<vmem>> -> memref<5x8x128xf32, #tpu.memory_space<vmem>>
      tpu.enqueue_dma source(%dma_start3A_393 : memref<5x8x128xf32, #tpu.memory_space<vmem>>) target(%dma_start3A_388 : memref<5x8x128xf32, #tpu.memory_space<hbm>>) target_semaphore(%arg20 : memref<!tpu.dma_semaphore, #tpu.memory_space<semaphore_mem>>)
      %dma_start3A_394 = arith.constant 0 : i32
      %dma_start3A_395 = arith.constant 1 : i32
      %dma_start3A_396 = arith.constant 1 : i32
      %dma_start3A_397 = arith.constant 0 : i32
      %dma_start3A_398 = arith.constant 0 : i32
      %dma_start3A_399 = arith.constant 0 : i32
      %dma_start3A_400 = tpu.memref_slice %arg17[%dma_start3A_394, %dma_start3A_395, %dma_start3A_397, %dma_start3A_398, %dma_start3A_399] : memref<2x4x5x8x129xf32, #tpu.memory_space<vmem>> -> memref<1x1x5x8x128xf32, #tpu.memory_space<vmem>>
      %dma_start3A_401 = tpu.memref_squeeze %dma_start3A_400 : memref<1x1x5x8x128xf32, #tpu.memory_space<vmem>> -> memref<5x8x128xf32, #tpu.memory_space<vmem>>
      %dma_start3A_402 = arith.constant 0 : i32
      %dma_start3A_403 = arith.constant 0 : i32
      %dma_start3A_404 = tpu.memref_slice %arg10[%dma_start3A_396, %select_n3A, %dma_start3A_402, %dma_start3A_403] : memref<4x12500x8x128xf32, #tpu.memory_space<hbm>> -> memref<1x5x8x128xf32, #tpu.memory_space<hbm>>
      %dma_start3A_405 = tpu.memref_squeeze %dma_start3A_404 : memref<1x5x8x128xf32, #tpu.memory_space<hbm>> -> memref<5x8x128xf32, #tpu.memory_space<hbm>>
      %dma_start3A_406 = arith.constant 0 : i32
      %dma_start3A_407 = arith.constant 0 : i32
      %dma_start3A_408 = tpu.memref_slice %arg10[%dma_start3A_396, %select_n3A, %dma_start3A_406, %dma_start3A_407] : memref<4x12500x8x128xf32, #tpu.memory_space<hbm>> -> memref<1x5x8x128xf32, #tpu.memory_space<hbm>>
      %dma_start3A_409 = tpu.memref_squeeze %dma_start3A_408 : memref<1x5x8x128xf32, #tpu.memory_space<hbm>> -> memref<5x8x128xf32, #tpu.memory_space<hbm>>
      %dma_start3A_410 = arith.constant 0 : i32
      %dma_start3A_411 = arith.constant 0 : i32
      %dma_start3A_412 = arith.constant 0 : i32
      %dma_start3A_413 = tpu.memref_slice %arg17[%dma_start3A_394, %dma_start3A_395, %dma_start3A_410, %dma_start3A_411, %dma_start3A_412] : memref<2x4x5x8x129xf32, #tpu.memory_space<vmem>> -> memref<1x1x5x8x128xf32, #tpu.memory_space<vmem>>
      %dma_start3A_414 = tpu.memref_squeeze %dma_start3A_413 : memref<1x1x5x8x128xf32, #tpu.memory_space<vmem>> -> memref<5x8x128xf32, #tpu.memory_space<vmem>>
      tpu.enqueue_dma source(%dma_start3A_414 : memref<5x8x128xf32, #tpu.memory_space<vmem>>) target(%dma_start3A_409 : memref<5x8x128xf32, #tpu.memory_space<hbm>>) target_semaphore(%arg20 : memref<!tpu.dma_semaphore, #tpu.memory_space<semaphore_mem>>)
      %dma_start3A_415 = arith.constant 0 : i32
      %dma_start3A_416 = arith.constant 2 : i32
      %dma_start3A_417 = arith.constant 2 : i32
      %dma_start3A_418 = arith.constant 0 : i32
      %dma_start3A_419 = arith.constant 0 : i32
      %dma_start3A_420 = arith.constant 0 : i32
      %dma_start3A_421 = tpu.memref_slice %arg17[%dma_start3A_415, %dma_start3A_416, %dma_start3A_418, %dma_start3A_419, %dma_start3A_420] : memref<2x4x5x8x129xf32, #tpu.memory_space<vmem>> -> memref<1x1x5x8x128xf32, #tpu.memory_space<vmem>>
      %dma_start3A_422 = tpu.memref_squeeze %dma_start3A_421 : memref<1x1x5x8x128xf32, #tpu.memory_space<vmem>> -> memref<5x8x128xf32, #tpu.memory_space<vmem>>
      %dma_start3A_423 = arith.constant 0 : i32
      %dma_start3A_424 = arith.constant 0 : i32
      %dma_start3A_425 = tpu.memref_slice %arg10[%dma_start3A_417, %select_n3A, %dma_start3A_423, %dma_start3A_424] : memref<4x12500x8x128xf32, #tpu.memory_space<hbm>> -> memref<1x5x8x128xf32, #tpu.memory_space<hbm>>
      %dma_start3A_426 = tpu.memref_squeeze %dma_start3A_425 : memref<1x5x8x128xf32, #tpu.memory_space<hbm>> -> memref<5x8x128xf32, #tpu.memory_space<hbm>>
      %dma_start3A_427 = arith.constant 0 : i32
      %dma_start3A_428 = arith.constant 0 : i32
      %dma_start3A_429 = tpu.memref_slice %arg10[%dma_start3A_417, %select_n3A, %dma_start3A_427, %dma_start3A_428] : memref<4x12500x8x128xf32, #tpu.memory_space<hbm>> -> memref<1x5x8x128xf32, #tpu.memory_space<hbm>>
      %dma_start3A_430 = tpu.memref_squeeze %dma_start3A_429 : memref<1x5x8x128xf32, #tpu.memory_space<hbm>> -> memref<5x8x128xf32, #tpu.memory_space<hbm>>
      %dma_start3A_431 = arith.constant 0 : i32
      %dma_start3A_432 = arith.constant 0 : i32
      %dma_start3A_433 = arith.constant 0 : i32
      %dma_start3A_434 = tpu.memref_slice %arg17[%dma_start3A_415, %dma_start3A_416, %dma_start3A_431, %dma_start3A_432, %dma_start3A_433] : memref<2x4x5x8x129xf32, #tpu.memory_space<vmem>> -> memref<1x1x5x8x128xf32, #tpu.memory_space<vmem>>
      %dma_start3A_435 = tpu.memref_squeeze %dma_start3A_434 : memref<1x1x5x8x128xf32, #tpu.memory_space<vmem>> -> memref<5x8x128xf32, #tpu.memory_space<vmem>>
      tpu.enqueue_dma source(%dma_start3A_435 : memref<5x8x128xf32, #tpu.memory_space<vmem>>) target(%dma_start3A_430 : memref<5x8x128xf32, #tpu.memory_space<hbm>>) target_semaphore(%arg20 : memref<!tpu.dma_semaphore, #tpu.memory_space<semaphore_mem>>)
      %dma_start3A_436 = arith.constant 0 : i32
      %dma_start3A_437 = arith.constant 3 : i32
      %dma_start3A_438 = arith.constant 3 : i32
      %dma_start3A_439 = arith.constant 0 : i32
      %dma_start3A_440 = arith.constant 0 : i32
      %dma_start3A_441 = arith.constant 0 : i32
      %dma_start3A_442 = tpu.memref_slice %arg17[%dma_start3A_436, %dma_start3A_437, %dma_start3A_439, %dma_start3A_440, %dma_start3A_441] : memref<2x4x5x8x129xf32, #tpu.memory_space<vmem>> -> memref<1x1x5x8x128xf32, #tpu.memory_space<vmem>>
      %dma_start3A_443 = tpu.memref_squeeze %dma_start3A_442 : memref<1x1x5x8x128xf32, #tpu.memory_space<vmem>> -> memref<5x8x128xf32, #tpu.memory_space<vmem>>
      %dma_start3A_444 = arith.constant 0 : i32
      %dma_start3A_445 = arith.constant 0 : i32
      %dma_start3A_446 = tpu.memref_slice %arg10[%dma_start3A_438, %select_n3A, %dma_start3A_444, %dma_start3A_445] : memref<4x12500x8x128xf32, #tpu.memory_space<hbm>> -> memref<1x5x8x128xf32, #tpu.memory_space<hbm>>
      %dma_start3A_447 = tpu.memref_squeeze %dma_start3A_446 : memref<1x5x8x128xf32, #tpu.memory_space<hbm>> -> memref<5x8x128xf32, #tpu.memory_space<hbm>>
      %dma_start3A_448 = arith.constant 0 : i32
      %dma_start3A_449 = arith.constant 0 : i32
      %dma_start3A_450 = tpu.memref_slice %arg10[%dma_start3A_438, %select_n3A, %dma_start3A_448, %dma_start3A_449] : memref<4x12500x8x128xf32, #tpu.memory_space<hbm>> -> memref<1x5x8x128xf32, #tpu.memory_space<hbm>>
      %dma_start3A_451 = tpu.memref_squeeze %dma_start3A_450 : memref<1x5x8x128xf32, #tpu.memory_space<hbm>> -> memref<5x8x128xf32, #tpu.memory_space<hbm>>
      %dma_start3A_452 = arith.constant 0 : i32
      %dma_start3A_453 = arith.constant 0 : i32
      %dma_start3A_454 = arith.constant 0 : i32
      %dma_start3A_455 = tpu.memref_slice %arg17[%dma_start3A_436, %dma_start3A_437, %dma_start3A_452, %dma_start3A_453, %dma_start3A_454] : memref<2x4x5x8x129xf32, #tpu.memory_space<vmem>> -> memref<1x1x5x8x128xf32, #tpu.memory_space<vmem>>
      %dma_start3A_456 = tpu.memref_squeeze %dma_start3A_455 : memref<1x1x5x8x128xf32, #tpu.memory_space<vmem>> -> memref<5x8x128xf32, #tpu.memory_space<vmem>>
      tpu.enqueue_dma source(%dma_start3A_456 : memref<5x8x128xf32, #tpu.memory_space<vmem>>) target(%dma_start3A_451 : memref<5x8x128xf32, #tpu.memory_space<hbm>>) target_semaphore(%arg20 : memref<!tpu.dma_semaphore, #tpu.memory_space<semaphore_mem>>)
      %lt3A_457 = arith.constant 38 : i32
      %lt3A_458 = arith.cmpi slt, %scan3A_289, %lt3A_457 : i32
      %convert_element_type3A_459 = arith.extui %lt3A_458 : i1 to i32
      %cond3A_460 = arith.constant 0 : i32
      %cond3A_461 = arith.cmpi ne, %convert_element_type3A_459, %cond3A_460 : i32
      scf.if %cond3A_461 {
        %add3A_642 = arith.constant 2 : i32
        %add3A_643 = arith.addi %add3A_293, %add3A_642 : i32
        %mul3A_644 = arith.constant 640 : i32
        %mul3A_645 = arith.muli %add3A_643, %mul3A_644 : i32
        %add3A_646 = arith.addi %mul3A_2, %mul3A_645 : i32
        %dma_start3A_647 = arith.constant 0 : i32
        %dma_start3A_648 = arith.constant 0 : i32
        %dma_start3A_649 = arith.constant 0 : i32
        %dma_start3A_650 = tpu.memref_slice %arg16[%dma_start3A_647, %dma_start3A_648, %dma_start3A_649] : memref<2x4x640xi32, #tpu.memory_space<vmem>> -> memref<1x1x640xi32, #tpu.memory_space<vmem>>
        %dma_start3A_651 = tpu.memref_squeeze %dma_start3A_650 : memref<1x1x640xi32, #tpu.memory_space<vmem>> -> memref<640xi32, #tpu.memory_space<vmem>>
        %dma_start3A_652 = tpu.memref_slice %arg2[%add3A_646] : memref<1600000xi32, #tpu.memory_space<hbm>> -> memref<640xi32, #tpu.memory_space<hbm>>
        %dma_start3A_653 = arith.constant 0 : i32
        %dma_start3A_654 = tpu.memref_slice %arg16[%dma_start3A_647, %dma_start3A_648, %dma_start3A_653] : memref<2x4x640xi32, #tpu.memory_space<vmem>> -> memref<1x1x640xi32, #tpu.memory_space<vmem>>
        %dma_start3A_655 = tpu.memref_squeeze %dma_start3A_654 : memref<1x1x640xi32, #tpu.memory_space<vmem>> -> memref<640xi32, #tpu.memory_space<vmem>>
        %dma_start3A_656 = tpu.memref_slice %arg2[%add3A_646] : memref<1600000xi32, #tpu.memory_space<hbm>> -> memref<640xi32, #tpu.memory_space<hbm>>
        tpu.enqueue_dma source(%dma_start3A_656 : memref<640xi32, #tpu.memory_space<hbm>>) target(%dma_start3A_655 : memref<640xi32, #tpu.memory_space<vmem>>) target_semaphore(%arg18 : memref<!tpu.dma_semaphore, #tpu.memory_space<semaphore_mem>>)
        %dma_start3A_657 = arith.constant 0 : i32
        %dma_start3A_658 = arith.constant 1 : i32
        %dma_start3A_659 = arith.constant 0 : i32
        %dma_start3A_660 = tpu.memref_slice %arg16[%dma_start3A_657, %dma_start3A_658, %dma_start3A_659] : memref<2x4x640xi32, #tpu.memory_space<vmem>> -> memref<1x1x640xi32, #tpu.memory_space<vmem>>
        %dma_start3A_661 = tpu.memref_squeeze %dma_start3A_660 : memref<1x1x640xi32, #tpu.memory_space<vmem>> -> memref<640xi32, #tpu.memory_space<vmem>>
        %dma_start3A_662 = tpu.memref_slice %arg3[%add3A_646] : memref<1600000xi32, #tpu.memory_space<hbm>> -> memref<640xi32, #tpu.memory_space<hbm>>
        %dma_start3A_663 = arith.constant 0 : i32
        %dma_start3A_664 = tpu.memref_slice %arg16[%dma_start3A_657, %dma_start3A_658, %dma_start3A_663] : memref<2x4x640xi32, #tpu.memory_space<vmem>> -> memref<1x1x640xi32, #tpu.memory_space<vmem>>
        %dma_start3A_665 = tpu.memref_squeeze %dma_start3A_664 : memref<1x1x640xi32, #tpu.memory_space<vmem>> -> memref<640xi32, #tpu.memory_space<vmem>>
        %dma_start3A_666 = tpu.memref_slice %arg3[%add3A_646] : memref<1600000xi32, #tpu.memory_space<hbm>> -> memref<640xi32, #tpu.memory_space<hbm>>
        tpu.enqueue_dma source(%dma_start3A_666 : memref<640xi32, #tpu.memory_space<hbm>>) target(%dma_start3A_665 : memref<640xi32, #tpu.memory_space<vmem>>) target_semaphore(%arg18 : memref<!tpu.dma_semaphore, #tpu.memory_space<semaphore_mem>>)
        %dma_start3A_667 = arith.constant 0 : i32
        %dma_start3A_668 = arith.constant 2 : i32
        %dma_start3A_669 = arith.constant 0 : i32
        %dma_start3A_670 = tpu.memref_slice %arg16[%dma_start3A_667, %dma_start3A_668, %dma_start3A_669] : memref<2x4x640xi32, #tpu.memory_space<vmem>> -> memref<1x1x640xi32, #tpu.memory_space<vmem>>
        %dma_start3A_671 = tpu.memref_squeeze %dma_start3A_670 : memref<1x1x640xi32, #tpu.memory_space<vmem>> -> memref<640xi32, #tpu.memory_space<vmem>>
        %dma_start3A_672 = tpu.memref_slice %arg4[%add3A_646] : memref<1600000xi32, #tpu.memory_space<hbm>> -> memref<640xi32, #tpu.memory_space<hbm>>
        %dma_start3A_673 = arith.constant 0 : i32
        %dma_start3A_674 = tpu.memref_slice %arg16[%dma_start3A_667, %dma_start3A_668, %dma_start3A_673] : memref<2x4x640xi32, #tpu.memory_space<vmem>> -> memref<1x1x640xi32, #tpu.memory_space<vmem>>
        %dma_start3A_675 = tpu.memref_squeeze %dma_start3A_674 : memref<1x1x640xi32, #tpu.memory_space<vmem>> -> memref<640xi32, #tpu.memory_space<vmem>>
        %dma_start3A_676 = tpu.memref_slice %arg4[%add3A_646] : memref<1600000xi32, #tpu.memory_space<hbm>> -> memref<640xi32, #tpu.memory_space<hbm>>
        tpu.enqueue_dma source(%dma_start3A_676 : memref<640xi32, #tpu.memory_space<hbm>>) target(%dma_start3A_675 : memref<640xi32, #tpu.memory_space<vmem>>) target_semaphore(%arg18 : memref<!tpu.dma_semaphore, #tpu.memory_space<semaphore_mem>>)
        %dma_start3A_677 = arith.constant 0 : i32
        %dma_start3A_678 = arith.constant 3 : i32
        %dma_start3A_679 = arith.constant 0 : i32
        %dma_start3A_680 = tpu.memref_slice %arg16[%dma_start3A_677, %dma_start3A_678, %dma_start3A_679] : memref<2x4x640xi32, #tpu.memory_space<vmem>> -> memref<1x1x640xi32, #tpu.memory_space<vmem>>
        %dma_start3A_681 = tpu.memref_squeeze %dma_start3A_680 : memref<1x1x640xi32, #tpu.memory_space<vmem>> -> memref<640xi32, #tpu.memory_space<vmem>>
        %dma_start3A_682 = tpu.memref_slice %arg5[%add3A_646] : memref<1600000xi32, #tpu.memory_space<hbm>> -> memref<640xi32, #tpu.memory_space<hbm>>
        %dma_start3A_683 = arith.constant 0 : i32
        %dma_start3A_684 = tpu.memref_slice %arg16[%dma_start3A_677, %dma_start3A_678, %dma_start3A_683] : memref<2x4x640xi32, #tpu.memory_space<vmem>> -> memref<1x1x640xi32, #tpu.memory_space<vmem>>
        %dma_start3A_685 = tpu.memref_squeeze %dma_start3A_684 : memref<1x1x640xi32, #tpu.memory_space<vmem>> -> memref<640xi32, #tpu.memory_space<vmem>>
        %dma_start3A_686 = tpu.memref_slice %arg5[%add3A_646] : memref<1600000xi32, #tpu.memory_space<hbm>> -> memref<640xi32, #tpu.memory_space<hbm>>
        tpu.enqueue_dma source(%dma_start3A_686 : memref<640xi32, #tpu.memory_space<hbm>>) target(%dma_start3A_685 : memref<640xi32, #tpu.memory_space<vmem>>) target_semaphore(%arg18 : memref<!tpu.dma_semaphore, #tpu.memory_space<semaphore_mem>>)
      } else {
      }
      %mul3A_462 = arith.constant 2 : i32
      %mul3A_463 = arith.muli %mul3A_462, %scan3A_289 : i32
      %add3A_464 = arith.constant 1 : i32
      %add3A_465 = arith.addi %mul3A_463, %add3A_464 : i32
      %dma_wait3A_466 = arith.constant 1 : i32
      %dma_wait3A_467 = arith.constant 0 : i32
      %dma_wait3A_468 = arith.constant 0 : i32
      %dma_wait3A_469 = tpu.memref_slice %arg16[%dma_wait3A_466, %dma_wait3A_467, %dma_wait3A_468] : memref<2x4x640xi32, #tpu.memory_space<vmem>> -> memref<1x1x640xi32, #tpu.memory_space<vmem>>
      %dma_wait3A_470 = tpu.memref_squeeze %dma_wait3A_469 : memref<1x1x640xi32, #tpu.memory_space<vmem>> -> memref<640xi32, #tpu.memory_space<vmem>>
      %dma_wait3A_471 = arith.constant 0 : i32
      %dma_wait3A_472 = tpu.memref_slice %arg2[%dma_wait3A_471] : memref<1600000xi32, #tpu.memory_space<hbm>> -> memref<640xi32, #tpu.memory_space<hbm>>
      %dma_wait3A_473 = arith.constant 0 : i32
      %dma_wait3A_474 = tpu.memref_slice %arg16[%dma_wait3A_466, %dma_wait3A_467, %dma_wait3A_473] : memref<2x4x640xi32, #tpu.memory_space<vmem>> -> memref<1x1x640xi32, #tpu.memory_space<vmem>>
      %dma_wait3A_475 = tpu.memref_squeeze %dma_wait3A_474 : memref<1x1x640xi32, #tpu.memory_space<vmem>> -> memref<640xi32, #tpu.memory_space<vmem>>
      %dma_wait3A_476 = arith.constant 0 : i32
      %dma_wait3A_477 = tpu.memref_slice %arg2[%dma_wait3A_476] : memref<1600000xi32, #tpu.memory_space<hbm>> -> memref<640xi32, #tpu.memory_space<hbm>>
      tpu.wait_dma2 semaphore(%arg19 : memref<!tpu.dma_semaphore, #tpu.memory_space<semaphore_mem>>) src(%dma_wait3A_477 : memref<640xi32, #tpu.memory_space<hbm>>) dst(%dma_wait3A_475 : memref<640xi32, #tpu.memory_space<vmem>>)
      %dma_wait3A_478 = arith.constant 1 : i32
      %dma_wait3A_479 = arith.constant 1 : i32
      %dma_wait3A_480 = arith.constant 0 : i32
      %dma_wait3A_481 = tpu.memref_slice %arg16[%dma_wait3A_478, %dma_wait3A_479, %dma_wait3A_480] : memref<2x4x640xi32, #tpu.memory_space<vmem>> -> memref<1x1x640xi32, #tpu.memory_space<vmem>>
      %dma_wait3A_482 = tpu.memref_squeeze %dma_wait3A_481 : memref<1x1x640xi32, #tpu.memory_space<vmem>> -> memref<640xi32, #tpu.memory_space<vmem>>
      %dma_wait3A_483 = arith.constant 0 : i32
      %dma_wait3A_484 = tpu.memref_slice %arg3[%dma_wait3A_483] : memref<1600000xi32, #tpu.memory_space<hbm>> -> memref<640xi32, #tpu.memory_space<hbm>>
      %dma_wait3A_485 = arith.constant 0 : i32
      %dma_wait3A_486 = tpu.memref_slice %arg16[%dma_wait3A_478, %dma_wait3A_479, %dma_wait3A_485] : memref<2x4x640xi32, #tpu.memory_space<vmem>> -> memref<1x1x640xi32, #tpu.memory_space<vmem>>
      %dma_wait3A_487 = tpu.memref_squeeze %dma_wait3A_486 : memref<1x1x640xi32, #tpu.memory_space<vmem>> -> memref<640xi32, #tpu.memory_space<vmem>>
      %dma_wait3A_488 = arith.constant 0 : i32
      %dma_wait3A_489 = tpu.memref_slice %arg3[%dma_wait3A_488] : memref<1600000xi32, #tpu.memory_space<hbm>> -> memref<640xi32, #tpu.memory_space<hbm>>
      tpu.wait_dma2 semaphore(%arg19 : memref<!tpu.dma_semaphore, #tpu.memory_space<semaphore_mem>>) src(%dma_wait3A_489 : memref<640xi32, #tpu.memory_space<hbm>>) dst(%dma_wait3A_487 : memref<640xi32, #tpu.memory_space<vmem>>)
      %dma_wait3A_490 = arith.constant 1 : i32
      %dma_wait3A_491 = arith.constant 2 : i32
      %dma_wait3A_492 = arith.constant 0 : i32
      %dma_wait3A_493 = tpu.memref_slice %arg16[%dma_wait3A_490, %dma_wait3A_491, %dma_wait3A_492] : memref<2x4x640xi32, #tpu.memory_space<vmem>> -> memref<1x1x640xi32, #tpu.memory_space<vmem>>
      %dma_wait3A_494 = tpu.memref_squeeze %dma_wait3A_493 : memref<1x1x640xi32, #tpu.memory_space<vmem>> -> memref<640xi32, #tpu.memory_space<vmem>>
      %dma_wait3A_495 = arith.constant 0 : i32
      %dma_wait3A_496 = tpu.memref_slice %arg4[%dma_wait3A_495] : memref<1600000xi32, #tpu.memory_space<hbm>> -> memref<640xi32, #tpu.memory_space<hbm>>
      %dma_wait3A_497 = arith.constant 0 : i32
      %dma_wait3A_498 = tpu.memref_slice %arg16[%dma_wait3A_490, %dma_wait3A_491, %dma_wait3A_497] : memref<2x4x640xi32, #tpu.memory_space<vmem>> -> memref<1x1x640xi32, #tpu.memory_space<vmem>>
      %dma_wait3A_499 = tpu.memref_squeeze %dma_wait3A_498 : memref<1x1x640xi32, #tpu.memory_space<vmem>> -> memref<640xi32, #tpu.memory_space<vmem>>
      %dma_wait3A_500 = arith.constant 0 : i32
      %dma_wait3A_501 = tpu.memref_slice %arg4[%dma_wait3A_500] : memref<1600000xi32, #tpu.memory_space<hbm>> -> memref<640xi32, #tpu.memory_space<hbm>>
      tpu.wait_dma2 semaphore(%arg19 : memref<!tpu.dma_semaphore, #tpu.memory_space<semaphore_mem>>) src(%dma_wait3A_501 : memref<640xi32, #tpu.memory_space<hbm>>) dst(%dma_wait3A_499 : memref<640xi32, #tpu.memory_space<vmem>>)
      %dma_wait3A_502 = arith.constant 1 : i32
      %dma_wait3A_503 = arith.constant 3 : i32
      %dma_wait3A_504 = arith.constant 0 : i32
      %dma_wait3A_505 = tpu.memref_slice %arg16[%dma_wait3A_502, %dma_wait3A_503, %dma_wait3A_504] : memref<2x4x640xi32, #tpu.memory_space<vmem>> -> memref<1x1x640xi32, #tpu.memory_space<vmem>>
      %dma_wait3A_506 = tpu.memref_squeeze %dma_wait3A_505 : memref<1x1x640xi32, #tpu.memory_space<vmem>> -> memref<640xi32, #tpu.memory_space<vmem>>
      %dma_wait3A_507 = arith.constant 0 : i32
      %dma_wait3A_508 = tpu.memref_slice %arg5[%dma_wait3A_507] : memref<1600000xi32, #tpu.memory_space<hbm>> -> memref<640xi32, #tpu.memory_space<hbm>>
      %dma_wait3A_509 = arith.constant 0 : i32
      %dma_wait3A_510 = tpu.memref_slice %arg16[%dma_wait3A_502, %dma_wait3A_503, %dma_wait3A_509] : memref<2x4x640xi32, #tpu.memory_space<vmem>> -> memref<1x1x640xi32, #tpu.memory_space<vmem>>
      %dma_wait3A_511 = tpu.memref_squeeze %dma_wait3A_510 : memref<1x1x640xi32, #tpu.memory_space<vmem>> -> memref<640xi32, #tpu.memory_space<vmem>>
      %dma_wait3A_512 = arith.constant 0 : i32
      %dma_wait3A_513 = tpu.memref_slice %arg5[%dma_wait3A_512] : memref<1600000xi32, #tpu.memory_space<hbm>> -> memref<640xi32, #tpu.memory_space<hbm>>
      tpu.wait_dma2 semaphore(%arg19 : memref<!tpu.dma_semaphore, #tpu.memory_space<semaphore_mem>>) src(%dma_wait3A_513 : memref<640xi32, #tpu.memory_space<hbm>>) dst(%dma_wait3A_511 : memref<640xi32, #tpu.memory_space<vmem>>)
      %gt3A_514 = arith.constant 0 : i32
      %gt3A_515 = arith.cmpi sgt, %scan3A_289, %gt3A_514 : i32
      %convert_element_type3A_516 = arith.extui %gt3A_515 : i1 to i32
      %cond3A_517 = arith.constant 0 : i32
      %cond3A_518 = arith.cmpi ne, %convert_element_type3A_516, %cond3A_517 : i32
      scf.if %cond3A_518 {
        %dma_wait3A_642 = arith.constant 1 : i32
        %dma_wait3A_643 = arith.constant 0 : i32
        %dma_wait3A_644 = arith.constant 0 : i32
        %dma_wait3A_645 = arith.constant 0 : i32
        %dma_wait3A_646 = arith.constant 0 : i32
        %dma_wait3A_647 = arith.constant 0 : i32
        %dma_wait3A_648 = tpu.memref_slice %arg17[%dma_wait3A_642, %dma_wait3A_643, %dma_wait3A_645, %dma_wait3A_646, %dma_wait3A_647] : memref<2x4x5x8x129xf32, #tpu.memory_space<vmem>> -> memref<1x1x5x8x128xf32, #tpu.memory_space<vmem>>
        %dma_wait3A_649 = tpu.memref_squeeze %dma_wait3A_648 : memref<1x1x5x8x128xf32, #tpu.memory_space<vmem>> -> memref<5x8x128xf32, #tpu.memory_space<vmem>>
        %dma_wait3A_650 = arith.constant 0 : i32
        %dma_wait3A_651 = arith.constant 0 : i32
        %dma_wait3A_652 = arith.constant 0 : i32
        %dma_wait3A_653 = tpu.memref_slice %arg10[%dma_wait3A_644, %dma_wait3A_650, %dma_wait3A_651, %dma_wait3A_652] : memref<4x12500x8x128xf32, #tpu.memory_space<hbm>> -> memref<1x5x8x128xf32, #tpu.memory_space<hbm>>
        %dma_wait3A_654 = tpu.memref_squeeze %dma_wait3A_653 : memref<1x5x8x128xf32, #tpu.memory_space<hbm>> -> memref<5x8x128xf32, #tpu.memory_space<hbm>>
        %dma_wait3A_655 = arith.constant 0 : i32
        %dma_wait3A_656 = arith.constant 0 : i32
        %dma_wait3A_657 = arith.constant 0 : i32
        %dma_wait3A_658 = tpu.memref_slice %arg10[%dma_wait3A_644, %dma_wait3A_655, %dma_wait3A_656, %dma_wait3A_657] : memref<4x12500x8x128xf32, #tpu.memory_space<hbm>> -> memref<1x5x8x128xf32, #tpu.memory_space<hbm>>
        %dma_wait3A_659 = tpu.memref_squeeze %dma_wait3A_658 : memref<1x5x8x128xf32, #tpu.memory_space<hbm>> -> memref<5x8x128xf32, #tpu.memory_space<hbm>>
        %dma_wait3A_660 = arith.constant 0 : i32
        %dma_wait3A_661 = arith.constant 0 : i32
        %dma_wait3A_662 = arith.constant 0 : i32
        %dma_wait3A_663 = tpu.memref_slice %arg17[%dma_wait3A_642, %dma_wait3A_643, %dma_wait3A_660, %dma_wait3A_661, %dma_wait3A_662] : memref<2x4x5x8x129xf32, #tpu.memory_space<vmem>> -> memref<1x1x5x8x128xf32, #tpu.memory_space<vmem>>
        %dma_wait3A_664 = tpu.memref_squeeze %dma_wait3A_663 : memref<1x1x5x8x128xf32, #tpu.memory_space<vmem>> -> memref<5x8x128xf32, #tpu.memory_space<vmem>>
        tpu.wait_dma2 semaphore(%arg21 : memref<!tpu.dma_semaphore, #tpu.memory_space<semaphore_mem>>) src(%dma_wait3A_664 : memref<5x8x128xf32, #tpu.memory_space<vmem>>) dst(%dma_wait3A_659 : memref<5x8x128xf32, #tpu.memory_space<hbm>>)
        %dma_wait3A_665 = arith.constant 1 : i32
        %dma_wait3A_666 = arith.constant 1 : i32
        %dma_wait3A_667 = arith.constant 1 : i32
        %dma_wait3A_668 = arith.constant 0 : i32
        %dma_wait3A_669 = arith.constant 0 : i32
        %dma_wait3A_670 = arith.constant 0 : i32
        %dma_wait3A_671 = tpu.memref_slice %arg17[%dma_wait3A_665, %dma_wait3A_666, %dma_wait3A_668, %dma_wait3A_669, %dma_wait3A_670] : memref<2x4x5x8x129xf32, #tpu.memory_space<vmem>> -> memref<1x1x5x8x128xf32, #tpu.memory_space<vmem>>
        %dma_wait3A_672 = tpu.memref_squeeze %dma_wait3A_671 : memref<1x1x5x8x128xf32, #tpu.memory_space<vmem>> -> memref<5x8x128xf32, #tpu.memory_space<vmem>>
        %dma_wait3A_673 = arith.constant 0 : i32
        %dma_wait3A_674 = arith.constant 0 : i32
        %dma_wait3A_675 = arith.constant 0 : i32
        %dma_wait3A_676 = tpu.memref_slice %arg10[%dma_wait3A_667, %dma_wait3A_673, %dma_wait3A_674, %dma_wait3A_675] : memref<4x12500x8x128xf32, #tpu.memory_space<hbm>> -> memref<1x5x8x128xf32, #tpu.memory_space<hbm>>
        %dma_wait3A_677 = tpu.memref_squeeze %dma_wait3A_676 : memref<1x5x8x128xf32, #tpu.memory_space<hbm>> -> memref<5x8x128xf32, #tpu.memory_space<hbm>>
        %dma_wait3A_678 = arith.constant 0 : i32
        %dma_wait3A_679 = arith.constant 0 : i32
        %dma_wait3A_680 = arith.constant 0 : i32
        %dma_wait3A_681 = tpu.memref_slice %arg10[%dma_wait3A_667, %dma_wait3A_678, %dma_wait3A_679, %dma_wait3A_680] : memref<4x12500x8x128xf32, #tpu.memory_space<hbm>> -> memref<1x5x8x128xf32, #tpu.memory_space<hbm>>
        %dma_wait3A_682 = tpu.memref_squeeze %dma_wait3A_681 : memref<1x5x8x128xf32, #tpu.memory_space<hbm>> -> memref<5x8x128xf32, #tpu.memory_space<hbm>>
        %dma_wait3A_683 = arith.constant 0 : i32
        %dma_wait3A_684 = arith.constant 0 : i32
        %dma_wait3A_685 = arith.constant 0 : i32
        %dma_wait3A_686 = tpu.memref_slice %arg17[%dma_wait3A_665, %dma_wait3A_666, %dma_wait3A_683, %dma_wait3A_684, %dma_wait3A_685] : memref<2x4x5x8x129xf32, #tpu.memory_space<vmem>> -> memref<1x1x5x8x128xf32, #tpu.memory_space<vmem>>
        %dma_wait3A_687 = tpu.memref_squeeze %dma_wait3A_686 : memref<1x1x5x8x128xf32, #tpu.memory_space<vmem>> -> memref<5x8x128xf32, #tpu.memory_space<vmem>>
        tpu.wait_dma2 semaphore(%arg21 : memref<!tpu.dma_semaphore, #tpu.memory_space<semaphore_mem>>) src(%dma_wait3A_687 : memref<5x8x128xf32, #tpu.memory_space<vmem>>) dst(%dma_wait3A_682 : memref<5x8x128xf32, #tpu.memory_space<hbm>>)
        %dma_wait3A_688 = arith.constant 1 : i32
        %dma_wait3A_689 = arith.constant 2 : i32
        %dma_wait3A_690 = arith.constant 2 : i32
        %dma_wait3A_691 = arith.constant 0 : i32
        %dma_wait3A_692 = arith.constant 0 : i32
        %dma_wait3A_693 = arith.constant 0 : i32
        %dma_wait3A_694 = tpu.memref_slice %arg17[%dma_wait3A_688, %dma_wait3A_689, %dma_wait3A_691, %dma_wait3A_692, %dma_wait3A_693] : memref<2x4x5x8x129xf32, #tpu.memory_space<vmem>> -> memref<1x1x5x8x128xf32, #tpu.memory_space<vmem>>
        %dma_wait3A_695 = tpu.memref_squeeze %dma_wait3A_694 : memref<1x1x5x8x128xf32, #tpu.memory_space<vmem>> -> memref<5x8x128xf32, #tpu.memory_space<vmem>>
        %dma_wait3A_696 = arith.constant 0 : i32
        %dma_wait3A_697 = arith.constant 0 : i32
        %dma_wait3A_698 = arith.constant 0 : i32
        %dma_wait3A_699 = tpu.memref_slice %arg10[%dma_wait3A_690, %dma_wait3A_696, %dma_wait3A_697, %dma_wait3A_698] : memref<4x12500x8x128xf32, #tpu.memory_space<hbm>> -> memref<1x5x8x128xf32, #tpu.memory_space<hbm>>
        %dma_wait3A_700 = tpu.memref_squeeze %dma_wait3A_699 : memref<1x5x8x128xf32, #tpu.memory_space<hbm>> -> memref<5x8x128xf32, #tpu.memory_space<hbm>>
        %dma_wait3A_701 = arith.constant 0 : i32
        %dma_wait3A_702 = arith.constant 0 : i32
        %dma_wait3A_703 = arith.constant 0 : i32
        %dma_wait3A_704 = tpu.memref_slice %arg10[%dma_wait3A_690, %dma_wait3A_701, %dma_wait3A_702, %dma_wait3A_703] : memref<4x12500x8x128xf32, #tpu.memory_space<hbm>> -> memref<1x5x8x128xf32, #tpu.memory_space<hbm>>
        %dma_wait3A_705 = tpu.memref_squeeze %dma_wait3A_704 : memref<1x5x8x128xf32, #tpu.memory_space<hbm>> -> memref<5x8x128xf32, #tpu.memory_space<hbm>>
        %dma_wait3A_706 = arith.constant 0 : i32
        %dma_wait3A_707 = arith.constant 0 : i32
        %dma_wait3A_708 = arith.constant 0 : i32
        %dma_wait3A_709 = tpu.memref_slice %arg17[%dma_wait3A_688, %dma_wait3A_689, %dma_wait3A_706, %dma_wait3A_707, %dma_wait3A_708] : memref<2x4x5x8x129xf32, #tpu.memory_space<vmem>> -> memref<1x1x5x8x128xf32, #tpu.memory_space<vmem>>
        %dma_wait3A_710 = tpu.memref_squeeze %dma_wait3A_709 : memref<1x1x5x8x128xf32, #tpu.memory_space<vmem>> -> memref<5x8x128xf32, #tpu.memory_space<vmem>>
        tpu.wait_dma2 semaphore(%arg21 : memref<!tpu.dma_semaphore, #tpu.memory_space<semaphore_mem>>) src(%dma_wait3A_710 : memref<5x8x128xf32, #tpu.memory_space<vmem>>) dst(%dma_wait3A_705 : memref<5x8x128xf32, #tpu.memory_space<hbm>>)
        %dma_wait3A_711 = arith.constant 1 : i32
        %dma_wait3A_712 = arith.constant 3 : i32
        %dma_wait3A_713 = arith.constant 3 : i32
        %dma_wait3A_714 = arith.constant 0 : i32
        %dma_wait3A_715 = arith.constant 0 : i32
        %dma_wait3A_716 = arith.constant 0 : i32
        %dma_wait3A_717 = tpu.memref_slice %arg17[%dma_wait3A_711, %dma_wait3A_712, %dma_wait3A_714, %dma_wait3A_715, %dma_wait3A_716] : memref<2x4x5x8x129xf32, #tpu.memory_space<vmem>> -> memref<1x1x5x8x128xf32, #tpu.memory_space<vmem>>
        %dma_wait3A_718 = tpu.memref_squeeze %dma_wait3A_717 : memref<1x1x5x8x128xf32, #tpu.memory_space<vmem>> -> memref<5x8x128xf32, #tpu.memory_space<vmem>>
        %dma_wait3A_719 = arith.constant 0 : i32
        %dma_wait3A_720 = arith.constant 0 : i32
        %dma_wait3A_721 = arith.constant 0 : i32
        %dma_wait3A_722 = tpu.memref_slice %arg10[%dma_wait3A_713, %dma_wait3A_719, %dma_wait3A_720, %dma_wait3A_721] : memref<4x12500x8x128xf32, #tpu.memory_space<hbm>> -> memref<1x5x8x128xf32, #tpu.memory_space<hbm>>
        %dma_wait3A_723 = tpu.memref_squeeze %dma_wait3A_722 : memref<1x5x8x128xf32, #tpu.memory_space<hbm>> -> memref<5x8x128xf32, #tpu.memory_space<hbm>>
        %dma_wait3A_724 = arith.constant 0 : i32
        %dma_wait3A_725 = arith.constant 0 : i32
        %dma_wait3A_726 = arith.constant 0 : i32
        %dma_wait3A_727 = tpu.memref_slice %arg10[%dma_wait3A_713, %dma_wait3A_724, %dma_wait3A_725, %dma_wait3A_726] : memref<4x12500x8x128xf32, #tpu.memory_space<hbm>> -> memref<1x5x8x128xf32, #tpu.memory_space<hbm>>
        %dma_wait3A_728 = tpu.memref_squeeze %dma_wait3A_727 : memref<1x5x8x128xf32, #tpu.memory_space<hbm>> -> memref<5x8x128xf32, #tpu.memory_space<hbm>>
        %dma_wait3A_729 = arith.constant 0 : i32
        %dma_wait3A_730 = arith.constant 0 : i32
        %dma_wait3A_731 = arith.constant 0 : i32
        %dma_wait3A_732 = tpu.memref_slice %arg17[%dma_wait3A_711, %dma_wait3A_712, %dma_wait3A_729, %dma_wait3A_730, %dma_wait3A_731] : memref<2x4x5x8x129xf32, #tpu.memory_space<vmem>> -> memref<1x1x5x8x128xf32, #tpu.memory_space<vmem>>
        %dma_wait3A_733 = tpu.memref_squeeze %dma_wait3A_732 : memref<1x1x5x8x128xf32, #tpu.memory_space<vmem>> -> memref<5x8x128xf32, #tpu.memory_space<vmem>>
        tpu.wait_dma2 semaphore(%arg21 : memref<!tpu.dma_semaphore, #tpu.memory_space<semaphore_mem>>) src(%dma_wait3A_733 : memref<5x8x128xf32, #tpu.memory_space<vmem>>) dst(%dma_wait3A_728 : memref<5x8x128xf32, #tpu.memory_space<hbm>>)
      } else {
      }
      %scan3A_519 = arith.constant 0 : i32
      %scan3A_520 = arith.constant 1 : i32
      %scan3A_521 = arith.constant 0 : i32
      %scan3A_522 = arith.constant 40 : i32
      %scan3A_523 = arith.addi %scan3A_521, %scan3A_522 : i32
      %scan3A_524 = arith.constant 1 : i32
      scf.for %scan3A_642 = %scan3A_521 to %scan3A_523 step %scan3A_524  : i32 {
        %mul3A_643 = arith.constant 16 : i32
        %mul3A_644 = arith.muli %scan3A_642, %mul3A_643 : i32
        %get3A = arith.constant 1 : i32
        %get3A_645 = arith.constant 0 : i32
        %get3A_646 = arith.index_cast %get3A : i32 to index
        %get3A_647 = arith.index_cast %get3A_645 : i32 to index
        %get3A_648 = arith.index_cast %mul3A_644 : i32 to index
        %get3A_649 = tpu.vector_load %arg16[%get3A_646, %get3A_647, %get3A_648] {strides = array<i32>} : memref<2x4x640xi32, #tpu.memory_space<vmem>>, vector<16xi32>,
        %mul3A_650 = arith.constant 32 : i32
        %mul3A_651 = vector.broadcast %mul3A_650 : i32 to vector<16xi32>
        %mul3A_652 = arith.muli %get3A_649, %mul3A_651 : vector<16xi32>
        %get3A_653 = arith.constant 1 : i32
        %get3A_654 = arith.constant 1 : i32
        %get3A_655 = arith.index_cast %get3A_653 : i32 to index
        %get3A_656 = arith.index_cast %get3A_654 : i32 to index
        %get3A_657 = arith.index_cast %mul3A_644 : i32 to index
        %get3A_658 = tpu.vector_load %arg16[%get3A_655, %get3A_656, %get3A_657] {strides = array<i32>} : memref<2x4x640xi32, #tpu.memory_space<vmem>>, vector<16xi32>,
        %get3A_659 = arith.constant 1 : i32
        %get3A_660 = arith.constant 2 : i32
        %get3A_661 = arith.index_cast %get3A_659 : i32 to index
        %get3A_662 = arith.index_cast %get3A_660 : i32 to index
        %get3A_663 = arith.index_cast %mul3A_644 : i32 to index
        %get3A_664 = tpu.vector_load %arg16[%get3A_661, %get3A_662, %get3A_663] {strides = array<i32>} : memref<2x4x640xi32, #tpu.memory_space<vmem>>, vector<16xi32>,
        %get3A_665 = arith.constant 1 : i32
        %get3A_666 = arith.constant 3 : i32
        %get3A_667 = arith.index_cast %get3A_665 : i32 to index
        %get3A_668 = arith.index_cast %get3A_666 : i32 to index
        %get3A_669 = arith.index_cast %mul3A_644 : i32 to index
        %get3A_670 = tpu.vector_load %arg16[%get3A_667, %get3A_668, %get3A_669] {strides = array<i32>} : memref<2x4x640xi32, #tpu.memory_space<vmem>>, vector<16xi32>,
        %mul3A_671 = arith.constant 16 : i32
        %mul3A_672 = vector.broadcast %mul3A_671 : i32 to vector<16xi32>
        %mul3A_673 = arith.muli %get3A_658, %mul3A_672 : vector<16xi32>
        %add3A_674 = arith.addi %mul3A_673, %get3A_664 : vector<16xi32>
        %mul3A_675 = arith.constant 9 : i32
        %mul3A_676 = vector.broadcast %mul3A_675 : i32 to vector<16xi32>
        %mul3A_677 = arith.muli %add3A_674, %mul3A_676 : vector<16xi32>
        %add3A_678 = arith.addi %mul3A_677, %get3A_670 : vector<16xi32>
        %mul3A_679 = arith.constant 32 : i32
        %mul3A_680 = vector.broadcast %mul3A_679 : i32 to vector<16xi32>
        %mul3A_681 = arith.muli %add3A_678, %mul3A_680 : vector<16xi32>
        %shift_right_arithmetic3A_682 = arith.constant 3 : i32
        %shift_right_arithmetic3A_683 = arith.shrsi %scan3A_642, %shift_right_arithmetic3A_682 : i32
        %and3A_684 = arith.constant 7 : i32
        %and3A_685 = arith.andi %scan3A_642, %and3A_684 : i32
        %mul3A_686 = arith.constant 16 : i32
        %mul3A_687 = arith.muli %and3A_685, %mul3A_686 : i32
        %broadcast_in_dim3A = vector.broadcast %shift_right_arithmetic3A_683 : i32 to vector<16xi32>
        %broadcast_in_dim3A_688 = arith.constant 0 : i32
        %broadcast_in_dim3A_689 = vector.broadcast %broadcast_in_dim3A_688 : i32 to vector<16xi32>
        %lt3A_690 = arith.constant 0 : i32
        %lt3A_691 = vector.broadcast %lt3A_690 : i32 to vector<16xi32>
        %lt3A_692 = arith.cmpi slt, %broadcast_in_dim3A_689, %lt3A_691 : vector<16xi32>
        %add3A_693 = arith.constant 16 : i32
        %add3A_694 = vector.broadcast %add3A_693 : i32 to vector<16xi32>
        %add3A_695 = arith.addi %broadcast_in_dim3A_689, %add3A_694 : vector<16xi32>
        %select_n3A_696 = arith.select %lt3A_692, %add3A_695, %broadcast_in_dim3A_689 : vector<16xi1>, vector<16xi32>
        %broadcast_in_dim3A_697 = vector.shape_cast %select_n3A_696 : vector<16xi32> to vector<16x1xi32>
        %gather3A = vector.shape_cast %broadcast_in_dim3A_697 : vector<16x1xi32> to vector<16xi32>
        %gather3A_698 = tpu.dynamic_gather %mul3A_652[%gather3A] in [0] : vector<16xi32>, vector<16xi32> -> vector<16xi32>
        %add3A_699 = arith.addi %gather3A_698, %iota3A : vector<16xi32>
        %lt3A_700 = arith.constant 0 : i32
        %lt3A_701 = vector.broadcast %lt3A_700 : i32 to vector<16xi32>
        %lt3A_702 = arith.cmpi slt, %broadcast_in_dim3A_689, %lt3A_701 : vector<16xi32>
        %add3A_703 = arith.constant 16 : i32
        %add3A_704 = vector.broadcast %add3A_703 : i32 to vector<16xi32>
        %add3A_705 = arith.addi %broadcast_in_dim3A_689, %add3A_704 : vector<16xi32>
        %select_n3A_706 = arith.select %lt3A_702, %add3A_705, %broadcast_in_dim3A_689 : vector<16xi1>, vector<16xi32>
        %broadcast_in_dim3A_707 = vector.shape_cast %select_n3A_706 : vector<16xi32> to vector<16x1xi32>
        %gather3A_708 = vector.shape_cast %broadcast_in_dim3A_707 : vector<16x1xi32> to vector<16xi32>
        %gather3A_709 = tpu.dynamic_gather %mul3A_681[%gather3A_708] in [0] : vector<16xi32>, vector<16xi32> -> vector<16xi32>
        %add3A_710 = arith.addi %gather3A_709, %iota3A : vector<16xi32>
        %gather3A_711 = tpu.vector_load_idx %arg11[%add3A_699] : memref<3968xf32, #tpu.memory_space<vmem>>[vector<16xi32>], vector<16xf32>,
        %gather3A_712 = tpu.vector_load_idx %arg15[%add3A_710] : memref<50688xf32, #tpu.memory_space<vmem>>[vector<16xi32>], vector<16xf32>,
        %add3A_713 = arith.constant 16 : i32
        %add3A_714 = vector.broadcast %add3A_713 : i32 to vector<16xi32>
        %add3A_715 = arith.addi %add3A_699, %add3A_714 : vector<16xi32>
        %gather3A_716 = tpu.vector_load_idx %arg11[%add3A_715] : memref<3968xf32, #tpu.memory_space<vmem>>[vector<16xi32>], vector<16xf32>,
        %add3A_717 = arith.constant 16 : i32
        %add3A_718 = vector.broadcast %add3A_717 : i32 to vector<16xi32>
        %add3A_719 = arith.addi %add3A_710, %add3A_718 : vector<16xi32>
        %gather3A_720 = tpu.vector_load_idx %arg15[%add3A_719] : memref<50688xf32, #tpu.memory_space<vmem>>[vector<16xi32>], vector<16xf32>,
        %broadcast_in_dim3A_721 = arith.constant 1 : i32
        %broadcast_in_dim3A_722 = vector.broadcast %broadcast_in_dim3A_721 : i32 to vector<16xi32>
        %lt3A_723 = arith.constant 0 : i32
        %lt3A_724 = vector.broadcast %lt3A_723 : i32 to vector<16xi32>
        %lt3A_725 = arith.cmpi slt, %broadcast_in_dim3A_722, %lt3A_724 : vector<16xi32>
        %add3A_726 = arith.constant 16 : i32
        %add3A_727 = vector.broadcast %add3A_726 : i32 to vector<16xi32>
        %add3A_728 = arith.addi %broadcast_in_dim3A_722, %add3A_727 : vector<16xi32>
        %select_n3A_729 = arith.select %lt3A_725, %add3A_728, %broadcast_in_dim3A_722 : vector<16xi1>, vector<16xi32>
        %broadcast_in_dim3A_730 = vector.shape_cast %select_n3A_729 : vector<16xi32> to vector<16x1xi32>
        %gather3A_731 = vector.shape_cast %broadcast_in_dim3A_730 : vector<16x1xi32> to vector<16xi32>
        %gather3A_732 = tpu.dynamic_gather %mul3A_652[%gather3A_731] in [0] : vector<16xi32>, vector<16xi32> -> vector<16xi32>
        %add3A_733 = arith.addi %gather3A_732, %iota3A : vector<16xi32>
        %lt3A_734 = arith.constant 0 : i32
        %lt3A_735 = vector.broadcast %lt3A_734 : i32 to vector<16xi32>
        %lt3A_736 = arith.cmpi slt, %broadcast_in_dim3A_722, %lt3A_735 : vector<16xi32>
        %add3A_737 = arith.constant 16 : i32
        %add3A_738 = vector.broadcast %add3A_737 : i32 to vector<16xi32>
        %add3A_739 = arith.addi %broadcast_in_dim3A_722, %add3A_738 : vector<16xi32>
        %select_n3A_740 = arith.select %lt3A_736, %add3A_739, %broadcast_in_dim3A_722 : vector<16xi1>, vector<16xi32>
        %broadcast_in_dim3A_741 = vector.shape_cast %select_n3A_740 : vector<16xi32> to vector<16x1xi32>
        %gather3A_742 = vector.shape_cast %broadcast_in_dim3A_741 : vector<16x1xi32> to vector<16xi32>
        %gather3A_743 = tpu.dynamic_gather %mul3A_681[%gather3A_742] in [0] : vector<16xi32>, vector<16xi32> -> vector<16xi32>
        %add3A_744 = arith.addi %gather3A_743, %iota3A : vector<16xi32>
        %gather3A_745 = tpu.vector_load_idx %arg11[%add3A_733] : memref<3968xf32, #tpu.memory_space<vmem>>[vector<16xi32>], vector<16xf32>,
        %gather3A_746 = tpu.vector_load_idx %arg15[%add3A_744] : memref<50688xf32, #tpu.memory_space<vmem>>[vector<16xi32>], vector<16xf32>,
        %add3A_747 = arith.constant 16 : i32
        %add3A_748 = vector.broadcast %add3A_747 : i32 to vector<16xi32>
        %add3A_749 = arith.addi %add3A_733, %add3A_748 : vector<16xi32>
        %gather3A_750 = tpu.vector_load_idx %arg11[%add3A_749] : memref<3968xf32, #tpu.memory_space<vmem>>[vector<16xi32>], vector<16xf32>,
        %add3A_751 = arith.constant 16 : i32
        %add3A_752 = vector.broadcast %add3A_751 : i32 to vector<16xi32>
        %add3A_753 = arith.addi %add3A_744, %add3A_752 : vector<16xi32>
        %gather3A_754 = tpu.vector_load_idx %arg15[%add3A_753] : memref<50688xf32, #tpu.memory_space<vmem>>[vector<16xi32>], vector<16xf32>,
        %broadcast_in_dim3A_755 = arith.constant 2 : i32
        %broadcast_in_dim3A_756 = vector.broadcast %broadcast_in_dim3A_755 : i32 to vector<16xi32>
        %lt3A_757 = arith.constant 0 : i32
        %lt3A_758 = vector.broadcast %lt3A_757 : i32 to vector<16xi32>
        %lt3A_759 = arith.cmpi slt, %broadcast_in_dim3A_756, %lt3A_758 : vector<16xi32>
        %add3A_760 = arith.constant 16 : i32
        %add3A_761 = vector.broadcast %add3A_760 : i32 to vector<16xi32>
        %add3A_762 = arith.addi %broadcast_in_dim3A_756, %add3A_761 : vector<16xi32>
        %select_n3A_763 = arith.select %lt3A_759, %add3A_762, %broadcast_in_dim3A_756 : vector<16xi1>, vector<16xi32>
        %broadcast_in_dim3A_764 = vector.shape_cast %select_n3A_763 : vector<16xi32> to vector<16x1xi32>
        %gather3A_765 = vector.shape_cast %broadcast_in_dim3A_764 : vector<16x1xi32> to vector<16xi32>
        %gather3A_766 = tpu.dynamic_gather %mul3A_652[%gather3A_765] in [0] : vector<16xi32>, vector<16xi32> -> vector<16xi32>
        %add3A_767 = arith.addi %gather3A_766, %iota3A : vector<16xi32>
        %lt3A_768 = arith.constant 0 : i32
        %lt3A_769 = vector.broadcast %lt3A_768 : i32 to vector<16xi32>
        %lt3A_770 = arith.cmpi slt, %broadcast_in_dim3A_756, %lt3A_769 : vector<16xi32>
        %add3A_771 = arith.constant 16 : i32
        %add3A_772 = vector.broadcast %add3A_771 : i32 to vector<16xi32>
        %add3A_773 = arith.addi %broadcast_in_dim3A_756, %add3A_772 : vector<16xi32>
        %select_n3A_774 = arith.select %lt3A_770, %add3A_773, %broadcast_in_dim3A_756 : vector<16xi1>, vector<16xi32>
        %broadcast_in_dim3A_775 = vector.shape_cast %select_n3A_774 : vector<16xi32> to vector<16x1xi32>
        %gather3A_776 = vector.shape_cast %broadcast_in_dim3A_775 : vector<16x1xi32> to vector<16xi32>
        %gather3A_777 = tpu.dynamic_gather %mul3A_681[%gather3A_776] in [0] : vector<16xi32>, vector<16xi32> -> vector<16xi32>
        %add3A_778 = arith.addi %gather3A_777, %iota3A : vector<16xi32>
        %gather3A_779 = tpu.vector_load_idx %arg11[%add3A_767] : memref<3968xf32, #tpu.memory_space<vmem>>[vector<16xi32>], vector<16xf32>,
        %gather3A_780 = tpu.vector_load_idx %arg15[%add3A_778] : memref<50688xf32, #tpu.memory_space<vmem>>[vector<16xi32>], vector<16xf32>,
        %add3A_781 = arith.constant 16 : i32
        %add3A_782 = vector.broadcast %add3A_781 : i32 to vector<16xi32>
        %add3A_783 = arith.addi %add3A_767, %add3A_782 : vector<16xi32>
        %gather3A_784 = tpu.vector_load_idx %arg11[%add3A_783] : memref<3968xf32, #tpu.memory_space<vmem>>[vector<16xi32>], vector<16xf32>,
        %add3A_785 = arith.constant 16 : i32
        %add3A_786 = vector.broadcast %add3A_785 : i32 to vector<16xi32>
        %add3A_787 = arith.addi %add3A_778, %add3A_786 : vector<16xi32>
        %gather3A_788 = tpu.vector_load_idx %arg15[%add3A_787] : memref<50688xf32, #tpu.memory_space<vmem>>[vector<16xi32>], vector<16xf32>,
        %add3A_789 = arith.constant 0 : i32
        %add3A_790 = arith.addi %mul3A_687, %add3A_789 : i32
        %broadcast_in_dim3A_791 = vector.broadcast %add3A_790 : i32 to vector<16xi32>
        %add3A_792 = arith.addf %gather3A_711, %gather3A_712 : vector<16xf32>
        %scatter3A = arith.constant 0 : i32
        %scatter3A_793 = arith.constant 0 : i32
        %scatter3A_794 = arith.constant 0 : i32
        %scatter3A_795 = arith.constant 0 : i32
        %scatter3A_796 = tpu.memref_slice %arg17[%scan3A_520, %scatter3A, %scatter3A_793, %scatter3A_794, %scatter3A_795] : memref<2x4x5x8x129xf32, #tpu.memory_space<vmem>> -> memref<1x4x5x8x129xf32, #tpu.memory_space<vmem>>
        %scatter3A_797 = tpu.memref_squeeze %scatter3A_796 : memref<1x4x5x8x129xf32, #tpu.memory_space<vmem>> -> memref<4x5x8x129xf32, #tpu.memory_space<vmem>>
        tpu.vector_store_idx %scatter3A_797[%shift_right_arithmetic3A_9, %broadcast_in_dim3A, %and3A_14, %broadcast_in_dim3A_791], %add3A_792 : memref<4x5x8x129xf32, #tpu.memory_space<vmem>>[vector<16xi32>, vector<16xi32>, vector<16xi32>, vector<16xi32>], vector<16xf32>,
        %add3A_798 = arith.addf %gather3A_716, %gather3A_720 : vector<16xf32>
        %scatter3A_799 = arith.constant 0 : i32
        %scatter3A_800 = arith.constant 0 : i32
        %scatter3A_801 = arith.constant 0 : i32
        %scatter3A_802 = arith.constant 0 : i32
        %scatter3A_803 = tpu.memref_slice %arg17[%scan3A_520, %scatter3A_799, %scatter3A_800, %scatter3A_801, %scatter3A_802] : memref<2x4x5x8x129xf32, #tpu.memory_space<vmem>> -> memref<1x4x5x8x129xf32, #tpu.memory_space<vmem>>
        %scatter3A_804 = tpu.memref_squeeze %scatter3A_803 : memref<1x4x5x8x129xf32, #tpu.memory_space<vmem>> -> memref<4x5x8x129xf32, #tpu.memory_space<vmem>>
        tpu.vector_store_idx %scatter3A_804[%add3A_12, %broadcast_in_dim3A, %and3A_14, %broadcast_in_dim3A_791], %add3A_798 : memref<4x5x8x129xf32, #tpu.memory_space<vmem>>[vector<16xi32>, vector<16xi32>, vector<16xi32>, vector<16xi32>], vector<16xf32>,
        %broadcast_in_dim3A_805 = arith.constant 3 : i32
        %broadcast_in_dim3A_806 = vector.broadcast %broadcast_in_dim3A_805 : i32 to vector<16xi32>
        %lt3A_807 = arith.constant 0 : i32
        %lt3A_808 = vector.broadcast %lt3A_807 : i32 to vector<16xi32>
        %lt3A_809 = arith.cmpi slt, %broadcast_in_dim3A_806, %lt3A_808 : vector<16xi32>
        %add3A_810 = arith.constant 16 : i32
        %add3A_811 = vector.broadcast %add3A_810 : i32 to vector<16xi32>
        %add3A_812 = arith.addi %broadcast_in_dim3A_806, %add3A_811 : vector<16xi32>
        %select_n3A_813 = arith.select %lt3A_809, %add3A_812, %broadcast_in_dim3A_806 : vector<16xi1>, vector<16xi32>
        %broadcast_in_dim3A_814 = vector.shape_cast %select_n3A_813 : vector<16xi32> to vector<16x1xi32>
        %gather3A_815 = vector.shape_cast %broadcast_in_dim3A_814 : vector<16x1xi32> to vector<16xi32>
        %gather3A_816 = tpu.dynamic_gather %mul3A_652[%gather3A_815] in [0] : vector<16xi32>, vector<16xi32> -> vector<16xi32>
        %add3A_817 = arith.addi %gather3A_816, %iota3A : vector<16xi32>
        %lt3A_818 = arith.constant 0 : i32
        %lt3A_819 = vector.broadcast %lt3A_818 : i32 to vector<16xi32>
        %lt3A_820 = arith.cmpi slt, %broadcast_in_dim3A_806, %lt3A_819 : vector<16xi32>
        %add3A_821 = arith.constant 16 : i32
        %add3A_822 = vector.broadcast %add3A_821 : i32 to vector<16xi32>
        %add3A_823 = arith.addi %broadcast_in_dim3A_806, %add3A_822 : vector<16xi32>
        %select_n3A_824 = arith.select %lt3A_820, %add3A_823, %broadcast_in_dim3A_806 : vector<16xi1>, vector<16xi32>
        %broadcast_in_dim3A_825 = vector.shape_cast %select_n3A_824 : vector<16xi32> to vector<16x1xi32>
        %gather3A_826 = vector.shape_cast %broadcast_in_dim3A_825 : vector<16x1xi32> to vector<16xi32>
        %gather3A_827 = tpu.dynamic_gather %mul3A_681[%gather3A_826] in [0] : vector<16xi32>, vector<16xi32> -> vector<16xi32>
        %add3A_828 = arith.addi %gather3A_827, %iota3A : vector<16xi32>
        %gather3A_829 = tpu.vector_load_idx %arg11[%add3A_817] : memref<3968xf32, #tpu.memory_space<vmem>>[vector<16xi32>], vector<16xf32>,
        %gather3A_830 = tpu.vector_load_idx %arg15[%add3A_828] : memref<50688xf32, #tpu.memory_space<vmem>>[vector<16xi32>], vector<16xf32>,
        %add3A_831 = arith.constant 16 : i32
        %add3A_832 = vector.broadcast %add3A_831 : i32 to vector<16xi32>
        %add3A_833 = arith.addi %add3A_817, %add3A_832 : vector<16xi32>
        %gather3A_834 = tpu.vector_load_idx %arg11[%add3A_833] : memref<3968xf32, #tpu.memory_space<vmem>>[vector<16xi32>], vector<16xf32>,
        %add3A_835 = arith.constant 16 : i32
        %add3A_836 = vector.broadcast %add3A_835 : i32 to vector<16xi32>
        %add3A_837 = arith.addi %add3A_828, %add3A_836 : vector<16xi32>
        %gather3A_838 = tpu.vector_load_idx %arg15[%add3A_837] : memref<50688xf32, #tpu.memory_space<vmem>>[vector<16xi32>], vector<16xf32>,
        %add3A_839 = arith.constant 1 : i32
        %add3A_840 = arith.addi %mul3A_687, %add3A_839 : i32
        %broadcast_in_dim3A_841 = vector.broadcast %add3A_840 : i32 to vector<16xi32>
        %add3A_842 = arith.addf %gather3A_745, %gather3A_746 : vector<16xf32>
        %scatter3A_843 = arith.constant 0 : i32
        %scatter3A_844 = arith.constant 0 : i32
        %scatter3A_845 = arith.constant 0 : i32
        %scatter3A_846 = arith.constant 0 : i32
        %scatter3A_847 = tpu.memref_slice %arg17[%scan3A_520, %scatter3A_843, %scatter3A_844, %scatter3A_845, %scatter3A_846] : memref<2x4x5x8x129xf32, #tpu.memory_space<vmem>> -> memref<1x4x5x8x129xf32, #tpu.memory_space<vmem>>
        %scatter3A_848 = tpu.memref_squeeze %scatter3A_847 : memref<1x4x5x8x129xf32, #tpu.memory_space<vmem>> -> memref<4x5x8x129xf32, #tpu.memory_space<vmem>>
        tpu.vector_store_idx %scatter3A_848[%shift_right_arithmetic3A_9, %broadcast_in_dim3A, %and3A_14, %broadcast_in_dim3A_841], %add3A_842 : memref<4x5x8x129xf32, #tpu.memory_space<vmem>>[vector<16xi32>, vector<16xi32>, vector<16xi32>, vector<16xi32>], vector<16xf32>,
        %add3A_849 = arith.addf %gather3A_750, %gather3A_754 : vector<16xf32>
        %scatter3A_850 = arith.constant 0 : i32
        %scatter3A_851 = arith.constant 0 : i32
        %scatter3A_852 = arith.constant 0 : i32
        %scatter3A_853 = arith.constant 0 : i32
        %scatter3A_854 = tpu.memref_slice %arg17[%scan3A_520, %scatter3A_850, %scatter3A_851, %scatter3A_852, %scatter3A_853] : memref<2x4x5x8x129xf32, #tpu.memory_space<vmem>> -> memref<1x4x5x8x129xf32, #tpu.memory_space<vmem>>
        %scatter3A_855 = tpu.memref_squeeze %scatter3A_854 : memref<1x4x5x8x129xf32, #tpu.memory_space<vmem>> -> memref<4x5x8x129xf32, #tpu.memory_space<vmem>>
        tpu.vector_store_idx %scatter3A_855[%add3A_12, %broadcast_in_dim3A, %and3A_14, %broadcast_in_dim3A_841], %add3A_849 : memref<4x5x8x129xf32, #tpu.memory_space<vmem>>[vector<16xi32>, vector<16xi32>, vector<16xi32>, vector<16xi32>], vector<16xf32>,
        %broadcast_in_dim3A_856 = arith.constant 4 : i32
        %broadcast_in_dim3A_857 = vector.broadcast %broadcast_in_dim3A_856 : i32 to vector<16xi32>
        %lt3A_858 = arith.constant 0 : i32
        %lt3A_859 = vector.broadcast %lt3A_858 : i32 to vector<16xi32>
        %lt3A_860 = arith.cmpi slt, %broadcast_in_dim3A_857, %lt3A_859 : vector<16xi32>
        %add3A_861 = arith.constant 16 : i32
        %add3A_862 = vector.broadcast %add3A_861 : i32 to vector<16xi32>
        %add3A_863 = arith.addi %broadcast_in_dim3A_857, %add3A_862 : vector<16xi32>
        %select_n3A_864 = arith.select %lt3A_860, %add3A_863, %broadcast_in_dim3A_857 : vector<16xi1>, vector<16xi32>
        %broadcast_in_dim3A_865 = vector.shape_cast %select_n3A_864 : vector<16xi32> to vector<16x1xi32>
        %gather3A_866 = vector.shape_cast %broadcast_in_dim3A_865 : vector<16x1xi32> to vector<16xi32>
        %gather3A_867 = tpu.dynamic_gather %mul3A_652[%gather3A_866] in [0] : vector<16xi32>, vector<16xi32> -> vector<16xi32>
        %add3A_868 = arith.addi %gather3A_867, %iota3A : vector<16xi32>
        %lt3A_869 = arith.constant 0 : i32
        %lt3A_870 = vector.broadcast %lt3A_869 : i32 to vector<16xi32>
        %lt3A_871 = arith.cmpi slt, %broadcast_in_dim3A_857, %lt3A_870 : vector<16xi32>
        %add3A_872 = arith.constant 16 : i32
        %add3A_873 = vector.broadcast %add3A_872 : i32 to vector<16xi32>
        %add3A_874 = arith.addi %broadcast_in_dim3A_857, %add3A_873 : vector<16xi32>
        %select_n3A_875 = arith.select %lt3A_871, %add3A_874, %broadcast_in_dim3A_857 : vector<16xi1>, vector<16xi32>
        %broadcast_in_dim3A_876 = vector.shape_cast %select_n3A_875 : vector<16xi32> to vector<16x1xi32>
        %gather3A_877 = vector.shape_cast %broadcast_in_dim3A_876 : vector<16x1xi32> to vector<16xi32>
        %gather3A_878 = tpu.dynamic_gather %mul3A_681[%gather3A_877] in [0] : vector<16xi32>, vector<16xi32> -> vector<16xi32>
        %add3A_879 = arith.addi %gather3A_878, %iota3A : vector<16xi32>
        %gather3A_880 = tpu.vector_load_idx %arg11[%add3A_868] : memref<3968xf32, #tpu.memory_space<vmem>>[vector<16xi32>], vector<16xf32>,
        %gather3A_881 = tpu.vector_load_idx %arg15[%add3A_879] : memref<50688xf32, #tpu.memory_space<vmem>>[vector<16xi32>], vector<16xf32>,
        %add3A_882 = arith.constant 16 : i32
        %add3A_883 = vector.broadcast %add3A_882 : i32 to vector<16xi32>
        %add3A_884 = arith.addi %add3A_868, %add3A_883 : vector<16xi32>
        %gather3A_885 = tpu.vector_load_idx %arg11[%add3A_884] : memref<3968xf32, #tpu.memory_space<vmem>>[vector<16xi32>], vector<16xf32>,
        %add3A_886 = arith.constant 16 : i32
        %add3A_887 = vector.broadcast %add3A_886 : i32 to vector<16xi32>
        %add3A_888 = arith.addi %add3A_879, %add3A_887 : vector<16xi32>
        %gather3A_889 = tpu.vector_load_idx %arg15[%add3A_888] : memref<50688xf32, #tpu.memory_space<vmem>>[vector<16xi32>], vector<16xf32>,
        %add3A_890 = arith.constant 2 : i32
        %add3A_891 = arith.addi %mul3A_687, %add3A_890 : i32
        %broadcast_in_dim3A_892 = vector.broadcast %add3A_891 : i32 to vector<16xi32>
        %add3A_893 = arith.addf %gather3A_779, %gather3A_780 : vector<16xf32>
        %scatter3A_894 = arith.constant 0 : i32
        %scatter3A_895 = arith.constant 0 : i32
        %scatter3A_896 = arith.constant 0 : i32
        %scatter3A_897 = arith.constant 0 : i32
        %scatter3A_898 = tpu.memref_slice %arg17[%scan3A_520, %scatter3A_894, %scatter3A_895, %scatter3A_896, %scatter3A_897] : memref<2x4x5x8x129xf32, #tpu.memory_space<vmem>> -> memref<1x4x5x8x129xf32, #tpu.memory_space<vmem>>
        %scatter3A_899 = tpu.memref_squeeze %scatter3A_898 : memref<1x4x5x8x129xf32, #tpu.memory_space<vmem>> -> memref<4x5x8x129xf32, #tpu.memory_space<vmem>>
        tpu.vector_store_idx %scatter3A_899[%shift_right_arithmetic3A_9, %broadcast_in_dim3A, %and3A_14, %broadcast_in_dim3A_892], %add3A_893 : memref<4x5x8x129xf32, #tpu.memory_space<vmem>>[vector<16xi32>, vector<16xi32>, vector<16xi32>, vector<16xi32>], vector<16xf32>,
        %add3A_900 = arith.addf %gather3A_784, %gather3A_788 : vector<16xf32>
        %scatter3A_901 = arith.constant 0 : i32
        %scatter3A_902 = arith.constant 0 : i32
        %scatter3A_903 = arith.constant 0 : i32
        %scatter3A_904 = arith.constant 0 : i32
        %scatter3A_905 = tpu.memref_slice %arg17[%scan3A_520, %scatter3A_901, %scatter3A_902, %scatter3A_903, %scatter3A_904] : memref<2x4x5x8x129xf32, #tpu.memory_space<vmem>> -> memref<1x4x5x8x129xf32, #tpu.memory_space<vmem>>
        %scatter3A_906 = tpu.memref_squeeze %scatter3A_905 : memref<1x4x5x8x129xf32, #tpu.memory_space<vmem>> -> memref<4x5x8x129xf32, #tpu.memory_space<vmem>>
        tpu.vector_store_idx %scatter3A_906[%add3A_12, %broadcast_in_dim3A, %and3A_14, %broadcast_in_dim3A_892], %add3A_900 : memref<4x5x8x129xf32, #tpu.memory_space<vmem>>[vector<16xi32>, vector<16xi32>, vector<16xi32>, vector<16xi32>], vector<16xf32>,
        %broadcast_in_dim3A_907 = arith.constant 5 : i32
        %broadcast_in_dim3A_908 = vector.broadcast %broadcast_in_dim3A_907 : i32 to vector<16xi32>
        %lt3A_909 = arith.constant 0 : i32
        %lt3A_910 = vector.broadcast %lt3A_909 : i32 to vector<16xi32>
        %lt3A_911 = arith.cmpi slt, %broadcast_in_dim3A_908, %lt3A_910 : vector<16xi32>
        %add3A_912 = arith.constant 16 : i32
        %add3A_913 = vector.broadcast %add3A_912 : i32 to vector<16xi32>
        %add3A_914 = arith.addi %broadcast_in_dim3A_908, %add3A_913 : vector<16xi32>
        %select_n3A_915 = arith.select %lt3A_911, %add3A_914, %broadcast_in_dim3A_908 : vector<16xi1>, vector<16xi32>
        %broadcast_in_dim3A_916 = vector.shape_cast %select_n3A_915 : vector<16xi32> to vector<16x1xi32>
        %gather3A_917 = vector.shape_cast %broadcast_in_dim3A_916 : vector<16x1xi32> to vector<16xi32>
        %gather3A_918 = tpu.dynamic_gather %mul3A_652[%gather3A_917] in [0] : vector<16xi32>, vector<16xi32> -> vector<16xi32>
        %add3A_919 = arith.addi %gather3A_918, %iota3A : vector<16xi32>
        %lt3A_920 = arith.constant 0 : i32
        %lt3A_921 = vector.broadcast %lt3A_920 : i32 to vector<16xi32>
        %lt3A_922 = arith.cmpi slt, %broadcast_in_dim3A_908, %lt3A_921 : vector<16xi32>
        %add3A_923 = arith.constant 16 : i32
        %add3A_924 = vector.broadcast %add3A_923 : i32 to vector<16xi32>
        %add3A_925 = arith.addi %broadcast_in_dim3A_908, %add3A_924 : vector<16xi32>
        %select_n3A_926 = arith.select %lt3A_922, %add3A_925, %broadcast_in_dim3A_908 : vector<16xi1>, vector<16xi32>
        %broadcast_in_dim3A_927 = vector.shape_cast %select_n3A_926 : vector<16xi32> to vector<16x1xi32>
        %gather3A_928 = vector.shape_cast %broadcast_in_dim3A_927 : vector<16x1xi32> to vector<16xi32>
        %gather3A_929 = tpu.dynamic_gather %mul3A_681[%gather3A_928] in [0] : vector<16xi32>, vector<16xi32> -> vector<16xi32>
        %add3A_930 = arith.addi %gather3A_929, %iota3A : vector<16xi32>
        %gather3A_931 = tpu.vector_load_idx %arg11[%add3A_919] : memref<3968xf32, #tpu.memory_space<vmem>>[vector<16xi32>], vector<16xf32>,
        %gather3A_932 = tpu.vector_load_idx %arg15[%add3A_930] : memref<50688xf32, #tpu.memory_space<vmem>>[vector<16xi32>], vector<16xf32>,
        %add3A_933 = arith.constant 16 : i32
        %add3A_934 = vector.broadcast %add3A_933 : i32 to vector<16xi32>
        %add3A_935 = arith.addi %add3A_919, %add3A_934 : vector<16xi32>
        %gather3A_936 = tpu.vector_load_idx %arg11[%add3A_935] : memref<3968xf32, #tpu.memory_space<vmem>>[vector<16xi32>], vector<16xf32>,
        %add3A_937 = arith.constant 16 : i32
        %add3A_938 = vector.broadcast %add3A_937 : i32 to vector<16xi32>
        %add3A_939 = arith.addi %add3A_930, %add3A_938 : vector<16xi32>
        %gather3A_940 = tpu.vector_load_idx %arg15[%add3A_939] : memref<50688xf32, #tpu.memory_space<vmem>>[vector<16xi32>], vector<16xf32>,
        %add3A_941 = arith.constant 3 : i32
        %add3A_942 = arith.addi %mul3A_687, %add3A_941 : i32
        %broadcast_in_dim3A_943 = vector.broadcast %add3A_942 : i32 to vector<16xi32>
        %add3A_944 = arith.addf %gather3A_829, %gather3A_830 : vector<16xf32>
        %scatter3A_945 = arith.constant 0 : i32
        %scatter3A_946 = arith.constant 0 : i32
        %scatter3A_947 = arith.constant 0 : i32
        %scatter3A_948 = arith.constant 0 : i32
        %scatter3A_949 = tpu.memref_slice %arg17[%scan3A_520, %scatter3A_945, %scatter3A_946, %scatter3A_947, %scatter3A_948] : memref<2x4x5x8x129xf32, #tpu.memory_space<vmem>> -> memref<1x4x5x8x129xf32, #tpu.memory_space<vmem>>
        %scatter3A_950 = tpu.memref_squeeze %scatter3A_949 : memref<1x4x5x8x129xf32, #tpu.memory_space<vmem>> -> memref<4x5x8x129xf32, #tpu.memory_space<vmem>>
        tpu.vector_store_idx %scatter3A_950[%shift_right_arithmetic3A_9, %broadcast_in_dim3A, %and3A_14, %broadcast_in_dim3A_943], %add3A_944 : memref<4x5x8x129xf32, #tpu.memory_space<vmem>>[vector<16xi32>, vector<16xi32>, vector<16xi32>, vector<16xi32>], vector<16xf32>,
        %add3A_951 = arith.addf %gather3A_834, %gather3A_838 : vector<16xf32>
        %scatter3A_952 = arith.constant 0 : i32
        %scatter3A_953 = arith.constant 0 : i32
        %scatter3A_954 = arith.constant 0 : i32
        %scatter3A_955 = arith.constant 0 : i32
        %scatter3A_956 = tpu.memref_slice %arg17[%scan3A_520, %scatter3A_952, %scatter3A_953, %scatter3A_954, %scatter3A_955] : memref<2x4x5x8x129xf32, #tpu.memory_space<vmem>> -> memref<1x4x5x8x129xf32, #tpu.memory_space<vmem>>
        %scatter3A_957 = tpu.memref_squeeze %scatter3A_956 : memref<1x4x5x8x129xf32, #tpu.memory_space<vmem>> -> memref<4x5x8x129xf32, #tpu.memory_space<vmem>>
        tpu.vector_store_idx %scatter3A_957[%add3A_12, %broadcast_in_dim3A, %and3A_14, %broadcast_in_dim3A_943], %add3A_951 : memref<4x5x8x129xf32, #tpu.memory_space<vmem>>[vector<16xi32>, vector<16xi32>, vector<16xi32>, vector<16xi32>], vector<16xf32>,
        %broadcast_in_dim3A_958 = arith.constant 6 : i32
        %broadcast_in_dim3A_959 = vector.broadcast %broadcast_in_dim3A_958 : i32 to vector<16xi32>
        %lt3A_960 = arith.constant 0 : i32
        %lt3A_961 = vector.broadcast %lt3A_960 : i32 to vector<16xi32>
        %lt3A_962 = arith.cmpi slt, %broadcast_in_dim3A_959, %lt3A_961 : vector<16xi32>
        %add3A_963 = arith.constant 16 : i32
        %add3A_964 = vector.broadcast %add3A_963 : i32 to vector<16xi32>
        %add3A_965 = arith.addi %broadcast_in_dim3A_959, %add3A_964 : vector<16xi32>
        %select_n3A_966 = arith.select %lt3A_962, %add3A_965, %broadcast_in_dim3A_959 : vector<16xi1>, vector<16xi32>
        %broadcast_in_dim3A_967 = vector.shape_cast %select_n3A_966 : vector<16xi32> to vector<16x1xi32>
        %gather3A_968 = vector.shape_cast %broadcast_in_dim3A_967 : vector<16x1xi32> to vector<16xi32>
        %gather3A_969 = tpu.dynamic_gather %mul3A_652[%gather3A_968] in [0] : vector<16xi32>, vector<16xi32> -> vector<16xi32>
        %add3A_970 = arith.addi %gather3A_969, %iota3A : vector<16xi32>
        %lt3A_971 = arith.constant 0 : i32
        %lt3A_972 = vector.broadcast %lt3A_971 : i32 to vector<16xi32>
        %lt3A_973 = arith.cmpi slt, %broadcast_in_dim3A_959, %lt3A_972 : vector<16xi32>
        %add3A_974 = arith.constant 16 : i32
        %add3A_975 = vector.broadcast %add3A_974 : i32 to vector<16xi32>
        %add3A_976 = arith.addi %broadcast_in_dim3A_959, %add3A_975 : vector<16xi32>
        %select_n3A_977 = arith.select %lt3A_973, %add3A_976, %broadcast_in_dim3A_959 : vector<16xi1>, vector<16xi32>
        %broadcast_in_dim3A_978 = vector.shape_cast %select_n3A_977 : vector<16xi32> to vector<16x1xi32>
        %gather3A_979 = vector.shape_cast %broadcast_in_dim3A_978 : vector<16x1xi32> to vector<16xi32>
        %gather3A_980 = tpu.dynamic_gather %mul3A_681[%gather3A_979] in [0] : vector<16xi32>, vector<16xi32> -> vector<16xi32>
        %add3A_981 = arith.addi %gather3A_980, %iota3A : vector<16xi32>
        %gather3A_982 = tpu.vector_load_idx %arg11[%add3A_970] : memref<3968xf32, #tpu.memory_space<vmem>>[vector<16xi32>], vector<16xf32>,
        %gather3A_983 = tpu.vector_load_idx %arg15[%add3A_981] : memref<50688xf32, #tpu.memory_space<vmem>>[vector<16xi32>], vector<16xf32>,
        %add3A_984 = arith.constant 16 : i32
        %add3A_985 = vector.broadcast %add3A_984 : i32 to vector<16xi32>
        %add3A_986 = arith.addi %add3A_970, %add3A_985 : vector<16xi32>
        %gather3A_987 = tpu.vector_load_idx %arg11[%add3A_986] : memref<3968xf32, #tpu.memory_space<vmem>>[vector<16xi32>], vector<16xf32>,
        %add3A_988 = arith.constant 16 : i32
        %add3A_989 = vector.broadcast %add3A_988 : i32 to vector<16xi32>
        %add3A_990 = arith.addi %add3A_981, %add3A_989 : vector<16xi32>
        %gather3A_991 = tpu.vector_load_idx %arg15[%add3A_990] : memref<50688xf32, #tpu.memory_space<vmem>>[vector<16xi32>], vector<16xf32>,
        %add3A_992 = arith.constant 4 : i32
        %add3A_993 = arith.addi %mul3A_687, %add3A_992 : i32
        %broadcast_in_dim3A_994 = vector.broadcast %add3A_993 : i32 to vector<16xi32>
        %add3A_995 = arith.addf %gather3A_880, %gather3A_881 : vector<16xf32>
        %scatter3A_996 = arith.constant 0 : i32
        %scatter3A_997 = arith.constant 0 : i32
        %scatter3A_998 = arith.constant 0 : i32
        %scatter3A_999 = arith.constant 0 : i32
        %scatter3A_1000 = tpu.memref_slice %arg17[%scan3A_520, %scatter3A_996, %scatter3A_997, %scatter3A_998, %scatter3A_999] : memref<2x4x5x8x129xf32, #tpu.memory_space<vmem>> -> memref<1x4x5x8x129xf32, #tpu.memory_space<vmem>>
        %scatter3A_1001 = tpu.memref_squeeze %scatter3A_1000 : memref<1x4x5x8x129xf32, #tpu.memory_space<vmem>> -> memref<4x5x8x129xf32, #tpu.memory_space<vmem>>
        tpu.vector_store_idx %scatter3A_1001[%shift_right_arithmetic3A_9, %broadcast_in_dim3A, %and3A_14, %broadcast_in_dim3A_994], %add3A_995 : memref<4x5x8x129xf32, #tpu.memory_space<vmem>>[vector<16xi32>, vector<16xi32>, vector<16xi32>, vector<16xi32>], vector<16xf32>,
        %add3A_1002 = arith.addf %gather3A_885, %gather3A_889 : vector<16xf32>
        %scatter3A_1003 = arith.constant 0 : i32
        %scatter3A_1004 = arith.constant 0 : i32
        %scatter3A_1005 = arith.constant 0 : i32
        %scatter3A_1006 = arith.constant 0 : i32
        %scatter3A_1007 = tpu.memref_slice %arg17[%scan3A_520, %scatter3A_1003, %scatter3A_1004, %scatter3A_1005, %scatter3A_1006] : memref<2x4x5x8x129xf32, #tpu.memory_space<vmem>> -> memref<1x4x5x8x129xf32, #tpu.memory_space<vmem>>
        %scatter3A_1008 = tpu.memref_squeeze %scatter3A_1007 : memref<1x4x5x8x129xf32, #tpu.memory_space<vmem>> -> memref<4x5x8x129xf32, #tpu.memory_space<vmem>>
        tpu.vector_store_idx %scatter3A_1008[%add3A_12, %broadcast_in_dim3A, %and3A_14, %broadcast_in_dim3A_994], %add3A_1002 : memref<4x5x8x129xf32, #tpu.memory_space<vmem>>[vector<16xi32>, vector<16xi32>, vector<16xi32>, vector<16xi32>], vector<16xf32>,
        %broadcast_in_dim3A_1009 = arith.constant 7 : i32
        %broadcast_in_dim3A_1010 = vector.broadcast %broadcast_in_dim3A_1009 : i32 to vector<16xi32>
        %lt3A_1011 = arith.constant 0 : i32
        %lt3A_1012 = vector.broadcast %lt3A_1011 : i32 to vector<16xi32>
        %lt3A_1013 = arith.cmpi slt, %broadcast_in_dim3A_1010, %lt3A_1012 : vector<16xi32>
        %add3A_1014 = arith.constant 16 : i32
        %add3A_1015 = vector.broadcast %add3A_1014 : i32 to vector<16xi32>
        %add3A_1016 = arith.addi %broadcast_in_dim3A_1010, %add3A_1015 : vector<16xi32>
        %select_n3A_1017 = arith.select %lt3A_1013, %add3A_1016, %broadcast_in_dim3A_1010 : vector<16xi1>, vector<16xi32>
        %broadcast_in_dim3A_1018 = vector.shape_cast %select_n3A_1017 : vector<16xi32> to vector<16x1xi32>
        %gather3A_1019 = vector.shape_cast %broadcast_in_dim3A_1018 : vector<16x1xi32> to vector<16xi32>
        %gather3A_1020 = tpu.dynamic_gather %mul3A_652[%gather3A_1019] in [0] : vector<16xi32>, vector<16xi32> -> vector<16xi32>
        %add3A_1021 = arith.addi %gather3A_1020, %iota3A : vector<16xi32>
        %lt3A_1022 = arith.constant 0 : i32
        %lt3A_1023 = vector.broadcast %lt3A_1022 : i32 to vector<16xi32>
        %lt3A_1024 = arith.cmpi slt, %broadcast_in_dim3A_1010, %lt3A_1023 : vector<16xi32>
        %add3A_1025 = arith.constant 16 : i32
        %add3A_1026 = vector.broadcast %add3A_1025 : i32 to vector<16xi32>
        %add3A_1027 = arith.addi %broadcast_in_dim3A_1010, %add3A_1026 : vector<16xi32>
        %select_n3A_1028 = arith.select %lt3A_1024, %add3A_1027, %broadcast_in_dim3A_1010 : vector<16xi1>, vector<16xi32>
        %broadcast_in_dim3A_1029 = vector.shape_cast %select_n3A_1028 : vector<16xi32> to vector<16x1xi32>
        %gather3A_1030 = vector.shape_cast %broadcast_in_dim3A_1029 : vector<16x1xi32> to vector<16xi32>
        %gather3A_1031 = tpu.dynamic_gather %mul3A_681[%gather3A_1030] in [0] : vector<16xi32>, vector<16xi32> -> vector<16xi32>
        %add3A_1032 = arith.addi %gather3A_1031, %iota3A : vector<16xi32>
        %gather3A_1033 = tpu.vector_load_idx %arg11[%add3A_1021] : memref<3968xf32, #tpu.memory_space<vmem>>[vector<16xi32>], vector<16xf32>,
        %gather3A_1034 = tpu.vector_load_idx %arg15[%add3A_1032] : memref<50688xf32, #tpu.memory_space<vmem>>[vector<16xi32>], vector<16xf32>,
        %add3A_1035 = arith.constant 16 : i32
        %add3A_1036 = vector.broadcast %add3A_1035 : i32 to vector<16xi32>
        %add3A_1037 = arith.addi %add3A_1021, %add3A_1036 : vector<16xi32>
        %gather3A_1038 = tpu.vector_load_idx %arg11[%add3A_1037] : memref<3968xf32, #tpu.memory_space<vmem>>[vector<16xi32>], vector<16xf32>,
        %add3A_1039 = arith.constant 16 : i32
        %add3A_1040 = vector.broadcast %add3A_1039 : i32 to vector<16xi32>
        %add3A_1041 = arith.addi %add3A_1032, %add3A_1040 : vector<16xi32>
        %gather3A_1042 = tpu.vector_load_idx %arg15[%add3A_1041] : memref<50688xf32, #tpu.memory_space<vmem>>[vector<16xi32>], vector<16xf32>,
        %add3A_1043 = arith.constant 5 : i32
        %add3A_1044 = arith.addi %mul3A_687, %add3A_1043 : i32
        %broadcast_in_dim3A_1045 = vector.broadcast %add3A_1044 : i32 to vector<16xi32>
        %add3A_1046 = arith.addf %gather3A_931, %gather3A_932 : vector<16xf32>
        %scatter3A_1047 = arith.constant 0 : i32
        %scatter3A_1048 = arith.constant 0 : i32
        %scatter3A_1049 = arith.constant 0 : i32
        %scatter3A_1050 = arith.constant 0 : i32
        %scatter3A_1051 = tpu.memref_slice %arg17[%scan3A_520, %scatter3A_1047, %scatter3A_1048, %scatter3A_1049, %scatter3A_1050] : memref<2x4x5x8x129xf32, #tpu.memory_space<vmem>> -> memref<1x4x5x8x129xf32, #tpu.memory_space<vmem>>
        %scatter3A_1052 = tpu.memref_squeeze %scatter3A_1051 : memref<1x4x5x8x129xf32, #tpu.memory_space<vmem>> -> memref<4x5x8x129xf32, #tpu.memory_space<vmem>>
        tpu.vector_store_idx %scatter3A_1052[%shift_right_arithmetic3A_9, %broadcast_in_dim3A, %and3A_14, %broadcast_in_dim3A_1045], %add3A_1046 : memref<4x5x8x129xf32, #tpu.memory_space<vmem>>[vector<16xi32>, vector<16xi32>, vector<16xi32>, vector<16xi32>], vector<16xf32>,
        %add3A_1053 = arith.addf %gather3A_936, %gather3A_940 : vector<16xf32>
        %scatter3A_1054 = arith.constant 0 : i32
        %scatter3A_1055 = arith.constant 0 : i32
        %scatter3A_1056 = arith.constant 0 : i32
        %scatter3A_1057 = arith.constant 0 : i32
        %scatter3A_1058 = tpu.memref_slice %arg17[%scan3A_520, %scatter3A_1054, %scatter3A_1055, %scatter3A_1056, %scatter3A_1057] : memref<2x4x5x8x129xf32, #tpu.memory_space<vmem>> -> memref<1x4x5x8x129xf32, #tpu.memory_space<vmem>>
        %scatter3A_1059 = tpu.memref_squeeze %scatter3A_1058 : memref<1x4x5x8x129xf32, #tpu.memory_space<vmem>> -> memref<4x5x8x129xf32, #tpu.memory_space<vmem>>
        tpu.vector_store_idx %scatter3A_1059[%add3A_12, %broadcast_in_dim3A, %and3A_14, %broadcast_in_dim3A_1045], %add3A_1053 : memref<4x5x8x129xf32, #tpu.memory_space<vmem>>[vector<16xi32>, vector<16xi32>, vector<16xi32>, vector<16xi32>], vector<16xf32>,
        %broadcast_in_dim3A_1060 = arith.constant 8 : i32
        %broadcast_in_dim3A_1061 = vector.broadcast %broadcast_in_dim3A_1060 : i32 to vector<16xi32>
        %lt3A_1062 = arith.constant 0 : i32
        %lt3A_1063 = vector.broadcast %lt3A_1062 : i32 to vector<16xi32>
        %lt3A_1064 = arith.cmpi slt, %broadcast_in_dim3A_1061, %lt3A_1063 : vector<16xi32>
        %add3A_1065 = arith.constant 16 : i32
        %add3A_1066 = vector.broadcast %add3A_1065 : i32 to vector<16xi32>
        %add3A_1067 = arith.addi %broadcast_in_dim3A_1061, %add3A_1066 : vector<16xi32>
        %select_n3A_1068 = arith.select %lt3A_1064, %add3A_1067, %broadcast_in_dim3A_1061 : vector<16xi1>, vector<16xi32>
        %broadcast_in_dim3A_1069 = vector.shape_cast %select_n3A_1068 : vector<16xi32> to vector<16x1xi32>
        %gather3A_1070 = vector.shape_cast %broadcast_in_dim3A_1069 : vector<16x1xi32> to vector<16xi32>
        %gather3A_1071 = tpu.dynamic_gather %mul3A_652[%gather3A_1070] in [0] : vector<16xi32>, vector<16xi32> -> vector<16xi32>
        %add3A_1072 = arith.addi %gather3A_1071, %iota3A : vector<16xi32>
        %lt3A_1073 = arith.constant 0 : i32
        %lt3A_1074 = vector.broadcast %lt3A_1073 : i32 to vector<16xi32>
        %lt3A_1075 = arith.cmpi slt, %broadcast_in_dim3A_1061, %lt3A_1074 : vector<16xi32>
        %add3A_1076 = arith.constant 16 : i32
        %add3A_1077 = vector.broadcast %add3A_1076 : i32 to vector<16xi32>
        %add3A_1078 = arith.addi %broadcast_in_dim3A_1061, %add3A_1077 : vector<16xi32>
        %select_n3A_1079 = arith.select %lt3A_1075, %add3A_1078, %broadcast_in_dim3A_1061 : vector<16xi1>, vector<16xi32>
        %broadcast_in_dim3A_1080 = vector.shape_cast %select_n3A_1079 : vector<16xi32> to vector<16x1xi32>
        %gather3A_1081 = vector.shape_cast %broadcast_in_dim3A_1080 : vector<16x1xi32> to vector<16xi32>
        %gather3A_1082 = tpu.dynamic_gather %mul3A_681[%gather3A_1081] in [0] : vector<16xi32>, vector<16xi32> -> vector<16xi32>
        %add3A_1083 = arith.addi %gather3A_1082, %iota3A : vector<16xi32>
        %gather3A_1084 = tpu.vector_load_idx %arg11[%add3A_1072] : memref<3968xf32, #tpu.memory_space<vmem>>[vector<16xi32>], vector<16xf32>,
        %gather3A_1085 = tpu.vector_load_idx %arg15[%add3A_1083] : memref<50688xf32, #tpu.memory_space<vmem>>[vector<16xi32>], vector<16xf32>,
        %add3A_1086 = arith.constant 16 : i32
        %add3A_1087 = vector.broadcast %add3A_1086 : i32 to vector<16xi32>
        %add3A_1088 = arith.addi %add3A_1072, %add3A_1087 : vector<16xi32>
        %gather3A_1089 = tpu.vector_load_idx %arg11[%add3A_1088] : memref<3968xf32, #tpu.memory_space<vmem>>[vector<16xi32>], vector<16xf32>,
        %add3A_1090 = arith.constant 16 : i32
        %add3A_1091 = vector.broadcast %add3A_1090 : i32 to vector<16xi32>
        %add3A_1092 = arith.addi %add3A_1083, %add3A_1091 : vector<16xi32>
        %gather3A_1093 = tpu.vector_load_idx %arg15[%add3A_1092] : memref<50688xf32, #tpu.memory_space<vmem>>[vector<16xi32>], vector<16xf32>,
        %add3A_1094 = arith.constant 6 : i32
        %add3A_1095 = arith.addi %mul3A_687, %add3A_1094 : i32
        %broadcast_in_dim3A_1096 = vector.broadcast %add3A_1095 : i32 to vector<16xi32>
        %add3A_1097 = arith.addf %gather3A_982, %gather3A_983 : vector<16xf32>
        %scatter3A_1098 = arith.constant 0 : i32
        %scatter3A_1099 = arith.constant 0 : i32
        %scatter3A_1100 = arith.constant 0 : i32
        %scatter3A_1101 = arith.constant 0 : i32
        %scatter3A_1102 = tpu.memref_slice %arg17[%scan3A_520, %scatter3A_1098, %scatter3A_1099, %scatter3A_1100, %scatter3A_1101] : memref<2x4x5x8x129xf32, #tpu.memory_space<vmem>> -> memref<1x4x5x8x129xf32, #tpu.memory_space<vmem>>
        %scatter3A_1103 = tpu.memref_squeeze %scatter3A_1102 : memref<1x4x5x8x129xf32, #tpu.memory_space<vmem>> -> memref<4x5x8x129xf32, #tpu.memory_space<vmem>>
        tpu.vector_store_idx %scatter3A_1103[%shift_right_arithmetic3A_9, %broadcast_in_dim3A, %and3A_14, %broadcast_in_dim3A_1096], %add3A_1097 : memref<4x5x8x129xf32, #tpu.memory_space<vmem>>[vector<16xi32>, vector<16xi32>, vector<16xi32>, vector<16xi32>], vector<16xf32>,
        %add3A_1104 = arith.addf %gather3A_987, %gather3A_991 : vector<16xf32>
        %scatter3A_1105 = arith.constant 0 : i32
        %scatter3A_1106 = arith.constant 0 : i32
        %scatter3A_1107 = arith.constant 0 : i32
        %scatter3A_1108 = arith.constant 0 : i32
        %scatter3A_1109 = tpu.memref_slice %arg17[%scan3A_520, %scatter3A_1105, %scatter3A_1106, %scatter3A_1107, %scatter3A_1108] : memref<2x4x5x8x129xf32, #tpu.memory_space<vmem>> -> memref<1x4x5x8x129xf32, #tpu.memory_space<vmem>>
        %scatter3A_1110 = tpu.memref_squeeze %scatter3A_1109 : memref<1x4x5x8x129xf32, #tpu.memory_space<vmem>> -> memref<4x5x8x129xf32, #tpu.memory_space<vmem>>
        tpu.vector_store_idx %scatter3A_1110[%add3A_12, %broadcast_in_dim3A, %and3A_14, %broadcast_in_dim3A_1096], %add3A_1104 : memref<4x5x8x129xf32, #tpu.memory_space<vmem>>[vector<16xi32>, vector<16xi32>, vector<16xi32>, vector<16xi32>], vector<16xf32>,
        %broadcast_in_dim3A_1111 = arith.constant 9 : i32
        %broadcast_in_dim3A_1112 = vector.broadcast %broadcast_in_dim3A_1111 : i32 to vector<16xi32>
        %lt3A_1113 = arith.constant 0 : i32
        %lt3A_1114 = vector.broadcast %lt3A_1113 : i32 to vector<16xi32>
        %lt3A_1115 = arith.cmpi slt, %broadcast_in_dim3A_1112, %lt3A_1114 : vector<16xi32>
        %add3A_1116 = arith.constant 16 : i32
        %add3A_1117 = vector.broadcast %add3A_1116 : i32 to vector<16xi32>
        %add3A_1118 = arith.addi %broadcast_in_dim3A_1112, %add3A_1117 : vector<16xi32>
        %select_n3A_1119 = arith.select %lt3A_1115, %add3A_1118, %broadcast_in_dim3A_1112 : vector<16xi1>, vector<16xi32>
        %broadcast_in_dim3A_1120 = vector.shape_cast %select_n3A_1119 : vector<16xi32> to vector<16x1xi32>
        %gather3A_1121 = vector.shape_cast %broadcast_in_dim3A_1120 : vector<16x1xi32> to vector<16xi32>
        %gather3A_1122 = tpu.dynamic_gather %mul3A_652[%gather3A_1121] in [0] : vector<16xi32>, vector<16xi32> -> vector<16xi32>
        %add3A_1123 = arith.addi %gather3A_1122, %iota3A : vector<16xi32>
        %lt3A_1124 = arith.constant 0 : i32
        %lt3A_1125 = vector.broadcast %lt3A_1124 : i32 to vector<16xi32>
        %lt3A_1126 = arith.cmpi slt, %broadcast_in_dim3A_1112, %lt3A_1125 : vector<16xi32>
        %add3A_1127 = arith.constant 16 : i32
        %add3A_1128 = vector.broadcast %add3A_1127 : i32 to vector<16xi32>
        %add3A_1129 = arith.addi %broadcast_in_dim3A_1112, %add3A_1128 : vector<16xi32>
        %select_n3A_1130 = arith.select %lt3A_1126, %add3A_1129, %broadcast_in_dim3A_1112 : vector<16xi1>, vector<16xi32>
        %broadcast_in_dim3A_1131 = vector.shape_cast %select_n3A_1130 : vector<16xi32> to vector<16x1xi32>
        %gather3A_1132 = vector.shape_cast %broadcast_in_dim3A_1131 : vector<16x1xi32> to vector<16xi32>
        %gather3A_1133 = tpu.dynamic_gather %mul3A_681[%gather3A_1132] in [0] : vector<16xi32>, vector<16xi32> -> vector<16xi32>
        %add3A_1134 = arith.addi %gather3A_1133, %iota3A : vector<16xi32>
        %gather3A_1135 = tpu.vector_load_idx %arg11[%add3A_1123] : memref<3968xf32, #tpu.memory_space<vmem>>[vector<16xi32>], vector<16xf32>,
        %gather3A_1136 = tpu.vector_load_idx %arg15[%add3A_1134] : memref<50688xf32, #tpu.memory_space<vmem>>[vector<16xi32>], vector<16xf32>,
        %add3A_1137 = arith.constant 16 : i32
        %add3A_1138 = vector.broadcast %add3A_1137 : i32 to vector<16xi32>
        %add3A_1139 = arith.addi %add3A_1123, %add3A_1138 : vector<16xi32>
        %gather3A_1140 = tpu.vector_load_idx %arg11[%add3A_1139] : memref<3968xf32, #tpu.memory_space<vmem>>[vector<16xi32>], vector<16xf32>,
        %add3A_1141 = arith.constant 16 : i32
        %add3A_1142 = vector.broadcast %add3A_1141 : i32 to vector<16xi32>
        %add3A_1143 = arith.addi %add3A_1134, %add3A_1142 : vector<16xi32>
        %gather3A_1144 = tpu.vector_load_idx %arg15[%add3A_1143] : memref<50688xf32, #tpu.memory_space<vmem>>[vector<16xi32>], vector<16xf32>,
        %add3A_1145 = arith.constant 7 : i32
        %add3A_1146 = arith.addi %mul3A_687, %add3A_1145 : i32
        %broadcast_in_dim3A_1147 = vector.broadcast %add3A_1146 : i32 to vector<16xi32>
        %add3A_1148 = arith.addf %gather3A_1033, %gather3A_1034 : vector<16xf32>
        %scatter3A_1149 = arith.constant 0 : i32
        %scatter3A_1150 = arith.constant 0 : i32
        %scatter3A_1151 = arith.constant 0 : i32
        %scatter3A_1152 = arith.constant 0 : i32
        %scatter3A_1153 = tpu.memref_slice %arg17[%scan3A_520, %scatter3A_1149, %scatter3A_1150, %scatter3A_1151, %scatter3A_1152] : memref<2x4x5x8x129xf32, #tpu.memory_space<vmem>> -> memref<1x4x5x8x129xf32, #tpu.memory_space<vmem>>
        %scatter3A_1154 = tpu.memref_squeeze %scatter3A_1153 : memref<1x4x5x8x129xf32, #tpu.memory_space<vmem>> -> memref<4x5x8x129xf32, #tpu.memory_space<vmem>>
        tpu.vector_store_idx %scatter3A_1154[%shift_right_arithmetic3A_9, %broadcast_in_dim3A, %and3A_14, %broadcast_in_dim3A_1147], %add3A_1148 : memref<4x5x8x129xf32, #tpu.memory_space<vmem>>[vector<16xi32>, vector<16xi32>, vector<16xi32>, vector<16xi32>], vector<16xf32>,
        %add3A_1155 = arith.addf %gather3A_1038, %gather3A_1042 : vector<16xf32>
        %scatter3A_1156 = arith.constant 0 : i32
        %scatter3A_1157 = arith.constant 0 : i32
        %scatter3A_1158 = arith.constant 0 : i32
        %scatter3A_1159 = arith.constant 0 : i32
        %scatter3A_1160 = tpu.memref_slice %arg17[%scan3A_520, %scatter3A_1156, %scatter3A_1157, %scatter3A_1158, %scatter3A_1159] : memref<2x4x5x8x129xf32, #tpu.memory_space<vmem>> -> memref<1x4x5x8x129xf32, #tpu.memory_space<vmem>>
        %scatter3A_1161 = tpu.memref_squeeze %scatter3A_1160 : memref<1x4x5x8x129xf32, #tpu.memory_space<vmem>> -> memref<4x5x8x129xf32, #tpu.memory_space<vmem>>
        tpu.vector_store_idx %scatter3A_1161[%add3A_12, %broadcast_in_dim3A, %and3A_14, %broadcast_in_dim3A_1147], %add3A_1155 : memref<4x5x8x129xf32, #tpu.memory_space<vmem>>[vector<16xi32>, vector<16xi32>, vector<16xi32>, vector<16xi32>], vector<16xf32>,
        %broadcast_in_dim3A_1162 = arith.constant 10 : i32
        %broadcast_in_dim3A_1163 = vector.broadcast %broadcast_in_dim3A_1162 : i32 to vector<16xi32>
        %lt3A_1164 = arith.constant 0 : i32
        %lt3A_1165 = vector.broadcast %lt3A_1164 : i32 to vector<16xi32>
        %lt3A_1166 = arith.cmpi slt, %broadcast_in_dim3A_1163, %lt3A_1165 : vector<16xi32>
        %add3A_1167 = arith.constant 16 : i32
        %add3A_1168 = vector.broadcast %add3A_1167 : i32 to vector<16xi32>
        %add3A_1169 = arith.addi %broadcast_in_dim3A_1163, %add3A_1168 : vector<16xi32>
        %select_n3A_1170 = arith.select %lt3A_1166, %add3A_1169, %broadcast_in_dim3A_1163 : vector<16xi1>, vector<16xi32>
        %broadcast_in_dim3A_1171 = vector.shape_cast %select_n3A_1170 : vector<16xi32> to vector<16x1xi32>
        %gather3A_1172 = vector.shape_cast %broadcast_in_dim3A_1171 : vector<16x1xi32> to vector<16xi32>
        %gather3A_1173 = tpu.dynamic_gather %mul3A_652[%gather3A_1172] in [0] : vector<16xi32>, vector<16xi32> -> vector<16xi32>
        %add3A_1174 = arith.addi %gather3A_1173, %iota3A : vector<16xi32>
        %lt3A_1175 = arith.constant 0 : i32
        %lt3A_1176 = vector.broadcast %lt3A_1175 : i32 to vector<16xi32>
        %lt3A_1177 = arith.cmpi slt, %broadcast_in_dim3A_1163, %lt3A_1176 : vector<16xi32>
        %add3A_1178 = arith.constant 16 : i32
        %add3A_1179 = vector.broadcast %add3A_1178 : i32 to vector<16xi32>
        %add3A_1180 = arith.addi %broadcast_in_dim3A_1163, %add3A_1179 : vector<16xi32>
        %select_n3A_1181 = arith.select %lt3A_1177, %add3A_1180, %broadcast_in_dim3A_1163 : vector<16xi1>, vector<16xi32>
        %broadcast_in_dim3A_1182 = vector.shape_cast %select_n3A_1181 : vector<16xi32> to vector<16x1xi32>
        %gather3A_1183 = vector.shape_cast %broadcast_in_dim3A_1182 : vector<16x1xi32> to vector<16xi32>
        %gather3A_1184 = tpu.dynamic_gather %mul3A_681[%gather3A_1183] in [0] : vector<16xi32>, vector<16xi32> -> vector<16xi32>
        %add3A_1185 = arith.addi %gather3A_1184, %iota3A : vector<16xi32>
        %gather3A_1186 = tpu.vector_load_idx %arg11[%add3A_1174] : memref<3968xf32, #tpu.memory_space<vmem>>[vector<16xi32>], vector<16xf32>,
        %gather3A_1187 = tpu.vector_load_idx %arg15[%add3A_1185] : memref<50688xf32, #tpu.memory_space<vmem>>[vector<16xi32>], vector<16xf32>,
        %add3A_1188 = arith.constant 16 : i32
        %add3A_1189 = vector.broadcast %add3A_1188 : i32 to vector<16xi32>
        %add3A_1190 = arith.addi %add3A_1174, %add3A_1189 : vector<16xi32>
        %gather3A_1191 = tpu.vector_load_idx %arg11[%add3A_1190] : memref<3968xf32, #tpu.memory_space<vmem>>[vector<16xi32>], vector<16xf32>,
        %add3A_1192 = arith.constant 16 : i32
        %add3A_1193 = vector.broadcast %add3A_1192 : i32 to vector<16xi32>
        %add3A_1194 = arith.addi %add3A_1185, %add3A_1193 : vector<16xi32>
        %gather3A_1195 = tpu.vector_load_idx %arg15[%add3A_1194] : memref<50688xf32, #tpu.memory_space<vmem>>[vector<16xi32>], vector<16xf32>,
        %add3A_1196 = arith.constant 8 : i32
        %add3A_1197 = arith.addi %mul3A_687, %add3A_1196 : i32
        %broadcast_in_dim3A_1198 = vector.broadcast %add3A_1197 : i32 to vector<16xi32>
        %add3A_1199 = arith.addf %gather3A_1084, %gather3A_1085 : vector<16xf32>
        %scatter3A_1200 = arith.constant 0 : i32
        %scatter3A_1201 = arith.constant 0 : i32
        %scatter3A_1202 = arith.constant 0 : i32
        %scatter3A_1203 = arith.constant 0 : i32
        %scatter3A_1204 = tpu.memref_slice %arg17[%scan3A_520, %scatter3A_1200, %scatter3A_1201, %scatter3A_1202, %scatter3A_1203] : memref<2x4x5x8x129xf32, #tpu.memory_space<vmem>> -> memref<1x4x5x8x129xf32, #tpu.memory_space<vmem>>
        %scatter3A_1205 = tpu.memref_squeeze %scatter3A_1204 : memref<1x4x5x8x129xf32, #tpu.memory_space<vmem>> -> memref<4x5x8x129xf32, #tpu.memory_space<vmem>>
        tpu.vector_store_idx %scatter3A_1205[%shift_right_arithmetic3A_9, %broadcast_in_dim3A, %and3A_14, %broadcast_in_dim3A_1198], %add3A_1199 : memref<4x5x8x129xf32, #tpu.memory_space<vmem>>[vector<16xi32>, vector<16xi32>, vector<16xi32>, vector<16xi32>], vector<16xf32>,
        %add3A_1206 = arith.addf %gather3A_1089, %gather3A_1093 : vector<16xf32>
        %scatter3A_1207 = arith.constant 0 : i32
        %scatter3A_1208 = arith.constant 0 : i32
        %scatter3A_1209 = arith.constant 0 : i32
        %scatter3A_1210 = arith.constant 0 : i32
        %scatter3A_1211 = tpu.memref_slice %arg17[%scan3A_520, %scatter3A_1207, %scatter3A_1208, %scatter3A_1209, %scatter3A_1210] : memref<2x4x5x8x129xf32, #tpu.memory_space<vmem>> -> memref<1x4x5x8x129xf32, #tpu.memory_space<vmem>>
        %scatter3A_1212 = tpu.memref_squeeze %scatter3A_1211 : memref<1x4x5x8x129xf32, #tpu.memory_space<vmem>> -> memref<4x5x8x129xf32, #tpu.memory_space<vmem>>
        tpu.vector_store_idx %scatter3A_1212[%add3A_12, %broadcast_in_dim3A, %and3A_14, %broadcast_in_dim3A_1198], %add3A_1206 : memref<4x5x8x129xf32, #tpu.memory_space<vmem>>[vector<16xi32>, vector<16xi32>, vector<16xi32>, vector<16xi32>], vector<16xf32>,
        %broadcast_in_dim3A_1213 = arith.constant 11 : i32
        %broadcast_in_dim3A_1214 = vector.broadcast %broadcast_in_dim3A_1213 : i32 to vector<16xi32>
        %lt3A_1215 = arith.constant 0 : i32
        %lt3A_1216 = vector.broadcast %lt3A_1215 : i32 to vector<16xi32>
        %lt3A_1217 = arith.cmpi slt, %broadcast_in_dim3A_1214, %lt3A_1216 : vector<16xi32>
        %add3A_1218 = arith.constant 16 : i32
        %add3A_1219 = vector.broadcast %add3A_1218 : i32 to vector<16xi32>
        %add3A_1220 = arith.addi %broadcast_in_dim3A_1214, %add3A_1219 : vector<16xi32>
        %select_n3A_1221 = arith.select %lt3A_1217, %add3A_1220, %broadcast_in_dim3A_1214 : vector<16xi1>, vector<16xi32>
        %broadcast_in_dim3A_1222 = vector.shape_cast %select_n3A_1221 : vector<16xi32> to vector<16x1xi32>
        %gather3A_1223 = vector.shape_cast %broadcast_in_dim3A_1222 : vector<16x1xi32> to vector<16xi32>
        %gather3A_1224 = tpu.dynamic_gather %mul3A_652[%gather3A_1223] in [0] : vector<16xi32>, vector<16xi32> -> vector<16xi32>
        %add3A_1225 = arith.addi %gather3A_1224, %iota3A : vector<16xi32>
        %lt3A_1226 = arith.constant 0 : i32
        %lt3A_1227 = vector.broadcast %lt3A_1226 : i32 to vector<16xi32>
        %lt3A_1228 = arith.cmpi slt, %broadcast_in_dim3A_1214, %lt3A_1227 : vector<16xi32>
        %add3A_1229 = arith.constant 16 : i32
        %add3A_1230 = vector.broadcast %add3A_1229 : i32 to vector<16xi32>
        %add3A_1231 = arith.addi %broadcast_in_dim3A_1214, %add3A_1230 : vector<16xi32>
        %select_n3A_1232 = arith.select %lt3A_1228, %add3A_1231, %broadcast_in_dim3A_1214 : vector<16xi1>, vector<16xi32>
        %broadcast_in_dim3A_1233 = vector.shape_cast %select_n3A_1232 : vector<16xi32> to vector<16x1xi32>
        %gather3A_1234 = vector.shape_cast %broadcast_in_dim3A_1233 : vector<16x1xi32> to vector<16xi32>
        %gather3A_1235 = tpu.dynamic_gather %mul3A_681[%gather3A_1234] in [0] : vector<16xi32>, vector<16xi32> -> vector<16xi32>
        %add3A_1236 = arith.addi %gather3A_1235, %iota3A : vector<16xi32>
        %gather3A_1237 = tpu.vector_load_idx %arg11[%add3A_1225] : memref<3968xf32, #tpu.memory_space<vmem>>[vector<16xi32>], vector<16xf32>,
        %gather3A_1238 = tpu.vector_load_idx %arg15[%add3A_1236] : memref<50688xf32, #tpu.memory_space<vmem>>[vector<16xi32>], vector<16xf32>,
        %add3A_1239 = arith.constant 16 : i32
        %add3A_1240 = vector.broadcast %add3A_1239 : i32 to vector<16xi32>
        %add3A_1241 = arith.addi %add3A_1225, %add3A_1240 : vector<16xi32>
        %gather3A_1242 = tpu.vector_load_idx %arg11[%add3A_1241] : memref<3968xf32, #tpu.memory_space<vmem>>[vector<16xi32>], vector<16xf32>,
        %add3A_1243 = arith.constant 16 : i32
        %add3A_1244 = vector.broadcast %add3A_1243 : i32 to vector<16xi32>
        %add3A_1245 = arith.addi %add3A_1236, %add3A_1244 : vector<16xi32>
        %gather3A_1246 = tpu.vector_load_idx %arg15[%add3A_1245] : memref<50688xf32, #tpu.memory_space<vmem>>[vector<16xi32>], vector<16xf32>,
        %add3A_1247 = arith.constant 9 : i32
        %add3A_1248 = arith.addi %mul3A_687, %add3A_1247 : i32
        %broadcast_in_dim3A_1249 = vector.broadcast %add3A_1248 : i32 to vector<16xi32>
        %add3A_1250 = arith.addf %gather3A_1135, %gather3A_1136 : vector<16xf32>
        %scatter3A_1251 = arith.constant 0 : i32
        %scatter3A_1252 = arith.constant 0 : i32
        %scatter3A_1253 = arith.constant 0 : i32
        %scatter3A_1254 = arith.constant 0 : i32
        %scatter3A_1255 = tpu.memref_slice %arg17[%scan3A_520, %scatter3A_1251, %scatter3A_1252, %scatter3A_1253, %scatter3A_1254] : memref<2x4x5x8x129xf32, #tpu.memory_space<vmem>> -> memref<1x4x5x8x129xf32, #tpu.memory_space<vmem>>
        %scatter3A_1256 = tpu.memref_squeeze %scatter3A_1255 : memref<1x4x5x8x129xf32, #tpu.memory_space<vmem>> -> memref<4x5x8x129xf32, #tpu.memory_space<vmem>>
        tpu.vector_store_idx %scatter3A_1256[%shift_right_arithmetic3A_9, %broadcast_in_dim3A, %and3A_14, %broadcast_in_dim3A_1249], %add3A_1250 : memref<4x5x8x129xf32, #tpu.memory_space<vmem>>[vector<16xi32>, vector<16xi32>, vector<16xi32>, vector<16xi32>], vector<16xf32>,
        %add3A_1257 = arith.addf %gather3A_1140, %gather3A_1144 : vector<16xf32>
        %scatter3A_1258 = arith.constant 0 : i32
        %scatter3A_1259 = arith.constant 0 : i32
        %scatter3A_1260 = arith.constant 0 : i32
        %scatter3A_1261 = arith.constant 0 : i32
        %scatter3A_1262 = tpu.memref_slice %arg17[%scan3A_520, %scatter3A_1258, %scatter3A_1259, %scatter3A_1260, %scatter3A_1261] : memref<2x4x5x8x129xf32, #tpu.memory_space<vmem>> -> memref<1x4x5x8x129xf32, #tpu.memory_space<vmem>>
        %scatter3A_1263 = tpu.memref_squeeze %scatter3A_1262 : memref<1x4x5x8x129xf32, #tpu.memory_space<vmem>> -> memref<4x5x8x129xf32, #tpu.memory_space<vmem>>
        tpu.vector_store_idx %scatter3A_1263[%add3A_12, %broadcast_in_dim3A, %and3A_14, %broadcast_in_dim3A_1249], %add3A_1257 : memref<4x5x8x129xf32, #tpu.memory_space<vmem>>[vector<16xi32>, vector<16xi32>, vector<16xi32>, vector<16xi32>], vector<16xf32>,
        %broadcast_in_dim3A_1264 = arith.constant 12 : i32
        %broadcast_in_dim3A_1265 = vector.broadcast %broadcast_in_dim3A_1264 : i32 to vector<16xi32>
        %lt3A_1266 = arith.constant 0 : i32
        %lt3A_1267 = vector.broadcast %lt3A_1266 : i32 to vector<16xi32>
        %lt3A_1268 = arith.cmpi slt, %broadcast_in_dim3A_1265, %lt3A_1267 : vector<16xi32>
        %add3A_1269 = arith.constant 16 : i32
        %add3A_1270 = vector.broadcast %add3A_1269 : i32 to vector<16xi32>
        %add3A_1271 = arith.addi %broadcast_in_dim3A_1265, %add3A_1270 : vector<16xi32>
        %select_n3A_1272 = arith.select %lt3A_1268, %add3A_1271, %broadcast_in_dim3A_1265 : vector<16xi1>, vector<16xi32>
        %broadcast_in_dim3A_1273 = vector.shape_cast %select_n3A_1272 : vector<16xi32> to vector<16x1xi32>
        %gather3A_1274 = vector.shape_cast %broadcast_in_dim3A_1273 : vector<16x1xi32> to vector<16xi32>
        %gather3A_1275 = tpu.dynamic_gather %mul3A_652[%gather3A_1274] in [0] : vector<16xi32>, vector<16xi32> -> vector<16xi32>
        %add3A_1276 = arith.addi %gather3A_1275, %iota3A : vector<16xi32>
        %lt3A_1277 = arith.constant 0 : i32
        %lt3A_1278 = vector.broadcast %lt3A_1277 : i32 to vector<16xi32>
        %lt3A_1279 = arith.cmpi slt, %broadcast_in_dim3A_1265, %lt3A_1278 : vector<16xi32>
        %add3A_1280 = arith.constant 16 : i32
        %add3A_1281 = vector.broadcast %add3A_1280 : i32 to vector<16xi32>
        %add3A_1282 = arith.addi %broadcast_in_dim3A_1265, %add3A_1281 : vector<16xi32>
        %select_n3A_1283 = arith.select %lt3A_1279, %add3A_1282, %broadcast_in_dim3A_1265 : vector<16xi1>, vector<16xi32>
        %broadcast_in_dim3A_1284 = vector.shape_cast %select_n3A_1283 : vector<16xi32> to vector<16x1xi32>
        %gather3A_1285 = vector.shape_cast %broadcast_in_dim3A_1284 : vector<16x1xi32> to vector<16xi32>
        %gather3A_1286 = tpu.dynamic_gather %mul3A_681[%gather3A_1285] in [0] : vector<16xi32>, vector<16xi32> -> vector<16xi32>
        %add3A_1287 = arith.addi %gather3A_1286, %iota3A : vector<16xi32>
        %gather3A_1288 = tpu.vector_load_idx %arg11[%add3A_1276] : memref<3968xf32, #tpu.memory_space<vmem>>[vector<16xi32>], vector<16xf32>,
        %gather3A_1289 = tpu.vector_load_idx %arg15[%add3A_1287] : memref<50688xf32, #tpu.memory_space<vmem>>[vector<16xi32>], vector<16xf32>,
        %add3A_1290 = arith.constant 16 : i32
        %add3A_1291 = vector.broadcast %add3A_1290 : i32 to vector<16xi32>
        %add3A_1292 = arith.addi %add3A_1276, %add3A_1291 : vector<16xi32>
        %gather3A_1293 = tpu.vector_load_idx %arg11[%add3A_1292] : memref<3968xf32, #tpu.memory_space<vmem>>[vector<16xi32>], vector<16xf32>,
        %add3A_1294 = arith.constant 16 : i32
        %add3A_1295 = vector.broadcast %add3A_1294 : i32 to vector<16xi32>
        %add3A_1296 = arith.addi %add3A_1287, %add3A_1295 : vector<16xi32>
        %gather3A_1297 = tpu.vector_load_idx %arg15[%add3A_1296] : memref<50688xf32, #tpu.memory_space<vmem>>[vector<16xi32>], vector<16xf32>,
        %add3A_1298 = arith.constant 10 : i32
        %add3A_1299 = arith.addi %mul3A_687, %add3A_1298 : i32
        %broadcast_in_dim3A_1300 = vector.broadcast %add3A_1299 : i32 to vector<16xi32>
        %add3A_1301 = arith.addf %gather3A_1186, %gather3A_1187 : vector<16xf32>
        %scatter3A_1302 = arith.constant 0 : i32
        %scatter3A_1303 = arith.constant 0 : i32
        %scatter3A_1304 = arith.constant 0 : i32
        %scatter3A_1305 = arith.constant 0 : i32
        %scatter3A_1306 = tpu.memref_slice %arg17[%scan3A_520, %scatter3A_1302, %scatter3A_1303, %scatter3A_1304, %scatter3A_1305] : memref<2x4x5x8x129xf32, #tpu.memory_space<vmem>> -> memref<1x4x5x8x129xf32, #tpu.memory_space<vmem>>
        %scatter3A_1307 = tpu.memref_squeeze %scatter3A_1306 : memref<1x4x5x8x129xf32, #tpu.memory_space<vmem>> -> memref<4x5x8x129xf32, #tpu.memory_space<vmem>>
        tpu.vector_store_idx %scatter3A_1307[%shift_right_arithmetic3A_9, %broadcast_in_dim3A, %and3A_14, %broadcast_in_dim3A_1300], %add3A_1301 : memref<4x5x8x129xf32, #tpu.memory_space<vmem>>[vector<16xi32>, vector<16xi32>, vector<16xi32>, vector<16xi32>], vector<16xf32>,
        %add3A_1308 = arith.addf %gather3A_1191, %gather3A_1195 : vector<16xf32>
        %scatter3A_1309 = arith.constant 0 : i32
        %scatter3A_1310 = arith.constant 0 : i32
        %scatter3A_1311 = arith.constant 0 : i32
        %scatter3A_1312 = arith.constant 0 : i32
        %scatter3A_1313 = tpu.memref_slice %arg17[%scan3A_520, %scatter3A_1309, %scatter3A_1310, %scatter3A_1311, %scatter3A_1312] : memref<2x4x5x8x129xf32, #tpu.memory_space<vmem>> -> memref<1x4x5x8x129xf32, #tpu.memory_space<vmem>>
        %scatter3A_1314 = tpu.memref_squeeze %scatter3A_1313 : memref<1x4x5x8x129xf32, #tpu.memory_space<vmem>> -> memref<4x5x8x129xf32, #tpu.memory_space<vmem>>
        tpu.vector_store_idx %scatter3A_1314[%add3A_12, %broadcast_in_dim3A, %and3A_14, %broadcast_in_dim3A_1300], %add3A_1308 : memref<4x5x8x129xf32, #tpu.memory_space<vmem>>[vector<16xi32>, vector<16xi32>, vector<16xi32>, vector<16xi32>], vector<16xf32>,
        %broadcast_in_dim3A_1315 = arith.constant 13 : i32
        %broadcast_in_dim3A_1316 = vector.broadcast %broadcast_in_dim3A_1315 : i32 to vector<16xi32>
        %lt3A_1317 = arith.constant 0 : i32
        %lt3A_1318 = vector.broadcast %lt3A_1317 : i32 to vector<16xi32>
        %lt3A_1319 = arith.cmpi slt, %broadcast_in_dim3A_1316, %lt3A_1318 : vector<16xi32>
        %add3A_1320 = arith.constant 16 : i32
        %add3A_1321 = vector.broadcast %add3A_1320 : i32 to vector<16xi32>
        %add3A_1322 = arith.addi %broadcast_in_dim3A_1316, %add3A_1321 : vector<16xi32>
        %select_n3A_1323 = arith.select %lt3A_1319, %add3A_1322, %broadcast_in_dim3A_1316 : vector<16xi1>, vector<16xi32>
        %broadcast_in_dim3A_1324 = vector.shape_cast %select_n3A_1323 : vector<16xi32> to vector<16x1xi32>
        %gather3A_1325 = vector.shape_cast %broadcast_in_dim3A_1324 : vector<16x1xi32> to vector<16xi32>
        %gather3A_1326 = tpu.dynamic_gather %mul3A_652[%gather3A_1325] in [0] : vector<16xi32>, vector<16xi32> -> vector<16xi32>
        %add3A_1327 = arith.addi %gather3A_1326, %iota3A : vector<16xi32>
        %lt3A_1328 = arith.constant 0 : i32
        %lt3A_1329 = vector.broadcast %lt3A_1328 : i32 to vector<16xi32>
        %lt3A_1330 = arith.cmpi slt, %broadcast_in_dim3A_1316, %lt3A_1329 : vector<16xi32>
        %add3A_1331 = arith.constant 16 : i32
        %add3A_1332 = vector.broadcast %add3A_1331 : i32 to vector<16xi32>
        %add3A_1333 = arith.addi %broadcast_in_dim3A_1316, %add3A_1332 : vector<16xi32>
        %select_n3A_1334 = arith.select %lt3A_1330, %add3A_1333, %broadcast_in_dim3A_1316 : vector<16xi1>, vector<16xi32>
        %broadcast_in_dim3A_1335 = vector.shape_cast %select_n3A_1334 : vector<16xi32> to vector<16x1xi32>
        %gather3A_1336 = vector.shape_cast %broadcast_in_dim3A_1335 : vector<16x1xi32> to vector<16xi32>
        %gather3A_1337 = tpu.dynamic_gather %mul3A_681[%gather3A_1336] in [0] : vector<16xi32>, vector<16xi32> -> vector<16xi32>
        %add3A_1338 = arith.addi %gather3A_1337, %iota3A : vector<16xi32>
        %gather3A_1339 = tpu.vector_load_idx %arg11[%add3A_1327] : memref<3968xf32, #tpu.memory_space<vmem>>[vector<16xi32>], vector<16xf32>,
        %gather3A_1340 = tpu.vector_load_idx %arg15[%add3A_1338] : memref<50688xf32, #tpu.memory_space<vmem>>[vector<16xi32>], vector<16xf32>,
        %add3A_1341 = arith.constant 16 : i32
        %add3A_1342 = vector.broadcast %add3A_1341 : i32 to vector<16xi32>
        %add3A_1343 = arith.addi %add3A_1327, %add3A_1342 : vector<16xi32>
        %gather3A_1344 = tpu.vector_load_idx %arg11[%add3A_1343] : memref<3968xf32, #tpu.memory_space<vmem>>[vector<16xi32>], vector<16xf32>,
        %add3A_1345 = arith.constant 16 : i32
        %add3A_1346 = vector.broadcast %add3A_1345 : i32 to vector<16xi32>
        %add3A_1347 = arith.addi %add3A_1338, %add3A_1346 : vector<16xi32>
        %gather3A_1348 = tpu.vector_load_idx %arg15[%add3A_1347] : memref<50688xf32, #tpu.memory_space<vmem>>[vector<16xi32>], vector<16xf32>,
        %add3A_1349 = arith.constant 11 : i32
        %add3A_1350 = arith.addi %mul3A_687, %add3A_1349 : i32
        %broadcast_in_dim3A_1351 = vector.broadcast %add3A_1350 : i32 to vector<16xi32>
        %add3A_1352 = arith.addf %gather3A_1237, %gather3A_1238 : vector<16xf32>
        %scatter3A_1353 = arith.constant 0 : i32
        %scatter3A_1354 = arith.constant 0 : i32
        %scatter3A_1355 = arith.constant 0 : i32
        %scatter3A_1356 = arith.constant 0 : i32
        %scatter3A_1357 = tpu.memref_slice %arg17[%scan3A_520, %scatter3A_1353, %scatter3A_1354, %scatter3A_1355, %scatter3A_1356] : memref<2x4x5x8x129xf32, #tpu.memory_space<vmem>> -> memref<1x4x5x8x129xf32, #tpu.memory_space<vmem>>
        %scatter3A_1358 = tpu.memref_squeeze %scatter3A_1357 : memref<1x4x5x8x129xf32, #tpu.memory_space<vmem>> -> memref<4x5x8x129xf32, #tpu.memory_space<vmem>>
        tpu.vector_store_idx %scatter3A_1358[%shift_right_arithmetic3A_9, %broadcast_in_dim3A, %and3A_14, %broadcast_in_dim3A_1351], %add3A_1352 : memref<4x5x8x129xf32, #tpu.memory_space<vmem>>[vector<16xi32>, vector<16xi32>, vector<16xi32>, vector<16xi32>], vector<16xf32>,
        %add3A_1359 = arith.addf %gather3A_1242, %gather3A_1246 : vector<16xf32>
        %scatter3A_1360 = arith.constant 0 : i32
        %scatter3A_1361 = arith.constant 0 : i32
        %scatter3A_1362 = arith.constant 0 : i32
        %scatter3A_1363 = arith.constant 0 : i32
        %scatter3A_1364 = tpu.memref_slice %arg17[%scan3A_520, %scatter3A_1360, %scatter3A_1361, %scatter3A_1362, %scatter3A_1363] : memref<2x4x5x8x129xf32, #tpu.memory_space<vmem>> -> memref<1x4x5x8x129xf32, #tpu.memory_space<vmem>>
        %scatter3A_1365 = tpu.memref_squeeze %scatter3A_1364 : memref<1x4x5x8x129xf32, #tpu.memory_space<vmem>> -> memref<4x5x8x129xf32, #tpu.memory_space<vmem>>
        tpu.vector_store_idx %scatter3A_1365[%add3A_12, %broadcast_in_dim3A, %and3A_14, %broadcast_in_dim3A_1351], %add3A_1359 : memref<4x5x8x129xf32, #tpu.memory_space<vmem>>[vector<16xi32>, vector<16xi32>, vector<16xi32>, vector<16xi32>], vector<16xf32>,
        %broadcast_in_dim3A_1366 = arith.constant 14 : i32
        %broadcast_in_dim3A_1367 = vector.broadcast %broadcast_in_dim3A_1366 : i32 to vector<16xi32>
        %lt3A_1368 = arith.constant 0 : i32
        %lt3A_1369 = vector.broadcast %lt3A_1368 : i32 to vector<16xi32>
        %lt3A_1370 = arith.cmpi slt, %broadcast_in_dim3A_1367, %lt3A_1369 : vector<16xi32>
        %add3A_1371 = arith.constant 16 : i32
        %add3A_1372 = vector.broadcast %add3A_1371 : i32 to vector<16xi32>
        %add3A_1373 = arith.addi %broadcast_in_dim3A_1367, %add3A_1372 : vector<16xi32>
        %select_n3A_1374 = arith.select %lt3A_1370, %add3A_1373, %broadcast_in_dim3A_1367 : vector<16xi1>, vector<16xi32>
        %broadcast_in_dim3A_1375 = vector.shape_cast %select_n3A_1374 : vector<16xi32> to vector<16x1xi32>
        %gather3A_1376 = vector.shape_cast %broadcast_in_dim3A_1375 : vector<16x1xi32> to vector<16xi32>
        %gather3A_1377 = tpu.dynamic_gather %mul3A_652[%gather3A_1376] in [0] : vector<16xi32>, vector<16xi32> -> vector<16xi32>
        %add3A_1378 = arith.addi %gather3A_1377, %iota3A : vector<16xi32>
        %lt3A_1379 = arith.constant 0 : i32
        %lt3A_1380 = vector.broadcast %lt3A_1379 : i32 to vector<16xi32>
        %lt3A_1381 = arith.cmpi slt, %broadcast_in_dim3A_1367, %lt3A_1380 : vector<16xi32>
        %add3A_1382 = arith.constant 16 : i32
        %add3A_1383 = vector.broadcast %add3A_1382 : i32 to vector<16xi32>
        %add3A_1384 = arith.addi %broadcast_in_dim3A_1367, %add3A_1383 : vector<16xi32>
        %select_n3A_1385 = arith.select %lt3A_1381, %add3A_1384, %broadcast_in_dim3A_1367 : vector<16xi1>, vector<16xi32>
        %broadcast_in_dim3A_1386 = vector.shape_cast %select_n3A_1385 : vector<16xi32> to vector<16x1xi32>
        %gather3A_1387 = vector.shape_cast %broadcast_in_dim3A_1386 : vector<16x1xi32> to vector<16xi32>
        %gather3A_1388 = tpu.dynamic_gather %mul3A_681[%gather3A_1387] in [0] : vector<16xi32>, vector<16xi32> -> vector<16xi32>
        %add3A_1389 = arith.addi %gather3A_1388, %iota3A : vector<16xi32>
        %gather3A_1390 = tpu.vector_load_idx %arg11[%add3A_1378] : memref<3968xf32, #tpu.memory_space<vmem>>[vector<16xi32>], vector<16xf32>,
        %gather3A_1391 = tpu.vector_load_idx %arg15[%add3A_1389] : memref<50688xf32, #tpu.memory_space<vmem>>[vector<16xi32>], vector<16xf32>,
        %add3A_1392 = arith.constant 16 : i32
        %add3A_1393 = vector.broadcast %add3A_1392 : i32 to vector<16xi32>
        %add3A_1394 = arith.addi %add3A_1378, %add3A_1393 : vector<16xi32>
        %gather3A_1395 = tpu.vector_load_idx %arg11[%add3A_1394] : memref<3968xf32, #tpu.memory_space<vmem>>[vector<16xi32>], vector<16xf32>,
        %add3A_1396 = arith.constant 16 : i32
        %add3A_1397 = vector.broadcast %add3A_1396 : i32 to vector<16xi32>
        %add3A_1398 = arith.addi %add3A_1389, %add3A_1397 : vector<16xi32>
        %gather3A_1399 = tpu.vector_load_idx %arg15[%add3A_1398] : memref<50688xf32, #tpu.memory_space<vmem>>[vector<16xi32>], vector<16xf32>,
        %add3A_1400 = arith.constant 12 : i32
        %add3A_1401 = arith.addi %mul3A_687, %add3A_1400 : i32
        %broadcast_in_dim3A_1402 = vector.broadcast %add3A_1401 : i32 to vector<16xi32>
        %add3A_1403 = arith.addf %gather3A_1288, %gather3A_1289 : vector<16xf32>
        %scatter3A_1404 = arith.constant 0 : i32
        %scatter3A_1405 = arith.constant 0 : i32
        %scatter3A_1406 = arith.constant 0 : i32
        %scatter3A_1407 = arith.constant 0 : i32
        %scatter3A_1408 = tpu.memref_slice %arg17[%scan3A_520, %scatter3A_1404, %scatter3A_1405, %scatter3A_1406, %scatter3A_1407] : memref<2x4x5x8x129xf32, #tpu.memory_space<vmem>> -> memref<1x4x5x8x129xf32, #tpu.memory_space<vmem>>
        %scatter3A_1409 = tpu.memref_squeeze %scatter3A_1408 : memref<1x4x5x8x129xf32, #tpu.memory_space<vmem>> -> memref<4x5x8x129xf32, #tpu.memory_space<vmem>>
        tpu.vector_store_idx %scatter3A_1409[%shift_right_arithmetic3A_9, %broadcast_in_dim3A, %and3A_14, %broadcast_in_dim3A_1402], %add3A_1403 : memref<4x5x8x129xf32, #tpu.memory_space<vmem>>[vector<16xi32>, vector<16xi32>, vector<16xi32>, vector<16xi32>], vector<16xf32>,
        %add3A_1410 = arith.addf %gather3A_1293, %gather3A_1297 : vector<16xf32>
        %scatter3A_1411 = arith.constant 0 : i32
        %scatter3A_1412 = arith.constant 0 : i32
        %scatter3A_1413 = arith.constant 0 : i32
        %scatter3A_1414 = arith.constant 0 : i32
        %scatter3A_1415 = tpu.memref_slice %arg17[%scan3A_520, %scatter3A_1411, %scatter3A_1412, %scatter3A_1413, %scatter3A_1414] : memref<2x4x5x8x129xf32, #tpu.memory_space<vmem>> -> memref<1x4x5x8x129xf32, #tpu.memory_space<vmem>>
        %scatter3A_1416 = tpu.memref_squeeze %scatter3A_1415 : memref<1x4x5x8x129xf32, #tpu.memory_space<vmem>> -> memref<4x5x8x129xf32, #tpu.memory_space<vmem>>
        tpu.vector_store_idx %scatter3A_1416[%add3A_12, %broadcast_in_dim3A, %and3A_14, %broadcast_in_dim3A_1402], %add3A_1410 : memref<4x5x8x129xf32, #tpu.memory_space<vmem>>[vector<16xi32>, vector<16xi32>, vector<16xi32>, vector<16xi32>], vector<16xf32>,
        %broadcast_in_dim3A_1417 = arith.constant 15 : i32
        %broadcast_in_dim3A_1418 = vector.broadcast %broadcast_in_dim3A_1417 : i32 to vector<16xi32>
        %lt3A_1419 = arith.constant 0 : i32
        %lt3A_1420 = vector.broadcast %lt3A_1419 : i32 to vector<16xi32>
        %lt3A_1421 = arith.cmpi slt, %broadcast_in_dim3A_1418, %lt3A_1420 : vector<16xi32>
        %add3A_1422 = arith.constant 16 : i32
        %add3A_1423 = vector.broadcast %add3A_1422 : i32 to vector<16xi32>
        %add3A_1424 = arith.addi %broadcast_in_dim3A_1418, %add3A_1423 : vector<16xi32>
        %select_n3A_1425 = arith.select %lt3A_1421, %add3A_1424, %broadcast_in_dim3A_1418 : vector<16xi1>, vector<16xi32>
        %broadcast_in_dim3A_1426 = vector.shape_cast %select_n3A_1425 : vector<16xi32> to vector<16x1xi32>
        %gather3A_1427 = vector.shape_cast %broadcast_in_dim3A_1426 : vector<16x1xi32> to vector<16xi32>
        %gather3A_1428 = tpu.dynamic_gather %mul3A_652[%gather3A_1427] in [0] : vector<16xi32>, vector<16xi32> -> vector<16xi32>
        %add3A_1429 = arith.addi %gather3A_1428, %iota3A : vector<16xi32>
        %lt3A_1430 = arith.constant 0 : i32
        %lt3A_1431 = vector.broadcast %lt3A_1430 : i32 to vector<16xi32>
        %lt3A_1432 = arith.cmpi slt, %broadcast_in_dim3A_1418, %lt3A_1431 : vector<16xi32>
        %add3A_1433 = arith.constant 16 : i32
        %add3A_1434 = vector.broadcast %add3A_1433 : i32 to vector<16xi32>
        %add3A_1435 = arith.addi %broadcast_in_dim3A_1418, %add3A_1434 : vector<16xi32>
        %select_n3A_1436 = arith.select %lt3A_1432, %add3A_1435, %broadcast_in_dim3A_1418 : vector<16xi1>, vector<16xi32>
        %broadcast_in_dim3A_1437 = vector.shape_cast %select_n3A_1436 : vector<16xi32> to vector<16x1xi32>
        %gather3A_1438 = vector.shape_cast %broadcast_in_dim3A_1437 : vector<16x1xi32> to vector<16xi32>
        %gather3A_1439 = tpu.dynamic_gather %mul3A_681[%gather3A_1438] in [0] : vector<16xi32>, vector<16xi32> -> vector<16xi32>
        %add3A_1440 = arith.addi %gather3A_1439, %iota3A : vector<16xi32>
        %gather3A_1441 = tpu.vector_load_idx %arg11[%add3A_1429] : memref<3968xf32, #tpu.memory_space<vmem>>[vector<16xi32>], vector<16xf32>,
        %gather3A_1442 = tpu.vector_load_idx %arg15[%add3A_1440] : memref<50688xf32, #tpu.memory_space<vmem>>[vector<16xi32>], vector<16xf32>,
        %add3A_1443 = arith.constant 16 : i32
        %add3A_1444 = vector.broadcast %add3A_1443 : i32 to vector<16xi32>
        %add3A_1445 = arith.addi %add3A_1429, %add3A_1444 : vector<16xi32>
        %gather3A_1446 = tpu.vector_load_idx %arg11[%add3A_1445] : memref<3968xf32, #tpu.memory_space<vmem>>[vector<16xi32>], vector<16xf32>,
        %add3A_1447 = arith.constant 16 : i32
        %add3A_1448 = vector.broadcast %add3A_1447 : i32 to vector<16xi32>
        %add3A_1449 = arith.addi %add3A_1440, %add3A_1448 : vector<16xi32>
        %gather3A_1450 = tpu.vector_load_idx %arg15[%add3A_1449] : memref<50688xf32, #tpu.memory_space<vmem>>[vector<16xi32>], vector<16xf32>,
        %add3A_1451 = arith.constant 13 : i32
        %add3A_1452 = arith.addi %mul3A_687, %add3A_1451 : i32
        %broadcast_in_dim3A_1453 = vector.broadcast %add3A_1452 : i32 to vector<16xi32>
        %add3A_1454 = arith.addf %gather3A_1339, %gather3A_1340 : vector<16xf32>
        %scatter3A_1455 = arith.constant 0 : i32
        %scatter3A_1456 = arith.constant 0 : i32
        %scatter3A_1457 = arith.constant 0 : i32
        %scatter3A_1458 = arith.constant 0 : i32
        %scatter3A_1459 = tpu.memref_slice %arg17[%scan3A_520, %scatter3A_1455, %scatter3A_1456, %scatter3A_1457, %scatter3A_1458] : memref<2x4x5x8x129xf32, #tpu.memory_space<vmem>> -> memref<1x4x5x8x129xf32, #tpu.memory_space<vmem>>
        %scatter3A_1460 = tpu.memref_squeeze %scatter3A_1459 : memref<1x4x5x8x129xf32, #tpu.memory_space<vmem>> -> memref<4x5x8x129xf32, #tpu.memory_space<vmem>>
        tpu.vector_store_idx %scatter3A_1460[%shift_right_arithmetic3A_9, %broadcast_in_dim3A, %and3A_14, %broadcast_in_dim3A_1453], %add3A_1454 : memref<4x5x8x129xf32, #tpu.memory_space<vmem>>[vector<16xi32>, vector<16xi32>, vector<16xi32>, vector<16xi32>], vector<16xf32>,
        %add3A_1461 = arith.addf %gather3A_1344, %gather3A_1348 : vector<16xf32>
        %scatter3A_1462 = arith.constant 0 : i32
        %scatter3A_1463 = arith.constant 0 : i32
        %scatter3A_1464 = arith.constant 0 : i32
        %scatter3A_1465 = arith.constant 0 : i32
        %scatter3A_1466 = tpu.memref_slice %arg17[%scan3A_520, %scatter3A_1462, %scatter3A_1463, %scatter3A_1464, %scatter3A_1465] : memref<2x4x5x8x129xf32, #tpu.memory_space<vmem>> -> memref<1x4x5x8x129xf32, #tpu.memory_space<vmem>>
        %scatter3A_1467 = tpu.memref_squeeze %scatter3A_1466 : memref<1x4x5x8x129xf32, #tpu.memory_space<vmem>> -> memref<4x5x8x129xf32, #tpu.memory_space<vmem>>
        tpu.vector_store_idx %scatter3A_1467[%add3A_12, %broadcast_in_dim3A, %and3A_14, %broadcast_in_dim3A_1453], %add3A_1461 : memref<4x5x8x129xf32, #tpu.memory_space<vmem>>[vector<16xi32>, vector<16xi32>, vector<16xi32>, vector<16xi32>], vector<16xf32>,
        %add3A_1468 = arith.constant 14 : i32
        %add3A_1469 = arith.addi %mul3A_687, %add3A_1468 : i32
        %broadcast_in_dim3A_1470 = vector.broadcast %add3A_1469 : i32 to vector<16xi32>
        %add3A_1471 = arith.addf %gather3A_1390, %gather3A_1391 : vector<16xf32>
        %scatter3A_1472 = arith.constant 0 : i32
        %scatter3A_1473 = arith.constant 0 : i32
        %scatter3A_1474 = arith.constant 0 : i32
        %scatter3A_1475 = arith.constant 0 : i32
        %scatter3A_1476 = tpu.memref_slice %arg17[%scan3A_520, %scatter3A_1472, %scatter3A_1473, %scatter3A_1474, %scatter3A_1475] : memref<2x4x5x8x129xf32, #tpu.memory_space<vmem>> -> memref<1x4x5x8x129xf32, #tpu.memory_space<vmem>>
        %scatter3A_1477 = tpu.memref_squeeze %scatter3A_1476 : memref<1x4x5x8x129xf32, #tpu.memory_space<vmem>> -> memref<4x5x8x129xf32, #tpu.memory_space<vmem>>
        tpu.vector_store_idx %scatter3A_1477[%shift_right_arithmetic3A_9, %broadcast_in_dim3A, %and3A_14, %broadcast_in_dim3A_1470], %add3A_1471 : memref<4x5x8x129xf32, #tpu.memory_space<vmem>>[vector<16xi32>, vector<16xi32>, vector<16xi32>, vector<16xi32>], vector<16xf32>,
        %add3A_1478 = arith.addf %gather3A_1395, %gather3A_1399 : vector<16xf32>
        %scatter3A_1479 = arith.constant 0 : i32
        %scatter3A_1480 = arith.constant 0 : i32
        %scatter3A_1481 = arith.constant 0 : i32
        %scatter3A_1482 = arith.constant 0 : i32
        %scatter3A_1483 = tpu.memref_slice %arg17[%scan3A_520, %scatter3A_1479, %scatter3A_1480, %scatter3A_1481, %scatter3A_1482] : memref<2x4x5x8x129xf32, #tpu.memory_space<vmem>> -> memref<1x4x5x8x129xf32, #tpu.memory_space<vmem>>
        %scatter3A_1484 = tpu.memref_squeeze %scatter3A_1483 : memref<1x4x5x8x129xf32, #tpu.memory_space<vmem>> -> memref<4x5x8x129xf32, #tpu.memory_space<vmem>>
        tpu.vector_store_idx %scatter3A_1484[%add3A_12, %broadcast_in_dim3A, %and3A_14, %broadcast_in_dim3A_1470], %add3A_1478 : memref<4x5x8x129xf32, #tpu.memory_space<vmem>>[vector<16xi32>, vector<16xi32>, vector<16xi32>, vector<16xi32>], vector<16xf32>,
        %add3A_1485 = arith.constant 15 : i32
        %add3A_1486 = arith.addi %mul3A_687, %add3A_1485 : i32
        %broadcast_in_dim3A_1487 = vector.broadcast %add3A_1486 : i32 to vector<16xi32>
        %add3A_1488 = arith.addf %gather3A_1441, %gather3A_1442 : vector<16xf32>
        %scatter3A_1489 = arith.constant 0 : i32
        %scatter3A_1490 = arith.constant 0 : i32
        %scatter3A_1491 = arith.constant 0 : i32
        %scatter3A_1492 = arith.constant 0 : i32
        %scatter3A_1493 = tpu.memref_slice %arg17[%scan3A_520, %scatter3A_1489, %scatter3A_1490, %scatter3A_1491, %scatter3A_1492] : memref<2x4x5x8x129xf32, #tpu.memory_space<vmem>> -> memref<1x4x5x8x129xf32, #tpu.memory_space<vmem>>
        %scatter3A_1494 = tpu.memref_squeeze %scatter3A_1493 : memref<1x4x5x8x129xf32, #tpu.memory_space<vmem>> -> memref<4x5x8x129xf32, #tpu.memory_space<vmem>>
        tpu.vector_store_idx %scatter3A_1494[%shift_right_arithmetic3A_9, %broadcast_in_dim3A, %and3A_14, %broadcast_in_dim3A_1487], %add3A_1488 : memref<4x5x8x129xf32, #tpu.memory_space<vmem>>[vector<16xi32>, vector<16xi32>, vector<16xi32>, vector<16xi32>], vector<16xf32>,
        %add3A_1495 = arith.addf %gather3A_1446, %gather3A_1450 : vector<16xf32>
        %scatter3A_1496 = arith.constant 0 : i32
        %scatter3A_1497 = arith.constant 0 : i32
        %scatter3A_1498 = arith.constant 0 : i32
        %scatter3A_1499 = arith.constant 0 : i32
        %scatter3A_1500 = tpu.memref_slice %arg17[%scan3A_520, %scatter3A_1496, %scatter3A_1497, %scatter3A_1498, %scatter3A_1499] : memref<2x4x5x8x129xf32, #tpu.memory_space<vmem>> -> memref<1x4x5x8x129xf32, #tpu.memory_space<vmem>>
        %scatter3A_1501 = tpu.memref_squeeze %scatter3A_1500 : memref<1x4x5x8x129xf32, #tpu.memory_space<vmem>> -> memref<4x5x8x129xf32, #tpu.memory_space<vmem>>
        tpu.vector_store_idx %scatter3A_1501[%add3A_12, %broadcast_in_dim3A, %and3A_14, %broadcast_in_dim3A_1487], %add3A_1495 : memref<4x5x8x129xf32, #tpu.memory_space<vmem>>[vector<16xi32>, vector<16xi32>, vector<16xi32>, vector<16xi32>], vector<16xf32>,
      }
      %scan3A_525 = arith.constant 40 : i32
      %mul3A_526 = arith.constant 640 : i32
      %mul3A_527 = arith.muli %add3A_465, %mul3A_526 : i32
      %add3A_528 = arith.addi %mul3A_2, %mul3A_527 : i32
      %jit3A_529 = arith.constant 128 : i32
      %div3A_530 = arith.divsi %add3A_528, %jit3A_529 : i32
      %sign3A_531 = arith.constant 0 : i32
      %sign3A_532 = arith.cmpi sgt, %add3A_528, %sign3A_531 : i32
      %sign3A_533 = arith.extui %sign3A_532 : i1 to i32
      %sign3A_534 = arith.constant 0 : i32
      %sign3A_535 = arith.cmpi slt, %add3A_528, %sign3A_534 : i32
      %sign3A_536 = arith.extui %sign3A_535 : i1 to i32
      %sign3A_537 = arith.subi %sign3A_533, %sign3A_536 : i32
      %sign3A_538 = arith.constant 0 : i32
      %sign3A_539 = arith.cmpi sgt, %jit3A_529, %sign3A_538 : i32
      %sign3A_540 = arith.extui %sign3A_539 : i1 to i32
      %sign3A_541 = arith.constant 0 : i32
      %sign3A_542 = arith.cmpi slt, %jit3A_529, %sign3A_541 : i32
      %sign3A_543 = arith.extui %sign3A_542 : i1 to i32
      %sign3A_544 = arith.subi %sign3A_540, %sign3A_543 : i32
      %ne3A_545 = arith.cmpi ne, %sign3A_537, %sign3A_544 : i32
      %rem3A_546 = arith.remsi %add3A_528, %jit3A_529 : i32
      %ne3A_547 = arith.constant 0 : i32
      %ne3A_548 = arith.cmpi ne, %rem3A_546, %ne3A_547 : i32
      %and3A_549 = arith.andi %ne3A_545, %ne3A_548 : i1
      %sub3A_550 = arith.constant 1 : i32
      %sub3A_551 = arith.subi %div3A_530, %sub3A_550 : i32
      %select_n3A_552 = arith.select %and3A_549, %sub3A_551, %div3A_530 : i32
      %dma_start3A_553 = arith.constant 1 : i32
      %dma_start3A_554 = arith.constant 0 : i32
      %dma_start3A_555 = arith.constant 0 : i32
      %dma_start3A_556 = arith.constant 0 : i32
      %dma_start3A_557 = arith.constant 0 : i32
      %dma_start3A_558 = arith.constant 0 : i32
      %dma_start3A_559 = tpu.memref_slice %arg17[%dma_start3A_553, %dma_start3A_554, %dma_start3A_556, %dma_start3A_557, %dma_start3A_558] : memref<2x4x5x8x129xf32, #tpu.memory_space<vmem>> -> memref<1x1x5x8x128xf32, #tpu.memory_space<vmem>>
      %dma_start3A_560 = tpu.memref_squeeze %dma_start3A_559 : memref<1x1x5x8x128xf32, #tpu.memory_space<vmem>> -> memref<5x8x128xf32, #tpu.memory_space<vmem>>
      %dma_start3A_561 = arith.constant 0 : i32
      %dma_start3A_562 = arith.constant 0 : i32
      %dma_start3A_563 = tpu.memref_slice %arg10[%dma_start3A_555, %select_n3A_552, %dma_start3A_561, %dma_start3A_562] : memref<4x12500x8x128xf32, #tpu.memory_space<hbm>> -> memref<1x5x8x128xf32, #tpu.memory_space<hbm>>
      %dma_start3A_564 = tpu.memref_squeeze %dma_start3A_563 : memref<1x5x8x128xf32, #tpu.memory_space<hbm>> -> memref<5x8x128xf32, #tpu.memory_space<hbm>>
      %dma_start3A_565 = arith.constant 0 : i32
      %dma_start3A_566 = arith.constant 0 : i32
      %dma_start3A_567 = tpu.memref_slice %arg10[%dma_start3A_555, %select_n3A_552, %dma_start3A_565, %dma_start3A_566] : memref<4x12500x8x128xf32, #tpu.memory_space<hbm>> -> memref<1x5x8x128xf32, #tpu.memory_space<hbm>>
      %dma_start3A_568 = tpu.memref_squeeze %dma_start3A_567 : memref<1x5x8x128xf32, #tpu.memory_space<hbm>> -> memref<5x8x128xf32, #tpu.memory_space<hbm>>
      %dma_start3A_569 = arith.constant 0 : i32
      %dma_start3A_570 = arith.constant 0 : i32
      %dma_start3A_571 = arith.constant 0 : i32
      %dma_start3A_572 = tpu.memref_slice %arg17[%dma_start3A_553, %dma_start3A_554, %dma_start3A_569, %dma_start3A_570, %dma_start3A_571] : memref<2x4x5x8x129xf32, #tpu.memory_space<vmem>> -> memref<1x1x5x8x128xf32, #tpu.memory_space<vmem>>
      %dma_start3A_573 = tpu.memref_squeeze %dma_start3A_572 : memref<1x1x5x8x128xf32, #tpu.memory_space<vmem>> -> memref<5x8x128xf32, #tpu.memory_space<vmem>>
      tpu.enqueue_dma source(%dma_start3A_573 : memref<5x8x128xf32, #tpu.memory_space<vmem>>) target(%dma_start3A_568 : memref<5x8x128xf32, #tpu.memory_space<hbm>>) target_semaphore(%arg21 : memref<!tpu.dma_semaphore, #tpu.memory_space<semaphore_mem>>)
      %dma_start3A_574 = arith.constant 1 : i32
      %dma_start3A_575 = arith.constant 1 : i32
      %dma_start3A_576 = arith.constant 1 : i32
      %dma_start3A_577 = arith.constant 0 : i32
      %dma_start3A_578 = arith.constant 0 : i32
      %dma_start3A_579 = arith.constant 0 : i32
      %dma_start3A_580 = tpu.memref_slice %arg17[%dma_start3A_574, %dma_start3A_575, %dma_start3A_577, %dma_start3A_578, %dma_start3A_579] : memref<2x4x5x8x129xf32, #tpu.memory_space<vmem>> -> memref<1x1x5x8x128xf32, #tpu.memory_space<vmem>>
      %dma_start3A_581 = tpu.memref_squeeze %dma_start3A_580 : memref<1x1x5x8x128xf32, #tpu.memory_space<vmem>> -> memref<5x8x128xf32, #tpu.memory_space<vmem>>
      %dma_start3A_582 = arith.constant 0 : i32
      %dma_start3A_583 = arith.constant 0 : i32
      %dma_start3A_584 = tpu.memref_slice %arg10[%dma_start3A_576, %select_n3A_552, %dma_start3A_582, %dma_start3A_583] : memref<4x12500x8x128xf32, #tpu.memory_space<hbm>> -> memref<1x5x8x128xf32, #tpu.memory_space<hbm>>
      %dma_start3A_585 = tpu.memref_squeeze %dma_start3A_584 : memref<1x5x8x128xf32, #tpu.memory_space<hbm>> -> memref<5x8x128xf32, #tpu.memory_space<hbm>>
      %dma_start3A_586 = arith.constant 0 : i32
      %dma_start3A_587 = arith.constant 0 : i32
      %dma_start3A_588 = tpu.memref_slice %arg10[%dma_start3A_576, %select_n3A_552, %dma_start3A_586, %dma_start3A_587] : memref<4x12500x8x128xf32, #tpu.memory_space<hbm>> -> memref<1x5x8x128xf32, #tpu.memory_space<hbm>>
      %dma_start3A_589 = tpu.memref_squeeze %dma_start3A_588 : memref<1x5x8x128xf32, #tpu.memory_space<hbm>> -> memref<5x8x128xf32, #tpu.memory_space<hbm>>
      %dma_start3A_590 = arith.constant 0 : i32
      %dma_start3A_591 = arith.constant 0 : i32
      %dma_start3A_592 = arith.constant 0 : i32
      %dma_start3A_593 = tpu.memref_slice %arg17[%dma_start3A_574, %dma_start3A_575, %dma_start3A_590, %dma_start3A_591, %dma_start3A_592] : memref<2x4x5x8x129xf32, #tpu.memory_space<vmem>> -> memref<1x1x5x8x128xf32, #tpu.memory_space<vmem>>
      %dma_start3A_594 = tpu.memref_squeeze %dma_start3A_593 : memref<1x1x5x8x128xf32, #tpu.memory_space<vmem>> -> memref<5x8x128xf32, #tpu.memory_space<vmem>>
      tpu.enqueue_dma source(%dma_start3A_594 : memref<5x8x128xf32, #tpu.memory_space<vmem>>) target(%dma_start3A_589 : memref<5x8x128xf32, #tpu.memory_space<hbm>>) target_semaphore(%arg21 : memref<!tpu.dma_semaphore, #tpu.memory_space<semaphore_mem>>)
      %dma_start3A_595 = arith.constant 1 : i32
      %dma_start3A_596 = arith.constant 2 : i32
      %dma_start3A_597 = arith.constant 2 : i32
      %dma_start3A_598 = arith.constant 0 : i32
      %dma_start3A_599 = arith.constant 0 : i32
      %dma_start3A_600 = arith.constant 0 : i32
      %dma_start3A_601 = tpu.memref_slice %arg17[%dma_start3A_595, %dma_start3A_596, %dma_start3A_598, %dma_start3A_599, %dma_start3A_600] : memref<2x4x5x8x129xf32, #tpu.memory_space<vmem>> -> memref<1x1x5x8x128xf32, #tpu.memory_space<vmem>>
      %dma_start3A_602 = tpu.memref_squeeze %dma_start3A_601 : memref<1x1x5x8x128xf32, #tpu.memory_space<vmem>> -> memref<5x8x128xf32, #tpu.memory_space<vmem>>
      %dma_start3A_603 = arith.constant 0 : i32
      %dma_start3A_604 = arith.constant 0 : i32
      %dma_start3A_605 = tpu.memref_slice %arg10[%dma_start3A_597, %select_n3A_552, %dma_start3A_603, %dma_start3A_604] : memref<4x12500x8x128xf32, #tpu.memory_space<hbm>> -> memref<1x5x8x128xf32, #tpu.memory_space<hbm>>
      %dma_start3A_606 = tpu.memref_squeeze %dma_start3A_605 : memref<1x5x8x128xf32, #tpu.memory_space<hbm>> -> memref<5x8x128xf32, #tpu.memory_space<hbm>>
      %dma_start3A_607 = arith.constant 0 : i32
      %dma_start3A_608 = arith.constant 0 : i32
      %dma_start3A_609 = tpu.memref_slice %arg10[%dma_start3A_597, %select_n3A_552, %dma_start3A_607, %dma_start3A_608] : memref<4x12500x8x128xf32, #tpu.memory_space<hbm>> -> memref<1x5x8x128xf32, #tpu.memory_space<hbm>>
      %dma_start3A_610 = tpu.memref_squeeze %dma_start3A_609 : memref<1x5x8x128xf32, #tpu.memory_space<hbm>> -> memref<5x8x128xf32, #tpu.memory_space<hbm>>
      %dma_start3A_611 = arith.constant 0 : i32
      %dma_start3A_612 = arith.constant 0 : i32
      %dma_start3A_613 = arith.constant 0 : i32
      %dma_start3A_614 = tpu.memref_slice %arg17[%dma_start3A_595, %dma_start3A_596, %dma_start3A_611, %dma_start3A_612, %dma_start3A_613] : memref<2x4x5x8x129xf32, #tpu.memory_space<vmem>> -> memref<1x1x5x8x128xf32, #tpu.memory_space<vmem>>
      %dma_start3A_615 = tpu.memref_squeeze %dma_start3A_614 : memref<1x1x5x8x128xf32, #tpu.memory_space<vmem>> -> memref<5x8x128xf32, #tpu.memory_space<vmem>>
      tpu.enqueue_dma source(%dma_start3A_615 : memref<5x8x128xf32, #tpu.memory_space<vmem>>) target(%dma_start3A_610 : memref<5x8x128xf32, #tpu.memory_space<hbm>>) target_semaphore(%arg21 : memref<!tpu.dma_semaphore, #tpu.memory_space<semaphore_mem>>)
      %dma_start3A_616 = arith.constant 1 : i32
      %dma_start3A_617 = arith.constant 3 : i32
      %dma_start3A_618 = arith.constant 3 : i32
      %dma_start3A_619 = arith.constant 0 : i32
      %dma_start3A_620 = arith.constant 0 : i32
      %dma_start3A_621 = arith.constant 0 : i32
      %dma_start3A_622 = tpu.memref_slice %arg17[%dma_start3A_616, %dma_start3A_617, %dma_start3A_619, %dma_start3A_620, %dma_start3A_621] : memref<2x4x5x8x129xf32, #tpu.memory_space<vmem>> -> memref<1x1x5x8x128xf32, #tpu.memory_space<vmem>>
      %dma_start3A_623 = tpu.memref_squeeze %dma_start3A_622 : memref<1x1x5x8x128xf32, #tpu.memory_space<vmem>> -> memref<5x8x128xf32, #tpu.memory_space<vmem>>
      %dma_start3A_624 = arith.constant 0 : i32
      %dma_start3A_625 = arith.constant 0 : i32
      %dma_start3A_626 = tpu.memref_slice %arg10[%dma_start3A_618, %select_n3A_552, %dma_start3A_624, %dma_start3A_625] : memref<4x12500x8x128xf32, #tpu.memory_space<hbm>> -> memref<1x5x8x128xf32, #tpu.memory_space<hbm>>
      %dma_start3A_627 = tpu.memref_squeeze %dma_start3A_626 : memref<1x5x8x128xf32, #tpu.memory_space<hbm>> -> memref<5x8x128xf32, #tpu.memory_space<hbm>>
      %dma_start3A_628 = arith.constant 0 : i32
      %dma_start3A_629 = arith.constant 0 : i32
      %dma_start3A_630 = tpu.memref_slice %arg10[%dma_start3A_618, %select_n3A_552, %dma_start3A_628, %dma_start3A_629] : memref<4x12500x8x128xf32, #tpu.memory_space<hbm>> -> memref<1x5x8x128xf32, #tpu.memory_space<hbm>>
      %dma_start3A_631 = tpu.memref_squeeze %dma_start3A_630 : memref<1x5x8x128xf32, #tpu.memory_space<hbm>> -> memref<5x8x128xf32, #tpu.memory_space<hbm>>
      %dma_start3A_632 = arith.constant 0 : i32
      %dma_start3A_633 = arith.constant 0 : i32
      %dma_start3A_634 = arith.constant 0 : i32
      %dma_start3A_635 = tpu.memref_slice %arg17[%dma_start3A_616, %dma_start3A_617, %dma_start3A_632, %dma_start3A_633, %dma_start3A_634] : memref<2x4x5x8x129xf32, #tpu.memory_space<vmem>> -> memref<1x1x5x8x128xf32, #tpu.memory_space<vmem>>
      %dma_start3A_636 = tpu.memref_squeeze %dma_start3A_635 : memref<1x1x5x8x128xf32, #tpu.memory_space<vmem>> -> memref<5x8x128xf32, #tpu.memory_space<vmem>>
      tpu.enqueue_dma source(%dma_start3A_636 : memref<5x8x128xf32, #tpu.memory_space<vmem>>) target(%dma_start3A_631 : memref<5x8x128xf32, #tpu.memory_space<hbm>>) target_semaphore(%arg21 : memref<!tpu.dma_semaphore, #tpu.memory_space<semaphore_mem>>)
      %lt3A_637 = arith.constant 38 : i32
      %lt3A_638 = arith.cmpi slt, %scan3A_289, %lt3A_637 : i32
      %convert_element_type3A_639 = arith.extui %lt3A_638 : i1 to i32
      %cond3A_640 = arith.constant 0 : i32
      %cond3A_641 = arith.cmpi ne, %convert_element_type3A_639, %cond3A_640 : i32
      scf.if %cond3A_641 {
        %add3A_642 = arith.constant 2 : i32
        %add3A_643 = arith.addi %add3A_465, %add3A_642 : i32
        %mul3A_644 = arith.constant 640 : i32
        %mul3A_645 = arith.muli %add3A_643, %mul3A_644 : i32
        %add3A_646 = arith.addi %mul3A_2, %mul3A_645 : i32
        %dma_start3A_647 = arith.constant 1 : i32
        %dma_start3A_648 = arith.constant 0 : i32
        %dma_start3A_649 = arith.constant 0 : i32
        %dma_start3A_650 = tpu.memref_slice %arg16[%dma_start3A_647, %dma_start3A_648, %dma_start3A_649] : memref<2x4x640xi32, #tpu.memory_space<vmem>> -> memref<1x1x640xi32, #tpu.memory_space<vmem>>
        %dma_start3A_651 = tpu.memref_squeeze %dma_start3A_650 : memref<1x1x640xi32, #tpu.memory_space<vmem>> -> memref<640xi32, #tpu.memory_space<vmem>>
        %dma_start3A_652 = tpu.memref_slice %arg2[%add3A_646] : memref<1600000xi32, #tpu.memory_space<hbm>> -> memref<640xi32, #tpu.memory_space<hbm>>
        %dma_start3A_653 = arith.constant 0 : i32
        %dma_start3A_654 = tpu.memref_slice %arg16[%dma_start3A_647, %dma_start3A_648, %dma_start3A_653] : memref<2x4x640xi32, #tpu.memory_space<vmem>> -> memref<1x1x640xi32, #tpu.memory_space<vmem>>
        %dma_start3A_655 = tpu.memref_squeeze %dma_start3A_654 : memref<1x1x640xi32, #tpu.memory_space<vmem>> -> memref<640xi32, #tpu.memory_space<vmem>>
        %dma_start3A_656 = tpu.memref_slice %arg2[%add3A_646] : memref<1600000xi32, #tpu.memory_space<hbm>> -> memref<640xi32, #tpu.memory_space<hbm>>
        tpu.enqueue_dma source(%dma_start3A_656 : memref<640xi32, #tpu.memory_space<hbm>>) target(%dma_start3A_655 : memref<640xi32, #tpu.memory_space<vmem>>) target_semaphore(%arg19 : memref<!tpu.dma_semaphore, #tpu.memory_space<semaphore_mem>>)
        %dma_start3A_657 = arith.constant 1 : i32
        %dma_start3A_658 = arith.constant 1 : i32
        %dma_start3A_659 = arith.constant 0 : i32
        %dma_start3A_660 = tpu.memref_slice %arg16[%dma_start3A_657, %dma_start3A_658, %dma_start3A_659] : memref<2x4x640xi32, #tpu.memory_space<vmem>> -> memref<1x1x640xi32, #tpu.memory_space<vmem>>
        %dma_start3A_661 = tpu.memref_squeeze %dma_start3A_660 : memref<1x1x640xi32, #tpu.memory_space<vmem>> -> memref<640xi32, #tpu.memory_space<vmem>>
        %dma_start3A_662 = tpu.memref_slice %arg3[%add3A_646] : memref<1600000xi32, #tpu.memory_space<hbm>> -> memref<640xi32, #tpu.memory_space<hbm>>
        %dma_start3A_663 = arith.constant 0 : i32
        %dma_start3A_664 = tpu.memref_slice %arg16[%dma_start3A_657, %dma_start3A_658, %dma_start3A_663] : memref<2x4x640xi32, #tpu.memory_space<vmem>> -> memref<1x1x640xi32, #tpu.memory_space<vmem>>
        %dma_start3A_665 = tpu.memref_squeeze %dma_start3A_664 : memref<1x1x640xi32, #tpu.memory_space<vmem>> -> memref<640xi32, #tpu.memory_space<vmem>>
        %dma_start3A_666 = tpu.memref_slice %arg3[%add3A_646] : memref<1600000xi32, #tpu.memory_space<hbm>> -> memref<640xi32, #tpu.memory_space<hbm>>
        tpu.enqueue_dma source(%dma_start3A_666 : memref<640xi32, #tpu.memory_space<hbm>>) target(%dma_start3A_665 : memref<640xi32, #tpu.memory_space<vmem>>) target_semaphore(%arg19 : memref<!tpu.dma_semaphore, #tpu.memory_space<semaphore_mem>>)
        %dma_start3A_667 = arith.constant 1 : i32
        %dma_start3A_668 = arith.constant 2 : i32
        %dma_start3A_669 = arith.constant 0 : i32
        %dma_start3A_670 = tpu.memref_slice %arg16[%dma_start3A_667, %dma_start3A_668, %dma_start3A_669] : memref<2x4x640xi32, #tpu.memory_space<vmem>> -> memref<1x1x640xi32, #tpu.memory_space<vmem>>
        %dma_start3A_671 = tpu.memref_squeeze %dma_start3A_670 : memref<1x1x640xi32, #tpu.memory_space<vmem>> -> memref<640xi32, #tpu.memory_space<vmem>>
        %dma_start3A_672 = tpu.memref_slice %arg4[%add3A_646] : memref<1600000xi32, #tpu.memory_space<hbm>> -> memref<640xi32, #tpu.memory_space<hbm>>
        %dma_start3A_673 = arith.constant 0 : i32
        %dma_start3A_674 = tpu.memref_slice %arg16[%dma_start3A_667, %dma_start3A_668, %dma_start3A_673] : memref<2x4x640xi32, #tpu.memory_space<vmem>> -> memref<1x1x640xi32, #tpu.memory_space<vmem>>
        %dma_start3A_675 = tpu.memref_squeeze %dma_start3A_674 : memref<1x1x640xi32, #tpu.memory_space<vmem>> -> memref<640xi32, #tpu.memory_space<vmem>>
        %dma_start3A_676 = tpu.memref_slice %arg4[%add3A_646] : memref<1600000xi32, #tpu.memory_space<hbm>> -> memref<640xi32, #tpu.memory_space<hbm>>
        tpu.enqueue_dma source(%dma_start3A_676 : memref<640xi32, #tpu.memory_space<hbm>>) target(%dma_start3A_675 : memref<640xi32, #tpu.memory_space<vmem>>) target_semaphore(%arg19 : memref<!tpu.dma_semaphore, #tpu.memory_space<semaphore_mem>>)
        %dma_start3A_677 = arith.constant 1 : i32
        %dma_start3A_678 = arith.constant 3 : i32
        %dma_start3A_679 = arith.constant 0 : i32
        %dma_start3A_680 = tpu.memref_slice %arg16[%dma_start3A_677, %dma_start3A_678, %dma_start3A_679] : memref<2x4x640xi32, #tpu.memory_space<vmem>> -> memref<1x1x640xi32, #tpu.memory_space<vmem>>
        %dma_start3A_681 = tpu.memref_squeeze %dma_start3A_680 : memref<1x1x640xi32, #tpu.memory_space<vmem>> -> memref<640xi32, #tpu.memory_space<vmem>>
        %dma_start3A_682 = tpu.memref_slice %arg5[%add3A_646] : memref<1600000xi32, #tpu.memory_space<hbm>> -> memref<640xi32, #tpu.memory_space<hbm>>
        %dma_start3A_683 = arith.constant 0 : i32
        %dma_start3A_684 = tpu.memref_slice %arg16[%dma_start3A_677, %dma_start3A_678, %dma_start3A_683] : memref<2x4x640xi32, #tpu.memory_space<vmem>> -> memref<1x1x640xi32, #tpu.memory_space<vmem>>
        %dma_start3A_685 = tpu.memref_squeeze %dma_start3A_684 : memref<1x1x640xi32, #tpu.memory_space<vmem>> -> memref<640xi32, #tpu.memory_space<vmem>>
        %dma_start3A_686 = tpu.memref_slice %arg5[%add3A_646] : memref<1600000xi32, #tpu.memory_space<hbm>> -> memref<640xi32, #tpu.memory_space<hbm>>
        tpu.enqueue_dma source(%dma_start3A_686 : memref<640xi32, #tpu.memory_space<hbm>>) target(%dma_start3A_685 : memref<640xi32, #tpu.memory_space<vmem>>) target_semaphore(%arg19 : memref<!tpu.dma_semaphore, #tpu.memory_space<semaphore_mem>>)
      } else {
      }
    }
    %scan3A_103 = arith.constant 39 : i32
    %dma_wait3A = arith.constant 0 : i32
    %dma_wait3A_104 = arith.constant 0 : i32
    %dma_wait3A_105 = arith.constant 0 : i32
    %dma_wait3A_106 = arith.constant 0 : i32
    %dma_wait3A_107 = arith.constant 0 : i32
    %dma_wait3A_108 = arith.constant 0 : i32
    %dma_wait3A_109 = tpu.memref_slice %arg17[%dma_wait3A, %dma_wait3A_104, %dma_wait3A_106, %dma_wait3A_107, %dma_wait3A_108] : memref<2x4x5x8x129xf32, #tpu.memory_space<vmem>> -> memref<1x1x5x8x128xf32, #tpu.memory_space<vmem>>
    %dma_wait3A_110 = tpu.memref_squeeze %dma_wait3A_109 : memref<1x1x5x8x128xf32, #tpu.memory_space<vmem>> -> memref<5x8x128xf32, #tpu.memory_space<vmem>>
    %dma_wait3A_111 = arith.constant 0 : i32
    %dma_wait3A_112 = arith.constant 0 : i32
    %dma_wait3A_113 = arith.constant 0 : i32
    %dma_wait3A_114 = tpu.memref_slice %arg10[%dma_wait3A_105, %dma_wait3A_111, %dma_wait3A_112, %dma_wait3A_113] : memref<4x12500x8x128xf32, #tpu.memory_space<hbm>> -> memref<1x5x8x128xf32, #tpu.memory_space<hbm>>
    %dma_wait3A_115 = tpu.memref_squeeze %dma_wait3A_114 : memref<1x5x8x128xf32, #tpu.memory_space<hbm>> -> memref<5x8x128xf32, #tpu.memory_space<hbm>>
    %dma_wait3A_116 = arith.constant 0 : i32
    %dma_wait3A_117 = arith.constant 0 : i32
    %dma_wait3A_118 = arith.constant 0 : i32
    %dma_wait3A_119 = tpu.memref_slice %arg10[%dma_wait3A_105, %dma_wait3A_116, %dma_wait3A_117, %dma_wait3A_118] : memref<4x12500x8x128xf32, #tpu.memory_space<hbm>> -> memref<1x5x8x128xf32, #tpu.memory_space<hbm>>
    %dma_wait3A_120 = tpu.memref_squeeze %dma_wait3A_119 : memref<1x5x8x128xf32, #tpu.memory_space<hbm>> -> memref<5x8x128xf32, #tpu.memory_space<hbm>>
    %dma_wait3A_121 = arith.constant 0 : i32
    %dma_wait3A_122 = arith.constant 0 : i32
    %dma_wait3A_123 = arith.constant 0 : i32
    %dma_wait3A_124 = tpu.memref_slice %arg17[%dma_wait3A, %dma_wait3A_104, %dma_wait3A_121, %dma_wait3A_122, %dma_wait3A_123] : memref<2x4x5x8x129xf32, #tpu.memory_space<vmem>> -> memref<1x1x5x8x128xf32, #tpu.memory_space<vmem>>
    %dma_wait3A_125 = tpu.memref_squeeze %dma_wait3A_124 : memref<1x1x5x8x128xf32, #tpu.memory_space<vmem>> -> memref<5x8x128xf32, #tpu.memory_space<vmem>>
    tpu.wait_dma2 semaphore(%arg20 : memref<!tpu.dma_semaphore, #tpu.memory_space<semaphore_mem>>) src(%dma_wait3A_125 : memref<5x8x128xf32, #tpu.memory_space<vmem>>) dst(%dma_wait3A_120 : memref<5x8x128xf32, #tpu.memory_space<hbm>>)
    %dma_wait3A_126 = arith.constant 0 : i32
    %dma_wait3A_127 = arith.constant 1 : i32
    %dma_wait3A_128 = arith.constant 1 : i32
    %dma_wait3A_129 = arith.constant 0 : i32
    %dma_wait3A_130 = arith.constant 0 : i32
    %dma_wait3A_131 = arith.constant 0 : i32
    %dma_wait3A_132 = tpu.memref_slice %arg17[%dma_wait3A_126, %dma_wait3A_127, %dma_wait3A_129, %dma_wait3A_130, %dma_wait3A_131] : memref<2x4x5x8x129xf32, #tpu.memory_space<vmem>> -> memref<1x1x5x8x128xf32, #tpu.memory_space<vmem>>
    %dma_wait3A_133 = tpu.memref_squeeze %dma_wait3A_132 : memref<1x1x5x8x128xf32, #tpu.memory_space<vmem>> -> memref<5x8x128xf32, #tpu.memory_space<vmem>>
    %dma_wait3A_134 = arith.constant 0 : i32
    %dma_wait3A_135 = arith.constant 0 : i32
    %dma_wait3A_136 = arith.constant 0 : i32
    %dma_wait3A_137 = tpu.memref_slice %arg10[%dma_wait3A_128, %dma_wait3A_134, %dma_wait3A_135, %dma_wait3A_136] : memref<4x12500x8x128xf32, #tpu.memory_space<hbm>> -> memref<1x5x8x128xf32, #tpu.memory_space<hbm>>
    %dma_wait3A_138 = tpu.memref_squeeze %dma_wait3A_137 : memref<1x5x8x128xf32, #tpu.memory_space<hbm>> -> memref<5x8x128xf32, #tpu.memory_space<hbm>>
    %dma_wait3A_139 = arith.constant 0 : i32
    %dma_wait3A_140 = arith.constant 0 : i32
    %dma_wait3A_141 = arith.constant 0 : i32
    %dma_wait3A_142 = tpu.memref_slice %arg10[%dma_wait3A_128, %dma_wait3A_139, %dma_wait3A_140, %dma_wait3A_141] : memref<4x12500x8x128xf32, #tpu.memory_space<hbm>> -> memref<1x5x8x128xf32, #tpu.memory_space<hbm>>
    %dma_wait3A_143 = tpu.memref_squeeze %dma_wait3A_142 : memref<1x5x8x128xf32, #tpu.memory_space<hbm>> -> memref<5x8x128xf32, #tpu.memory_space<hbm>>
    %dma_wait3A_144 = arith.constant 0 : i32
    %dma_wait3A_145 = arith.constant 0 : i32
    %dma_wait3A_146 = arith.constant 0 : i32
    %dma_wait3A_147 = tpu.memref_slice %arg17[%dma_wait3A_126, %dma_wait3A_127, %dma_wait3A_144, %dma_wait3A_145, %dma_wait3A_146] : memref<2x4x5x8x129xf32, #tpu.memory_space<vmem>> -> memref<1x1x5x8x128xf32, #tpu.memory_space<vmem>>
    %dma_wait3A_148 = tpu.memref_squeeze %dma_wait3A_147 : memref<1x1x5x8x128xf32, #tpu.memory_space<vmem>> -> memref<5x8x128xf32, #tpu.memory_space<vmem>>
    tpu.wait_dma2 semaphore(%arg20 : memref<!tpu.dma_semaphore, #tpu.memory_space<semaphore_mem>>) src(%dma_wait3A_148 : memref<5x8x128xf32, #tpu.memory_space<vmem>>) dst(%dma_wait3A_143 : memref<5x8x128xf32, #tpu.memory_space<hbm>>)
    %dma_wait3A_149 = arith.constant 0 : i32
    %dma_wait3A_150 = arith.constant 2 : i32
    %dma_wait3A_151 = arith.constant 2 : i32
    %dma_wait3A_152 = arith.constant 0 : i32
    %dma_wait3A_153 = arith.constant 0 : i32
    %dma_wait3A_154 = arith.constant 0 : i32
    %dma_wait3A_155 = tpu.memref_slice %arg17[%dma_wait3A_149, %dma_wait3A_150, %dma_wait3A_152, %dma_wait3A_153, %dma_wait3A_154] : memref<2x4x5x8x129xf32, #tpu.memory_space<vmem>> -> memref<1x1x5x8x128xf32, #tpu.memory_space<vmem>>
    %dma_wait3A_156 = tpu.memref_squeeze %dma_wait3A_155 : memref<1x1x5x8x128xf32, #tpu.memory_space<vmem>> -> memref<5x8x128xf32, #tpu.memory_space<vmem>>
    %dma_wait3A_157 = arith.constant 0 : i32
    %dma_wait3A_158 = arith.constant 0 : i32
    %dma_wait3A_159 = arith.constant 0 : i32
    %dma_wait3A_160 = tpu.memref_slice %arg10[%dma_wait3A_151, %dma_wait3A_157, %dma_wait3A_158, %dma_wait3A_159] : memref<4x12500x8x128xf32, #tpu.memory_space<hbm>> -> memref<1x5x8x128xf32, #tpu.memory_space<hbm>>
    %dma_wait3A_161 = tpu.memref_squeeze %dma_wait3A_160 : memref<1x5x8x128xf32, #tpu.memory_space<hbm>> -> memref<5x8x128xf32, #tpu.memory_space<hbm>>
    %dma_wait3A_162 = arith.constant 0 : i32
    %dma_wait3A_163 = arith.constant 0 : i32
    %dma_wait3A_164 = arith.constant 0 : i32
    %dma_wait3A_165 = tpu.memref_slice %arg10[%dma_wait3A_151, %dma_wait3A_162, %dma_wait3A_163, %dma_wait3A_164] : memref<4x12500x8x128xf32, #tpu.memory_space<hbm>> -> memref<1x5x8x128xf32, #tpu.memory_space<hbm>>
    %dma_wait3A_166 = tpu.memref_squeeze %dma_wait3A_165 : memref<1x5x8x128xf32, #tpu.memory_space<hbm>> -> memref<5x8x128xf32, #tpu.memory_space<hbm>>
    %dma_wait3A_167 = arith.constant 0 : i32
    %dma_wait3A_168 = arith.constant 0 : i32
    %dma_wait3A_169 = arith.constant 0 : i32
    %dma_wait3A_170 = tpu.memref_slice %arg17[%dma_wait3A_149, %dma_wait3A_150, %dma_wait3A_167, %dma_wait3A_168, %dma_wait3A_169] : memref<2x4x5x8x129xf32, #tpu.memory_space<vmem>> -> memref<1x1x5x8x128xf32, #tpu.memory_space<vmem>>
    %dma_wait3A_171 = tpu.memref_squeeze %dma_wait3A_170 : memref<1x1x5x8x128xf32, #tpu.memory_space<vmem>> -> memref<5x8x128xf32, #tpu.memory_space<vmem>>
    tpu.wait_dma2 semaphore(%arg20 : memref<!tpu.dma_semaphore, #tpu.memory_space<semaphore_mem>>) src(%dma_wait3A_171 : memref<5x8x128xf32, #tpu.memory_space<vmem>>) dst(%dma_wait3A_166 : memref<5x8x128xf32, #tpu.memory_space<hbm>>)
    %dma_wait3A_172 = arith.constant 0 : i32
    %dma_wait3A_173 = arith.constant 3 : i32
    %dma_wait3A_174 = arith.constant 3 : i32
    %dma_wait3A_175 = arith.constant 0 : i32
    %dma_wait3A_176 = arith.constant 0 : i32
    %dma_wait3A_177 = arith.constant 0 : i32
    %dma_wait3A_178 = tpu.memref_slice %arg17[%dma_wait3A_172, %dma_wait3A_173, %dma_wait3A_175, %dma_wait3A_176, %dma_wait3A_177] : memref<2x4x5x8x129xf32, #tpu.memory_space<vmem>> -> memref<1x1x5x8x128xf32, #tpu.memory_space<vmem>>
    %dma_wait3A_179 = tpu.memref_squeeze %dma_wait3A_178 : memref<1x1x5x8x128xf32, #tpu.memory_space<vmem>> -> memref<5x8x128xf32, #tpu.memory_space<vmem>>
    %dma_wait3A_180 = arith.constant 0 : i32
    %dma_wait3A_181 = arith.constant 0 : i32
    %dma_wait3A_182 = arith.constant 0 : i32
    %dma_wait3A_183 = tpu.memref_slice %arg10[%dma_wait3A_174, %dma_wait3A_180, %dma_wait3A_181, %dma_wait3A_182] : memref<4x12500x8x128xf32, #tpu.memory_space<hbm>> -> memref<1x5x8x128xf32, #tpu.memory_space<hbm>>
    %dma_wait3A_184 = tpu.memref_squeeze %dma_wait3A_183 : memref<1x5x8x128xf32, #tpu.memory_space<hbm>> -> memref<5x8x128xf32, #tpu.memory_space<hbm>>
    %dma_wait3A_185 = arith.constant 0 : i32
    %dma_wait3A_186 = arith.constant 0 : i32
    %dma_wait3A_187 = arith.constant 0 : i32
    %dma_wait3A_188 = tpu.memref_slice %arg10[%dma_wait3A_174, %dma_wait3A_185, %dma_wait3A_186, %dma_wait3A_187] : memref<4x12500x8x128xf32, #tpu.memory_space<hbm>> -> memref<1x5x8x128xf32, #tpu.memory_space<hbm>>
    %dma_wait3A_189 = tpu.memref_squeeze %dma_wait3A_188 : memref<1x5x8x128xf32, #tpu.memory_space<hbm>> -> memref<5x8x128xf32, #tpu.memory_space<hbm>>
    %dma_wait3A_190 = arith.constant 0 : i32
    %dma_wait3A_191 = arith.constant 0 : i32
    %dma_wait3A_192 = arith.constant 0 : i32
    %dma_wait3A_193 = tpu.memref_slice %arg17[%dma_wait3A_172, %dma_wait3A_173, %dma_wait3A_190, %dma_wait3A_191, %dma_wait3A_192] : memref<2x4x5x8x129xf32, #tpu.memory_space<vmem>> -> memref<1x1x5x8x128xf32, #tpu.memory_space<vmem>>
    %dma_wait3A_194 = tpu.memref_squeeze %dma_wait3A_193 : memref<1x1x5x8x128xf32, #tpu.memory_space<vmem>> -> memref<5x8x128xf32, #tpu.memory_space<vmem>>
    tpu.wait_dma2 semaphore(%arg20 : memref<!tpu.dma_semaphore, #tpu.memory_space<semaphore_mem>>) src(%dma_wait3A_194 : memref<5x8x128xf32, #tpu.memory_space<vmem>>) dst(%dma_wait3A_189 : memref<5x8x128xf32, #tpu.memory_space<hbm>>)
    %dma_wait3A_195 = arith.constant 1 : i32
    %dma_wait3A_196 = arith.constant 0 : i32
    %dma_wait3A_197 = arith.constant 0 : i32
    %dma_wait3A_198 = arith.constant 0 : i32
    %dma_wait3A_199 = arith.constant 0 : i32
    %dma_wait3A_200 = arith.constant 0 : i32
    %dma_wait3A_201 = tpu.memref_slice %arg17[%dma_wait3A_195, %dma_wait3A_196, %dma_wait3A_198, %dma_wait3A_199, %dma_wait3A_200] : memref<2x4x5x8x129xf32, #tpu.memory_space<vmem>> -> memref<1x1x5x8x128xf32, #tpu.memory_space<vmem>>
    %dma_wait3A_202 = tpu.memref_squeeze %dma_wait3A_201 : memref<1x1x5x8x128xf32, #tpu.memory_space<vmem>> -> memref<5x8x128xf32, #tpu.memory_space<vmem>>
    %dma_wait3A_203 = arith.constant 0 : i32
    %dma_wait3A_204 = arith.constant 0 : i32
    %dma_wait3A_205 = arith.constant 0 : i32
    %dma_wait3A_206 = tpu.memref_slice %arg10[%dma_wait3A_197, %dma_wait3A_203, %dma_wait3A_204, %dma_wait3A_205] : memref<4x12500x8x128xf32, #tpu.memory_space<hbm>> -> memref<1x5x8x128xf32, #tpu.memory_space<hbm>>
    %dma_wait3A_207 = tpu.memref_squeeze %dma_wait3A_206 : memref<1x5x8x128xf32, #tpu.memory_space<hbm>> -> memref<5x8x128xf32, #tpu.memory_space<hbm>>
    %dma_wait3A_208 = arith.constant 0 : i32
    %dma_wait3A_209 = arith.constant 0 : i32
    %dma_wait3A_210 = arith.constant 0 : i32
    %dma_wait3A_211 = tpu.memref_slice %arg10[%dma_wait3A_197, %dma_wait3A_208, %dma_wait3A_209, %dma_wait3A_210] : memref<4x12500x8x128xf32, #tpu.memory_space<hbm>> -> memref<1x5x8x128xf32, #tpu.memory_space<hbm>>
    %dma_wait3A_212 = tpu.memref_squeeze %dma_wait3A_211 : memref<1x5x8x128xf32, #tpu.memory_space<hbm>> -> memref<5x8x128xf32, #tpu.memory_space<hbm>>
    %dma_wait3A_213 = arith.constant 0 : i32
    %dma_wait3A_214 = arith.constant 0 : i32
    %dma_wait3A_215 = arith.constant 0 : i32
    %dma_wait3A_216 = tpu.memref_slice %arg17[%dma_wait3A_195, %dma_wait3A_196, %dma_wait3A_213, %dma_wait3A_214, %dma_wait3A_215] : memref<2x4x5x8x129xf32, #tpu.memory_space<vmem>> -> memref<1x1x5x8x128xf32, #tpu.memory_space<vmem>>
    %dma_wait3A_217 = tpu.memref_squeeze %dma_wait3A_216 : memref<1x1x5x8x128xf32, #tpu.memory_space<vmem>> -> memref<5x8x128xf32, #tpu.memory_space<vmem>>
    tpu.wait_dma2 semaphore(%arg21 : memref<!tpu.dma_semaphore, #tpu.memory_space<semaphore_mem>>) src(%dma_wait3A_217 : memref<5x8x128xf32, #tpu.memory_space<vmem>>) dst(%dma_wait3A_212 : memref<5x8x128xf32, #tpu.memory_space<hbm>>)
    %dma_wait3A_218 = arith.constant 1 : i32
    %dma_wait3A_219 = arith.constant 1 : i32
    %dma_wait3A_220 = arith.constant 1 : i32
    %dma_wait3A_221 = arith.constant 0 : i32
    %dma_wait3A_222 = arith.constant 0 : i32
    %dma_wait3A_223 = arith.constant 0 : i32
    %dma_wait3A_224 = tpu.memref_slice %arg17[%dma_wait3A_218, %dma_wait3A_219, %dma_wait3A_221, %dma_wait3A_222, %dma_wait3A_223] : memref<2x4x5x8x129xf32, #tpu.memory_space<vmem>> -> memref<1x1x5x8x128xf32, #tpu.memory_space<vmem>>
    %dma_wait3A_225 = tpu.memref_squeeze %dma_wait3A_224 : memref<1x1x5x8x128xf32, #tpu.memory_space<vmem>> -> memref<5x8x128xf32, #tpu.memory_space<vmem>>
    %dma_wait3A_226 = arith.constant 0 : i32
    %dma_wait3A_227 = arith.constant 0 : i32
    %dma_wait3A_228 = arith.constant 0 : i32
    %dma_wait3A_229 = tpu.memref_slice %arg10[%dma_wait3A_220, %dma_wait3A_226, %dma_wait3A_227, %dma_wait3A_228] : memref<4x12500x8x128xf32, #tpu.memory_space<hbm>> -> memref<1x5x8x128xf32, #tpu.memory_space<hbm>>
    %dma_wait3A_230 = tpu.memref_squeeze %dma_wait3A_229 : memref<1x5x8x128xf32, #tpu.memory_space<hbm>> -> memref<5x8x128xf32, #tpu.memory_space<hbm>>
    %dma_wait3A_231 = arith.constant 0 : i32
    %dma_wait3A_232 = arith.constant 0 : i32
    %dma_wait3A_233 = arith.constant 0 : i32
    %dma_wait3A_234 = tpu.memref_slice %arg10[%dma_wait3A_220, %dma_wait3A_231, %dma_wait3A_232, %dma_wait3A_233] : memref<4x12500x8x128xf32, #tpu.memory_space<hbm>> -> memref<1x5x8x128xf32, #tpu.memory_space<hbm>>
    %dma_wait3A_235 = tpu.memref_squeeze %dma_wait3A_234 : memref<1x5x8x128xf32, #tpu.memory_space<hbm>> -> memref<5x8x128xf32, #tpu.memory_space<hbm>>
    %dma_wait3A_236 = arith.constant 0 : i32
    %dma_wait3A_237 = arith.constant 0 : i32
    %dma_wait3A_238 = arith.constant 0 : i32
    %dma_wait3A_239 = tpu.memref_slice %arg17[%dma_wait3A_218, %dma_wait3A_219, %dma_wait3A_236, %dma_wait3A_237, %dma_wait3A_238] : memref<2x4x5x8x129xf32, #tpu.memory_space<vmem>> -> memref<1x1x5x8x128xf32, #tpu.memory_space<vmem>>
    %dma_wait3A_240 = tpu.memref_squeeze %dma_wait3A_239 : memref<1x1x5x8x128xf32, #tpu.memory_space<vmem>> -> memref<5x8x128xf32, #tpu.memory_space<vmem>>
    tpu.wait_dma2 semaphore(%arg21 : memref<!tpu.dma_semaphore, #tpu.memory_space<semaphore_mem>>) src(%dma_wait3A_240 : memref<5x8x128xf32, #tpu.memory_space<vmem>>) dst(%dma_wait3A_235 : memref<5x8x128xf32, #tpu.memory_space<hbm>>)
    %dma_wait3A_241 = arith.constant 1 : i32
    %dma_wait3A_242 = arith.constant 2 : i32
    %dma_wait3A_243 = arith.constant 2 : i32
    %dma_wait3A_244 = arith.constant 0 : i32
    %dma_wait3A_245 = arith.constant 0 : i32
    %dma_wait3A_246 = arith.constant 0 : i32
    %dma_wait3A_247 = tpu.memref_slice %arg17[%dma_wait3A_241, %dma_wait3A_242, %dma_wait3A_244, %dma_wait3A_245, %dma_wait3A_246] : memref<2x4x5x8x129xf32, #tpu.memory_space<vmem>> -> memref<1x1x5x8x128xf32, #tpu.memory_space<vmem>>
    %dma_wait3A_248 = tpu.memref_squeeze %dma_wait3A_247 : memref<1x1x5x8x128xf32, #tpu.memory_space<vmem>> -> memref<5x8x128xf32, #tpu.memory_space<vmem>>
    %dma_wait3A_249 = arith.constant 0 : i32
    %dma_wait3A_250 = arith.constant 0 : i32
    %dma_wait3A_251 = arith.constant 0 : i32
    %dma_wait3A_252 = tpu.memref_slice %arg10[%dma_wait3A_243, %dma_wait3A_249, %dma_wait3A_250, %dma_wait3A_251] : memref<4x12500x8x128xf32, #tpu.memory_space<hbm>> -> memref<1x5x8x128xf32, #tpu.memory_space<hbm>>
    %dma_wait3A_253 = tpu.memref_squeeze %dma_wait3A_252 : memref<1x5x8x128xf32, #tpu.memory_space<hbm>> -> memref<5x8x128xf32, #tpu.memory_space<hbm>>
    %dma_wait3A_254 = arith.constant 0 : i32
    %dma_wait3A_255 = arith.constant 0 : i32
    %dma_wait3A_256 = arith.constant 0 : i32
    %dma_wait3A_257 = tpu.memref_slice %arg10[%dma_wait3A_243, %dma_wait3A_254, %dma_wait3A_255, %dma_wait3A_256] : memref<4x12500x8x128xf32, #tpu.memory_space<hbm>> -> memref<1x5x8x128xf32, #tpu.memory_space<hbm>>
    %dma_wait3A_258 = tpu.memref_squeeze %dma_wait3A_257 : memref<1x5x8x128xf32, #tpu.memory_space<hbm>> -> memref<5x8x128xf32, #tpu.memory_space<hbm>>
    %dma_wait3A_259 = arith.constant 0 : i32
    %dma_wait3A_260 = arith.constant 0 : i32
    %dma_wait3A_261 = arith.constant 0 : i32
    %dma_wait3A_262 = tpu.memref_slice %arg17[%dma_wait3A_241, %dma_wait3A_242, %dma_wait3A_259, %dma_wait3A_260, %dma_wait3A_261] : memref<2x4x5x8x129xf32, #tpu.memory_space<vmem>> -> memref<1x1x5x8x128xf32, #tpu.memory_space<vmem>>
    %dma_wait3A_263 = tpu.memref_squeeze %dma_wait3A_262 : memref<1x1x5x8x128xf32, #tpu.memory_space<vmem>> -> memref<5x8x128xf32, #tpu.memory_space<vmem>>
    tpu.wait_dma2 semaphore(%arg21 : memref<!tpu.dma_semaphore, #tpu.memory_space<semaphore_mem>>) src(%dma_wait3A_263 : memref<5x8x128xf32, #tpu.memory_space<vmem>>) dst(%dma_wait3A_258 : memref<5x8x128xf32, #tpu.memory_space<hbm>>)
    %dma_wait3A_264 = arith.constant 1 : i32
    %dma_wait3A_265 = arith.constant 3 : i32
    %dma_wait3A_266 = arith.constant 3 : i32
    %dma_wait3A_267 = arith.constant 0 : i32
    %dma_wait3A_268 = arith.constant 0 : i32
    %dma_wait3A_269 = arith.constant 0 : i32
    %dma_wait3A_270 = tpu.memref_slice %arg17[%dma_wait3A_264, %dma_wait3A_265, %dma_wait3A_267, %dma_wait3A_268, %dma_wait3A_269] : memref<2x4x5x8x129xf32, #tpu.memory_space<vmem>> -> memref<1x1x5x8x128xf32, #tpu.memory_space<vmem>>
    %dma_wait3A_271 = tpu.memref_squeeze %dma_wait3A_270 : memref<1x1x5x8x128xf32, #tpu.memory_space<vmem>> -> memref<5x8x128xf32, #tpu.memory_space<vmem>>
    %dma_wait3A_272 = arith.constant 0 : i32
    %dma_wait3A_273 = arith.constant 0 : i32
    %dma_wait3A_274 = arith.constant 0 : i32
    %dma_wait3A_275 = tpu.memref_slice %arg10[%dma_wait3A_266, %dma_wait3A_272, %dma_wait3A_273, %dma_wait3A_274] : memref<4x12500x8x128xf32, #tpu.memory_space<hbm>> -> memref<1x5x8x128xf32, #tpu.memory_space<hbm>>
    %dma_wait3A_276 = tpu.memref_squeeze %dma_wait3A_275 : memref<1x5x8x128xf32, #tpu.memory_space<hbm>> -> memref<5x8x128xf32, #tpu.memory_space<hbm>>
    %dma_wait3A_277 = arith.constant 0 : i32
    %dma_wait3A_278 = arith.constant 0 : i32
    %dma_wait3A_279 = arith.constant 0 : i32
    %dma_wait3A_280 = tpu.memref_slice %arg10[%dma_wait3A_266, %dma_wait3A_277, %dma_wait3A_278, %dma_wait3A_279] : memref<4x12500x8x128xf32, #tpu.memory_space<hbm>> -> memref<1x5x8x128xf32, #tpu.memory_space<hbm>>
    %dma_wait3A_281 = tpu.memref_squeeze %dma_wait3A_280 : memref<1x5x8x128xf32, #tpu.memory_space<hbm>> -> memref<5x8x128xf32, #tpu.memory_space<hbm>>
    %dma_wait3A_282 = arith.constant 0 : i32
    %dma_wait3A_283 = arith.constant 0 : i32
    %dma_wait3A_284 = arith.constant 0 : i32
    %dma_wait3A_285 = tpu.memref_slice %arg17[%dma_wait3A_264, %dma_wait3A_265, %dma_wait3A_282, %dma_wait3A_283, %dma_wait3A_284] : memref<2x4x5x8x129xf32, #tpu.memory_space<vmem>> -> memref<1x1x5x8x128xf32, #tpu.memory_space<vmem>>
    %dma_wait3A_286 = tpu.memref_squeeze %dma_wait3A_285 : memref<1x1x5x8x128xf32, #tpu.memory_space<vmem>> -> memref<5x8x128xf32, #tpu.memory_space<vmem>>
    tpu.wait_dma2 semaphore(%arg21 : memref<!tpu.dma_semaphore, #tpu.memory_space<semaphore_mem>>) src(%dma_wait3A_286 : memref<5x8x128xf32, #tpu.memory_space<vmem>>) dst(%dma_wait3A_281 : memref<5x8x128xf32, #tpu.memory_space<hbm>>)
    %lt3A = arith.constant 20 : i32
    %lt3A_287 = arith.cmpi slt, %add3A, %lt3A : i32
    %convert_element_type3A = arith.extui %lt3A_287 : i1 to i32
    %cond3A = arith.constant 0 : i32
    %cond3A_288 = arith.cmpi ne, %convert_element_type3A, %cond3A : i32
    scf.if %cond3A_288 {
      %mul3A_289 = arith.constant 128 : i32
      %mul3A_290 = arith.muli %add3A, %mul3A_289 : i32
      %add3A_291 = arith.constant 1597440 : i32
      %add3A_292 = arith.addi %add3A_291, %mul3A_290 : i32
      %dma_start3A_293 = arith.constant 0 : i32
      %dma_start3A_294 = arith.constant 0 : i32
      %dma_start3A_295 = arith.constant 0 : i32
      %dma_start3A_296 = tpu.memref_slice %arg16[%dma_start3A_293, %dma_start3A_294, %dma_start3A_295] : memref<2x4x640xi32, #tpu.memory_space<vmem>> -> memref<1x1x128xi32, #tpu.memory_space<vmem>>
      %dma_start3A_297 = tpu.memref_squeeze %dma_start3A_296 : memref<1x1x128xi32, #tpu.memory_space<vmem>> -> memref<128xi32, #tpu.memory_space<vmem>>
      %dma_start3A_298 = tpu.memref_slice %arg2[%add3A_292] : memref<1600000xi32, #tpu.memory_space<hbm>> -> memref<128xi32, #tpu.memory_space<hbm>>
      %dma_start3A_299 = arith.constant 0 : i32
      %dma_start3A_300 = tpu.memref_slice %arg16[%dma_start3A_293, %dma_start3A_294, %dma_start3A_299] : memref<2x4x640xi32, #tpu.memory_space<vmem>> -> memref<1x1x128xi32, #tpu.memory_space<vmem>>
      %dma_start3A_301 = tpu.memref_squeeze %dma_start3A_300 : memref<1x1x128xi32, #tpu.memory_space<vmem>> -> memref<128xi32, #tpu.memory_space<vmem>>
      %dma_start3A_302 = tpu.memref_slice %arg2[%add3A_292] : memref<1600000xi32, #tpu.memory_space<hbm>> -> memref<128xi32, #tpu.memory_space<hbm>>
      tpu.enqueue_dma source(%dma_start3A_302 : memref<128xi32, #tpu.memory_space<hbm>>) target(%dma_start3A_301 : memref<128xi32, #tpu.memory_space<vmem>>) target_semaphore(%arg18 : memref<!tpu.dma_semaphore, #tpu.memory_space<semaphore_mem>>)
      %dma_start3A_303 = arith.constant 0 : i32
      %dma_start3A_304 = arith.constant 1 : i32
      %dma_start3A_305 = arith.constant 0 : i32
      %dma_start3A_306 = tpu.memref_slice %arg16[%dma_start3A_303, %dma_start3A_304, %dma_start3A_305] : memref<2x4x640xi32, #tpu.memory_space<vmem>> -> memref<1x1x128xi32, #tpu.memory_space<vmem>>
      %dma_start3A_307 = tpu.memref_squeeze %dma_start3A_306 : memref<1x1x128xi32, #tpu.memory_space<vmem>> -> memref<128xi32, #tpu.memory_space<vmem>>
      %dma_start3A_308 = tpu.memref_slice %arg3[%add3A_292] : memref<1600000xi32, #tpu.memory_space<hbm>> -> memref<128xi32, #tpu.memory_space<hbm>>
      %dma_start3A_309 = arith.constant 0 : i32
      %dma_start3A_310 = tpu.memref_slice %arg16[%dma_start3A_303, %dma_start3A_304, %dma_start3A_309] : memref<2x4x640xi32, #tpu.memory_space<vmem>> -> memref<1x1x128xi32, #tpu.memory_space<vmem>>
      %dma_start3A_311 = tpu.memref_squeeze %dma_start3A_310 : memref<1x1x128xi32, #tpu.memory_space<vmem>> -> memref<128xi32, #tpu.memory_space<vmem>>
      %dma_start3A_312 = tpu.memref_slice %arg3[%add3A_292] : memref<1600000xi32, #tpu.memory_space<hbm>> -> memref<128xi32, #tpu.memory_space<hbm>>
      tpu.enqueue_dma source(%dma_start3A_312 : memref<128xi32, #tpu.memory_space<hbm>>) target(%dma_start3A_311 : memref<128xi32, #tpu.memory_space<vmem>>) target_semaphore(%arg18 : memref<!tpu.dma_semaphore, #tpu.memory_space<semaphore_mem>>)
      %dma_start3A_313 = arith.constant 0 : i32
      %dma_start3A_314 = arith.constant 2 : i32
      %dma_start3A_315 = arith.constant 0 : i32
      %dma_start3A_316 = tpu.memref_slice %arg16[%dma_start3A_313, %dma_start3A_314, %dma_start3A_315] : memref<2x4x640xi32, #tpu.memory_space<vmem>> -> memref<1x1x128xi32, #tpu.memory_space<vmem>>
      %dma_start3A_317 = tpu.memref_squeeze %dma_start3A_316 : memref<1x1x128xi32, #tpu.memory_space<vmem>> -> memref<128xi32, #tpu.memory_space<vmem>>
      %dma_start3A_318 = tpu.memref_slice %arg4[%add3A_292] : memref<1600000xi32, #tpu.memory_space<hbm>> -> memref<128xi32, #tpu.memory_space<hbm>>
      %dma_start3A_319 = arith.constant 0 : i32
      %dma_start3A_320 = tpu.memref_slice %arg16[%dma_start3A_313, %dma_start3A_314, %dma_start3A_319] : memref<2x4x640xi32, #tpu.memory_space<vmem>> -> memref<1x1x128xi32, #tpu.memory_space<vmem>>
      %dma_start3A_321 = tpu.memref_squeeze %dma_start3A_320 : memref<1x1x128xi32, #tpu.memory_space<vmem>> -> memref<128xi32, #tpu.memory_space<vmem>>
      %dma_start3A_322 = tpu.memref_slice %arg4[%add3A_292] : memref<1600000xi32, #tpu.memory_space<hbm>> -> memref<128xi32, #tpu.memory_space<hbm>>
      tpu.enqueue_dma source(%dma_start3A_322 : memref<128xi32, #tpu.memory_space<hbm>>) target(%dma_start3A_321 : memref<128xi32, #tpu.memory_space<vmem>>) target_semaphore(%arg18 : memref<!tpu.dma_semaphore, #tpu.memory_space<semaphore_mem>>)
      %dma_start3A_323 = arith.constant 0 : i32
      %dma_start3A_324 = arith.constant 3 : i32
      %dma_start3A_325 = arith.constant 0 : i32
      %dma_start3A_326 = tpu.memref_slice %arg16[%dma_start3A_323, %dma_start3A_324, %dma_start3A_325] : memref<2x4x640xi32, #tpu.memory_space<vmem>> -> memref<1x1x128xi32, #tpu.memory_space<vmem>>
      %dma_start3A_327 = tpu.memref_squeeze %dma_start3A_326 : memref<1x1x128xi32, #tpu.memory_space<vmem>> -> memref<128xi32, #tpu.memory_space<vmem>>
      %dma_start3A_328 = tpu.memref_slice %arg5[%add3A_292] : memref<1600000xi32, #tpu.memory_space<hbm>> -> memref<128xi32, #tpu.memory_space<hbm>>
      %dma_start3A_329 = arith.constant 0 : i32
      %dma_start3A_330 = tpu.memref_slice %arg16[%dma_start3A_323, %dma_start3A_324, %dma_start3A_329] : memref<2x4x640xi32, #tpu.memory_space<vmem>> -> memref<1x1x128xi32, #tpu.memory_space<vmem>>
      %dma_start3A_331 = tpu.memref_squeeze %dma_start3A_330 : memref<1x1x128xi32, #tpu.memory_space<vmem>> -> memref<128xi32, #tpu.memory_space<vmem>>
      %dma_start3A_332 = tpu.memref_slice %arg5[%add3A_292] : memref<1600000xi32, #tpu.memory_space<hbm>> -> memref<128xi32, #tpu.memory_space<hbm>>
      tpu.enqueue_dma source(%dma_start3A_332 : memref<128xi32, #tpu.memory_space<hbm>>) target(%dma_start3A_331 : memref<128xi32, #tpu.memory_space<vmem>>) target_semaphore(%arg18 : memref<!tpu.dma_semaphore, #tpu.memory_space<semaphore_mem>>)
      %dma_wait3A_333 = arith.constant 0 : i32
      %dma_wait3A_334 = arith.constant 0 : i32
      %dma_wait3A_335 = arith.constant 0 : i32
      %dma_wait3A_336 = tpu.memref_slice %arg16[%dma_wait3A_333, %dma_wait3A_334, %dma_wait3A_335] : memref<2x4x640xi32, #tpu.memory_space<vmem>> -> memref<1x1x128xi32, #tpu.memory_space<vmem>>
      %dma_wait3A_337 = tpu.memref_squeeze %dma_wait3A_336 : memref<1x1x128xi32, #tpu.memory_space<vmem>> -> memref<128xi32, #tpu.memory_space<vmem>>
      %dma_wait3A_338 = tpu.memref_slice %arg2[%add3A_292] : memref<1600000xi32, #tpu.memory_space<hbm>> -> memref<128xi32, #tpu.memory_space<hbm>>
      %dma_wait3A_339 = arith.constant 0 : i32
      %dma_wait3A_340 = tpu.memref_slice %arg16[%dma_wait3A_333, %dma_wait3A_334, %dma_wait3A_339] : memref<2x4x640xi32, #tpu.memory_space<vmem>> -> memref<1x1x128xi32, #tpu.memory_space<vmem>>
      %dma_wait3A_341 = tpu.memref_squeeze %dma_wait3A_340 : memref<1x1x128xi32, #tpu.memory_space<vmem>> -> memref<128xi32, #tpu.memory_space<vmem>>
      %dma_wait3A_342 = tpu.memref_slice %arg2[%add3A_292] : memref<1600000xi32, #tpu.memory_space<hbm>> -> memref<128xi32, #tpu.memory_space<hbm>>
      tpu.wait_dma2 semaphore(%arg18 : memref<!tpu.dma_semaphore, #tpu.memory_space<semaphore_mem>>) src(%dma_wait3A_342 : memref<128xi32, #tpu.memory_space<hbm>>) dst(%dma_wait3A_341 : memref<128xi32, #tpu.memory_space<vmem>>)
      %dma_wait3A_343 = arith.constant 0 : i32
      %dma_wait3A_344 = arith.constant 1 : i32
      %dma_wait3A_345 = arith.constant 0 : i32
      %dma_wait3A_346 = tpu.memref_slice %arg16[%dma_wait3A_343, %dma_wait3A_344, %dma_wait3A_345] : memref<2x4x640xi32, #tpu.memory_space<vmem>> -> memref<1x1x128xi32, #tpu.memory_space<vmem>>
      %dma_wait3A_347 = tpu.memref_squeeze %dma_wait3A_346 : memref<1x1x128xi32, #tpu.memory_space<vmem>> -> memref<128xi32, #tpu.memory_space<vmem>>
      %dma_wait3A_348 = tpu.memref_slice %arg3[%add3A_292] : memref<1600000xi32, #tpu.memory_space<hbm>> -> memref<128xi32, #tpu.memory_space<hbm>>
      %dma_wait3A_349 = arith.constant 0 : i32
      %dma_wait3A_350 = tpu.memref_slice %arg16[%dma_wait3A_343, %dma_wait3A_344, %dma_wait3A_349] : memref<2x4x640xi32, #tpu.memory_space<vmem>> -> memref<1x1x128xi32, #tpu.memory_space<vmem>>
      %dma_wait3A_351 = tpu.memref_squeeze %dma_wait3A_350 : memref<1x1x128xi32, #tpu.memory_space<vmem>> -> memref<128xi32, #tpu.memory_space<vmem>>
      %dma_wait3A_352 = tpu.memref_slice %arg3[%add3A_292] : memref<1600000xi32, #tpu.memory_space<hbm>> -> memref<128xi32, #tpu.memory_space<hbm>>
      tpu.wait_dma2 semaphore(%arg18 : memref<!tpu.dma_semaphore, #tpu.memory_space<semaphore_mem>>) src(%dma_wait3A_352 : memref<128xi32, #tpu.memory_space<hbm>>) dst(%dma_wait3A_351 : memref<128xi32, #tpu.memory_space<vmem>>)
      %dma_wait3A_353 = arith.constant 0 : i32
      %dma_wait3A_354 = arith.constant 2 : i32
      %dma_wait3A_355 = arith.constant 0 : i32
      %dma_wait3A_356 = tpu.memref_slice %arg16[%dma_wait3A_353, %dma_wait3A_354, %dma_wait3A_355] : memref<2x4x640xi32, #tpu.memory_space<vmem>> -> memref<1x1x128xi32, #tpu.memory_space<vmem>>
      %dma_wait3A_357 = tpu.memref_squeeze %dma_wait3A_356 : memref<1x1x128xi32, #tpu.memory_space<vmem>> -> memref<128xi32, #tpu.memory_space<vmem>>
      %dma_wait3A_358 = tpu.memref_slice %arg4[%add3A_292] : memref<1600000xi32, #tpu.memory_space<hbm>> -> memref<128xi32, #tpu.memory_space<hbm>>
      %dma_wait3A_359 = arith.constant 0 : i32
      %dma_wait3A_360 = tpu.memref_slice %arg16[%dma_wait3A_353, %dma_wait3A_354, %dma_wait3A_359] : memref<2x4x640xi32, #tpu.memory_space<vmem>> -> memref<1x1x128xi32, #tpu.memory_space<vmem>>
      %dma_wait3A_361 = tpu.memref_squeeze %dma_wait3A_360 : memref<1x1x128xi32, #tpu.memory_space<vmem>> -> memref<128xi32, #tpu.memory_space<vmem>>
      %dma_wait3A_362 = tpu.memref_slice %arg4[%add3A_292] : memref<1600000xi32, #tpu.memory_space<hbm>> -> memref<128xi32, #tpu.memory_space<hbm>>
      tpu.wait_dma2 semaphore(%arg18 : memref<!tpu.dma_semaphore, #tpu.memory_space<semaphore_mem>>) src(%dma_wait3A_362 : memref<128xi32, #tpu.memory_space<hbm>>) dst(%dma_wait3A_361 : memref<128xi32, #tpu.memory_space<vmem>>)
      %dma_wait3A_363 = arith.constant 0 : i32
      %dma_wait3A_364 = arith.constant 3 : i32
      %dma_wait3A_365 = arith.constant 0 : i32
      %dma_wait3A_366 = tpu.memref_slice %arg16[%dma_wait3A_363, %dma_wait3A_364, %dma_wait3A_365] : memref<2x4x640xi32, #tpu.memory_space<vmem>> -> memref<1x1x128xi32, #tpu.memory_space<vmem>>
      %dma_wait3A_367 = tpu.memref_squeeze %dma_wait3A_366 : memref<1x1x128xi32, #tpu.memory_space<vmem>> -> memref<128xi32, #tpu.memory_space<vmem>>
      %dma_wait3A_368 = tpu.memref_slice %arg5[%add3A_292] : memref<1600000xi32, #tpu.memory_space<hbm>> -> memref<128xi32, #tpu.memory_space<hbm>>
      %dma_wait3A_369 = arith.constant 0 : i32
      %dma_wait3A_370 = tpu.memref_slice %arg16[%dma_wait3A_363, %dma_wait3A_364, %dma_wait3A_369] : memref<2x4x640xi32, #tpu.memory_space<vmem>> -> memref<1x1x128xi32, #tpu.memory_space<vmem>>
      %dma_wait3A_371 = tpu.memref_squeeze %dma_wait3A_370 : memref<1x1x128xi32, #tpu.memory_space<vmem>> -> memref<128xi32, #tpu.memory_space<vmem>>
      %dma_wait3A_372 = tpu.memref_slice %arg5[%add3A_292] : memref<1600000xi32, #tpu.memory_space<hbm>> -> memref<128xi32, #tpu.memory_space<hbm>>
      tpu.wait_dma2 semaphore(%arg18 : memref<!tpu.dma_semaphore, #tpu.memory_space<semaphore_mem>>) src(%dma_wait3A_372 : memref<128xi32, #tpu.memory_space<hbm>>) dst(%dma_wait3A_371 : memref<128xi32, #tpu.memory_space<vmem>>)
      %broadcast_in_dim3A = arith.constant 0 : i32
      %broadcast_in_dim3A_373 = vector.broadcast %broadcast_in_dim3A : i32 to vector<16xi32>
      %scan3A_374 = arith.constant 0 : i32
      %scan3A_375 = arith.constant 0 : i32
      %scan3A_376 = arith.constant 0 : i32
      %scan3A_377 = arith.constant 8 : i32
      %scan3A_378 = arith.addi %scan3A_376, %scan3A_377 : i32
      %scan3A_379 = arith.constant 1 : i32
      scf.for %scan3A_566 = %scan3A_376 to %scan3A_378 step %scan3A_379  : i32 {
        %mul3A_567 = arith.constant 16 : i32
        %mul3A_568 = arith.muli %scan3A_566, %mul3A_567 : i32
        %get3A = arith.constant 0 : i32
        %get3A_569 = arith.constant 0 : i32
        %get3A_570 = arith.index_cast %get3A : i32 to index
        %get3A_571 = arith.index_cast %get3A_569 : i32 to index
        %get3A_572 = arith.index_cast %mul3A_568 : i32 to index
        %get3A_573 = tpu.vector_load %arg16[%get3A_570, %get3A_571, %get3A_572] {strides = array<i32>} : memref<2x4x640xi32, #tpu.memory_space<vmem>>, vector<16xi32>,
        %mul3A_574 = arith.constant 32 : i32
        %mul3A_575 = vector.broadcast %mul3A_574 : i32 to vector<16xi32>
        %mul3A_576 = arith.muli %get3A_573, %mul3A_575 : vector<16xi32>
        %get3A_577 = arith.constant 0 : i32
        %get3A_578 = arith.constant 1 : i32
        %get3A_579 = arith.index_cast %get3A_577 : i32 to index
        %get3A_580 = arith.index_cast %get3A_578 : i32 to index
        %get3A_581 = arith.index_cast %mul3A_568 : i32 to index
        %get3A_582 = tpu.vector_load %arg16[%get3A_579, %get3A_580, %get3A_581] {strides = array<i32>} : memref<2x4x640xi32, #tpu.memory_space<vmem>>, vector<16xi32>,
        %get3A_583 = arith.constant 0 : i32
        %get3A_584 = arith.constant 2 : i32
        %get3A_585 = arith.index_cast %get3A_583 : i32 to index
        %get3A_586 = arith.index_cast %get3A_584 : i32 to index
        %get3A_587 = arith.index_cast %mul3A_568 : i32 to index
        %get3A_588 = tpu.vector_load %arg16[%get3A_585, %get3A_586, %get3A_587] {strides = array<i32>} : memref<2x4x640xi32, #tpu.memory_space<vmem>>, vector<16xi32>,
        %get3A_589 = arith.constant 0 : i32
        %get3A_590 = arith.constant 3 : i32
        %get3A_591 = arith.index_cast %get3A_589 : i32 to index
        %get3A_592 = arith.index_cast %get3A_590 : i32 to index
        %get3A_593 = arith.index_cast %mul3A_568 : i32 to index
        %get3A_594 = tpu.vector_load %arg16[%get3A_591, %get3A_592, %get3A_593] {strides = array<i32>} : memref<2x4x640xi32, #tpu.memory_space<vmem>>, vector<16xi32>,
        %mul3A_595 = arith.constant 16 : i32
        %mul3A_596 = vector.broadcast %mul3A_595 : i32 to vector<16xi32>
        %mul3A_597 = arith.muli %get3A_582, %mul3A_596 : vector<16xi32>
        %add3A_598 = arith.addi %mul3A_597, %get3A_588 : vector<16xi32>
        %mul3A_599 = arith.constant 9 : i32
        %mul3A_600 = vector.broadcast %mul3A_599 : i32 to vector<16xi32>
        %mul3A_601 = arith.muli %add3A_598, %mul3A_600 : vector<16xi32>
        %add3A_602 = arith.addi %mul3A_601, %get3A_594 : vector<16xi32>
        %mul3A_603 = arith.constant 32 : i32
        %mul3A_604 = vector.broadcast %mul3A_603 : i32 to vector<16xi32>
        %mul3A_605 = arith.muli %add3A_602, %mul3A_604 : vector<16xi32>
        %broadcast_in_dim3A_606 = arith.constant 0 : i32
        %broadcast_in_dim3A_607 = vector.broadcast %broadcast_in_dim3A_606 : i32 to vector<16xi32>
        %lt3A_608 = arith.constant 0 : i32
        %lt3A_609 = vector.broadcast %lt3A_608 : i32 to vector<16xi32>
        %lt3A_610 = arith.cmpi slt, %broadcast_in_dim3A_607, %lt3A_609 : vector<16xi32>
        %add3A_611 = arith.constant 16 : i32
        %add3A_612 = vector.broadcast %add3A_611 : i32 to vector<16xi32>
        %add3A_613 = arith.addi %broadcast_in_dim3A_607, %add3A_612 : vector<16xi32>
        %select_n3A_614 = arith.select %lt3A_610, %add3A_613, %broadcast_in_dim3A_607 : vector<16xi1>, vector<16xi32>
        %broadcast_in_dim3A_615 = vector.shape_cast %select_n3A_614 : vector<16xi32> to vector<16x1xi32>
        %gather3A = vector.shape_cast %broadcast_in_dim3A_615 : vector<16x1xi32> to vector<16xi32>
        %gather3A_616 = tpu.dynamic_gather %mul3A_576[%gather3A] in [0] : vector<16xi32>, vector<16xi32> -> vector<16xi32>
        %add3A_617 = arith.addi %gather3A_616, %iota3A : vector<16xi32>
        %lt3A_618 = arith.constant 0 : i32
        %lt3A_619 = vector.broadcast %lt3A_618 : i32 to vector<16xi32>
        %lt3A_620 = arith.cmpi slt, %broadcast_in_dim3A_607, %lt3A_619 : vector<16xi32>
        %add3A_621 = arith.constant 16 : i32
        %add3A_622 = vector.broadcast %add3A_621 : i32 to vector<16xi32>
        %add3A_623 = arith.addi %broadcast_in_dim3A_607, %add3A_622 : vector<16xi32>
        %select_n3A_624 = arith.select %lt3A_620, %add3A_623, %broadcast_in_dim3A_607 : vector<16xi1>, vector<16xi32>
        %broadcast_in_dim3A_625 = vector.shape_cast %select_n3A_624 : vector<16xi32> to vector<16x1xi32>
        %gather3A_626 = vector.shape_cast %broadcast_in_dim3A_625 : vector<16x1xi32> to vector<16xi32>
        %gather3A_627 = tpu.dynamic_gather %mul3A_605[%gather3A_626] in [0] : vector<16xi32>, vector<16xi32> -> vector<16xi32>
        %add3A_628 = arith.addi %gather3A_627, %iota3A : vector<16xi32>
        %gather3A_629 = tpu.vector_load_idx %arg11[%add3A_617] : memref<3968xf32, #tpu.memory_space<vmem>>[vector<16xi32>], vector<16xf32>,
        %gather3A_630 = tpu.vector_load_idx %arg15[%add3A_628] : memref<50688xf32, #tpu.memory_space<vmem>>[vector<16xi32>], vector<16xf32>,
        %add3A_631 = arith.addf %gather3A_629, %gather3A_630 : vector<16xf32>
        %add3A_632 = arith.constant 16 : i32
        %add3A_633 = vector.broadcast %add3A_632 : i32 to vector<16xi32>
        %add3A_634 = arith.addi %add3A_617, %add3A_633 : vector<16xi32>
        %gather3A_635 = tpu.vector_load_idx %arg11[%add3A_634] : memref<3968xf32, #tpu.memory_space<vmem>>[vector<16xi32>], vector<16xf32>,
        %add3A_636 = arith.constant 16 : i32
        %add3A_637 = vector.broadcast %add3A_636 : i32 to vector<16xi32>
        %add3A_638 = arith.addi %add3A_628, %add3A_637 : vector<16xi32>
        %gather3A_639 = tpu.vector_load_idx %arg15[%add3A_638] : memref<50688xf32, #tpu.memory_space<vmem>>[vector<16xi32>], vector<16xf32>,
        %add3A_640 = arith.addf %gather3A_635, %gather3A_639 : vector<16xf32>
        %mul3A_641 = arith.constant 16 : i32
        %mul3A_642 = arith.muli %scan3A_566, %mul3A_641 : i32
        %add3A_643 = arith.constant 0 : i32
        %add3A_644 = arith.addi %mul3A_642, %add3A_643 : i32
        %broadcast_in_dim3A_645 = vector.broadcast %add3A_644 : i32 to vector<16xi32>
        %scatter3A = arith.constant 0 : i32
        %scatter3A_646 = arith.constant 0 : i32
        %scatter3A_647 = arith.constant 0 : i32
        %scatter3A_648 = arith.constant 0 : i32
        %scatter3A_649 = tpu.memref_slice %arg17[%scan3A_375, %scatter3A, %scatter3A_646, %scatter3A_647, %scatter3A_648] : memref<2x4x5x8x129xf32, #tpu.memory_space<vmem>> -> memref<1x4x5x8x129xf32, #tpu.memory_space<vmem>>
        %scatter3A_650 = tpu.memref_squeeze %scatter3A_649 : memref<1x4x5x8x129xf32, #tpu.memory_space<vmem>> -> memref<4x5x8x129xf32, #tpu.memory_space<vmem>>
        tpu.vector_store_idx %scatter3A_650[%shift_right_arithmetic3A_9, %broadcast_in_dim3A_373, %and3A_14, %broadcast_in_dim3A_645], %add3A_631 : memref<4x5x8x129xf32, #tpu.memory_space<vmem>>[vector<16xi32>, vector<16xi32>, vector<16xi32>, vector<16xi32>], vector<16xf32>,
        %scatter3A_651 = arith.constant 0 : i32
        %scatter3A_652 = arith.constant 0 : i32
        %scatter3A_653 = arith.constant 0 : i32
        %scatter3A_654 = arith.constant 0 : i32
        %scatter3A_655 = tpu.memref_slice %arg17[%scan3A_375, %scatter3A_651, %scatter3A_652, %scatter3A_653, %scatter3A_654] : memref<2x4x5x8x129xf32, #tpu.memory_space<vmem>> -> memref<1x4x5x8x129xf32, #tpu.memory_space<vmem>>
        %scatter3A_656 = tpu.memref_squeeze %scatter3A_655 : memref<1x4x5x8x129xf32, #tpu.memory_space<vmem>> -> memref<4x5x8x129xf32, #tpu.memory_space<vmem>>
        tpu.vector_store_idx %scatter3A_656[%add3A_12, %broadcast_in_dim3A_373, %and3A_14, %broadcast_in_dim3A_645], %add3A_640 : memref<4x5x8x129xf32, #tpu.memory_space<vmem>>[vector<16xi32>, vector<16xi32>, vector<16xi32>, vector<16xi32>], vector<16xf32>,
        %broadcast_in_dim3A_657 = arith.constant 1 : i32
        %broadcast_in_dim3A_658 = vector.broadcast %broadcast_in_dim3A_657 : i32 to vector<16xi32>
        %lt3A_659 = arith.constant 0 : i32
        %lt3A_660 = vector.broadcast %lt3A_659 : i32 to vector<16xi32>
        %lt3A_661 = arith.cmpi slt, %broadcast_in_dim3A_658, %lt3A_660 : vector<16xi32>
        %add3A_662 = arith.constant 16 : i32
        %add3A_663 = vector.broadcast %add3A_662 : i32 to vector<16xi32>
        %add3A_664 = arith.addi %broadcast_in_dim3A_658, %add3A_663 : vector<16xi32>
        %select_n3A_665 = arith.select %lt3A_661, %add3A_664, %broadcast_in_dim3A_658 : vector<16xi1>, vector<16xi32>
        %broadcast_in_dim3A_666 = vector.shape_cast %select_n3A_665 : vector<16xi32> to vector<16x1xi32>
        %gather3A_667 = vector.shape_cast %broadcast_in_dim3A_666 : vector<16x1xi32> to vector<16xi32>
        %gather3A_668 = tpu.dynamic_gather %mul3A_576[%gather3A_667] in [0] : vector<16xi32>, vector<16xi32> -> vector<16xi32>
        %add3A_669 = arith.addi %gather3A_668, %iota3A : vector<16xi32>
        %lt3A_670 = arith.constant 0 : i32
        %lt3A_671 = vector.broadcast %lt3A_670 : i32 to vector<16xi32>
        %lt3A_672 = arith.cmpi slt, %broadcast_in_dim3A_658, %lt3A_671 : vector<16xi32>
        %add3A_673 = arith.constant 16 : i32
        %add3A_674 = vector.broadcast %add3A_673 : i32 to vector<16xi32>
        %add3A_675 = arith.addi %broadcast_in_dim3A_658, %add3A_674 : vector<16xi32>
        %select_n3A_676 = arith.select %lt3A_672, %add3A_675, %broadcast_in_dim3A_658 : vector<16xi1>, vector<16xi32>
        %broadcast_in_dim3A_677 = vector.shape_cast %select_n3A_676 : vector<16xi32> to vector<16x1xi32>
        %gather3A_678 = vector.shape_cast %broadcast_in_dim3A_677 : vector<16x1xi32> to vector<16xi32>
        %gather3A_679 = tpu.dynamic_gather %mul3A_605[%gather3A_678] in [0] : vector<16xi32>, vector<16xi32> -> vector<16xi32>
        %add3A_680 = arith.addi %gather3A_679, %iota3A : vector<16xi32>
        %gather3A_681 = tpu.vector_load_idx %arg11[%add3A_669] : memref<3968xf32, #tpu.memory_space<vmem>>[vector<16xi32>], vector<16xf32>,
        %gather3A_682 = tpu.vector_load_idx %arg15[%add3A_680] : memref<50688xf32, #tpu.memory_space<vmem>>[vector<16xi32>], vector<16xf32>,
        %add3A_683 = arith.addf %gather3A_681, %gather3A_682 : vector<16xf32>
        %add3A_684 = arith.constant 16 : i32
        %add3A_685 = vector.broadcast %add3A_684 : i32 to vector<16xi32>
        %add3A_686 = arith.addi %add3A_669, %add3A_685 : vector<16xi32>
        %gather3A_687 = tpu.vector_load_idx %arg11[%add3A_686] : memref<3968xf32, #tpu.memory_space<vmem>>[vector<16xi32>], vector<16xf32>,
        %add3A_688 = arith.constant 16 : i32
        %add3A_689 = vector.broadcast %add3A_688 : i32 to vector<16xi32>
        %add3A_690 = arith.addi %add3A_680, %add3A_689 : vector<16xi32>
        %gather3A_691 = tpu.vector_load_idx %arg15[%add3A_690] : memref<50688xf32, #tpu.memory_space<vmem>>[vector<16xi32>], vector<16xf32>,
        %add3A_692 = arith.addf %gather3A_687, %gather3A_691 : vector<16xf32>
        %mul3A_693 = arith.constant 16 : i32
        %mul3A_694 = arith.muli %scan3A_566, %mul3A_693 : i32
        %add3A_695 = arith.constant 1 : i32
        %add3A_696 = arith.addi %mul3A_694, %add3A_695 : i32
        %broadcast_in_dim3A_697 = vector.broadcast %add3A_696 : i32 to vector<16xi32>
        %scatter3A_698 = arith.constant 0 : i32
        %scatter3A_699 = arith.constant 0 : i32
        %scatter3A_700 = arith.constant 0 : i32
        %scatter3A_701 = arith.constant 0 : i32
        %scatter3A_702 = tpu.memref_slice %arg17[%scan3A_375, %scatter3A_698, %scatter3A_699, %scatter3A_700, %scatter3A_701] : memref<2x4x5x8x129xf32, #tpu.memory_space<vmem>> -> memref<1x4x5x8x129xf32, #tpu.memory_space<vmem>>
        %scatter3A_703 = tpu.memref_squeeze %scatter3A_702 : memref<1x4x5x8x129xf32, #tpu.memory_space<vmem>> -> memref<4x5x8x129xf32, #tpu.memory_space<vmem>>
        tpu.vector_store_idx %scatter3A_703[%shift_right_arithmetic3A_9, %broadcast_in_dim3A_373, %and3A_14, %broadcast_in_dim3A_697], %add3A_683 : memref<4x5x8x129xf32, #tpu.memory_space<vmem>>[vector<16xi32>, vector<16xi32>, vector<16xi32>, vector<16xi32>], vector<16xf32>,
        %scatter3A_704 = arith.constant 0 : i32
        %scatter3A_705 = arith.constant 0 : i32
        %scatter3A_706 = arith.constant 0 : i32
        %scatter3A_707 = arith.constant 0 : i32
        %scatter3A_708 = tpu.memref_slice %arg17[%scan3A_375, %scatter3A_704, %scatter3A_705, %scatter3A_706, %scatter3A_707] : memref<2x4x5x8x129xf32, #tpu.memory_space<vmem>> -> memref<1x4x5x8x129xf32, #tpu.memory_space<vmem>>
        %scatter3A_709 = tpu.memref_squeeze %scatter3A_708 : memref<1x4x5x8x129xf32, #tpu.memory_space<vmem>> -> memref<4x5x8x129xf32, #tpu.memory_space<vmem>>
        tpu.vector_store_idx %scatter3A_709[%add3A_12, %broadcast_in_dim3A_373, %and3A_14, %broadcast_in_dim3A_697], %add3A_692 : memref<4x5x8x129xf32, #tpu.memory_space<vmem>>[vector<16xi32>, vector<16xi32>, vector<16xi32>, vector<16xi32>], vector<16xf32>,
        %broadcast_in_dim3A_710 = arith.constant 2 : i32
        %broadcast_in_dim3A_711 = vector.broadcast %broadcast_in_dim3A_710 : i32 to vector<16xi32>
        %lt3A_712 = arith.constant 0 : i32
        %lt3A_713 = vector.broadcast %lt3A_712 : i32 to vector<16xi32>
        %lt3A_714 = arith.cmpi slt, %broadcast_in_dim3A_711, %lt3A_713 : vector<16xi32>
        %add3A_715 = arith.constant 16 : i32
        %add3A_716 = vector.broadcast %add3A_715 : i32 to vector<16xi32>
        %add3A_717 = arith.addi %broadcast_in_dim3A_711, %add3A_716 : vector<16xi32>
        %select_n3A_718 = arith.select %lt3A_714, %add3A_717, %broadcast_in_dim3A_711 : vector<16xi1>, vector<16xi32>
        %broadcast_in_dim3A_719 = vector.shape_cast %select_n3A_718 : vector<16xi32> to vector<16x1xi32>
        %gather3A_720 = vector.shape_cast %broadcast_in_dim3A_719 : vector<16x1xi32> to vector<16xi32>
        %gather3A_721 = tpu.dynamic_gather %mul3A_576[%gather3A_720] in [0] : vector<16xi32>, vector<16xi32> -> vector<16xi32>
        %add3A_722 = arith.addi %gather3A_721, %iota3A : vector<16xi32>
        %lt3A_723 = arith.constant 0 : i32
        %lt3A_724 = vector.broadcast %lt3A_723 : i32 to vector<16xi32>
        %lt3A_725 = arith.cmpi slt, %broadcast_in_dim3A_711, %lt3A_724 : vector<16xi32>
        %add3A_726 = arith.constant 16 : i32
        %add3A_727 = vector.broadcast %add3A_726 : i32 to vector<16xi32>
        %add3A_728 = arith.addi %broadcast_in_dim3A_711, %add3A_727 : vector<16xi32>
        %select_n3A_729 = arith.select %lt3A_725, %add3A_728, %broadcast_in_dim3A_711 : vector<16xi1>, vector<16xi32>
        %broadcast_in_dim3A_730 = vector.shape_cast %select_n3A_729 : vector<16xi32> to vector<16x1xi32>
        %gather3A_731 = vector.shape_cast %broadcast_in_dim3A_730 : vector<16x1xi32> to vector<16xi32>
        %gather3A_732 = tpu.dynamic_gather %mul3A_605[%gather3A_731] in [0] : vector<16xi32>, vector<16xi32> -> vector<16xi32>
        %add3A_733 = arith.addi %gather3A_732, %iota3A : vector<16xi32>
        %gather3A_734 = tpu.vector_load_idx %arg11[%add3A_722] : memref<3968xf32, #tpu.memory_space<vmem>>[vector<16xi32>], vector<16xf32>,
        %gather3A_735 = tpu.vector_load_idx %arg15[%add3A_733] : memref<50688xf32, #tpu.memory_space<vmem>>[vector<16xi32>], vector<16xf32>,
        %add3A_736 = arith.addf %gather3A_734, %gather3A_735 : vector<16xf32>
        %add3A_737 = arith.constant 16 : i32
        %add3A_738 = vector.broadcast %add3A_737 : i32 to vector<16xi32>
        %add3A_739 = arith.addi %add3A_722, %add3A_738 : vector<16xi32>
        %gather3A_740 = tpu.vector_load_idx %arg11[%add3A_739] : memref<3968xf32, #tpu.memory_space<vmem>>[vector<16xi32>], vector<16xf32>,
        %add3A_741 = arith.constant 16 : i32
        %add3A_742 = vector.broadcast %add3A_741 : i32 to vector<16xi32>
        %add3A_743 = arith.addi %add3A_733, %add3A_742 : vector<16xi32>
        %gather3A_744 = tpu.vector_load_idx %arg15[%add3A_743] : memref<50688xf32, #tpu.memory_space<vmem>>[vector<16xi32>], vector<16xf32>,
        %add3A_745 = arith.addf %gather3A_740, %gather3A_744 : vector<16xf32>
        %mul3A_746 = arith.constant 16 : i32
        %mul3A_747 = arith.muli %scan3A_566, %mul3A_746 : i32
        %add3A_748 = arith.constant 2 : i32
        %add3A_749 = arith.addi %mul3A_747, %add3A_748 : i32
        %broadcast_in_dim3A_750 = vector.broadcast %add3A_749 : i32 to vector<16xi32>
        %scatter3A_751 = arith.constant 0 : i32
        %scatter3A_752 = arith.constant 0 : i32
        %scatter3A_753 = arith.constant 0 : i32
        %scatter3A_754 = arith.constant 0 : i32
        %scatter3A_755 = tpu.memref_slice %arg17[%scan3A_375, %scatter3A_751, %scatter3A_752, %scatter3A_753, %scatter3A_754] : memref<2x4x5x8x129xf32, #tpu.memory_space<vmem>> -> memref<1x4x5x8x129xf32, #tpu.memory_space<vmem>>
        %scatter3A_756 = tpu.memref_squeeze %scatter3A_755 : memref<1x4x5x8x129xf32, #tpu.memory_space<vmem>> -> memref<4x5x8x129xf32, #tpu.memory_space<vmem>>
        tpu.vector_store_idx %scatter3A_756[%shift_right_arithmetic3A_9, %broadcast_in_dim3A_373, %and3A_14, %broadcast_in_dim3A_750], %add3A_736 : memref<4x5x8x129xf32, #tpu.memory_space<vmem>>[vector<16xi32>, vector<16xi32>, vector<16xi32>, vector<16xi32>], vector<16xf32>,
        %scatter3A_757 = arith.constant 0 : i32
        %scatter3A_758 = arith.constant 0 : i32
        %scatter3A_759 = arith.constant 0 : i32
        %scatter3A_760 = arith.constant 0 : i32
        %scatter3A_761 = tpu.memref_slice %arg17[%scan3A_375, %scatter3A_757, %scatter3A_758, %scatter3A_759, %scatter3A_760] : memref<2x4x5x8x129xf32, #tpu.memory_space<vmem>> -> memref<1x4x5x8x129xf32, #tpu.memory_space<vmem>>
        %scatter3A_762 = tpu.memref_squeeze %scatter3A_761 : memref<1x4x5x8x129xf32, #tpu.memory_space<vmem>> -> memref<4x5x8x129xf32, #tpu.memory_space<vmem>>
        tpu.vector_store_idx %scatter3A_762[%add3A_12, %broadcast_in_dim3A_373, %and3A_14, %broadcast_in_dim3A_750], %add3A_745 : memref<4x5x8x129xf32, #tpu.memory_space<vmem>>[vector<16xi32>, vector<16xi32>, vector<16xi32>, vector<16xi32>], vector<16xf32>,
        %broadcast_in_dim3A_763 = arith.constant 3 : i32
        %broadcast_in_dim3A_764 = vector.broadcast %broadcast_in_dim3A_763 : i32 to vector<16xi32>
        %lt3A_765 = arith.constant 0 : i32
        %lt3A_766 = vector.broadcast %lt3A_765 : i32 to vector<16xi32>
        %lt3A_767 = arith.cmpi slt, %broadcast_in_dim3A_764, %lt3A_766 : vector<16xi32>
        %add3A_768 = arith.constant 16 : i32
        %add3A_769 = vector.broadcast %add3A_768 : i32 to vector<16xi32>
        %add3A_770 = arith.addi %broadcast_in_dim3A_764, %add3A_769 : vector<16xi32>
        %select_n3A_771 = arith.select %lt3A_767, %add3A_770, %broadcast_in_dim3A_764 : vector<16xi1>, vector<16xi32>
        %broadcast_in_dim3A_772 = vector.shape_cast %select_n3A_771 : vector<16xi32> to vector<16x1xi32>
        %gather3A_773 = vector.shape_cast %broadcast_in_dim3A_772 : vector<16x1xi32> to vector<16xi32>
        %gather3A_774 = tpu.dynamic_gather %mul3A_576[%gather3A_773] in [0] : vector<16xi32>, vector<16xi32> -> vector<16xi32>
        %add3A_775 = arith.addi %gather3A_774, %iota3A : vector<16xi32>
        %lt3A_776 = arith.constant 0 : i32
        %lt3A_777 = vector.broadcast %lt3A_776 : i32 to vector<16xi32>
        %lt3A_778 = arith.cmpi slt, %broadcast_in_dim3A_764, %lt3A_777 : vector<16xi32>
        %add3A_779 = arith.constant 16 : i32
        %add3A_780 = vector.broadcast %add3A_779 : i32 to vector<16xi32>
        %add3A_781 = arith.addi %broadcast_in_dim3A_764, %add3A_780 : vector<16xi32>
        %select_n3A_782 = arith.select %lt3A_778, %add3A_781, %broadcast_in_dim3A_764 : vector<16xi1>, vector<16xi32>
        %broadcast_in_dim3A_783 = vector.shape_cast %select_n3A_782 : vector<16xi32> to vector<16x1xi32>
        %gather3A_784 = vector.shape_cast %broadcast_in_dim3A_783 : vector<16x1xi32> to vector<16xi32>
        %gather3A_785 = tpu.dynamic_gather %mul3A_605[%gather3A_784] in [0] : vector<16xi32>, vector<16xi32> -> vector<16xi32>
        %add3A_786 = arith.addi %gather3A_785, %iota3A : vector<16xi32>
        %gather3A_787 = tpu.vector_load_idx %arg11[%add3A_775] : memref<3968xf32, #tpu.memory_space<vmem>>[vector<16xi32>], vector<16xf32>,
        %gather3A_788 = tpu.vector_load_idx %arg15[%add3A_786] : memref<50688xf32, #tpu.memory_space<vmem>>[vector<16xi32>], vector<16xf32>,
        %add3A_789 = arith.addf %gather3A_787, %gather3A_788 : vector<16xf32>
        %add3A_790 = arith.constant 16 : i32
        %add3A_791 = vector.broadcast %add3A_790 : i32 to vector<16xi32>
        %add3A_792 = arith.addi %add3A_775, %add3A_791 : vector<16xi32>
        %gather3A_793 = tpu.vector_load_idx %arg11[%add3A_792] : memref<3968xf32, #tpu.memory_space<vmem>>[vector<16xi32>], vector<16xf32>,
        %add3A_794 = arith.constant 16 : i32
        %add3A_795 = vector.broadcast %add3A_794 : i32 to vector<16xi32>
        %add3A_796 = arith.addi %add3A_786, %add3A_795 : vector<16xi32>
        %gather3A_797 = tpu.vector_load_idx %arg15[%add3A_796] : memref<50688xf32, #tpu.memory_space<vmem>>[vector<16xi32>], vector<16xf32>,
        %add3A_798 = arith.addf %gather3A_793, %gather3A_797 : vector<16xf32>
        %mul3A_799 = arith.constant 16 : i32
        %mul3A_800 = arith.muli %scan3A_566, %mul3A_799 : i32
        %add3A_801 = arith.constant 3 : i32
        %add3A_802 = arith.addi %mul3A_800, %add3A_801 : i32
        %broadcast_in_dim3A_803 = vector.broadcast %add3A_802 : i32 to vector<16xi32>
        %scatter3A_804 = arith.constant 0 : i32
        %scatter3A_805 = arith.constant 0 : i32
        %scatter3A_806 = arith.constant 0 : i32
        %scatter3A_807 = arith.constant 0 : i32
        %scatter3A_808 = tpu.memref_slice %arg17[%scan3A_375, %scatter3A_804, %scatter3A_805, %scatter3A_806, %scatter3A_807] : memref<2x4x5x8x129xf32, #tpu.memory_space<vmem>> -> memref<1x4x5x8x129xf32, #tpu.memory_space<vmem>>
        %scatter3A_809 = tpu.memref_squeeze %scatter3A_808 : memref<1x4x5x8x129xf32, #tpu.memory_space<vmem>> -> memref<4x5x8x129xf32, #tpu.memory_space<vmem>>
        tpu.vector_store_idx %scatter3A_809[%shift_right_arithmetic3A_9, %broadcast_in_dim3A_373, %and3A_14, %broadcast_in_dim3A_803], %add3A_789 : memref<4x5x8x129xf32, #tpu.memory_space<vmem>>[vector<16xi32>, vector<16xi32>, vector<16xi32>, vector<16xi32>], vector<16xf32>,
        %scatter3A_810 = arith.constant 0 : i32
        %scatter3A_811 = arith.constant 0 : i32
        %scatter3A_812 = arith.constant 0 : i32
        %scatter3A_813 = arith.constant 0 : i32
        %scatter3A_814 = tpu.memref_slice %arg17[%scan3A_375, %scatter3A_810, %scatter3A_811, %scatter3A_812, %scatter3A_813] : memref<2x4x5x8x129xf32, #tpu.memory_space<vmem>> -> memref<1x4x5x8x129xf32, #tpu.memory_space<vmem>>
        %scatter3A_815 = tpu.memref_squeeze %scatter3A_814 : memref<1x4x5x8x129xf32, #tpu.memory_space<vmem>> -> memref<4x5x8x129xf32, #tpu.memory_space<vmem>>
        tpu.vector_store_idx %scatter3A_815[%add3A_12, %broadcast_in_dim3A_373, %and3A_14, %broadcast_in_dim3A_803], %add3A_798 : memref<4x5x8x129xf32, #tpu.memory_space<vmem>>[vector<16xi32>, vector<16xi32>, vector<16xi32>, vector<16xi32>], vector<16xf32>,
        %broadcast_in_dim3A_816 = arith.constant 4 : i32
        %broadcast_in_dim3A_817 = vector.broadcast %broadcast_in_dim3A_816 : i32 to vector<16xi32>
        %lt3A_818 = arith.constant 0 : i32
        %lt3A_819 = vector.broadcast %lt3A_818 : i32 to vector<16xi32>
        %lt3A_820 = arith.cmpi slt, %broadcast_in_dim3A_817, %lt3A_819 : vector<16xi32>
        %add3A_821 = arith.constant 16 : i32
        %add3A_822 = vector.broadcast %add3A_821 : i32 to vector<16xi32>
        %add3A_823 = arith.addi %broadcast_in_dim3A_817, %add3A_822 : vector<16xi32>
        %select_n3A_824 = arith.select %lt3A_820, %add3A_823, %broadcast_in_dim3A_817 : vector<16xi1>, vector<16xi32>
        %broadcast_in_dim3A_825 = vector.shape_cast %select_n3A_824 : vector<16xi32> to vector<16x1xi32>
        %gather3A_826 = vector.shape_cast %broadcast_in_dim3A_825 : vector<16x1xi32> to vector<16xi32>
        %gather3A_827 = tpu.dynamic_gather %mul3A_576[%gather3A_826] in [0] : vector<16xi32>, vector<16xi32> -> vector<16xi32>
        %add3A_828 = arith.addi %gather3A_827, %iota3A : vector<16xi32>
        %lt3A_829 = arith.constant 0 : i32
        %lt3A_830 = vector.broadcast %lt3A_829 : i32 to vector<16xi32>
        %lt3A_831 = arith.cmpi slt, %broadcast_in_dim3A_817, %lt3A_830 : vector<16xi32>
        %add3A_832 = arith.constant 16 : i32
        %add3A_833 = vector.broadcast %add3A_832 : i32 to vector<16xi32>
        %add3A_834 = arith.addi %broadcast_in_dim3A_817, %add3A_833 : vector<16xi32>
        %select_n3A_835 = arith.select %lt3A_831, %add3A_834, %broadcast_in_dim3A_817 : vector<16xi1>, vector<16xi32>
        %broadcast_in_dim3A_836 = vector.shape_cast %select_n3A_835 : vector<16xi32> to vector<16x1xi32>
        %gather3A_837 = vector.shape_cast %broadcast_in_dim3A_836 : vector<16x1xi32> to vector<16xi32>
        %gather3A_838 = tpu.dynamic_gather %mul3A_605[%gather3A_837] in [0] : vector<16xi32>, vector<16xi32> -> vector<16xi32>
        %add3A_839 = arith.addi %gather3A_838, %iota3A : vector<16xi32>
        %gather3A_840 = tpu.vector_load_idx %arg11[%add3A_828] : memref<3968xf32, #tpu.memory_space<vmem>>[vector<16xi32>], vector<16xf32>,
        %gather3A_841 = tpu.vector_load_idx %arg15[%add3A_839] : memref<50688xf32, #tpu.memory_space<vmem>>[vector<16xi32>], vector<16xf32>,
        %add3A_842 = arith.addf %gather3A_840, %gather3A_841 : vector<16xf32>
        %add3A_843 = arith.constant 16 : i32
        %add3A_844 = vector.broadcast %add3A_843 : i32 to vector<16xi32>
        %add3A_845 = arith.addi %add3A_828, %add3A_844 : vector<16xi32>
        %gather3A_846 = tpu.vector_load_idx %arg11[%add3A_845] : memref<3968xf32, #tpu.memory_space<vmem>>[vector<16xi32>], vector<16xf32>,
        %add3A_847 = arith.constant 16 : i32
        %add3A_848 = vector.broadcast %add3A_847 : i32 to vector<16xi32>
        %add3A_849 = arith.addi %add3A_839, %add3A_848 : vector<16xi32>
        %gather3A_850 = tpu.vector_load_idx %arg15[%add3A_849] : memref<50688xf32, #tpu.memory_space<vmem>>[vector<16xi32>], vector<16xf32>,
        %add3A_851 = arith.addf %gather3A_846, %gather3A_850 : vector<16xf32>
        %mul3A_852 = arith.constant 16 : i32
        %mul3A_853 = arith.muli %scan3A_566, %mul3A_852 : i32
        %add3A_854 = arith.constant 4 : i32
        %add3A_855 = arith.addi %mul3A_853, %add3A_854 : i32
        %broadcast_in_dim3A_856 = vector.broadcast %add3A_855 : i32 to vector<16xi32>
        %scatter3A_857 = arith.constant 0 : i32
        %scatter3A_858 = arith.constant 0 : i32
        %scatter3A_859 = arith.constant 0 : i32
        %scatter3A_860 = arith.constant 0 : i32
        %scatter3A_861 = tpu.memref_slice %arg17[%scan3A_375, %scatter3A_857, %scatter3A_858, %scatter3A_859, %scatter3A_860] : memref<2x4x5x8x129xf32, #tpu.memory_space<vmem>> -> memref<1x4x5x8x129xf32, #tpu.memory_space<vmem>>
        %scatter3A_862 = tpu.memref_squeeze %scatter3A_861 : memref<1x4x5x8x129xf32, #tpu.memory_space<vmem>> -> memref<4x5x8x129xf32, #tpu.memory_space<vmem>>
        tpu.vector_store_idx %scatter3A_862[%shift_right_arithmetic3A_9, %broadcast_in_dim3A_373, %and3A_14, %broadcast_in_dim3A_856], %add3A_842 : memref<4x5x8x129xf32, #tpu.memory_space<vmem>>[vector<16xi32>, vector<16xi32>, vector<16xi32>, vector<16xi32>], vector<16xf32>,
        %scatter3A_863 = arith.constant 0 : i32
        %scatter3A_864 = arith.constant 0 : i32
        %scatter3A_865 = arith.constant 0 : i32
        %scatter3A_866 = arith.constant 0 : i32
        %scatter3A_867 = tpu.memref_slice %arg17[%scan3A_375, %scatter3A_863, %scatter3A_864, %scatter3A_865, %scatter3A_866] : memref<2x4x5x8x129xf32, #tpu.memory_space<vmem>> -> memref<1x4x5x8x129xf32, #tpu.memory_space<vmem>>
        %scatter3A_868 = tpu.memref_squeeze %scatter3A_867 : memref<1x4x5x8x129xf32, #tpu.memory_space<vmem>> -> memref<4x5x8x129xf32, #tpu.memory_space<vmem>>
        tpu.vector_store_idx %scatter3A_868[%add3A_12, %broadcast_in_dim3A_373, %and3A_14, %broadcast_in_dim3A_856], %add3A_851 : memref<4x5x8x129xf32, #tpu.memory_space<vmem>>[vector<16xi32>, vector<16xi32>, vector<16xi32>, vector<16xi32>], vector<16xf32>,
        %broadcast_in_dim3A_869 = arith.constant 5 : i32
        %broadcast_in_dim3A_870 = vector.broadcast %broadcast_in_dim3A_869 : i32 to vector<16xi32>
        %lt3A_871 = arith.constant 0 : i32
        %lt3A_872 = vector.broadcast %lt3A_871 : i32 to vector<16xi32>
        %lt3A_873 = arith.cmpi slt, %broadcast_in_dim3A_870, %lt3A_872 : vector<16xi32>
        %add3A_874 = arith.constant 16 : i32
        %add3A_875 = vector.broadcast %add3A_874 : i32 to vector<16xi32>
        %add3A_876 = arith.addi %broadcast_in_dim3A_870, %add3A_875 : vector<16xi32>
        %select_n3A_877 = arith.select %lt3A_873, %add3A_876, %broadcast_in_dim3A_870 : vector<16xi1>, vector<16xi32>
        %broadcast_in_dim3A_878 = vector.shape_cast %select_n3A_877 : vector<16xi32> to vector<16x1xi32>
        %gather3A_879 = vector.shape_cast %broadcast_in_dim3A_878 : vector<16x1xi32> to vector<16xi32>
        %gather3A_880 = tpu.dynamic_gather %mul3A_576[%gather3A_879] in [0] : vector<16xi32>, vector<16xi32> -> vector<16xi32>
        %add3A_881 = arith.addi %gather3A_880, %iota3A : vector<16xi32>
        %lt3A_882 = arith.constant 0 : i32
        %lt3A_883 = vector.broadcast %lt3A_882 : i32 to vector<16xi32>
        %lt3A_884 = arith.cmpi slt, %broadcast_in_dim3A_870, %lt3A_883 : vector<16xi32>
        %add3A_885 = arith.constant 16 : i32
        %add3A_886 = vector.broadcast %add3A_885 : i32 to vector<16xi32>
        %add3A_887 = arith.addi %broadcast_in_dim3A_870, %add3A_886 : vector<16xi32>
        %select_n3A_888 = arith.select %lt3A_884, %add3A_887, %broadcast_in_dim3A_870 : vector<16xi1>, vector<16xi32>
        %broadcast_in_dim3A_889 = vector.shape_cast %select_n3A_888 : vector<16xi32> to vector<16x1xi32>
        %gather3A_890 = vector.shape_cast %broadcast_in_dim3A_889 : vector<16x1xi32> to vector<16xi32>
        %gather3A_891 = tpu.dynamic_gather %mul3A_605[%gather3A_890] in [0] : vector<16xi32>, vector<16xi32> -> vector<16xi32>
        %add3A_892 = arith.addi %gather3A_891, %iota3A : vector<16xi32>
        %gather3A_893 = tpu.vector_load_idx %arg11[%add3A_881] : memref<3968xf32, #tpu.memory_space<vmem>>[vector<16xi32>], vector<16xf32>,
        %gather3A_894 = tpu.vector_load_idx %arg15[%add3A_892] : memref<50688xf32, #tpu.memory_space<vmem>>[vector<16xi32>], vector<16xf32>,
        %add3A_895 = arith.addf %gather3A_893, %gather3A_894 : vector<16xf32>
        %add3A_896 = arith.constant 16 : i32
        %add3A_897 = vector.broadcast %add3A_896 : i32 to vector<16xi32>
        %add3A_898 = arith.addi %add3A_881, %add3A_897 : vector<16xi32>
        %gather3A_899 = tpu.vector_load_idx %arg11[%add3A_898] : memref<3968xf32, #tpu.memory_space<vmem>>[vector<16xi32>], vector<16xf32>,
        %add3A_900 = arith.constant 16 : i32
        %add3A_901 = vector.broadcast %add3A_900 : i32 to vector<16xi32>
        %add3A_902 = arith.addi %add3A_892, %add3A_901 : vector<16xi32>
        %gather3A_903 = tpu.vector_load_idx %arg15[%add3A_902] : memref<50688xf32, #tpu.memory_space<vmem>>[vector<16xi32>], vector<16xf32>,
        %add3A_904 = arith.addf %gather3A_899, %gather3A_903 : vector<16xf32>
        %mul3A_905 = arith.constant 16 : i32
        %mul3A_906 = arith.muli %scan3A_566, %mul3A_905 : i32
        %add3A_907 = arith.constant 5 : i32
        %add3A_908 = arith.addi %mul3A_906, %add3A_907 : i32
        %broadcast_in_dim3A_909 = vector.broadcast %add3A_908 : i32 to vector<16xi32>
        %scatter3A_910 = arith.constant 0 : i32
        %scatter3A_911 = arith.constant 0 : i32
        %scatter3A_912 = arith.constant 0 : i32
        %scatter3A_913 = arith.constant 0 : i32
        %scatter3A_914 = tpu.memref_slice %arg17[%scan3A_375, %scatter3A_910, %scatter3A_911, %scatter3A_912, %scatter3A_913] : memref<2x4x5x8x129xf32, #tpu.memory_space<vmem>> -> memref<1x4x5x8x129xf32, #tpu.memory_space<vmem>>
        %scatter3A_915 = tpu.memref_squeeze %scatter3A_914 : memref<1x4x5x8x129xf32, #tpu.memory_space<vmem>> -> memref<4x5x8x129xf32, #tpu.memory_space<vmem>>
        tpu.vector_store_idx %scatter3A_915[%shift_right_arithmetic3A_9, %broadcast_in_dim3A_373, %and3A_14, %broadcast_in_dim3A_909], %add3A_895 : memref<4x5x8x129xf32, #tpu.memory_space<vmem>>[vector<16xi32>, vector<16xi32>, vector<16xi32>, vector<16xi32>], vector<16xf32>,
        %scatter3A_916 = arith.constant 0 : i32
        %scatter3A_917 = arith.constant 0 : i32
        %scatter3A_918 = arith.constant 0 : i32
        %scatter3A_919 = arith.constant 0 : i32
        %scatter3A_920 = tpu.memref_slice %arg17[%scan3A_375, %scatter3A_916, %scatter3A_917, %scatter3A_918, %scatter3A_919] : memref<2x4x5x8x129xf32, #tpu.memory_space<vmem>> -> memref<1x4x5x8x129xf32, #tpu.memory_space<vmem>>
        %scatter3A_921 = tpu.memref_squeeze %scatter3A_920 : memref<1x4x5x8x129xf32, #tpu.memory_space<vmem>> -> memref<4x5x8x129xf32, #tpu.memory_space<vmem>>
        tpu.vector_store_idx %scatter3A_921[%add3A_12, %broadcast_in_dim3A_373, %and3A_14, %broadcast_in_dim3A_909], %add3A_904 : memref<4x5x8x129xf32, #tpu.memory_space<vmem>>[vector<16xi32>, vector<16xi32>, vector<16xi32>, vector<16xi32>], vector<16xf32>,
        %broadcast_in_dim3A_922 = arith.constant 6 : i32
        %broadcast_in_dim3A_923 = vector.broadcast %broadcast_in_dim3A_922 : i32 to vector<16xi32>
        %lt3A_924 = arith.constant 0 : i32
        %lt3A_925 = vector.broadcast %lt3A_924 : i32 to vector<16xi32>
        %lt3A_926 = arith.cmpi slt, %broadcast_in_dim3A_923, %lt3A_925 : vector<16xi32>
        %add3A_927 = arith.constant 16 : i32
        %add3A_928 = vector.broadcast %add3A_927 : i32 to vector<16xi32>
        %add3A_929 = arith.addi %broadcast_in_dim3A_923, %add3A_928 : vector<16xi32>
        %select_n3A_930 = arith.select %lt3A_926, %add3A_929, %broadcast_in_dim3A_923 : vector<16xi1>, vector<16xi32>
        %broadcast_in_dim3A_931 = vector.shape_cast %select_n3A_930 : vector<16xi32> to vector<16x1xi32>
        %gather3A_932 = vector.shape_cast %broadcast_in_dim3A_931 : vector<16x1xi32> to vector<16xi32>
        %gather3A_933 = tpu.dynamic_gather %mul3A_576[%gather3A_932] in [0] : vector<16xi32>, vector<16xi32> -> vector<16xi32>
        %add3A_934 = arith.addi %gather3A_933, %iota3A : vector<16xi32>
        %lt3A_935 = arith.constant 0 : i32
        %lt3A_936 = vector.broadcast %lt3A_935 : i32 to vector<16xi32>
        %lt3A_937 = arith.cmpi slt, %broadcast_in_dim3A_923, %lt3A_936 : vector<16xi32>
        %add3A_938 = arith.constant 16 : i32
        %add3A_939 = vector.broadcast %add3A_938 : i32 to vector<16xi32>
        %add3A_940 = arith.addi %broadcast_in_dim3A_923, %add3A_939 : vector<16xi32>
        %select_n3A_941 = arith.select %lt3A_937, %add3A_940, %broadcast_in_dim3A_923 : vector<16xi1>, vector<16xi32>
        %broadcast_in_dim3A_942 = vector.shape_cast %select_n3A_941 : vector<16xi32> to vector<16x1xi32>
        %gather3A_943 = vector.shape_cast %broadcast_in_dim3A_942 : vector<16x1xi32> to vector<16xi32>
        %gather3A_944 = tpu.dynamic_gather %mul3A_605[%gather3A_943] in [0] : vector<16xi32>, vector<16xi32> -> vector<16xi32>
        %add3A_945 = arith.addi %gather3A_944, %iota3A : vector<16xi32>
        %gather3A_946 = tpu.vector_load_idx %arg11[%add3A_934] : memref<3968xf32, #tpu.memory_space<vmem>>[vector<16xi32>], vector<16xf32>,
        %gather3A_947 = tpu.vector_load_idx %arg15[%add3A_945] : memref<50688xf32, #tpu.memory_space<vmem>>[vector<16xi32>], vector<16xf32>,
        %add3A_948 = arith.addf %gather3A_946, %gather3A_947 : vector<16xf32>
        %add3A_949 = arith.constant 16 : i32
        %add3A_950 = vector.broadcast %add3A_949 : i32 to vector<16xi32>
        %add3A_951 = arith.addi %add3A_934, %add3A_950 : vector<16xi32>
        %gather3A_952 = tpu.vector_load_idx %arg11[%add3A_951] : memref<3968xf32, #tpu.memory_space<vmem>>[vector<16xi32>], vector<16xf32>,
        %add3A_953 = arith.constant 16 : i32
        %add3A_954 = vector.broadcast %add3A_953 : i32 to vector<16xi32>
        %add3A_955 = arith.addi %add3A_945, %add3A_954 : vector<16xi32>
        %gather3A_956 = tpu.vector_load_idx %arg15[%add3A_955] : memref<50688xf32, #tpu.memory_space<vmem>>[vector<16xi32>], vector<16xf32>,
        %add3A_957 = arith.addf %gather3A_952, %gather3A_956 : vector<16xf32>
        %mul3A_958 = arith.constant 16 : i32
        %mul3A_959 = arith.muli %scan3A_566, %mul3A_958 : i32
        %add3A_960 = arith.constant 6 : i32
        %add3A_961 = arith.addi %mul3A_959, %add3A_960 : i32
        %broadcast_in_dim3A_962 = vector.broadcast %add3A_961 : i32 to vector<16xi32>
        %scatter3A_963 = arith.constant 0 : i32
        %scatter3A_964 = arith.constant 0 : i32
        %scatter3A_965 = arith.constant 0 : i32
        %scatter3A_966 = arith.constant 0 : i32
        %scatter3A_967 = tpu.memref_slice %arg17[%scan3A_375, %scatter3A_963, %scatter3A_964, %scatter3A_965, %scatter3A_966] : memref<2x4x5x8x129xf32, #tpu.memory_space<vmem>> -> memref<1x4x5x8x129xf32, #tpu.memory_space<vmem>>
        %scatter3A_968 = tpu.memref_squeeze %scatter3A_967 : memref<1x4x5x8x129xf32, #tpu.memory_space<vmem>> -> memref<4x5x8x129xf32, #tpu.memory_space<vmem>>
        tpu.vector_store_idx %scatter3A_968[%shift_right_arithmetic3A_9, %broadcast_in_dim3A_373, %and3A_14, %broadcast_in_dim3A_962], %add3A_948 : memref<4x5x8x129xf32, #tpu.memory_space<vmem>>[vector<16xi32>, vector<16xi32>, vector<16xi32>, vector<16xi32>], vector<16xf32>,
        %scatter3A_969 = arith.constant 0 : i32
        %scatter3A_970 = arith.constant 0 : i32
        %scatter3A_971 = arith.constant 0 : i32
        %scatter3A_972 = arith.constant 0 : i32
        %scatter3A_973 = tpu.memref_slice %arg17[%scan3A_375, %scatter3A_969, %scatter3A_970, %scatter3A_971, %scatter3A_972] : memref<2x4x5x8x129xf32, #tpu.memory_space<vmem>> -> memref<1x4x5x8x129xf32, #tpu.memory_space<vmem>>
        %scatter3A_974 = tpu.memref_squeeze %scatter3A_973 : memref<1x4x5x8x129xf32, #tpu.memory_space<vmem>> -> memref<4x5x8x129xf32, #tpu.memory_space<vmem>>
        tpu.vector_store_idx %scatter3A_974[%add3A_12, %broadcast_in_dim3A_373, %and3A_14, %broadcast_in_dim3A_962], %add3A_957 : memref<4x5x8x129xf32, #tpu.memory_space<vmem>>[vector<16xi32>, vector<16xi32>, vector<16xi32>, vector<16xi32>], vector<16xf32>,
        %broadcast_in_dim3A_975 = arith.constant 7 : i32
        %broadcast_in_dim3A_976 = vector.broadcast %broadcast_in_dim3A_975 : i32 to vector<16xi32>
        %lt3A_977 = arith.constant 0 : i32
        %lt3A_978 = vector.broadcast %lt3A_977 : i32 to vector<16xi32>
        %lt3A_979 = arith.cmpi slt, %broadcast_in_dim3A_976, %lt3A_978 : vector<16xi32>
        %add3A_980 = arith.constant 16 : i32
        %add3A_981 = vector.broadcast %add3A_980 : i32 to vector<16xi32>
        %add3A_982 = arith.addi %broadcast_in_dim3A_976, %add3A_981 : vector<16xi32>
        %select_n3A_983 = arith.select %lt3A_979, %add3A_982, %broadcast_in_dim3A_976 : vector<16xi1>, vector<16xi32>
        %broadcast_in_dim3A_984 = vector.shape_cast %select_n3A_983 : vector<16xi32> to vector<16x1xi32>
        %gather3A_985 = vector.shape_cast %broadcast_in_dim3A_984 : vector<16x1xi32> to vector<16xi32>
        %gather3A_986 = tpu.dynamic_gather %mul3A_576[%gather3A_985] in [0] : vector<16xi32>, vector<16xi32> -> vector<16xi32>
        %add3A_987 = arith.addi %gather3A_986, %iota3A : vector<16xi32>
        %lt3A_988 = arith.constant 0 : i32
        %lt3A_989 = vector.broadcast %lt3A_988 : i32 to vector<16xi32>
        %lt3A_990 = arith.cmpi slt, %broadcast_in_dim3A_976, %lt3A_989 : vector<16xi32>
        %add3A_991 = arith.constant 16 : i32
        %add3A_992 = vector.broadcast %add3A_991 : i32 to vector<16xi32>
        %add3A_993 = arith.addi %broadcast_in_dim3A_976, %add3A_992 : vector<16xi32>
        %select_n3A_994 = arith.select %lt3A_990, %add3A_993, %broadcast_in_dim3A_976 : vector<16xi1>, vector<16xi32>
        %broadcast_in_dim3A_995 = vector.shape_cast %select_n3A_994 : vector<16xi32> to vector<16x1xi32>
        %gather3A_996 = vector.shape_cast %broadcast_in_dim3A_995 : vector<16x1xi32> to vector<16xi32>
        %gather3A_997 = tpu.dynamic_gather %mul3A_605[%gather3A_996] in [0] : vector<16xi32>, vector<16xi32> -> vector<16xi32>
        %add3A_998 = arith.addi %gather3A_997, %iota3A : vector<16xi32>
        %gather3A_999 = tpu.vector_load_idx %arg11[%add3A_987] : memref<3968xf32, #tpu.memory_space<vmem>>[vector<16xi32>], vector<16xf32>,
        %gather3A_1000 = tpu.vector_load_idx %arg15[%add3A_998] : memref<50688xf32, #tpu.memory_space<vmem>>[vector<16xi32>], vector<16xf32>,
        %add3A_1001 = arith.addf %gather3A_999, %gather3A_1000 : vector<16xf32>
        %add3A_1002 = arith.constant 16 : i32
        %add3A_1003 = vector.broadcast %add3A_1002 : i32 to vector<16xi32>
        %add3A_1004 = arith.addi %add3A_987, %add3A_1003 : vector<16xi32>
        %gather3A_1005 = tpu.vector_load_idx %arg11[%add3A_1004] : memref<3968xf32, #tpu.memory_space<vmem>>[vector<16xi32>], vector<16xf32>,
        %add3A_1006 = arith.constant 16 : i32
        %add3A_1007 = vector.broadcast %add3A_1006 : i32 to vector<16xi32>
        %add3A_1008 = arith.addi %add3A_998, %add3A_1007 : vector<16xi32>
        %gather3A_1009 = tpu.vector_load_idx %arg15[%add3A_1008] : memref<50688xf32, #tpu.memory_space<vmem>>[vector<16xi32>], vector<16xf32>,
        %add3A_1010 = arith.addf %gather3A_1005, %gather3A_1009 : vector<16xf32>
        %mul3A_1011 = arith.constant 16 : i32
        %mul3A_1012 = arith.muli %scan3A_566, %mul3A_1011 : i32
        %add3A_1013 = arith.constant 7 : i32
        %add3A_1014 = arith.addi %mul3A_1012, %add3A_1013 : i32
        %broadcast_in_dim3A_1015 = vector.broadcast %add3A_1014 : i32 to vector<16xi32>
        %scatter3A_1016 = arith.constant 0 : i32
        %scatter3A_1017 = arith.constant 0 : i32
        %scatter3A_1018 = arith.constant 0 : i32
        %scatter3A_1019 = arith.constant 0 : i32
        %scatter3A_1020 = tpu.memref_slice %arg17[%scan3A_375, %scatter3A_1016, %scatter3A_1017, %scatter3A_1018, %scatter3A_1019] : memref<2x4x5x8x129xf32, #tpu.memory_space<vmem>> -> memref<1x4x5x8x129xf32, #tpu.memory_space<vmem>>
        %scatter3A_1021 = tpu.memref_squeeze %scatter3A_1020 : memref<1x4x5x8x129xf32, #tpu.memory_space<vmem>> -> memref<4x5x8x129xf32, #tpu.memory_space<vmem>>
        tpu.vector_store_idx %scatter3A_1021[%shift_right_arithmetic3A_9, %broadcast_in_dim3A_373, %and3A_14, %broadcast_in_dim3A_1015], %add3A_1001 : memref<4x5x8x129xf32, #tpu.memory_space<vmem>>[vector<16xi32>, vector<16xi32>, vector<16xi32>, vector<16xi32>], vector<16xf32>,
        %scatter3A_1022 = arith.constant 0 : i32
        %scatter3A_1023 = arith.constant 0 : i32
        %scatter3A_1024 = arith.constant 0 : i32
        %scatter3A_1025 = arith.constant 0 : i32
        %scatter3A_1026 = tpu.memref_slice %arg17[%scan3A_375, %scatter3A_1022, %scatter3A_1023, %scatter3A_1024, %scatter3A_1025] : memref<2x4x5x8x129xf32, #tpu.memory_space<vmem>> -> memref<1x4x5x8x129xf32, #tpu.memory_space<vmem>>
        %scatter3A_1027 = tpu.memref_squeeze %scatter3A_1026 : memref<1x4x5x8x129xf32, #tpu.memory_space<vmem>> -> memref<4x5x8x129xf32, #tpu.memory_space<vmem>>
        tpu.vector_store_idx %scatter3A_1027[%add3A_12, %broadcast_in_dim3A_373, %and3A_14, %broadcast_in_dim3A_1015], %add3A_1010 : memref<4x5x8x129xf32, #tpu.memory_space<vmem>>[vector<16xi32>, vector<16xi32>, vector<16xi32>, vector<16xi32>], vector<16xf32>,
        %broadcast_in_dim3A_1028 = arith.constant 8 : i32
        %broadcast_in_dim3A_1029 = vector.broadcast %broadcast_in_dim3A_1028 : i32 to vector<16xi32>
        %lt3A_1030 = arith.constant 0 : i32
        %lt3A_1031 = vector.broadcast %lt3A_1030 : i32 to vector<16xi32>
        %lt3A_1032 = arith.cmpi slt, %broadcast_in_dim3A_1029, %lt3A_1031 : vector<16xi32>
        %add3A_1033 = arith.constant 16 : i32
        %add3A_1034 = vector.broadcast %add3A_1033 : i32 to vector<16xi32>
        %add3A_1035 = arith.addi %broadcast_in_dim3A_1029, %add3A_1034 : vector<16xi32>
        %select_n3A_1036 = arith.select %lt3A_1032, %add3A_1035, %broadcast_in_dim3A_1029 : vector<16xi1>, vector<16xi32>
        %broadcast_in_dim3A_1037 = vector.shape_cast %select_n3A_1036 : vector<16xi32> to vector<16x1xi32>
        %gather3A_1038 = vector.shape_cast %broadcast_in_dim3A_1037 : vector<16x1xi32> to vector<16xi32>
        %gather3A_1039 = tpu.dynamic_gather %mul3A_576[%gather3A_1038] in [0] : vector<16xi32>, vector<16xi32> -> vector<16xi32>
        %add3A_1040 = arith.addi %gather3A_1039, %iota3A : vector<16xi32>
        %lt3A_1041 = arith.constant 0 : i32
        %lt3A_1042 = vector.broadcast %lt3A_1041 : i32 to vector<16xi32>
        %lt3A_1043 = arith.cmpi slt, %broadcast_in_dim3A_1029, %lt3A_1042 : vector<16xi32>
        %add3A_1044 = arith.constant 16 : i32
        %add3A_1045 = vector.broadcast %add3A_1044 : i32 to vector<16xi32>
        %add3A_1046 = arith.addi %broadcast_in_dim3A_1029, %add3A_1045 : vector<16xi32>
        %select_n3A_1047 = arith.select %lt3A_1043, %add3A_1046, %broadcast_in_dim3A_1029 : vector<16xi1>, vector<16xi32>
        %broadcast_in_dim3A_1048 = vector.shape_cast %select_n3A_1047 : vector<16xi32> to vector<16x1xi32>
        %gather3A_1049 = vector.shape_cast %broadcast_in_dim3A_1048 : vector<16x1xi32> to vector<16xi32>
        %gather3A_1050 = tpu.dynamic_gather %mul3A_605[%gather3A_1049] in [0] : vector<16xi32>, vector<16xi32> -> vector<16xi32>
        %add3A_1051 = arith.addi %gather3A_1050, %iota3A : vector<16xi32>
        %gather3A_1052 = tpu.vector_load_idx %arg11[%add3A_1040] : memref<3968xf32, #tpu.memory_space<vmem>>[vector<16xi32>], vector<16xf32>,
        %gather3A_1053 = tpu.vector_load_idx %arg15[%add3A_1051] : memref<50688xf32, #tpu.memory_space<vmem>>[vector<16xi32>], vector<16xf32>,
        %add3A_1054 = arith.addf %gather3A_1052, %gather3A_1053 : vector<16xf32>
        %add3A_1055 = arith.constant 16 : i32
        %add3A_1056 = vector.broadcast %add3A_1055 : i32 to vector<16xi32>
        %add3A_1057 = arith.addi %add3A_1040, %add3A_1056 : vector<16xi32>
        %gather3A_1058 = tpu.vector_load_idx %arg11[%add3A_1057] : memref<3968xf32, #tpu.memory_space<vmem>>[vector<16xi32>], vector<16xf32>,
        %add3A_1059 = arith.constant 16 : i32
        %add3A_1060 = vector.broadcast %add3A_1059 : i32 to vector<16xi32>
        %add3A_1061 = arith.addi %add3A_1051, %add3A_1060 : vector<16xi32>
        %gather3A_1062 = tpu.vector_load_idx %arg15[%add3A_1061] : memref<50688xf32, #tpu.memory_space<vmem>>[vector<16xi32>], vector<16xf32>,
        %add3A_1063 = arith.addf %gather3A_1058, %gather3A_1062 : vector<16xf32>
        %mul3A_1064 = arith.constant 16 : i32
        %mul3A_1065 = arith.muli %scan3A_566, %mul3A_1064 : i32
        %add3A_1066 = arith.constant 8 : i32
        %add3A_1067 = arith.addi %mul3A_1065, %add3A_1066 : i32
        %broadcast_in_dim3A_1068 = vector.broadcast %add3A_1067 : i32 to vector<16xi32>
        %scatter3A_1069 = arith.constant 0 : i32
        %scatter3A_1070 = arith.constant 0 : i32
        %scatter3A_1071 = arith.constant 0 : i32
        %scatter3A_1072 = arith.constant 0 : i32
        %scatter3A_1073 = tpu.memref_slice %arg17[%scan3A_375, %scatter3A_1069, %scatter3A_1070, %scatter3A_1071, %scatter3A_1072] : memref<2x4x5x8x129xf32, #tpu.memory_space<vmem>> -> memref<1x4x5x8x129xf32, #tpu.memory_space<vmem>>
        %scatter3A_1074 = tpu.memref_squeeze %scatter3A_1073 : memref<1x4x5x8x129xf32, #tpu.memory_space<vmem>> -> memref<4x5x8x129xf32, #tpu.memory_space<vmem>>
        tpu.vector_store_idx %scatter3A_1074[%shift_right_arithmetic3A_9, %broadcast_in_dim3A_373, %and3A_14, %broadcast_in_dim3A_1068], %add3A_1054 : memref<4x5x8x129xf32, #tpu.memory_space<vmem>>[vector<16xi32>, vector<16xi32>, vector<16xi32>, vector<16xi32>], vector<16xf32>,
        %scatter3A_1075 = arith.constant 0 : i32
        %scatter3A_1076 = arith.constant 0 : i32
        %scatter3A_1077 = arith.constant 0 : i32
        %scatter3A_1078 = arith.constant 0 : i32
        %scatter3A_1079 = tpu.memref_slice %arg17[%scan3A_375, %scatter3A_1075, %scatter3A_1076, %scatter3A_1077, %scatter3A_1078] : memref<2x4x5x8x129xf32, #tpu.memory_space<vmem>> -> memref<1x4x5x8x129xf32, #tpu.memory_space<vmem>>
        %scatter3A_1080 = tpu.memref_squeeze %scatter3A_1079 : memref<1x4x5x8x129xf32, #tpu.memory_space<vmem>> -> memref<4x5x8x129xf32, #tpu.memory_space<vmem>>
        tpu.vector_store_idx %scatter3A_1080[%add3A_12, %broadcast_in_dim3A_373, %and3A_14, %broadcast_in_dim3A_1068], %add3A_1063 : memref<4x5x8x129xf32, #tpu.memory_space<vmem>>[vector<16xi32>, vector<16xi32>, vector<16xi32>, vector<16xi32>], vector<16xf32>,
        %broadcast_in_dim3A_1081 = arith.constant 9 : i32
        %broadcast_in_dim3A_1082 = vector.broadcast %broadcast_in_dim3A_1081 : i32 to vector<16xi32>
        %lt3A_1083 = arith.constant 0 : i32
        %lt3A_1084 = vector.broadcast %lt3A_1083 : i32 to vector<16xi32>
        %lt3A_1085 = arith.cmpi slt, %broadcast_in_dim3A_1082, %lt3A_1084 : vector<16xi32>
        %add3A_1086 = arith.constant 16 : i32
        %add3A_1087 = vector.broadcast %add3A_1086 : i32 to vector<16xi32>
        %add3A_1088 = arith.addi %broadcast_in_dim3A_1082, %add3A_1087 : vector<16xi32>
        %select_n3A_1089 = arith.select %lt3A_1085, %add3A_1088, %broadcast_in_dim3A_1082 : vector<16xi1>, vector<16xi32>
        %broadcast_in_dim3A_1090 = vector.shape_cast %select_n3A_1089 : vector<16xi32> to vector<16x1xi32>
        %gather3A_1091 = vector.shape_cast %broadcast_in_dim3A_1090 : vector<16x1xi32> to vector<16xi32>
        %gather3A_1092 = tpu.dynamic_gather %mul3A_576[%gather3A_1091] in [0] : vector<16xi32>, vector<16xi32> -> vector<16xi32>
        %add3A_1093 = arith.addi %gather3A_1092, %iota3A : vector<16xi32>
        %lt3A_1094 = arith.constant 0 : i32
        %lt3A_1095 = vector.broadcast %lt3A_1094 : i32 to vector<16xi32>
        %lt3A_1096 = arith.cmpi slt, %broadcast_in_dim3A_1082, %lt3A_1095 : vector<16xi32>
        %add3A_1097 = arith.constant 16 : i32
        %add3A_1098 = vector.broadcast %add3A_1097 : i32 to vector<16xi32>
        %add3A_1099 = arith.addi %broadcast_in_dim3A_1082, %add3A_1098 : vector<16xi32>
        %select_n3A_1100 = arith.select %lt3A_1096, %add3A_1099, %broadcast_in_dim3A_1082 : vector<16xi1>, vector<16xi32>
        %broadcast_in_dim3A_1101 = vector.shape_cast %select_n3A_1100 : vector<16xi32> to vector<16x1xi32>
        %gather3A_1102 = vector.shape_cast %broadcast_in_dim3A_1101 : vector<16x1xi32> to vector<16xi32>
        %gather3A_1103 = tpu.dynamic_gather %mul3A_605[%gather3A_1102] in [0] : vector<16xi32>, vector<16xi32> -> vector<16xi32>
        %add3A_1104 = arith.addi %gather3A_1103, %iota3A : vector<16xi32>
        %gather3A_1105 = tpu.vector_load_idx %arg11[%add3A_1093] : memref<3968xf32, #tpu.memory_space<vmem>>[vector<16xi32>], vector<16xf32>,
        %gather3A_1106 = tpu.vector_load_idx %arg15[%add3A_1104] : memref<50688xf32, #tpu.memory_space<vmem>>[vector<16xi32>], vector<16xf32>,
        %add3A_1107 = arith.addf %gather3A_1105, %gather3A_1106 : vector<16xf32>
        %add3A_1108 = arith.constant 16 : i32
        %add3A_1109 = vector.broadcast %add3A_1108 : i32 to vector<16xi32>
        %add3A_1110 = arith.addi %add3A_1093, %add3A_1109 : vector<16xi32>
        %gather3A_1111 = tpu.vector_load_idx %arg11[%add3A_1110] : memref<3968xf32, #tpu.memory_space<vmem>>[vector<16xi32>], vector<16xf32>,
        %add3A_1112 = arith.constant 16 : i32
        %add3A_1113 = vector.broadcast %add3A_1112 : i32 to vector<16xi32>
        %add3A_1114 = arith.addi %add3A_1104, %add3A_1113 : vector<16xi32>
        %gather3A_1115 = tpu.vector_load_idx %arg15[%add3A_1114] : memref<50688xf32, #tpu.memory_space<vmem>>[vector<16xi32>], vector<16xf32>,
        %add3A_1116 = arith.addf %gather3A_1111, %gather3A_1115 : vector<16xf32>
        %mul3A_1117 = arith.constant 16 : i32
        %mul3A_1118 = arith.muli %scan3A_566, %mul3A_1117 : i32
        %add3A_1119 = arith.constant 9 : i32
        %add3A_1120 = arith.addi %mul3A_1118, %add3A_1119 : i32
        %broadcast_in_dim3A_1121 = vector.broadcast %add3A_1120 : i32 to vector<16xi32>
        %scatter3A_1122 = arith.constant 0 : i32
        %scatter3A_1123 = arith.constant 0 : i32
        %scatter3A_1124 = arith.constant 0 : i32
        %scatter3A_1125 = arith.constant 0 : i32
        %scatter3A_1126 = tpu.memref_slice %arg17[%scan3A_375, %scatter3A_1122, %scatter3A_1123, %scatter3A_1124, %scatter3A_1125] : memref<2x4x5x8x129xf32, #tpu.memory_space<vmem>> -> memref<1x4x5x8x129xf32, #tpu.memory_space<vmem>>
        %scatter3A_1127 = tpu.memref_squeeze %scatter3A_1126 : memref<1x4x5x8x129xf32, #tpu.memory_space<vmem>> -> memref<4x5x8x129xf32, #tpu.memory_space<vmem>>
        tpu.vector_store_idx %scatter3A_1127[%shift_right_arithmetic3A_9, %broadcast_in_dim3A_373, %and3A_14, %broadcast_in_dim3A_1121], %add3A_1107 : memref<4x5x8x129xf32, #tpu.memory_space<vmem>>[vector<16xi32>, vector<16xi32>, vector<16xi32>, vector<16xi32>], vector<16xf32>,
        %scatter3A_1128 = arith.constant 0 : i32
        %scatter3A_1129 = arith.constant 0 : i32
        %scatter3A_1130 = arith.constant 0 : i32
        %scatter3A_1131 = arith.constant 0 : i32
        %scatter3A_1132 = tpu.memref_slice %arg17[%scan3A_375, %scatter3A_1128, %scatter3A_1129, %scatter3A_1130, %scatter3A_1131] : memref<2x4x5x8x129xf32, #tpu.memory_space<vmem>> -> memref<1x4x5x8x129xf32, #tpu.memory_space<vmem>>
        %scatter3A_1133 = tpu.memref_squeeze %scatter3A_1132 : memref<1x4x5x8x129xf32, #tpu.memory_space<vmem>> -> memref<4x5x8x129xf32, #tpu.memory_space<vmem>>
        tpu.vector_store_idx %scatter3A_1133[%add3A_12, %broadcast_in_dim3A_373, %and3A_14, %broadcast_in_dim3A_1121], %add3A_1116 : memref<4x5x8x129xf32, #tpu.memory_space<vmem>>[vector<16xi32>, vector<16xi32>, vector<16xi32>, vector<16xi32>], vector<16xf32>,
        %broadcast_in_dim3A_1134 = arith.constant 10 : i32
        %broadcast_in_dim3A_1135 = vector.broadcast %broadcast_in_dim3A_1134 : i32 to vector<16xi32>
        %lt3A_1136 = arith.constant 0 : i32
        %lt3A_1137 = vector.broadcast %lt3A_1136 : i32 to vector<16xi32>
        %lt3A_1138 = arith.cmpi slt, %broadcast_in_dim3A_1135, %lt3A_1137 : vector<16xi32>
        %add3A_1139 = arith.constant 16 : i32
        %add3A_1140 = vector.broadcast %add3A_1139 : i32 to vector<16xi32>
        %add3A_1141 = arith.addi %broadcast_in_dim3A_1135, %add3A_1140 : vector<16xi32>
        %select_n3A_1142 = arith.select %lt3A_1138, %add3A_1141, %broadcast_in_dim3A_1135 : vector<16xi1>, vector<16xi32>
        %broadcast_in_dim3A_1143 = vector.shape_cast %select_n3A_1142 : vector<16xi32> to vector<16x1xi32>
        %gather3A_1144 = vector.shape_cast %broadcast_in_dim3A_1143 : vector<16x1xi32> to vector<16xi32>
        %gather3A_1145 = tpu.dynamic_gather %mul3A_576[%gather3A_1144] in [0] : vector<16xi32>, vector<16xi32> -> vector<16xi32>
        %add3A_1146 = arith.addi %gather3A_1145, %iota3A : vector<16xi32>
        %lt3A_1147 = arith.constant 0 : i32
        %lt3A_1148 = vector.broadcast %lt3A_1147 : i32 to vector<16xi32>
        %lt3A_1149 = arith.cmpi slt, %broadcast_in_dim3A_1135, %lt3A_1148 : vector<16xi32>
        %add3A_1150 = arith.constant 16 : i32
        %add3A_1151 = vector.broadcast %add3A_1150 : i32 to vector<16xi32>
        %add3A_1152 = arith.addi %broadcast_in_dim3A_1135, %add3A_1151 : vector<16xi32>
        %select_n3A_1153 = arith.select %lt3A_1149, %add3A_1152, %broadcast_in_dim3A_1135 : vector<16xi1>, vector<16xi32>
        %broadcast_in_dim3A_1154 = vector.shape_cast %select_n3A_1153 : vector<16xi32> to vector<16x1xi32>
        %gather3A_1155 = vector.shape_cast %broadcast_in_dim3A_1154 : vector<16x1xi32> to vector<16xi32>
        %gather3A_1156 = tpu.dynamic_gather %mul3A_605[%gather3A_1155] in [0] : vector<16xi32>, vector<16xi32> -> vector<16xi32>
        %add3A_1157 = arith.addi %gather3A_1156, %iota3A : vector<16xi32>
        %gather3A_1158 = tpu.vector_load_idx %arg11[%add3A_1146] : memref<3968xf32, #tpu.memory_space<vmem>>[vector<16xi32>], vector<16xf32>,
        %gather3A_1159 = tpu.vector_load_idx %arg15[%add3A_1157] : memref<50688xf32, #tpu.memory_space<vmem>>[vector<16xi32>], vector<16xf32>,
        %add3A_1160 = arith.addf %gather3A_1158, %gather3A_1159 : vector<16xf32>
        %add3A_1161 = arith.constant 16 : i32
        %add3A_1162 = vector.broadcast %add3A_1161 : i32 to vector<16xi32>
        %add3A_1163 = arith.addi %add3A_1146, %add3A_1162 : vector<16xi32>
        %gather3A_1164 = tpu.vector_load_idx %arg11[%add3A_1163] : memref<3968xf32, #tpu.memory_space<vmem>>[vector<16xi32>], vector<16xf32>,
        %add3A_1165 = arith.constant 16 : i32
        %add3A_1166 = vector.broadcast %add3A_1165 : i32 to vector<16xi32>
        %add3A_1167 = arith.addi %add3A_1157, %add3A_1166 : vector<16xi32>
        %gather3A_1168 = tpu.vector_load_idx %arg15[%add3A_1167] : memref<50688xf32, #tpu.memory_space<vmem>>[vector<16xi32>], vector<16xf32>,
        %add3A_1169 = arith.addf %gather3A_1164, %gather3A_1168 : vector<16xf32>
        %mul3A_1170 = arith.constant 16 : i32
        %mul3A_1171 = arith.muli %scan3A_566, %mul3A_1170 : i32
        %add3A_1172 = arith.constant 10 : i32
        %add3A_1173 = arith.addi %mul3A_1171, %add3A_1172 : i32
        %broadcast_in_dim3A_1174 = vector.broadcast %add3A_1173 : i32 to vector<16xi32>
        %scatter3A_1175 = arith.constant 0 : i32
        %scatter3A_1176 = arith.constant 0 : i32
        %scatter3A_1177 = arith.constant 0 : i32
        %scatter3A_1178 = arith.constant 0 : i32
        %scatter3A_1179 = tpu.memref_slice %arg17[%scan3A_375, %scatter3A_1175, %scatter3A_1176, %scatter3A_1177, %scatter3A_1178] : memref<2x4x5x8x129xf32, #tpu.memory_space<vmem>> -> memref<1x4x5x8x129xf32, #tpu.memory_space<vmem>>
        %scatter3A_1180 = tpu.memref_squeeze %scatter3A_1179 : memref<1x4x5x8x129xf32, #tpu.memory_space<vmem>> -> memref<4x5x8x129xf32, #tpu.memory_space<vmem>>
        tpu.vector_store_idx %scatter3A_1180[%shift_right_arithmetic3A_9, %broadcast_in_dim3A_373, %and3A_14, %broadcast_in_dim3A_1174], %add3A_1160 : memref<4x5x8x129xf32, #tpu.memory_space<vmem>>[vector<16xi32>, vector<16xi32>, vector<16xi32>, vector<16xi32>], vector<16xf32>,
        %scatter3A_1181 = arith.constant 0 : i32
        %scatter3A_1182 = arith.constant 0 : i32
        %scatter3A_1183 = arith.constant 0 : i32
        %scatter3A_1184 = arith.constant 0 : i32
        %scatter3A_1185 = tpu.memref_slice %arg17[%scan3A_375, %scatter3A_1181, %scatter3A_1182, %scatter3A_1183, %scatter3A_1184] : memref<2x4x5x8x129xf32, #tpu.memory_space<vmem>> -> memref<1x4x5x8x129xf32, #tpu.memory_space<vmem>>
        %scatter3A_1186 = tpu.memref_squeeze %scatter3A_1185 : memref<1x4x5x8x129xf32, #tpu.memory_space<vmem>> -> memref<4x5x8x129xf32, #tpu.memory_space<vmem>>
        tpu.vector_store_idx %scatter3A_1186[%add3A_12, %broadcast_in_dim3A_373, %and3A_14, %broadcast_in_dim3A_1174], %add3A_1169 : memref<4x5x8x129xf32, #tpu.memory_space<vmem>>[vector<16xi32>, vector<16xi32>, vector<16xi32>, vector<16xi32>], vector<16xf32>,
        %broadcast_in_dim3A_1187 = arith.constant 11 : i32
        %broadcast_in_dim3A_1188 = vector.broadcast %broadcast_in_dim3A_1187 : i32 to vector<16xi32>
        %lt3A_1189 = arith.constant 0 : i32
        %lt3A_1190 = vector.broadcast %lt3A_1189 : i32 to vector<16xi32>
        %lt3A_1191 = arith.cmpi slt, %broadcast_in_dim3A_1188, %lt3A_1190 : vector<16xi32>
        %add3A_1192 = arith.constant 16 : i32
        %add3A_1193 = vector.broadcast %add3A_1192 : i32 to vector<16xi32>
        %add3A_1194 = arith.addi %broadcast_in_dim3A_1188, %add3A_1193 : vector<16xi32>
        %select_n3A_1195 = arith.select %lt3A_1191, %add3A_1194, %broadcast_in_dim3A_1188 : vector<16xi1>, vector<16xi32>
        %broadcast_in_dim3A_1196 = vector.shape_cast %select_n3A_1195 : vector<16xi32> to vector<16x1xi32>
        %gather3A_1197 = vector.shape_cast %broadcast_in_dim3A_1196 : vector<16x1xi32> to vector<16xi32>
        %gather3A_1198 = tpu.dynamic_gather %mul3A_576[%gather3A_1197] in [0] : vector<16xi32>, vector<16xi32> -> vector<16xi32>
        %add3A_1199 = arith.addi %gather3A_1198, %iota3A : vector<16xi32>
        %lt3A_1200 = arith.constant 0 : i32
        %lt3A_1201 = vector.broadcast %lt3A_1200 : i32 to vector<16xi32>
        %lt3A_1202 = arith.cmpi slt, %broadcast_in_dim3A_1188, %lt3A_1201 : vector<16xi32>
        %add3A_1203 = arith.constant 16 : i32
        %add3A_1204 = vector.broadcast %add3A_1203 : i32 to vector<16xi32>
        %add3A_1205 = arith.addi %broadcast_in_dim3A_1188, %add3A_1204 : vector<16xi32>
        %select_n3A_1206 = arith.select %lt3A_1202, %add3A_1205, %broadcast_in_dim3A_1188 : vector<16xi1>, vector<16xi32>
        %broadcast_in_dim3A_1207 = vector.shape_cast %select_n3A_1206 : vector<16xi32> to vector<16x1xi32>
        %gather3A_1208 = vector.shape_cast %broadcast_in_dim3A_1207 : vector<16x1xi32> to vector<16xi32>
        %gather3A_1209 = tpu.dynamic_gather %mul3A_605[%gather3A_1208] in [0] : vector<16xi32>, vector<16xi32> -> vector<16xi32>
        %add3A_1210 = arith.addi %gather3A_1209, %iota3A : vector<16xi32>
        %gather3A_1211 = tpu.vector_load_idx %arg11[%add3A_1199] : memref<3968xf32, #tpu.memory_space<vmem>>[vector<16xi32>], vector<16xf32>,
        %gather3A_1212 = tpu.vector_load_idx %arg15[%add3A_1210] : memref<50688xf32, #tpu.memory_space<vmem>>[vector<16xi32>], vector<16xf32>,
        %add3A_1213 = arith.addf %gather3A_1211, %gather3A_1212 : vector<16xf32>
        %add3A_1214 = arith.constant 16 : i32
        %add3A_1215 = vector.broadcast %add3A_1214 : i32 to vector<16xi32>
        %add3A_1216 = arith.addi %add3A_1199, %add3A_1215 : vector<16xi32>
        %gather3A_1217 = tpu.vector_load_idx %arg11[%add3A_1216] : memref<3968xf32, #tpu.memory_space<vmem>>[vector<16xi32>], vector<16xf32>,
        %add3A_1218 = arith.constant 16 : i32
        %add3A_1219 = vector.broadcast %add3A_1218 : i32 to vector<16xi32>
        %add3A_1220 = arith.addi %add3A_1210, %add3A_1219 : vector<16xi32>
        %gather3A_1221 = tpu.vector_load_idx %arg15[%add3A_1220] : memref<50688xf32, #tpu.memory_space<vmem>>[vector<16xi32>], vector<16xf32>,
        %add3A_1222 = arith.addf %gather3A_1217, %gather3A_1221 : vector<16xf32>
        %mul3A_1223 = arith.constant 16 : i32
        %mul3A_1224 = arith.muli %scan3A_566, %mul3A_1223 : i32
        %add3A_1225 = arith.constant 11 : i32
        %add3A_1226 = arith.addi %mul3A_1224, %add3A_1225 : i32
        %broadcast_in_dim3A_1227 = vector.broadcast %add3A_1226 : i32 to vector<16xi32>
        %scatter3A_1228 = arith.constant 0 : i32
        %scatter3A_1229 = arith.constant 0 : i32
        %scatter3A_1230 = arith.constant 0 : i32
        %scatter3A_1231 = arith.constant 0 : i32
        %scatter3A_1232 = tpu.memref_slice %arg17[%scan3A_375, %scatter3A_1228, %scatter3A_1229, %scatter3A_1230, %scatter3A_1231] : memref<2x4x5x8x129xf32, #tpu.memory_space<vmem>> -> memref<1x4x5x8x129xf32, #tpu.memory_space<vmem>>
        %scatter3A_1233 = tpu.memref_squeeze %scatter3A_1232 : memref<1x4x5x8x129xf32, #tpu.memory_space<vmem>> -> memref<4x5x8x129xf32, #tpu.memory_space<vmem>>
        tpu.vector_store_idx %scatter3A_1233[%shift_right_arithmetic3A_9, %broadcast_in_dim3A_373, %and3A_14, %broadcast_in_dim3A_1227], %add3A_1213 : memref<4x5x8x129xf32, #tpu.memory_space<vmem>>[vector<16xi32>, vector<16xi32>, vector<16xi32>, vector<16xi32>], vector<16xf32>,
        %scatter3A_1234 = arith.constant 0 : i32
        %scatter3A_1235 = arith.constant 0 : i32
        %scatter3A_1236 = arith.constant 0 : i32
        %scatter3A_1237 = arith.constant 0 : i32
        %scatter3A_1238 = tpu.memref_slice %arg17[%scan3A_375, %scatter3A_1234, %scatter3A_1235, %scatter3A_1236, %scatter3A_1237] : memref<2x4x5x8x129xf32, #tpu.memory_space<vmem>> -> memref<1x4x5x8x129xf32, #tpu.memory_space<vmem>>
        %scatter3A_1239 = tpu.memref_squeeze %scatter3A_1238 : memref<1x4x5x8x129xf32, #tpu.memory_space<vmem>> -> memref<4x5x8x129xf32, #tpu.memory_space<vmem>>
        tpu.vector_store_idx %scatter3A_1239[%add3A_12, %broadcast_in_dim3A_373, %and3A_14, %broadcast_in_dim3A_1227], %add3A_1222 : memref<4x5x8x129xf32, #tpu.memory_space<vmem>>[vector<16xi32>, vector<16xi32>, vector<16xi32>, vector<16xi32>], vector<16xf32>,
        %broadcast_in_dim3A_1240 = arith.constant 12 : i32
        %broadcast_in_dim3A_1241 = vector.broadcast %broadcast_in_dim3A_1240 : i32 to vector<16xi32>
        %lt3A_1242 = arith.constant 0 : i32
        %lt3A_1243 = vector.broadcast %lt3A_1242 : i32 to vector<16xi32>
        %lt3A_1244 = arith.cmpi slt, %broadcast_in_dim3A_1241, %lt3A_1243 : vector<16xi32>
        %add3A_1245 = arith.constant 16 : i32
        %add3A_1246 = vector.broadcast %add3A_1245 : i32 to vector<16xi32>
        %add3A_1247 = arith.addi %broadcast_in_dim3A_1241, %add3A_1246 : vector<16xi32>
        %select_n3A_1248 = arith.select %lt3A_1244, %add3A_1247, %broadcast_in_dim3A_1241 : vector<16xi1>, vector<16xi32>
        %broadcast_in_dim3A_1249 = vector.shape_cast %select_n3A_1248 : vector<16xi32> to vector<16x1xi32>
        %gather3A_1250 = vector.shape_cast %broadcast_in_dim3A_1249 : vector<16x1xi32> to vector<16xi32>
        %gather3A_1251 = tpu.dynamic_gather %mul3A_576[%gather3A_1250] in [0] : vector<16xi32>, vector<16xi32> -> vector<16xi32>
        %add3A_1252 = arith.addi %gather3A_1251, %iota3A : vector<16xi32>
        %lt3A_1253 = arith.constant 0 : i32
        %lt3A_1254 = vector.broadcast %lt3A_1253 : i32 to vector<16xi32>
        %lt3A_1255 = arith.cmpi slt, %broadcast_in_dim3A_1241, %lt3A_1254 : vector<16xi32>
        %add3A_1256 = arith.constant 16 : i32
        %add3A_1257 = vector.broadcast %add3A_1256 : i32 to vector<16xi32>
        %add3A_1258 = arith.addi %broadcast_in_dim3A_1241, %add3A_1257 : vector<16xi32>
        %select_n3A_1259 = arith.select %lt3A_1255, %add3A_1258, %broadcast_in_dim3A_1241 : vector<16xi1>, vector<16xi32>
        %broadcast_in_dim3A_1260 = vector.shape_cast %select_n3A_1259 : vector<16xi32> to vector<16x1xi32>
        %gather3A_1261 = vector.shape_cast %broadcast_in_dim3A_1260 : vector<16x1xi32> to vector<16xi32>
        %gather3A_1262 = tpu.dynamic_gather %mul3A_605[%gather3A_1261] in [0] : vector<16xi32>, vector<16xi32> -> vector<16xi32>
        %add3A_1263 = arith.addi %gather3A_1262, %iota3A : vector<16xi32>
        %gather3A_1264 = tpu.vector_load_idx %arg11[%add3A_1252] : memref<3968xf32, #tpu.memory_space<vmem>>[vector<16xi32>], vector<16xf32>,
        %gather3A_1265 = tpu.vector_load_idx %arg15[%add3A_1263] : memref<50688xf32, #tpu.memory_space<vmem>>[vector<16xi32>], vector<16xf32>,
        %add3A_1266 = arith.addf %gather3A_1264, %gather3A_1265 : vector<16xf32>
        %add3A_1267 = arith.constant 16 : i32
        %add3A_1268 = vector.broadcast %add3A_1267 : i32 to vector<16xi32>
        %add3A_1269 = arith.addi %add3A_1252, %add3A_1268 : vector<16xi32>
        %gather3A_1270 = tpu.vector_load_idx %arg11[%add3A_1269] : memref<3968xf32, #tpu.memory_space<vmem>>[vector<16xi32>], vector<16xf32>,
        %add3A_1271 = arith.constant 16 : i32
        %add3A_1272 = vector.broadcast %add3A_1271 : i32 to vector<16xi32>
        %add3A_1273 = arith.addi %add3A_1263, %add3A_1272 : vector<16xi32>
        %gather3A_1274 = tpu.vector_load_idx %arg15[%add3A_1273] : memref<50688xf32, #tpu.memory_space<vmem>>[vector<16xi32>], vector<16xf32>,
        %add3A_1275 = arith.addf %gather3A_1270, %gather3A_1274 : vector<16xf32>
        %mul3A_1276 = arith.constant 16 : i32
        %mul3A_1277 = arith.muli %scan3A_566, %mul3A_1276 : i32
        %add3A_1278 = arith.constant 12 : i32
        %add3A_1279 = arith.addi %mul3A_1277, %add3A_1278 : i32
        %broadcast_in_dim3A_1280 = vector.broadcast %add3A_1279 : i32 to vector<16xi32>
        %scatter3A_1281 = arith.constant 0 : i32
        %scatter3A_1282 = arith.constant 0 : i32
        %scatter3A_1283 = arith.constant 0 : i32
        %scatter3A_1284 = arith.constant 0 : i32
        %scatter3A_1285 = tpu.memref_slice %arg17[%scan3A_375, %scatter3A_1281, %scatter3A_1282, %scatter3A_1283, %scatter3A_1284] : memref<2x4x5x8x129xf32, #tpu.memory_space<vmem>> -> memref<1x4x5x8x129xf32, #tpu.memory_space<vmem>>
        %scatter3A_1286 = tpu.memref_squeeze %scatter3A_1285 : memref<1x4x5x8x129xf32, #tpu.memory_space<vmem>> -> memref<4x5x8x129xf32, #tpu.memory_space<vmem>>
        tpu.vector_store_idx %scatter3A_1286[%shift_right_arithmetic3A_9, %broadcast_in_dim3A_373, %and3A_14, %broadcast_in_dim3A_1280], %add3A_1266 : memref<4x5x8x129xf32, #tpu.memory_space<vmem>>[vector<16xi32>, vector<16xi32>, vector<16xi32>, vector<16xi32>], vector<16xf32>,
        %scatter3A_1287 = arith.constant 0 : i32
        %scatter3A_1288 = arith.constant 0 : i32
        %scatter3A_1289 = arith.constant 0 : i32
        %scatter3A_1290 = arith.constant 0 : i32
        %scatter3A_1291 = tpu.memref_slice %arg17[%scan3A_375, %scatter3A_1287, %scatter3A_1288, %scatter3A_1289, %scatter3A_1290] : memref<2x4x5x8x129xf32, #tpu.memory_space<vmem>> -> memref<1x4x5x8x129xf32, #tpu.memory_space<vmem>>
        %scatter3A_1292 = tpu.memref_squeeze %scatter3A_1291 : memref<1x4x5x8x129xf32, #tpu.memory_space<vmem>> -> memref<4x5x8x129xf32, #tpu.memory_space<vmem>>
        tpu.vector_store_idx %scatter3A_1292[%add3A_12, %broadcast_in_dim3A_373, %and3A_14, %broadcast_in_dim3A_1280], %add3A_1275 : memref<4x5x8x129xf32, #tpu.memory_space<vmem>>[vector<16xi32>, vector<16xi32>, vector<16xi32>, vector<16xi32>], vector<16xf32>,
        %broadcast_in_dim3A_1293 = arith.constant 13 : i32
        %broadcast_in_dim3A_1294 = vector.broadcast %broadcast_in_dim3A_1293 : i32 to vector<16xi32>
        %lt3A_1295 = arith.constant 0 : i32
        %lt3A_1296 = vector.broadcast %lt3A_1295 : i32 to vector<16xi32>
        %lt3A_1297 = arith.cmpi slt, %broadcast_in_dim3A_1294, %lt3A_1296 : vector<16xi32>
        %add3A_1298 = arith.constant 16 : i32
        %add3A_1299 = vector.broadcast %add3A_1298 : i32 to vector<16xi32>
        %add3A_1300 = arith.addi %broadcast_in_dim3A_1294, %add3A_1299 : vector<16xi32>
        %select_n3A_1301 = arith.select %lt3A_1297, %add3A_1300, %broadcast_in_dim3A_1294 : vector<16xi1>, vector<16xi32>
        %broadcast_in_dim3A_1302 = vector.shape_cast %select_n3A_1301 : vector<16xi32> to vector<16x1xi32>
        %gather3A_1303 = vector.shape_cast %broadcast_in_dim3A_1302 : vector<16x1xi32> to vector<16xi32>
        %gather3A_1304 = tpu.dynamic_gather %mul3A_576[%gather3A_1303] in [0] : vector<16xi32>, vector<16xi32> -> vector<16xi32>
        %add3A_1305 = arith.addi %gather3A_1304, %iota3A : vector<16xi32>
        %lt3A_1306 = arith.constant 0 : i32
        %lt3A_1307 = vector.broadcast %lt3A_1306 : i32 to vector<16xi32>
        %lt3A_1308 = arith.cmpi slt, %broadcast_in_dim3A_1294, %lt3A_1307 : vector<16xi32>
        %add3A_1309 = arith.constant 16 : i32
        %add3A_1310 = vector.broadcast %add3A_1309 : i32 to vector<16xi32>
        %add3A_1311 = arith.addi %broadcast_in_dim3A_1294, %add3A_1310 : vector<16xi32>
        %select_n3A_1312 = arith.select %lt3A_1308, %add3A_1311, %broadcast_in_dim3A_1294 : vector<16xi1>, vector<16xi32>
        %broadcast_in_dim3A_1313 = vector.shape_cast %select_n3A_1312 : vector<16xi32> to vector<16x1xi32>
        %gather3A_1314 = vector.shape_cast %broadcast_in_dim3A_1313 : vector<16x1xi32> to vector<16xi32>
        %gather3A_1315 = tpu.dynamic_gather %mul3A_605[%gather3A_1314] in [0] : vector<16xi32>, vector<16xi32> -> vector<16xi32>
        %add3A_1316 = arith.addi %gather3A_1315, %iota3A : vector<16xi32>
        %gather3A_1317 = tpu.vector_load_idx %arg11[%add3A_1305] : memref<3968xf32, #tpu.memory_space<vmem>>[vector<16xi32>], vector<16xf32>,
        %gather3A_1318 = tpu.vector_load_idx %arg15[%add3A_1316] : memref<50688xf32, #tpu.memory_space<vmem>>[vector<16xi32>], vector<16xf32>,
        %add3A_1319 = arith.addf %gather3A_1317, %gather3A_1318 : vector<16xf32>
        %add3A_1320 = arith.constant 16 : i32
        %add3A_1321 = vector.broadcast %add3A_1320 : i32 to vector<16xi32>
        %add3A_1322 = arith.addi %add3A_1305, %add3A_1321 : vector<16xi32>
        %gather3A_1323 = tpu.vector_load_idx %arg11[%add3A_1322] : memref<3968xf32, #tpu.memory_space<vmem>>[vector<16xi32>], vector<16xf32>,
        %add3A_1324 = arith.constant 16 : i32
        %add3A_1325 = vector.broadcast %add3A_1324 : i32 to vector<16xi32>
        %add3A_1326 = arith.addi %add3A_1316, %add3A_1325 : vector<16xi32>
        %gather3A_1327 = tpu.vector_load_idx %arg15[%add3A_1326] : memref<50688xf32, #tpu.memory_space<vmem>>[vector<16xi32>], vector<16xf32>,
        %add3A_1328 = arith.addf %gather3A_1323, %gather3A_1327 : vector<16xf32>
        %mul3A_1329 = arith.constant 16 : i32
        %mul3A_1330 = arith.muli %scan3A_566, %mul3A_1329 : i32
        %add3A_1331 = arith.constant 13 : i32
        %add3A_1332 = arith.addi %mul3A_1330, %add3A_1331 : i32
        %broadcast_in_dim3A_1333 = vector.broadcast %add3A_1332 : i32 to vector<16xi32>
        %scatter3A_1334 = arith.constant 0 : i32
        %scatter3A_1335 = arith.constant 0 : i32
        %scatter3A_1336 = arith.constant 0 : i32
        %scatter3A_1337 = arith.constant 0 : i32
        %scatter3A_1338 = tpu.memref_slice %arg17[%scan3A_375, %scatter3A_1334, %scatter3A_1335, %scatter3A_1336, %scatter3A_1337] : memref<2x4x5x8x129xf32, #tpu.memory_space<vmem>> -> memref<1x4x5x8x129xf32, #tpu.memory_space<vmem>>
        %scatter3A_1339 = tpu.memref_squeeze %scatter3A_1338 : memref<1x4x5x8x129xf32, #tpu.memory_space<vmem>> -> memref<4x5x8x129xf32, #tpu.memory_space<vmem>>
        tpu.vector_store_idx %scatter3A_1339[%shift_right_arithmetic3A_9, %broadcast_in_dim3A_373, %and3A_14, %broadcast_in_dim3A_1333], %add3A_1319 : memref<4x5x8x129xf32, #tpu.memory_space<vmem>>[vector<16xi32>, vector<16xi32>, vector<16xi32>, vector<16xi32>], vector<16xf32>,
        %scatter3A_1340 = arith.constant 0 : i32
        %scatter3A_1341 = arith.constant 0 : i32
        %scatter3A_1342 = arith.constant 0 : i32
        %scatter3A_1343 = arith.constant 0 : i32
        %scatter3A_1344 = tpu.memref_slice %arg17[%scan3A_375, %scatter3A_1340, %scatter3A_1341, %scatter3A_1342, %scatter3A_1343] : memref<2x4x5x8x129xf32, #tpu.memory_space<vmem>> -> memref<1x4x5x8x129xf32, #tpu.memory_space<vmem>>
        %scatter3A_1345 = tpu.memref_squeeze %scatter3A_1344 : memref<1x4x5x8x129xf32, #tpu.memory_space<vmem>> -> memref<4x5x8x129xf32, #tpu.memory_space<vmem>>
        tpu.vector_store_idx %scatter3A_1345[%add3A_12, %broadcast_in_dim3A_373, %and3A_14, %broadcast_in_dim3A_1333], %add3A_1328 : memref<4x5x8x129xf32, #tpu.memory_space<vmem>>[vector<16xi32>, vector<16xi32>, vector<16xi32>, vector<16xi32>], vector<16xf32>,
        %broadcast_in_dim3A_1346 = arith.constant 14 : i32
        %broadcast_in_dim3A_1347 = vector.broadcast %broadcast_in_dim3A_1346 : i32 to vector<16xi32>
        %lt3A_1348 = arith.constant 0 : i32
        %lt3A_1349 = vector.broadcast %lt3A_1348 : i32 to vector<16xi32>
        %lt3A_1350 = arith.cmpi slt, %broadcast_in_dim3A_1347, %lt3A_1349 : vector<16xi32>
        %add3A_1351 = arith.constant 16 : i32
        %add3A_1352 = vector.broadcast %add3A_1351 : i32 to vector<16xi32>
        %add3A_1353 = arith.addi %broadcast_in_dim3A_1347, %add3A_1352 : vector<16xi32>
        %select_n3A_1354 = arith.select %lt3A_1350, %add3A_1353, %broadcast_in_dim3A_1347 : vector<16xi1>, vector<16xi32>
        %broadcast_in_dim3A_1355 = vector.shape_cast %select_n3A_1354 : vector<16xi32> to vector<16x1xi32>
        %gather3A_1356 = vector.shape_cast %broadcast_in_dim3A_1355 : vector<16x1xi32> to vector<16xi32>
        %gather3A_1357 = tpu.dynamic_gather %mul3A_576[%gather3A_1356] in [0] : vector<16xi32>, vector<16xi32> -> vector<16xi32>
        %add3A_1358 = arith.addi %gather3A_1357, %iota3A : vector<16xi32>
        %lt3A_1359 = arith.constant 0 : i32
        %lt3A_1360 = vector.broadcast %lt3A_1359 : i32 to vector<16xi32>
        %lt3A_1361 = arith.cmpi slt, %broadcast_in_dim3A_1347, %lt3A_1360 : vector<16xi32>
        %add3A_1362 = arith.constant 16 : i32
        %add3A_1363 = vector.broadcast %add3A_1362 : i32 to vector<16xi32>
        %add3A_1364 = arith.addi %broadcast_in_dim3A_1347, %add3A_1363 : vector<16xi32>
        %select_n3A_1365 = arith.select %lt3A_1361, %add3A_1364, %broadcast_in_dim3A_1347 : vector<16xi1>, vector<16xi32>
        %broadcast_in_dim3A_1366 = vector.shape_cast %select_n3A_1365 : vector<16xi32> to vector<16x1xi32>
        %gather3A_1367 = vector.shape_cast %broadcast_in_dim3A_1366 : vector<16x1xi32> to vector<16xi32>
        %gather3A_1368 = tpu.dynamic_gather %mul3A_605[%gather3A_1367] in [0] : vector<16xi32>, vector<16xi32> -> vector<16xi32>
        %add3A_1369 = arith.addi %gather3A_1368, %iota3A : vector<16xi32>
        %gather3A_1370 = tpu.vector_load_idx %arg11[%add3A_1358] : memref<3968xf32, #tpu.memory_space<vmem>>[vector<16xi32>], vector<16xf32>,
        %gather3A_1371 = tpu.vector_load_idx %arg15[%add3A_1369] : memref<50688xf32, #tpu.memory_space<vmem>>[vector<16xi32>], vector<16xf32>,
        %add3A_1372 = arith.addf %gather3A_1370, %gather3A_1371 : vector<16xf32>
        %add3A_1373 = arith.constant 16 : i32
        %add3A_1374 = vector.broadcast %add3A_1373 : i32 to vector<16xi32>
        %add3A_1375 = arith.addi %add3A_1358, %add3A_1374 : vector<16xi32>
        %gather3A_1376 = tpu.vector_load_idx %arg11[%add3A_1375] : memref<3968xf32, #tpu.memory_space<vmem>>[vector<16xi32>], vector<16xf32>,
        %add3A_1377 = arith.constant 16 : i32
        %add3A_1378 = vector.broadcast %add3A_1377 : i32 to vector<16xi32>
        %add3A_1379 = arith.addi %add3A_1369, %add3A_1378 : vector<16xi32>
        %gather3A_1380 = tpu.vector_load_idx %arg15[%add3A_1379] : memref<50688xf32, #tpu.memory_space<vmem>>[vector<16xi32>], vector<16xf32>,
        %add3A_1381 = arith.addf %gather3A_1376, %gather3A_1380 : vector<16xf32>
        %mul3A_1382 = arith.constant 16 : i32
        %mul3A_1383 = arith.muli %scan3A_566, %mul3A_1382 : i32
        %add3A_1384 = arith.constant 14 : i32
        %add3A_1385 = arith.addi %mul3A_1383, %add3A_1384 : i32
        %broadcast_in_dim3A_1386 = vector.broadcast %add3A_1385 : i32 to vector<16xi32>
        %scatter3A_1387 = arith.constant 0 : i32
        %scatter3A_1388 = arith.constant 0 : i32
        %scatter3A_1389 = arith.constant 0 : i32
        %scatter3A_1390 = arith.constant 0 : i32
        %scatter3A_1391 = tpu.memref_slice %arg17[%scan3A_375, %scatter3A_1387, %scatter3A_1388, %scatter3A_1389, %scatter3A_1390] : memref<2x4x5x8x129xf32, #tpu.memory_space<vmem>> -> memref<1x4x5x8x129xf32, #tpu.memory_space<vmem>>
        %scatter3A_1392 = tpu.memref_squeeze %scatter3A_1391 : memref<1x4x5x8x129xf32, #tpu.memory_space<vmem>> -> memref<4x5x8x129xf32, #tpu.memory_space<vmem>>
        tpu.vector_store_idx %scatter3A_1392[%shift_right_arithmetic3A_9, %broadcast_in_dim3A_373, %and3A_14, %broadcast_in_dim3A_1386], %add3A_1372 : memref<4x5x8x129xf32, #tpu.memory_space<vmem>>[vector<16xi32>, vector<16xi32>, vector<16xi32>, vector<16xi32>], vector<16xf32>,
        %scatter3A_1393 = arith.constant 0 : i32
        %scatter3A_1394 = arith.constant 0 : i32
        %scatter3A_1395 = arith.constant 0 : i32
        %scatter3A_1396 = arith.constant 0 : i32
        %scatter3A_1397 = tpu.memref_slice %arg17[%scan3A_375, %scatter3A_1393, %scatter3A_1394, %scatter3A_1395, %scatter3A_1396] : memref<2x4x5x8x129xf32, #tpu.memory_space<vmem>> -> memref<1x4x5x8x129xf32, #tpu.memory_space<vmem>>
        %scatter3A_1398 = tpu.memref_squeeze %scatter3A_1397 : memref<1x4x5x8x129xf32, #tpu.memory_space<vmem>> -> memref<4x5x8x129xf32, #tpu.memory_space<vmem>>
        tpu.vector_store_idx %scatter3A_1398[%add3A_12, %broadcast_in_dim3A_373, %and3A_14, %broadcast_in_dim3A_1386], %add3A_1381 : memref<4x5x8x129xf32, #tpu.memory_space<vmem>>[vector<16xi32>, vector<16xi32>, vector<16xi32>, vector<16xi32>], vector<16xf32>,
        %broadcast_in_dim3A_1399 = arith.constant 15 : i32
        %broadcast_in_dim3A_1400 = vector.broadcast %broadcast_in_dim3A_1399 : i32 to vector<16xi32>
        %lt3A_1401 = arith.constant 0 : i32
        %lt3A_1402 = vector.broadcast %lt3A_1401 : i32 to vector<16xi32>
        %lt3A_1403 = arith.cmpi slt, %broadcast_in_dim3A_1400, %lt3A_1402 : vector<16xi32>
        %add3A_1404 = arith.constant 16 : i32
        %add3A_1405 = vector.broadcast %add3A_1404 : i32 to vector<16xi32>
        %add3A_1406 = arith.addi %broadcast_in_dim3A_1400, %add3A_1405 : vector<16xi32>
        %select_n3A_1407 = arith.select %lt3A_1403, %add3A_1406, %broadcast_in_dim3A_1400 : vector<16xi1>, vector<16xi32>
        %broadcast_in_dim3A_1408 = vector.shape_cast %select_n3A_1407 : vector<16xi32> to vector<16x1xi32>
        %gather3A_1409 = vector.shape_cast %broadcast_in_dim3A_1408 : vector<16x1xi32> to vector<16xi32>
        %gather3A_1410 = tpu.dynamic_gather %mul3A_576[%gather3A_1409] in [0] : vector<16xi32>, vector<16xi32> -> vector<16xi32>
        %add3A_1411 = arith.addi %gather3A_1410, %iota3A : vector<16xi32>
        %lt3A_1412 = arith.constant 0 : i32
        %lt3A_1413 = vector.broadcast %lt3A_1412 : i32 to vector<16xi32>
        %lt3A_1414 = arith.cmpi slt, %broadcast_in_dim3A_1400, %lt3A_1413 : vector<16xi32>
        %add3A_1415 = arith.constant 16 : i32
        %add3A_1416 = vector.broadcast %add3A_1415 : i32 to vector<16xi32>
        %add3A_1417 = arith.addi %broadcast_in_dim3A_1400, %add3A_1416 : vector<16xi32>
        %select_n3A_1418 = arith.select %lt3A_1414, %add3A_1417, %broadcast_in_dim3A_1400 : vector<16xi1>, vector<16xi32>
        %broadcast_in_dim3A_1419 = vector.shape_cast %select_n3A_1418 : vector<16xi32> to vector<16x1xi32>
        %gather3A_1420 = vector.shape_cast %broadcast_in_dim3A_1419 : vector<16x1xi32> to vector<16xi32>
        %gather3A_1421 = tpu.dynamic_gather %mul3A_605[%gather3A_1420] in [0] : vector<16xi32>, vector<16xi32> -> vector<16xi32>
        %add3A_1422 = arith.addi %gather3A_1421, %iota3A : vector<16xi32>
        %gather3A_1423 = tpu.vector_load_idx %arg11[%add3A_1411] : memref<3968xf32, #tpu.memory_space<vmem>>[vector<16xi32>], vector<16xf32>,
        %gather3A_1424 = tpu.vector_load_idx %arg15[%add3A_1422] : memref<50688xf32, #tpu.memory_space<vmem>>[vector<16xi32>], vector<16xf32>,
        %add3A_1425 = arith.addf %gather3A_1423, %gather3A_1424 : vector<16xf32>
        %add3A_1426 = arith.constant 16 : i32
        %add3A_1427 = vector.broadcast %add3A_1426 : i32 to vector<16xi32>
        %add3A_1428 = arith.addi %add3A_1411, %add3A_1427 : vector<16xi32>
        %gather3A_1429 = tpu.vector_load_idx %arg11[%add3A_1428] : memref<3968xf32, #tpu.memory_space<vmem>>[vector<16xi32>], vector<16xf32>,
        %add3A_1430 = arith.constant 16 : i32
        %add3A_1431 = vector.broadcast %add3A_1430 : i32 to vector<16xi32>
        %add3A_1432 = arith.addi %add3A_1422, %add3A_1431 : vector<16xi32>
        %gather3A_1433 = tpu.vector_load_idx %arg15[%add3A_1432] : memref<50688xf32, #tpu.memory_space<vmem>>[vector<16xi32>], vector<16xf32>,
        %add3A_1434 = arith.addf %gather3A_1429, %gather3A_1433 : vector<16xf32>
        %mul3A_1435 = arith.constant 16 : i32
        %mul3A_1436 = arith.muli %scan3A_566, %mul3A_1435 : i32
        %add3A_1437 = arith.constant 15 : i32
        %add3A_1438 = arith.addi %mul3A_1436, %add3A_1437 : i32
        %broadcast_in_dim3A_1439 = vector.broadcast %add3A_1438 : i32 to vector<16xi32>
        %scatter3A_1440 = arith.constant 0 : i32
        %scatter3A_1441 = arith.constant 0 : i32
        %scatter3A_1442 = arith.constant 0 : i32
        %scatter3A_1443 = arith.constant 0 : i32
        %scatter3A_1444 = tpu.memref_slice %arg17[%scan3A_375, %scatter3A_1440, %scatter3A_1441, %scatter3A_1442, %scatter3A_1443] : memref<2x4x5x8x129xf32, #tpu.memory_space<vmem>> -> memref<1x4x5x8x129xf32, #tpu.memory_space<vmem>>
        %scatter3A_1445 = tpu.memref_squeeze %scatter3A_1444 : memref<1x4x5x8x129xf32, #tpu.memory_space<vmem>> -> memref<4x5x8x129xf32, #tpu.memory_space<vmem>>
        tpu.vector_store_idx %scatter3A_1445[%shift_right_arithmetic3A_9, %broadcast_in_dim3A_373, %and3A_14, %broadcast_in_dim3A_1439], %add3A_1425 : memref<4x5x8x129xf32, #tpu.memory_space<vmem>>[vector<16xi32>, vector<16xi32>, vector<16xi32>, vector<16xi32>], vector<16xf32>,
        %scatter3A_1446 = arith.constant 0 : i32
        %scatter3A_1447 = arith.constant 0 : i32
        %scatter3A_1448 = arith.constant 0 : i32
        %scatter3A_1449 = arith.constant 0 : i32
        %scatter3A_1450 = tpu.memref_slice %arg17[%scan3A_375, %scatter3A_1446, %scatter3A_1447, %scatter3A_1448, %scatter3A_1449] : memref<2x4x5x8x129xf32, #tpu.memory_space<vmem>> -> memref<1x4x5x8x129xf32, #tpu.memory_space<vmem>>
        %scatter3A_1451 = tpu.memref_squeeze %scatter3A_1450 : memref<1x4x5x8x129xf32, #tpu.memory_space<vmem>> -> memref<4x5x8x129xf32, #tpu.memory_space<vmem>>
        tpu.vector_store_idx %scatter3A_1451[%add3A_12, %broadcast_in_dim3A_373, %and3A_14, %broadcast_in_dim3A_1439], %add3A_1434 : memref<4x5x8x129xf32, #tpu.memory_space<vmem>>[vector<16xi32>, vector<16xi32>, vector<16xi32>, vector<16xi32>], vector<16xf32>,
      }
      %scan3A_380 = arith.constant 8 : i32
      %jit3A = arith.constant 128 : i32
      %div3A = arith.divsi %add3A_292, %jit3A : i32
      %sign3A = arith.constant 0 : i32
      %sign3A_381 = arith.cmpi sgt, %add3A_292, %sign3A : i32
      %sign3A_382 = arith.extui %sign3A_381 : i1 to i32
      %sign3A_383 = arith.constant 0 : i32
      %sign3A_384 = arith.cmpi slt, %add3A_292, %sign3A_383 : i32
      %sign3A_385 = arith.extui %sign3A_384 : i1 to i32
      %sign3A_386 = arith.subi %sign3A_382, %sign3A_385 : i32
      %sign3A_387 = arith.constant 0 : i32
      %sign3A_388 = arith.cmpi sgt, %jit3A, %sign3A_387 : i32
      %sign3A_389 = arith.extui %sign3A_388 : i1 to i32
      %sign3A_390 = arith.constant 0 : i32
      %sign3A_391 = arith.cmpi slt, %jit3A, %sign3A_390 : i32
      %sign3A_392 = arith.extui %sign3A_391 : i1 to i32
      %sign3A_393 = arith.subi %sign3A_389, %sign3A_392 : i32
      %ne3A = arith.cmpi ne, %sign3A_386, %sign3A_393 : i32
      %rem3A = arith.remsi %add3A_292, %jit3A : i32
      %ne3A_394 = arith.constant 0 : i32
      %ne3A_395 = arith.cmpi ne, %rem3A, %ne3A_394 : i32
      %and3A_396 = arith.andi %ne3A, %ne3A_395 : i1
      %sub3A = arith.constant 1 : i32
      %sub3A_397 = arith.subi %div3A, %sub3A : i32
      %select_n3A = arith.select %and3A_396, %sub3A_397, %div3A : i32
      %dma_start3A_398 = arith.constant 0 : i32
      %dma_start3A_399 = arith.constant 0 : i32
      %dma_start3A_400 = arith.constant 0 : i32
      %dma_start3A_401 = arith.constant 0 : i32
      %dma_start3A_402 = arith.constant 0 : i32
      %dma_start3A_403 = arith.constant 0 : i32
      %dma_start3A_404 = tpu.memref_slice %arg17[%dma_start3A_398, %dma_start3A_399, %dma_start3A_401, %dma_start3A_402, %dma_start3A_403] : memref<2x4x5x8x129xf32, #tpu.memory_space<vmem>> -> memref<1x1x1x8x128xf32, #tpu.memory_space<vmem>>
      %dma_start3A_405 = tpu.memref_squeeze %dma_start3A_404 : memref<1x1x1x8x128xf32, #tpu.memory_space<vmem>> -> memref<1x8x128xf32, #tpu.memory_space<vmem>>
      %dma_start3A_406 = arith.constant 0 : i32
      %dma_start3A_407 = arith.constant 0 : i32
      %dma_start3A_408 = tpu.memref_slice %arg10[%dma_start3A_400, %select_n3A, %dma_start3A_406, %dma_start3A_407] : memref<4x12500x8x128xf32, #tpu.memory_space<hbm>> -> memref<1x1x8x128xf32, #tpu.memory_space<hbm>>
      %dma_start3A_409 = tpu.memref_squeeze %dma_start3A_408 : memref<1x1x8x128xf32, #tpu.memory_space<hbm>> -> memref<1x8x128xf32, #tpu.memory_space<hbm>>
      %dma_start3A_410 = arith.constant 0 : i32
      %dma_start3A_411 = arith.constant 0 : i32
      %dma_start3A_412 = tpu.memref_slice %arg10[%dma_start3A_400, %select_n3A, %dma_start3A_410, %dma_start3A_411] : memref<4x12500x8x128xf32, #tpu.memory_space<hbm>> -> memref<1x1x8x128xf32, #tpu.memory_space<hbm>>
      %dma_start3A_413 = tpu.memref_squeeze %dma_start3A_412 : memref<1x1x8x128xf32, #tpu.memory_space<hbm>> -> memref<1x8x128xf32, #tpu.memory_space<hbm>>
      %dma_start3A_414 = arith.constant 0 : i32
      %dma_start3A_415 = arith.constant 0 : i32
      %dma_start3A_416 = arith.constant 0 : i32
      %dma_start3A_417 = tpu.memref_slice %arg17[%dma_start3A_398, %dma_start3A_399, %dma_start3A_414, %dma_start3A_415, %dma_start3A_416] : memref<2x4x5x8x129xf32, #tpu.memory_space<vmem>> -> memref<1x1x1x8x128xf32, #tpu.memory_space<vmem>>
      %dma_start3A_418 = tpu.memref_squeeze %dma_start3A_417 : memref<1x1x1x8x128xf32, #tpu.memory_space<vmem>> -> memref<1x8x128xf32, #tpu.memory_space<vmem>>
      tpu.enqueue_dma source(%dma_start3A_418 : memref<1x8x128xf32, #tpu.memory_space<vmem>>) target(%dma_start3A_413 : memref<1x8x128xf32, #tpu.memory_space<hbm>>) target_semaphore(%arg20 : memref<!tpu.dma_semaphore, #tpu.memory_space<semaphore_mem>>)
      %dma_start3A_419 = arith.constant 0 : i32
      %dma_start3A_420 = arith.constant 1 : i32
      %dma_start3A_421 = arith.constant 1 : i32
      %dma_start3A_422 = arith.constant 0 : i32
      %dma_start3A_423 = arith.constant 0 : i32
      %dma_start3A_424 = arith.constant 0 : i32
      %dma_start3A_425 = tpu.memref_slice %arg17[%dma_start3A_419, %dma_start3A_420, %dma_start3A_422, %dma_start3A_423, %dma_start3A_424] : memref<2x4x5x8x129xf32, #tpu.memory_space<vmem>> -> memref<1x1x1x8x128xf32, #tpu.memory_space<vmem>>
      %dma_start3A_426 = tpu.memref_squeeze %dma_start3A_425 : memref<1x1x1x8x128xf32, #tpu.memory_space<vmem>> -> memref<1x8x128xf32, #tpu.memory_space<vmem>>
      %dma_start3A_427 = arith.constant 0 : i32
      %dma_start3A_428 = arith.constant 0 : i32
      %dma_start3A_429 = tpu.memref_slice %arg10[%dma_start3A_421, %select_n3A, %dma_start3A_427, %dma_start3A_428] : memref<4x12500x8x128xf32, #tpu.memory_space<hbm>> -> memref<1x1x8x128xf32, #tpu.memory_space<hbm>>
      %dma_start3A_430 = tpu.memref_squeeze %dma_start3A_429 : memref<1x1x8x128xf32, #tpu.memory_space<hbm>> -> memref<1x8x128xf32, #tpu.memory_space<hbm>>
      %dma_start3A_431 = arith.constant 0 : i32
      %dma_start3A_432 = arith.constant 0 : i32
      %dma_start3A_433 = tpu.memref_slice %arg10[%dma_start3A_421, %select_n3A, %dma_start3A_431, %dma_start3A_432] : memref<4x12500x8x128xf32, #tpu.memory_space<hbm>> -> memref<1x1x8x128xf32, #tpu.memory_space<hbm>>
      %dma_start3A_434 = tpu.memref_squeeze %dma_start3A_433 : memref<1x1x8x128xf32, #tpu.memory_space<hbm>> -> memref<1x8x128xf32, #tpu.memory_space<hbm>>
      %dma_start3A_435 = arith.constant 0 : i32
      %dma_start3A_436 = arith.constant 0 : i32
      %dma_start3A_437 = arith.constant 0 : i32
      %dma_start3A_438 = tpu.memref_slice %arg17[%dma_start3A_419, %dma_start3A_420, %dma_start3A_435, %dma_start3A_436, %dma_start3A_437] : memref<2x4x5x8x129xf32, #tpu.memory_space<vmem>> -> memref<1x1x1x8x128xf32, #tpu.memory_space<vmem>>
      %dma_start3A_439 = tpu.memref_squeeze %dma_start3A_438 : memref<1x1x1x8x128xf32, #tpu.memory_space<vmem>> -> memref<1x8x128xf32, #tpu.memory_space<vmem>>
      tpu.enqueue_dma source(%dma_start3A_439 : memref<1x8x128xf32, #tpu.memory_space<vmem>>) target(%dma_start3A_434 : memref<1x8x128xf32, #tpu.memory_space<hbm>>) target_semaphore(%arg20 : memref<!tpu.dma_semaphore, #tpu.memory_space<semaphore_mem>>)
      %dma_start3A_440 = arith.constant 0 : i32
      %dma_start3A_441 = arith.constant 2 : i32
      %dma_start3A_442 = arith.constant 2 : i32
      %dma_start3A_443 = arith.constant 0 : i32
      %dma_start3A_444 = arith.constant 0 : i32
      %dma_start3A_445 = arith.constant 0 : i32
      %dma_start3A_446 = tpu.memref_slice %arg17[%dma_start3A_440, %dma_start3A_441, %dma_start3A_443, %dma_start3A_444, %dma_start3A_445] : memref<2x4x5x8x129xf32, #tpu.memory_space<vmem>> -> memref<1x1x1x8x128xf32, #tpu.memory_space<vmem>>
      %dma_start3A_447 = tpu.memref_squeeze %dma_start3A_446 : memref<1x1x1x8x128xf32, #tpu.memory_space<vmem>> -> memref<1x8x128xf32, #tpu.memory_space<vmem>>
      %dma_start3A_448 = arith.constant 0 : i32
      %dma_start3A_449 = arith.constant 0 : i32
      %dma_start3A_450 = tpu.memref_slice %arg10[%dma_start3A_442, %select_n3A, %dma_start3A_448, %dma_start3A_449] : memref<4x12500x8x128xf32, #tpu.memory_space<hbm>> -> memref<1x1x8x128xf32, #tpu.memory_space<hbm>>
      %dma_start3A_451 = tpu.memref_squeeze %dma_start3A_450 : memref<1x1x8x128xf32, #tpu.memory_space<hbm>> -> memref<1x8x128xf32, #tpu.memory_space<hbm>>
      %dma_start3A_452 = arith.constant 0 : i32
      %dma_start3A_453 = arith.constant 0 : i32
      %dma_start3A_454 = tpu.memref_slice %arg10[%dma_start3A_442, %select_n3A, %dma_start3A_452, %dma_start3A_453] : memref<4x12500x8x128xf32, #tpu.memory_space<hbm>> -> memref<1x1x8x128xf32, #tpu.memory_space<hbm>>
      %dma_start3A_455 = tpu.memref_squeeze %dma_start3A_454 : memref<1x1x8x128xf32, #tpu.memory_space<hbm>> -> memref<1x8x128xf32, #tpu.memory_space<hbm>>
      %dma_start3A_456 = arith.constant 0 : i32
      %dma_start3A_457 = arith.constant 0 : i32
      %dma_start3A_458 = arith.constant 0 : i32
      %dma_start3A_459 = tpu.memref_slice %arg17[%dma_start3A_440, %dma_start3A_441, %dma_start3A_456, %dma_start3A_457, %dma_start3A_458] : memref<2x4x5x8x129xf32, #tpu.memory_space<vmem>> -> memref<1x1x1x8x128xf32, #tpu.memory_space<vmem>>
      %dma_start3A_460 = tpu.memref_squeeze %dma_start3A_459 : memref<1x1x1x8x128xf32, #tpu.memory_space<vmem>> -> memref<1x8x128xf32, #tpu.memory_space<vmem>>
      tpu.enqueue_dma source(%dma_start3A_460 : memref<1x8x128xf32, #tpu.memory_space<vmem>>) target(%dma_start3A_455 : memref<1x8x128xf32, #tpu.memory_space<hbm>>) target_semaphore(%arg20 : memref<!tpu.dma_semaphore, #tpu.memory_space<semaphore_mem>>)
      %dma_start3A_461 = arith.constant 0 : i32
      %dma_start3A_462 = arith.constant 3 : i32
      %dma_start3A_463 = arith.constant 3 : i32
      %dma_start3A_464 = arith.constant 0 : i32
      %dma_start3A_465 = arith.constant 0 : i32
      %dma_start3A_466 = arith.constant 0 : i32
      %dma_start3A_467 = tpu.memref_slice %arg17[%dma_start3A_461, %dma_start3A_462, %dma_start3A_464, %dma_start3A_465, %dma_start3A_466] : memref<2x4x5x8x129xf32, #tpu.memory_space<vmem>> -> memref<1x1x1x8x128xf32, #tpu.memory_space<vmem>>
      %dma_start3A_468 = tpu.memref_squeeze %dma_start3A_467 : memref<1x1x1x8x128xf32, #tpu.memory_space<vmem>> -> memref<1x8x128xf32, #tpu.memory_space<vmem>>
      %dma_start3A_469 = arith.constant 0 : i32
      %dma_start3A_470 = arith.constant 0 : i32
      %dma_start3A_471 = tpu.memref_slice %arg10[%dma_start3A_463, %select_n3A, %dma_start3A_469, %dma_start3A_470] : memref<4x12500x8x128xf32, #tpu.memory_space<hbm>> -> memref<1x1x8x128xf32, #tpu.memory_space<hbm>>
      %dma_start3A_472 = tpu.memref_squeeze %dma_start3A_471 : memref<1x1x8x128xf32, #tpu.memory_space<hbm>> -> memref<1x8x128xf32, #tpu.memory_space<hbm>>
      %dma_start3A_473 = arith.constant 0 : i32
      %dma_start3A_474 = arith.constant 0 : i32
      %dma_start3A_475 = tpu.memref_slice %arg10[%dma_start3A_463, %select_n3A, %dma_start3A_473, %dma_start3A_474] : memref<4x12500x8x128xf32, #tpu.memory_space<hbm>> -> memref<1x1x8x128xf32, #tpu.memory_space<hbm>>
      %dma_start3A_476 = tpu.memref_squeeze %dma_start3A_475 : memref<1x1x8x128xf32, #tpu.memory_space<hbm>> -> memref<1x8x128xf32, #tpu.memory_space<hbm>>
      %dma_start3A_477 = arith.constant 0 : i32
      %dma_start3A_478 = arith.constant 0 : i32
      %dma_start3A_479 = arith.constant 0 : i32
      %dma_start3A_480 = tpu.memref_slice %arg17[%dma_start3A_461, %dma_start3A_462, %dma_start3A_477, %dma_start3A_478, %dma_start3A_479] : memref<2x4x5x8x129xf32, #tpu.memory_space<vmem>> -> memref<1x1x1x8x128xf32, #tpu.memory_space<vmem>>
      %dma_start3A_481 = tpu.memref_squeeze %dma_start3A_480 : memref<1x1x1x8x128xf32, #tpu.memory_space<vmem>> -> memref<1x8x128xf32, #tpu.memory_space<vmem>>
      tpu.enqueue_dma source(%dma_start3A_481 : memref<1x8x128xf32, #tpu.memory_space<vmem>>) target(%dma_start3A_476 : memref<1x8x128xf32, #tpu.memory_space<hbm>>) target_semaphore(%arg20 : memref<!tpu.dma_semaphore, #tpu.memory_space<semaphore_mem>>)
      %dma_wait3A_482 = arith.constant 0 : i32
      %dma_wait3A_483 = arith.constant 0 : i32
      %dma_wait3A_484 = arith.constant 0 : i32
      %dma_wait3A_485 = arith.constant 0 : i32
      %dma_wait3A_486 = arith.constant 0 : i32
      %dma_wait3A_487 = arith.constant 0 : i32
      %dma_wait3A_488 = tpu.memref_slice %arg17[%dma_wait3A_482, %dma_wait3A_483, %dma_wait3A_485, %dma_wait3A_486, %dma_wait3A_487] : memref<2x4x5x8x129xf32, #tpu.memory_space<vmem>> -> memref<1x1x1x8x128xf32, #tpu.memory_space<vmem>>
      %dma_wait3A_489 = tpu.memref_squeeze %dma_wait3A_488 : memref<1x1x1x8x128xf32, #tpu.memory_space<vmem>> -> memref<1x8x128xf32, #tpu.memory_space<vmem>>
      %dma_wait3A_490 = arith.constant 0 : i32
      %dma_wait3A_491 = arith.constant 0 : i32
      %dma_wait3A_492 = tpu.memref_slice %arg10[%dma_wait3A_484, %select_n3A, %dma_wait3A_490, %dma_wait3A_491] : memref<4x12500x8x128xf32, #tpu.memory_space<hbm>> -> memref<1x1x8x128xf32, #tpu.memory_space<hbm>>
      %dma_wait3A_493 = tpu.memref_squeeze %dma_wait3A_492 : memref<1x1x8x128xf32, #tpu.memory_space<hbm>> -> memref<1x8x128xf32, #tpu.memory_space<hbm>>
      %dma_wait3A_494 = arith.constant 0 : i32
      %dma_wait3A_495 = arith.constant 0 : i32
      %dma_wait3A_496 = tpu.memref_slice %arg10[%dma_wait3A_484, %select_n3A, %dma_wait3A_494, %dma_wait3A_495] : memref<4x12500x8x128xf32, #tpu.memory_space<hbm>> -> memref<1x1x8x128xf32, #tpu.memory_space<hbm>>
      %dma_wait3A_497 = tpu.memref_squeeze %dma_wait3A_496 : memref<1x1x8x128xf32, #tpu.memory_space<hbm>> -> memref<1x8x128xf32, #tpu.memory_space<hbm>>
      %dma_wait3A_498 = arith.constant 0 : i32
      %dma_wait3A_499 = arith.constant 0 : i32
      %dma_wait3A_500 = arith.constant 0 : i32
      %dma_wait3A_501 = tpu.memref_slice %arg17[%dma_wait3A_482, %dma_wait3A_483, %dma_wait3A_498, %dma_wait3A_499, %dma_wait3A_500] : memref<2x4x5x8x129xf32, #tpu.memory_space<vmem>> -> memref<1x1x1x8x128xf32, #tpu.memory_space<vmem>>
      %dma_wait3A_502 = tpu.memref_squeeze %dma_wait3A_501 : memref<1x1x1x8x128xf32, #tpu.memory_space<vmem>> -> memref<1x8x128xf32, #tpu.memory_space<vmem>>
      tpu.wait_dma2 semaphore(%arg20 : memref<!tpu.dma_semaphore, #tpu.memory_space<semaphore_mem>>) src(%dma_wait3A_502 : memref<1x8x128xf32, #tpu.memory_space<vmem>>) dst(%dma_wait3A_497 : memref<1x8x128xf32, #tpu.memory_space<hbm>>)
      %dma_wait3A_503 = arith.constant 0 : i32
      %dma_wait3A_504 = arith.constant 1 : i32
      %dma_wait3A_505 = arith.constant 1 : i32
      %dma_wait3A_506 = arith.constant 0 : i32
      %dma_wait3A_507 = arith.constant 0 : i32
      %dma_wait3A_508 = arith.constant 0 : i32
      %dma_wait3A_509 = tpu.memref_slice %arg17[%dma_wait3A_503, %dma_wait3A_504, %dma_wait3A_506, %dma_wait3A_507, %dma_wait3A_508] : memref<2x4x5x8x129xf32, #tpu.memory_space<vmem>> -> memref<1x1x1x8x128xf32, #tpu.memory_space<vmem>>
      %dma_wait3A_510 = tpu.memref_squeeze %dma_wait3A_509 : memref<1x1x1x8x128xf32, #tpu.memory_space<vmem>> -> memref<1x8x128xf32, #tpu.memory_space<vmem>>
      %dma_wait3A_511 = arith.constant 0 : i32
      %dma_wait3A_512 = arith.constant 0 : i32
      %dma_wait3A_513 = tpu.memref_slice %arg10[%dma_wait3A_505, %select_n3A, %dma_wait3A_511, %dma_wait3A_512] : memref<4x12500x8x128xf32, #tpu.memory_space<hbm>> -> memref<1x1x8x128xf32, #tpu.memory_space<hbm>>
      %dma_wait3A_514 = tpu.memref_squeeze %dma_wait3A_513 : memref<1x1x8x128xf32, #tpu.memory_space<hbm>> -> memref<1x8x128xf32, #tpu.memory_space<hbm>>
      %dma_wait3A_515 = arith.constant 0 : i32
      %dma_wait3A_516 = arith.constant 0 : i32
      %dma_wait3A_517 = tpu.memref_slice %arg10[%dma_wait3A_505, %select_n3A, %dma_wait3A_515, %dma_wait3A_516] : memref<4x12500x8x128xf32, #tpu.memory_space<hbm>> -> memref<1x1x8x128xf32, #tpu.memory_space<hbm>>
      %dma_wait3A_518 = tpu.memref_squeeze %dma_wait3A_517 : memref<1x1x8x128xf32, #tpu.memory_space<hbm>> -> memref<1x8x128xf32, #tpu.memory_space<hbm>>
      %dma_wait3A_519 = arith.constant 0 : i32
      %dma_wait3A_520 = arith.constant 0 : i32
      %dma_wait3A_521 = arith.constant 0 : i32
      %dma_wait3A_522 = tpu.memref_slice %arg17[%dma_wait3A_503, %dma_wait3A_504, %dma_wait3A_519, %dma_wait3A_520, %dma_wait3A_521] : memref<2x4x5x8x129xf32, #tpu.memory_space<vmem>> -> memref<1x1x1x8x128xf32, #tpu.memory_space<vmem>>
      %dma_wait3A_523 = tpu.memref_squeeze %dma_wait3A_522 : memref<1x1x1x8x128xf32, #tpu.memory_space<vmem>> -> memref<1x8x128xf32, #tpu.memory_space<vmem>>
      tpu.wait_dma2 semaphore(%arg20 : memref<!tpu.dma_semaphore, #tpu.memory_space<semaphore_mem>>) src(%dma_wait3A_523 : memref<1x8x128xf32, #tpu.memory_space<vmem>>) dst(%dma_wait3A_518 : memref<1x8x128xf32, #tpu.memory_space<hbm>>)
      %dma_wait3A_524 = arith.constant 0 : i32
      %dma_wait3A_525 = arith.constant 2 : i32
      %dma_wait3A_526 = arith.constant 2 : i32
      %dma_wait3A_527 = arith.constant 0 : i32
      %dma_wait3A_528 = arith.constant 0 : i32
      %dma_wait3A_529 = arith.constant 0 : i32
      %dma_wait3A_530 = tpu.memref_slice %arg17[%dma_wait3A_524, %dma_wait3A_525, %dma_wait3A_527, %dma_wait3A_528, %dma_wait3A_529] : memref<2x4x5x8x129xf32, #tpu.memory_space<vmem>> -> memref<1x1x1x8x128xf32, #tpu.memory_space<vmem>>
      %dma_wait3A_531 = tpu.memref_squeeze %dma_wait3A_530 : memref<1x1x1x8x128xf32, #tpu.memory_space<vmem>> -> memref<1x8x128xf32, #tpu.memory_space<vmem>>
      %dma_wait3A_532 = arith.constant 0 : i32
      %dma_wait3A_533 = arith.constant 0 : i32
      %dma_wait3A_534 = tpu.memref_slice %arg10[%dma_wait3A_526, %select_n3A, %dma_wait3A_532, %dma_wait3A_533] : memref<4x12500x8x128xf32, #tpu.memory_space<hbm>> -> memref<1x1x8x128xf32, #tpu.memory_space<hbm>>
      %dma_wait3A_535 = tpu.memref_squeeze %dma_wait3A_534 : memref<1x1x8x128xf32, #tpu.memory_space<hbm>> -> memref<1x8x128xf32, #tpu.memory_space<hbm>>
      %dma_wait3A_536 = arith.constant 0 : i32
      %dma_wait3A_537 = arith.constant 0 : i32
      %dma_wait3A_538 = tpu.memref_slice %arg10[%dma_wait3A_526, %select_n3A, %dma_wait3A_536, %dma_wait3A_537] : memref<4x12500x8x128xf32, #tpu.memory_space<hbm>> -> memref<1x1x8x128xf32, #tpu.memory_space<hbm>>
      %dma_wait3A_539 = tpu.memref_squeeze %dma_wait3A_538 : memref<1x1x8x128xf32, #tpu.memory_space<hbm>> -> memref<1x8x128xf32, #tpu.memory_space<hbm>>
      %dma_wait3A_540 = arith.constant 0 : i32
      %dma_wait3A_541 = arith.constant 0 : i32
      %dma_wait3A_542 = arith.constant 0 : i32
      %dma_wait3A_543 = tpu.memref_slice %arg17[%dma_wait3A_524, %dma_wait3A_525, %dma_wait3A_540, %dma_wait3A_541, %dma_wait3A_542] : memref<2x4x5x8x129xf32, #tpu.memory_space<vmem>> -> memref<1x1x1x8x128xf32, #tpu.memory_space<vmem>>
      %dma_wait3A_544 = tpu.memref_squeeze %dma_wait3A_543 : memref<1x1x1x8x128xf32, #tpu.memory_space<vmem>> -> memref<1x8x128xf32, #tpu.memory_space<vmem>>
      tpu.wait_dma2 semaphore(%arg20 : memref<!tpu.dma_semaphore, #tpu.memory_space<semaphore_mem>>) src(%dma_wait3A_544 : memref<1x8x128xf32, #tpu.memory_space<vmem>>) dst(%dma_wait3A_539 : memref<1x8x128xf32, #tpu.memory_space<hbm>>)
      %dma_wait3A_545 = arith.constant 0 : i32
      %dma_wait3A_546 = arith.constant 3 : i32
      %dma_wait3A_547 = arith.constant 3 : i32
      %dma_wait3A_548 = arith.constant 0 : i32
      %dma_wait3A_549 = arith.constant 0 : i32
      %dma_wait3A_550 = arith.constant 0 : i32
      %dma_wait3A_551 = tpu.memref_slice %arg17[%dma_wait3A_545, %dma_wait3A_546, %dma_wait3A_548, %dma_wait3A_549, %dma_wait3A_550] : memref<2x4x5x8x129xf32, #tpu.memory_space<vmem>> -> memref<1x1x1x8x128xf32, #tpu.memory_space<vmem>>
      %dma_wait3A_552 = tpu.memref_squeeze %dma_wait3A_551 : memref<1x1x1x8x128xf32, #tpu.memory_space<vmem>> -> memref<1x8x128xf32, #tpu.memory_space<vmem>>
      %dma_wait3A_553 = arith.constant 0 : i32
      %dma_wait3A_554 = arith.constant 0 : i32
      %dma_wait3A_555 = tpu.memref_slice %arg10[%dma_wait3A_547, %select_n3A, %dma_wait3A_553, %dma_wait3A_554] : memref<4x12500x8x128xf32, #tpu.memory_space<hbm>> -> memref<1x1x8x128xf32, #tpu.memory_space<hbm>>
      %dma_wait3A_556 = tpu.memref_squeeze %dma_wait3A_555 : memref<1x1x8x128xf32, #tpu.memory_space<hbm>> -> memref<1x8x128xf32, #tpu.memory_space<hbm>>
      %dma_wait3A_557 = arith.constant 0 : i32
      %dma_wait3A_558 = arith.constant 0 : i32
      %dma_wait3A_559 = tpu.memref_slice %arg10[%dma_wait3A_547, %select_n3A, %dma_wait3A_557, %dma_wait3A_558] : memref<4x12500x8x128xf32, #tpu.memory_space<hbm>> -> memref<1x1x8x128xf32, #tpu.memory_space<hbm>>
      %dma_wait3A_560 = tpu.memref_squeeze %dma_wait3A_559 : memref<1x1x8x128xf32, #tpu.memory_space<hbm>> -> memref<1x8x128xf32, #tpu.memory_space<hbm>>
      %dma_wait3A_561 = arith.constant 0 : i32
      %dma_wait3A_562 = arith.constant 0 : i32
      %dma_wait3A_563 = arith.constant 0 : i32
      %dma_wait3A_564 = tpu.memref_slice %arg17[%dma_wait3A_545, %dma_wait3A_546, %dma_wait3A_561, %dma_wait3A_562, %dma_wait3A_563] : memref<2x4x5x8x129xf32, #tpu.memory_space<vmem>> -> memref<1x1x1x8x128xf32, #tpu.memory_space<vmem>>
      %dma_wait3A_565 = tpu.memref_squeeze %dma_wait3A_564 : memref<1x1x1x8x128xf32, #tpu.memory_space<vmem>> -> memref<1x8x128xf32, #tpu.memory_space<vmem>>
      tpu.wait_dma2 semaphore(%arg20 : memref<!tpu.dma_semaphore, #tpu.memory_space<semaphore_mem>>) src(%dma_wait3A_565 : memref<1x8x128xf32, #tpu.memory_space<vmem>>) dst(%dma_wait3A_560 : memref<1x8x128xf32, #tpu.memory_space<hbm>>)
    } else {
    }
    return
  }
}

</mosaic_0001>

<sc_bundles>
// kernel: kernel.3.cloned.1.call-start
scs
__scs_entry_jumppad:
0x0: {  	(pc) =	sbr.rel $0x88, $3  }
0x1: {  	(tag) =	ssettag $0x0;
	lr =	simm.s32 $0x1  }
0x2: {  	[smem:$0x3F99] =	sst lr;
	_ =	strace $0xD0000000  }
0x3: {  	_ = 	snop  }
0x4: {  	_ = 	snop  }
0x5: {  	_ = 	snop  }
0x6: {  	_ = 	snop  }
0x7: {  	_ = 	snop  }
__scs_overlays_trampoline_lowered:
0x8: {  	[smem:$0x3FA8] =	sst s0  }
0x9: {  	[smem:$0x3FA9] =	sst s1  }
0xa: {  	[smem:$0x3FAA] =	sst s2  }
0xb: {  	[smem:$0x3FAB] =	sst s3  }
0xc: {  	[smem:$0x3FAC] =	sst s4  }
0xd: {  	[smem:$0x3FAD] =	sst s5  }
0xe: {  	[smem:$0x3FAE] =	sst s6  }
0xf: {  	[smem:$0x3FAF] =	sst s7  }
0x10: {  	[smem:$0x3FB0] =	sst s8  }
0x11: {  	[smem:$0x3FB1] =	sst s9;
	s0 =	simm.s32 @!p0 $0x0  }
0x12: {  	s1 =	sld [smem:$0x3F97];
	s0 =	simm.s32 @p0 $0x1  }
0x13: {  	[smem:$0x3FB2] =	sst s0;
	s0 =	simm.s32 @!p1 $0x0  }
0x14: {  	s2 =	sld [smem:$0x3F96];
	s0 =	simm.s32 @p1 $0x1  }
0x15: {  	[smem:$0x3FB3] =	sst s0;
	s0 =	simm.s32 @!p2 $0x0  }
0x16: {  	s3 =	sld [smem:$0x3FDB];
	s0 =	simm.s32 @p2 $0x1  }
0x17: {  	s4 =	simm.s32 $0x1BF5;
	[smem:$0x3FB5] =	sst s0  }
0x18: {  	s0 =	sld [smem:$0x3F98];
	_ =	swait.ge [sflag:s4], $0x0  }
0x19: {  	s7 =	sld [smem:$0x3F99]  }
0x1a: {  	s8 =	sadd.s32 $0xFFFFE003, lr  }
0x1b: {  	s9 =	sadd.s32 $0xFFFFFEF7, lr;
	s5 =	simm.s32 $0xFFFFFFFF;
	p2 =	slt.u32 s8, $0xFFFFF086  }
0x1c: {  	p1 =	slt.u32 s9, $0xF7A;
	s5 =	simm.s32 @!p2 $0x0  }
0x1d: {  	s5 =	simm.s32 @p1 $0x1;
	p0 =	seq.s32 s7, s2  }
0x1e: {  	s7 =	smul.u32 @!p0 $0xF7A, s2;
	p2 =	seq.s32 @!p0 s5, $0x0  }
0x1f: {  	s9 =	smul.u32 $0xF7A, s1;
	s8 =	simm.s32 @!p0 $0x1BF5;
	p2 =	por !p2, p0  }
0x20: {  	[sflag:s8] =	ssyncset.s32 @!p0 $0xFFFFF086;
	s6 =	sadd.s32 @!p0 s3, s7;
	s7 =	simm.s32 @!p0 $0x108  }
0x21: {  	s3 =	sadd.s32 s3, s9;
	s6 =	sadd.s32 @!p0 $0x88, s6;
	s7 =	simm.s32 @p2 $0x1082  }
0x22: {  	[simem:s7], [sflag:s8] =	dma.local @!p0 [hbm:s6], $0xF7A  }
0x23: {  	s9 =	sor.u32 $0xD0000000, s2;
	s6 =	simm.s32 $0x108;
	_ =	swait.ge @!p0 [sflag:s8], $0x0  }
0x24: {  	s3 =	sadd.s32 $0x88, s3;
	s6 =	simm.s32 @!p1 $0x1082;
	[sflag:s4] =	ssyncset.s32 $0xFFFFF086  }
0x25: {  	[simem:s6], [sflag:s4] =	dma.local [hbm:s3], $0xF7A  }
0x26: {  	[smem:$0x3F99] =	sst s1;
	(tag) =	ssettag s2;
	_ =	strace s9  }
0x27: {  	s1 =	sld [smem:$0x3FA9]  }
0x28: {  	s2 =	sld [smem:$0x3FAA]  }
0x29: {  	s4 =	sld [smem:$0x3FAC]  }
0x2a: {  	p0 =	seq.s32 s5, $0x0;
	s5 =	sld [smem:$0x3FAD]  }
0x2b: {  	s6 =	sld [smem:$0x3FAE]  }
0x2c: {  	s7 =	sld [smem:$0x3FAF]  }
0x2d: {  	s3 =	simm.s32 $0x108;
	s8 =	sld [smem:$0x3FB0]  }
0x2e: {  	s3 =	simm.s32 @!p0 $0x1082;
	s9 =	sld [smem:$0x3FB1]  }
0x2f: {  	lr =	sadd.s32 s0, s3;
	s0 =	sld [smem:$0x3FA8]  }
0x30: {  	s3 =	sld [smem:$0x3FAB]  }
0x31: {  	[smem:$0x3FB4] =	sst s10  }
0x32: {  	s10 =	sld [smem:$0x3FB2];
	_ =	sdelay $0x3  }
0x33: {  	p0 =	seq.s32 s10, $0x1;
	s10 =	sld [smem:$0x3FB4];
	_ =	sdelay $0x3  }
0x34: {  	[smem:$0x3FB4] =	sst s10  }
0x35: {  	s10 =	sld [smem:$0x3FB3];
	_ =	sdelay $0x3  }
0x36: {  	p1 =	seq.s32 s10, $0x1;
	s10 =	sld [smem:$0x3FB4];
	_ =	sdelay $0x3  }
0x37: {  	[smem:$0x3FB4] =	sst s10  }
0x38: {  	s10 =	sld [smem:$0x3FB5]  }
0x39: {  	_ = 	snop;
	(pc) =	sbr.ind lr, $3  }
0x3a: {  	_ = 	snop  }
0x3b: {  	_ = 	snop  }
0x3c: {  	p2 =	seq.s32 s10, $0x1;
	s10 =	sld [smem:$0x3FB4]  }
0x3d: {  	_ =	shalt  }
0x3e: {  	_ =	shalt  }
0x3f: {  	_ =	shalt  }
0x40: {  	_ =	shalt  }
0x41: {  	_ =	shalt  }
0x42: {  	_ =	shalt  }
0x43: {  	_ =	shalt  }
0x44: {  	_ =	shalt  }
0x45: {  	_ =	shalt  }
0x46: {  	_ =	shalt  }
0x47: {  	_ =	shalt  }
0x48: {  	_ =	shalt  }
0x49: {  	_ =	shalt  }
0x4a: {  	_ =	shalt  }
0x4b: {  	_ =	shalt  }
0x4c: {  	_ =	shalt  }
0x4d: {  	_ =	shalt  }
0x4e: {  	_ =	shalt  }
0x4f: {  	_ =	shalt  }
0x50: {  	_ =	shalt  }
0x51: {  	_ =	shalt  }
0x52: {  	_ =	shalt  }
0x53: {  	_ =	shalt  }
0x54: {  	_ =	shalt  }
0x55: {  	_ =	shalt  }
0x56: {  	_ =	shalt  }
0x57: {  	_ =	shalt  }
0x58: {  	_ =	shalt  }
0x59: {  	_ =	shalt  }
0x5a: {  	_ =	shalt  }
0x5b: {  	_ =	shalt  }
0x5c: {  	_ =	shalt  }
0x5d: {  	_ =	shalt  }
0x5e: {  	_ =	shalt  }
0x5f: {  	_ =	shalt  }
0x60: {  	_ =	shalt  }
0x61: {  	_ =	shalt  }
0x62: {  	_ =	shalt  }
0x63: {  	_ =	shalt  }
0x64: {  	_ =	shalt  }
0x65: {  	_ =	shalt  }
0x66: {  	_ =	shalt  }
0x67: {  	_ =	shalt  }
0x68: {  	_ =	shalt  }
0x69: {  	_ =	shalt  }
0x6a: {  	_ =	shalt  }
0x6b: {  	_ =	shalt  }
0x6c: {  	_ =	shalt  }
0x6d: {  	_ =	shalt  }
0x6e: {  	_ =	shalt  }
0x6f: {  	_ =	shalt  }
0x70: {  	_ =	shalt  }
0x71: {  	_ =	shalt  }
0x72: {  	_ =	shalt  }
0x73: {  	_ =	shalt  }
0x74: {  	_ =	shalt  }
0x75: {  	_ =	shalt  }
0x76: {  	_ =	shalt  }
0x77: {  	_ =	shalt  }
0x78: {  	_ =	shalt  }
0x79: {  	_ =	shalt  }
0x7a: {  	_ =	shalt  }
0x7b: {  	_ =	shalt  }
0x7c: {  	_ =	shalt  }
0x7d: {  	_ =	shalt  }
0x7e: {  	_ =	shalt  }
0x7f: {  	_ =	shalt  }
0x80: {  	_ =	shalt  }
0x81: {  	_ =	shalt  }
0x82: {  	_ =	shalt  }
0x83: {  	_ =	shalt  }
0x84: {  	_ =	shalt  }
0x85: {  	_ =	shalt  }
0x86: {  	_ =	shalt  }
0x87: {  	_ =	shalt  }
.Lfunc_end0:
.L_simem_size_0:
called_computation_lowered:
.L_overlay_start_0:
0x88: {  	s2 =	sld [smem:$0x3FD9]  }
0x89: {  	s3 =	sld [smem:$0x3FFE];
	_ =	sdelay $0x1  }
0x8a: {  	s1 =	srdreg.scid  }
0x8b: {  	s0 =	sand.u32 $0x1, s1  }
0x8c: {  	s17 =	sshll.u32 s0, $0xA;
	s2 =	sadd.s32 s3, s2  }
0x8d: {  	s2 =	sadd.s32 s2, s17  }
0x8e: {  	[smem:$0x3FC0] =	sst s2  }
0x8f: {  	_ = 	snop  }
0x90: {  	s2 =	sld [smem:$0x3FC9]  }
0x91: {  	s18 =	sld [smem:$0x3FC8]  }
0x92: {  	s4 =	sld [smem:$0x3FC7]  }
0x93: {  	s5 =	sld [smem:$0x3FC6]  }
0x94: {  	s6 =	sld [smem:$0x3FD0];
	(tm) =	ssettm $0x1  }
0x95: {  	s7 =	sld [smem:$0x3FFB];
	_ =	sdelay $0x3  }
0x96: {  	_ =	strace s7  }
0x97: {  	s7 =	sld [smem:$0x3FFC];
	_ =	sdelay $0x3  }
0x98: {  	_ =	strace s7  }
0x99: {  	s7 =	sld [smem:$0x3FFD];
	_ =	sdelay $0x3  }
0x9a: {  	_ =	strace s7  }
0x9b: {  	_ =	strace $0x8FFFFFFF  }
0x9c: {  	s19 =	sld [smem:$0x3FDB];
	_ =	sdelay $0x1  }
0x9d: {  	s8 =	simm.s32 $_scs_section_size  }
0x9e: {  	s9 =	simm.s32 $_size__tile_overlayer_lowered;
	s10 =	simm.s32 $_tile_overlayer_lowered  }
0x9f: {  	s22 =	simm.s32 $0x1BFF;
	s21 =	sshll.u32 s10, $0x1;
	s7 =	sadd.s32 s8, s19  }
0xa0: {  	s11 =	simm.s32 $0x0;
	s20 =	sshll.u32 s9, $0x1;
	s9 =	sadd.s32 s21, s7  }
0xa1: {  	[timem:s11], [sflag:s22] =	dma.local [hbm:s9], s20  }
0xa2: {  	_ =	swait.ge [sflag:s22], s20  }
0xa3: {  	s8 =	ssub.s32 $0x0, s20;
	[sflag:s22] =	ssyncset.done $0x0  }
0xa4: {  	[sflag:s22] =	ssyncadd.s32 s8;
	_ =	sdelay $0x1  }
0xa5: {  	s23 =	simm.s32 $0x1B8B  }
0xa6: {  	_ =	swait.ge [sflag:s23], $0x1  }
0xa7: {  	[sflag:s23] =	ssyncset.done $0x0  }
0xa8: {  	s25 =	simm.s32 $0x1B8E;
	s24 =	sld [smem:$0x3FFE];
	[sflag:s23] =	ssyncadd.s32 $0xFFFFFFFF  }
0xa9: {  	s26 =	simm.s32 $execute0_lowered;
	[smem:$0x3FD2] =	sst s25  }
0xaa: {  	s9 =	sshll.u32 s26, $0x1;
	_ =	strace $0x80000046;
	[dreg:$0x1] =	wrdreg $0xFFFFFFFF  }
0xab: {  	s28 =	simm.s32 $_size_execute0_lowered;
	s7 =	sadd.s32 s7, s9;
	[dreg:$0x0] =	wrdreg $0x0  }
0xac: {  	s9 =	sshll.u32 s28, $0x1;
	[dreg:$0x2] =	wrdreg s7  }
0xad: {  	[dreg:$0x3] =	wrdreg s9  }
0xae: {  	[dreg:$0x4] =	wrdreg $0xC0  }
0xaf: {  	_ =	task [dreg:s11], $0x5FFFF  }
0xb0: {  	[dreg:$0x1] =	wrdreg $0xFFFFFFFF  }
0xb1: {  	[dreg:$0x0] =	wrdreg $0x60  }
0xb2: {  	[dreg:$0x2] =	wrdreg s2  }
0xb3: {  	[dreg:$0x3] =	wrdreg s18  }
0xb4: {  	[dreg:$0x4] =	wrdreg s4  }
0xb5: {  	[dreg:$0x5] =	wrdreg s5  }
0xb6: {  	[dreg:$0x6] =	wrdreg s24  }
0xb7: {  	[dreg:$0x7] =	wrdreg s6  }
0xb8: {  	[dreg:$0x8] =	wrdreg $0x9  }
0xb9: {  	_ =	task.clear_ibuf [dreg:s11], $0x9FFFF;
	_ =	strace $0x90000046  }
0xba: {  	s29 =	simm.s32 $0x9;
	_ =	strace $0x80000048  }
0xbb: {  	_ =	swait.ge [sflag:s29], $0x1  }
0xbc: {  	[sflag:s29] =	ssyncadd.s32 $0xFFFFFFFF  }
0xbd: {  	_ =	strace $0x90000048  }
0xbe: {  	_ =	sfence  }
0xbf: {  	s30 =	sld [smem:$0x0];
	_ =	sdelay $0x2  }
0xc0: {  	s31 =	sshll.u32 s1, $0xD;
	s1 =	sshrl.u32 s1, $0x2  }
0xc1: {  	s3 =	sand.u32 $0x4000, s31;
	s1 =	sadd.s32 s1, s30  }
0xc2: {  	s0 =	sor.u32 s3, s0;
	s1 =	sshll.u32 s1, $0x11  }
0xc3: {  	s0 =	sor.u32 s1, s0  }
0xc4: {  	s0 =	sadd.s32 $0x8F2B, s0  }
0xc5: {  	[sflag:s0] =	ssyncadd.remote.s32 $0x1  }
0xc6: {  	_ =	sfence.sel $0xFFFF  }
0xc7: {  	[dreg:$0x0] =	wrdreg $0xFFFFFFFF;
	(pc) =	sbr.abs _section_cstart, $3  }
0xc8: {  	[dreg:$0x1] =	wrdreg $0xFFFFFFFF  }
0xc9: {  	_ =	task.clear_ibuf [dreg:s11], $0x2FFFF;
	_ =	strace $0x9FFFFFFF  }
0xca: {  	(tm) =	ssettm $0x7FFFFFFF  }
0xcb: {  	_ =	shalt  }
tec
execute0_lowered:
.L_overlay_start_1:
0x0: {  	(tag) =	ssettag $0x1  }
0x1: {  	v0 =	vimm.s32 $0x5;
	v1 =	vimm.s32 $0x4  }
0x2: {  	v2 =	vimm.s32 $0x9;
	v4 =	vimm.s32 $0x18F8;
	vm14 =	vcmask $0x300  }
0x3: {  	v3 =	vimm.s32 $0x0;
	vm13 =	vcmask $0x704;
	vm12 =	vcmask $0xB08  }
0x4: {  	vm11 =	vcmask $0xF0C;
	vm10 =	vcmask $0x1310;
	vm9 =	vcmask $0x1714  }
0x5: {  	vm8 =	vcmask $0x1B18;
	v9 =	vimm.s32 $0x4378;
	vm7 =	vcmask $0x1F1C  }
0x6: {  	vm6 =	vcmask $0x2320;
	vm5 =	vcmask $0x2724;
	vm4 =	vcmask $0x2B28  }
0x7: {  	vm3 =	vcmask $0x2F2C;
	vm2 =	vcmask $0x3330;
	vm1 =	vcmask $0x3734  }
0x8: {  	vm0 =	vcmask $0x3B38;
	v11 =	vimm.s32 $0x18F9;
	v12 =	vimm.s32 $0x4379  }
0x9: {  	v21 =	vimm.s32 $0x18FA;
	v22 =	vimm.s32 $0x437A;
	v23 =	vimm.s32 $0x18FB  }
0xa: {  	v24 =	vimm.s32 $0x437B;
	v25 =	vimm.s32 $0x18FC;
	v26 =	vimm.s32 $0x437C  }
0xb: {  	v27 =	vimm.s32 $0x18FD;
	v28 =	vimm.s32 $0x437D;
	v29 =	vimm.s32 $0x18FE  }
0xc: {  	v63 =	vimm.s32 $0x437E;
	v33 =	vimm.s32 $0x18FF;
	v34 =	vimm.s32 $0x437F  }
0xd: {  	v5 =	vsel vm14, $0x0, v4;
	v4 =	vlaneseq.u32;
	v9 =	vsel vm14, $0x2A80, v9  }
0xe: {  	v11 =	vsel vm14, $0x1, v11;
	v12 =	vsel vm14, $0x2A81, v12;
	v21 =	vsel vm14, $0x2, v21  }
0xf: {  	v22 =	vsel vm14, $0x2A82, v22;
	v23 =	vsel vm14, $0x3, v23;
	v24 =	vsel vm14, $0x2A83, v24  }
0x10: {  	v25 =	vsel vm14, $0x4, v25;
	v26 =	vsel vm14, $0x2A84, v26;
	v27 =	vsel vm14, $0x5, v27  }
0x11: {  	v28 =	vsel vm14, $0x2A85, v28;
	v29 =	vsel vm14, $0x6, v29;
	v33 =	vsel vm14, $0x7, v33  }
0x12: {  	v34 =	vsel vm14, $0x2A87, v34;
	v6 =	vsel vm13, $0x88, v5;
	v5 =	vor.u32 $0x10, v4  }
0x13: {  	v9 =	vsel vm13, $0x2B08, v9;
	v11 =	vsel vm13, $0x89, v11;
	v12 =	vsel vm13, $0x2B09, v12  }
0x14: {  	v21 =	vsel vm13, $0x8A, v21;
	v22 =	vsel vm13, $0x2B0A, v22;
	v23 =	vsel vm13, $0x8B, v23  }
0x15: {  	v24 =	vsel vm13, $0x2B0B, v24;
	v25 =	vsel vm13, $0x8C, v25;
	v26 =	vsel vm13, $0x2B0C, v26  }
0x16: {  	v27 =	vsel vm13, $0x8D, v27;
	v28 =	vsel vm13, $0x2B0D, v28;
	v29 =	vsel vm13, $0x8E, v29  }
0x17: {  	v33 =	vsel vm13, $0x8F, v33;
	v34 =	vsel vm13, $0x2B0F, v34;
	v7 =	vsel vm12, $0x110, v6  }
0x18: {  	v6 =	vimm.s32 $0x1;
	v9 =	vsel vm12, $0x2B90, v9;
	v11 =	vsel vm12, $0x111, v11  }
0x19: {  	v12 =	vsel vm12, $0x2B91, v12;
	v21 =	vsel vm12, $0x112, v21;
	v22 =	vsel vm12, $0x2B92, v22  }
0x1a: {  	v23 =	vsel vm12, $0x113, v23;
	v24 =	vsel vm12, $0x2B93, v24;
	v25 =	vsel vm12, $0x114, v25  }
0x1b: {  	v26 =	vsel vm12, $0x2B94, v26;
	v27 =	vsel vm12, $0x115, v27;
	v28 =	vsel vm12, $0x2B95, v28  }
0x1c: {  	v29 =	vsel vm12, $0x116, v29;
	v33 =	vsel vm12, $0x117, v33;
	v34 =	vsel vm12, $0x2B97, v34  }
0x1d: {  	v8 =	vsel vm11, $0x198, v7;
	v7 =	vimm.s32 $0x2;
	v9 =	vsel vm11, $0x2C18, v9  }
0x1e: {  	v11 =	vsel vm11, $0x199, v11;
	v12 =	vsel vm11, $0x2C19, v12;
	v21 =	vsel vm11, $0x19A, v21  }
0x1f: {  	v22 =	vsel vm11, $0x2C1A, v22;
	v23 =	vsel vm11, $0x19B, v23;
	v24 =	vsel vm11, $0x2C1B, v24  }
0x20: {  	v25 =	vsel vm11, $0x19C, v25;
	v26 =	vsel vm11, $0x2C1C, v26;
	v27 =	vsel vm11, $0x19D, v27  }
0x21: {  	v28 =	vsel vm11, $0x2C1D, v28;
	v29 =	vsel vm11, $0x19E, v29;
	v33 =	vsel vm11, $0x19F, v33  }
0x22: {  	v34 =	vsel vm11, $0x2C1F, v34;
	v8 =	vsel vm10, $0x220, v8;
	v9 =	vsel vm10, $0x2CA0, v9  }
0x23: {  	v13 =	vsel vm10, $0x221, v11;
	v12 =	vsel vm10, $0x2CA1, v12;
	v11 =	vimm.s32 $0x3  }
0x24: {  	v21 =	vsel vm10, $0x222, v21;
	v22 =	vsel vm10, $0x2CA2, v22;
	v23 =	vsel vm10, $0x223, v23  }
0x25: {  	v24 =	vsel vm10, $0x2CA3, v24;
	v25 =	vsel vm10, $0x224, v25;
	v26 =	vsel vm10, $0x2CA4, v26  }
0x26: {  	v27 =	vsel vm10, $0x225, v27;
	v28 =	vsel vm10, $0x2CA5, v28;
	v29 =	vsel vm10, $0x226, v29  }
0x27: {  	v33 =	vsel vm10, $0x227, v33;
	v34 =	vsel vm10, $0x2CA7, v34;
	v8 =	vsel vm9, $0x2A8, v8  }
0x28: {  	v9 =	vsel vm9, $0x2D28, v9;
	v13 =	vsel vm9, $0x2A9, v13;
	v14 =	vsel vm9, $0x2D29, v12  }
0x29: {  	v12 =	vimm.s32 $0x6;
	v21 =	vsel vm9, $0x2AA, v21;
	v22 =	vsel vm9, $0x2D2A, v22  }
0x2a: {  	v23 =	vsel vm9, $0x2AB, v23;
	v24 =	vsel vm9, $0x2D2B, v24;
	v25 =	vsel vm9, $0x2AC, v25  }
0x2b: {  	v26 =	vsel vm9, $0x2D2C, v26;
	v27 =	vsel vm9, $0x2AD, v27;
	v28 =	vsel vm9, $0x2D2D, v28  }
0x2c: {  	v29 =	vsel vm9, $0x2AE, v29;
	v33 =	vsel vm9, $0x2AF, v33;
	v34 =	vsel vm9, $0x2D2F, v34  }
0x2d: {  	v8 =	vsel vm8, $0x330, v8;
	v9 =	vsel vm8, $0x2DB0, v9;
	v15 =	vsel vm8, $0x331, v13  }
0x2e: {  	v14 =	vsel vm8, $0x2DB1, v14;
	v13 =	vimm.s32 $0xA;
	v21 =	vsel vm8, $0x332, v21  }
0x2f: {  	v22 =	vsel vm8, $0x2DB2, v22;
	v23 =	vsel vm8, $0x333, v23;
	v24 =	vsel vm8, $0x2DB3, v24  }
0x30: {  	v25 =	vsel vm8, $0x334, v25;
	v26 =	vsel vm8, $0x2DB4, v26;
	v27 =	vsel vm8, $0x335, v27  }
0x31: {  	v28 =	vsel vm8, $0x2DB5, v28;
	v29 =	vsel vm8, $0x336, v29;
	v33 =	vsel vm8, $0x337, v33  }
0x32: {  	v34 =	vsel vm8, $0x2DB7, v34;
	v8 =	vsel vm7, $0x3B8, v8;
	v10 =	vsel vm7, $0x2E38, v9  }
0x33: {  	v9 =	vsel vm14, $0x3, v3;
	v15 =	vsel vm7, $0x3B9, v15;
	v16 =	vsel vm7, $0x2E39, v14  }
0x34: {  	v14 =	vimm.s32 $0xB;
	v21 =	vsel vm7, $0x3BA, v21;
	v22 =	vsel vm7, $0x2E3A, v22  }
0x35: {  	v23 =	vsel vm7, $0x3BB, v23;
	v24 =	vsel vm7, $0x2E3B, v24;
	v25 =	vsel vm7, $0x3BC, v25  }
0x36: {  	v26 =	vsel vm7, $0x2E3C, v26;
	v27 =	vsel vm7, $0x3BD, v27;
	v28 =	vsel vm7, $0x2E3D, v28  }
0x37: {  	v29 =	vsel vm7, $0x3BE, v29;
	v33 =	vsel vm7, $0x3BF, v33;
	v34 =	vsel vm7, $0x2E3F, v34  }
0x38: {  	v8 =	vsel vm6, $0x1540, v8;
	v10 =	vsel vm6, $0x3FC0, v10;
	v17 =	vsel vm6, $0x1541, v15  }
0x39: {  	v16 =	vsel vm6, $0x3FC1, v16;
	v15 =	vimm.s32 $0xC;
	v21 =	vsel vm6, $0x1542, v21  }
0x3a: {  	v22 =	vsel vm6, $0x3FC2, v22;
	v23 =	vsel vm6, $0x1543, v23;
	v24 =	vsel vm6, $0x3FC3, v24  }
0x3b: {  	v25 =	vsel vm6, $0x1544, v25;
	v26 =	vsel vm6, $0x3FC4, v26;
	v27 =	vsel vm6, $0x1545, v27  }
0x3c: {  	v28 =	vsel vm6, $0x3FC5, v28;
	v29 =	vsel vm6, $0x1546, v29;
	v33 =	vsel vm6, $0x1547, v33  }
0x3d: {  	v34 =	vsel vm6, $0x3FC7, v34;
	v8 =	vsel vm5, $0x15C8, v8;
	v10 =	vsel vm5, $0x4048, v10  }
0x3e: {  	v17 =	vsel vm5, $0x15C9, v17;
	v18 =	vsel vm5, $0x4049, v16;
	v16 =	vimm.s32 $0xD  }
0x3f: {  	v21 =	vsel vm5, $0x15CA, v21;
	v22 =	vsel vm5, $0x404A, v22;
	v23 =	vsel vm5, $0x15CB, v23  }
0x40: {  	v24 =	vsel vm5, $0x404B, v24;
	v25 =	vsel vm5, $0x15CC, v25;
	v26 =	vsel vm5, $0x404C, v26  }
0x41: {  	v27 =	vsel vm5, $0x15CD, v27;
	v28 =	vsel vm5, $0x404D, v28;
	v29 =	vsel vm5, $0x15CE, v29  }
0x42: {  	s0 =	rddreg [dreg:$0x0];
	v33 =	vsel vm5, $0x15CF, v33;
	v34 =	vsel vm5, $0x404F, v34;
	v8 =	vsel vm4, $0x1650, v8  }
0x43: {  	s1 =	rddreg [dreg:$0x1];
	v10 =	vsel vm4, $0x40D0, v10;
	v19 =	vsel vm4, $0x1651, v17;
	v18 =	vsel vm4, $0x40D1, v18  }
0x44: {  	s2 =	rddreg [dreg:$0x2];
	v17 =	vimm.s32 $0xE;
	v21 =	vsel vm4, $0x1652, v21;
	v22 =	vsel vm4, $0x40D2, v22  }
0x45: {  	s3 =	rddreg [dreg:$0x3];
	v23 =	vsel vm4, $0x1653, v23;
	v24 =	vsel vm4, $0x40D3, v24;
	v25 =	vsel vm4, $0x1654, v25  }
0x46: {  	s4 =	rddreg [dreg:$0x4];
	v26 =	vsel vm4, $0x40D4, v26;
	v27 =	vsel vm4, $0x1655, v27;
	v28 =	vsel vm4, $0x40D5, v28  }
0x47: {  	s5 =	rddreg [dreg:$0x5];
	v29 =	vsel vm4, $0x1656, v29;
	v33 =	vsel vm4, $0x1657, v33;
	v34 =	vsel vm4, $0x40D7, v34  }
0x48: {  	s6 =	srdreg.scid;
	s12 =	stileid.u32;
	s7 =	simm.s32 $0x0;
	v8 =	vsel vm3, $0x16D8, v8;
	v10 =	vsel vm3, $0x4158, v10;
	v19 =	vsel vm3, $0x16D9, v19  }
0x49: {  	s6 =	sand.u32 $0x1, s6;
	[smem:$0x7FF] =	sst s7;
	s10 =	sadd.s32 $0xA00, s4;
	v20 =	vsel vm3, $0x4159, v18;
	v18 =	vimm.s32 $0xF;
	v21 =	vsel vm3, $0x16DA, v21  }
0x4a: {  	s28 =	sadd.s32 $0x400, s4;
	s29 =	sadd.s32 $0x800, s4;
	s4 =	sadd.s32 $0x600, s4;
	v22 =	vsel vm3, $0x415A, v22;
	v23 =	vsel vm3, $0x16DB, v23;
	v24 =	vsel vm3, $0x415B, v24  }
0x4b: {  	s8 =	sshll.u32 s12, $0x1;
	p0 =	sgt.u32 s12, $0x9;
	s31 =	sadd.s32 $0x186A00, s5;
	v25 =	vsel vm3, $0x16DC, v25;
	v26 =	vsel vm3, $0x415C, v26;
	v30 =	vsel vm3, $0x16DD, v27  }
0x4c: {  	s9 =	sor.u32 s6, s8;
	_ =	strace $0x80000047;
	[dreg:$0x7] =	wrdreg s10;
	v27 =	vimm.s32 $0x7;
	v31 =	vsel vm3, $0x415D, v28;
	v29 =	vsel vm3, $0x16DE, v29  }
0x4d: {  	[dreg:$0x8] =	wrdreg s28;
	s8 =	smul.u32 $0xC300, s9;
	s9 =	sshll.u32 s9, $0x7;
	v28 =	vimm.s32 $0x8;
	v33 =	vsel vm3, $0x16DF, v33;
	v34 =	vsel vm3, $0x415F, v34  }
0x4e: {  	[dreg:$0x9] =	wrdreg s29;
	s20 =	sor.u32 $0x186000, s9;
	s9 =	sadd.s32 s9, s5;
	v8 =	vsel vm2, $0x1760, v8;
	v10 =	vsel vm2, $0x41E0, v10;
	v19 =	vsel vm2, $0x1761, v19  }
0x4f: {  	s12 =	simm.s32 $0xEE00;
	[dreg:$0xa] =	wrdreg s4;
	s26 =	sadd.s32 $0x30CA00, s9;
	v20 =	vsel vm2, $0x41E1, v20;
	v21 =	vsel vm2, $0x1762, v21;
	v22 =	vsel vm2, $0x41E2, v22  }
0x50: {  	s6 =	ssub.s32 $0x2, s6;
	s28 =	sadd.s32 $0x493400, s9;
	[dreg:$0x16] =	wrdreg s26;
	v23 =	vsel vm2, $0x1763, v23;
	v24 =	vsel vm2, $0x41E3, v24;
	v30 =	vsel vm2, $0x1765, v30  }
0x51: {  	s30 =	sshrl.u32 s6, $0x1;
	s29 =	sadd.s32 $0x619E00, s9;
	[dreg:$0x17] =	wrdreg s28;
	v31 =	vsel vm2, $0x41E5, v31;
	v29 =	vsel vm2, $0x1766, v29;
	v30 =	vsel vm1, $0x17ED, v30  }
0x52: {  	s6 =	ssub.s32 s6, s30;
	s30 =	sadd.s32 s5, s20;
	[dreg:$0x19] =	wrdreg s29;
	v31 =	vsel vm1, $0x426D, v31;
	v32 =	vsel vm1, $0x17EE, v29;
	v29 =	vsel vm0, $0x1875, v30  }
0x53: {  	s11 =	sshrl.u32 s8, $0x3;
	s6 =	smax.u32 s6, $0x1;
	[dreg:$0x1a] =	wrdreg s30;
	v30 =	vsel vm0, $0x42F5, v31;
	v31 =	vsel vm0, $0x1876, v32;
	v32 =	vsel vm14, $0x2A86, v63  }
0x54: {  	s16 =	sadd.s32 $0x280, s8;
	s10 =	sadd.s32 s0, s11;
	[dreg:$0x1b] =	wrdreg s6;
	v25 =	vsel vm2, $0x1764, v25;
	v26 =	vsel vm2, $0x41E4, v26;
	v32 =	vsel vm13, $0x2B0E, v32  }
0x55: {  	s22 =	sshrl.u32 s20, $0x3;
	s13 =	sadd.s32 s1, s11;
	[dreg:$0xb] =	wrdreg s10;
	v33 =	vsel vm2, $0x1767, v33;
	v34 =	vsel vm2, $0x41E7, v34;
	v32 =	vsel vm12, $0x2B96, v32  }
0x56: {  	s9 =	simm.s32 $0xE680;
	s14 =	sadd.s32 s2, s11;
	[dreg:$0xc] =	wrdreg s13;
	v8 =	vsel vm1, $0x17E8, v8;
	v10 =	vsel vm1, $0x4268, v10;
	v32 =	vsel vm11, $0x2C1E, v32  }
0x57: {  	s15 =	sadd.s32 s3, s11;
	s17 =	sshrl.u32 s16, $0x3;
	[dreg:$0xd] =	wrdreg s14;
	v19 =	vsel vm1, $0x17E9, v19;
	v20 =	vsel vm1, $0x4269, v20;
	v32 =	vsel vm10, $0x2CA6, v32  }
0x58: {  	s23 =	sadd.s32 s0, s22;
	s24 =	sadd.s32 s1, s22;
	[dreg:$0xe] =	wrdreg s15;
	v21 =	vsel vm1, $0x17EA, v21;
	v22 =	vsel vm1, $0x426A, v22;
	v32 =	vsel vm9, $0x2D2E, v32  }
0x59: {  	s25 =	sadd.s32 s2, s22;
	s11 =	simm.s32 $0xEB80;
	[dreg:$0x13] =	wrdreg s23;
	v23 =	vsel vm1, $0x17EB, v23;
	v24 =	vsel vm1, $0x426B, v24;
	v32 =	vsel vm8, $0x2DB6, v32  }
0x5a: {  	s18 =	sadd.s32 s0, s17;
	s19 =	sadd.s32 s1, s17;
	[dreg:$0x14] =	wrdreg s24;
	v25 =	vsel vm1, $0x17EC, v25;
	v26 =	vsel vm1, $0x426C, v26;
	v32 =	vsel vm7, $0x2E3E, v32  }
0x5b: {  	s21 =	sadd.s32 s2, s17;
	s4 =	sadd.s32 s3, s17;
	[dreg:$0x15] =	wrdreg s25;
	v33 =	vsel vm1, $0x17EF, v33;
	v34 =	vsel vm1, $0x426F, v34;
	v32 =	vsel vm6, $0x3FC6, v32  }
0x5c: {  	s23 =	sadd.s32 $0x500, s8;
	s24 =	sadd.s32 $0x780, s8;
	[dreg:$0xf] =	wrdreg s18;
	v8 =	vsel vm0, $0x1870, v8;
	v10 =	vsel vm0, $0x42F0, v10;
	v32 =	vsel vm5, $0x404E, v32  }
.Ltmp0:
0x5d: {  	s10 =	simm.s32 $0xE900;
	[dreg:$0x10] =	wrdreg s19;
	v19 =	vsel vm0, $0x1871, v19;
	v20 =	vsel vm0, $0x42F1, v20;
	v32 =	vsel vm4, $0x40D6, v32;
	(pc) =	sbr.rel .LBB2_1-.Ltmp0, $4  }
0x5e: {  	s13 =	simm.s32 $0x1;
	s14 =	simm.s32 $0x1680;
	[dreg:$0x11] =	wrdreg s21;
	v21 =	vsel vm0, $0x1872, v21;
	v22 =	vsel vm0, $0x42F2, v22;
	v32 =	vsel vm3, $0x415E, v32  }
0x5f: {  	s15 =	simm.s32 $0xF080;
	s17 =	simm.s32 $0x2;
	[dreg:$0x12] =	wrdreg s4;
	v23 =	vsel vm0, $0x1873, v23;
	v24 =	vsel vm0, $0x42F3, v24;
	v32 =	vsel vm2, $0x41E6, v32  }
0x60: {  	s4 =	sadd.s32 s3, s22;
	s22 =	sadd.s32 $0x493E00, s5;
	s18 =	simm.s32 $0x14580;
	v25 =	vsel vm0, $0x1874, v25;
	v26 =	vsel vm0, $0x42F4, v26;
	v32 =	vsel vm1, $0x426E, v32  }
0x61: {  	s19 =	simm.s32 $0x0;
	[dreg:$0x18] =	wrdreg s4;
	s4 =	sadd.s32 $0x30D400, s5;
	v33 =	vsel vm0, $0x1877, v33;
	v34 =	vsel vm0, $0x42F7, v34;
	v32 =	vsel vm0, $0x42F6, v32  }
.LBB2_30:
0x62: {  	s19 =	sadd.s32 $0x1, s19;
	s6 =	rddreg [dreg:$0x1b]  }
0x63: {  	p1 =	sne.s32 s19, s6  }
.Ltmp1:
0x64: {  	_ = 	snop;
	(pc) =	sbr.rel @!p1 .LBB2_31-.Ltmp1, $1  }
0x65: {  	_ =	sdelay $0x3  }
.LBB2_1:
0x66: {  	[dreg:$0x1c] =	wrdreg s19  }
0x67: {  	s6 =	rddreg [dreg:$0x7];
	s21 =	simm.s32 $0x5  }
0x68: {  	[tilespmem:s7], [sflag:$0x5] =	stream.linear.gather [hbm4b:s6+s7], $0xF80, $0x38;
	[tilespmem:$0x19A80] =	vst v63  }
0x69: {  	_ =	swait.ge [sflag:s21], $0xF80  }
0x6a: {  	[sflag:s21] =	ssyncset.done $0x0  }
0x6b: {  	s20 =	simm.s32 $0xF80;
	s19 =	rddreg [dreg:$0x8];
	[sflag:s21] =	ssyncadd.s32 $0xFFFFF080  }
0x6c: {  	[tilespmem:s20], [sflag:$0x5] =	stream.linear.gather [hbm4b:s19+s7], $0x200, $0x38;
	[tilespmem:$0x19A80] =	vst v63  }
0x6d: {  	_ =	swait.ge [sflag:s21], $0x200  }
0x6e: {  	[sflag:s21] =	ssyncset.done $0x0  }
0x6f: {  	s25 =	simm.s32 $0x1180;
	s26 =	rddreg [dreg:$0x9];
	[sflag:s21] =	ssyncadd.s32 $0xFFFFFE00  }
0x70: {  	[tilespmem:s25], [sflag:$0x5] =	stream.linear.gather [hbm4b:s26+s7], $0x300, $0x38;
	[tilespmem:$0x19A80] =	vst v63  }
0x71: {  	_ =	swait.ge [sflag:s21], $0x300  }
0x72: {  	s25 =	simm.s32 $0x1480;
	[sflag:s21] =	ssyncset.done $0x0  }
0x73: {  	s26 =	simm.s32 $0x0;
	s20 =	rddreg [dreg:$0xa];
	[sflag:s21] =	ssyncadd.s32 $0xFFFFFD00  }
0x74: {  	[tilespmem:s25], [sflag:$0x5] =	stream.linear.gather [hbm4b:s20+s7], $0x200, $0x38;
	[tilespmem:$0x19A80] =	vst v63  }
0x75: {  	s6 =	sand.u32 $0xFFFFF800, s26;
	_ =	swait.ge [sflag:s21], $0x200  }
0x76: {  	s6 =	ssub.s32 $0x0, s6;
	s20 =	simm.s32 $0x0;
	[sflag:s21] =	ssyncset.done $0x0  }
0x77: {  	s6 =	sshra.s32 s6, $0x2;
	s20 =	sand.u32 $0x3FFFFFE0, s20;
	[sflag:s21] =	ssyncadd.s32 $0xFFFFFE00  }
0x78: {  	s19 =	sadd.s32 $0x1180, s6;
	v35 =	vld [tilespmem:s20+$0xF80]  }
0x79: {  	v36 =	vld [tilespmem:s19+$0x0];
	_ =	sdelay $0x1  }
0x7a: {  	v37 =	vld [tilespmem:$0x1480];
	_ =	sdelay $0x2  }
0x7b: {  	v35 =	vadd.f32 v36, v35;
	_ =	sdelay $0x1  }
0x7c: {  	s6 =	sadd.s32 $0x1190, s6;
	v63 =	vld [tilespmem:s20+$0xF90];
	v37 =	vadd.f32 v37, v35  }
0x7d: {  	s25 =	simm.s32 $0x1710;
	v38 =	vld [tilespmem:s6+$0x0]  }
0x7e: {  	[tilespmem:s25+$0xFFFFFF70] =	vst v37  }
0x7f: {  	v37 =	vld [tilespmem:$0x1490];
	_ =	sdelay $0x2  }
0x80: {  	v36 =	vadd.f32 v38, v63;
	_ =	sdelay $0x1  }
0x81: {  	v37 =	vadd.f32 v37, v36;
	_ =	sdelay $0x1  }
0x82: {  	[tilespmem:s25+$0xFFFFFF80] =	vst v37  }
0x83: {  	v37 =	vld [tilespmem:$0x14A0];
	_ =	sdelay $0x4  }
0x84: {  	v37 =	vadd.f32 v37, v35;
	_ =	sdelay $0x1  }
0x85: {  	[tilespmem:s25+$0xFFFFFF90] =	vst v37  }
0x86: {  	v37 =	vld [tilespmem:$0x14B0];
	_ =	sdelay $0x4  }
0x87: {  	v37 =	vadd.f32 v37, v36;
	_ =	sdelay $0x1  }
0x88: {  	[tilespmem:s25+$0xFFFFFFA0] =	vst v37  }
0x89: {  	v37 =	vld [tilespmem:$0x14C0];
	_ =	sdelay $0x4  }
0x8a: {  	v37 =	vadd.f32 v37, v35;
	_ =	sdelay $0x1  }
0x8b: {  	[tilespmem:s25+$0xFFFFFFB0] =	vst v37  }
0x8c: {  	v37 =	vld [tilespmem:$0x14D0];
	_ =	sdelay $0x4  }
0x8d: {  	v37 =	vadd.f32 v37, v36;
	_ =	sdelay $0x1  }
0x8e: {  	[tilespmem:s25+$0xFFFFFFC0] =	vst v37  }
0x8f: {  	v37 =	vld [tilespmem:$0x14E0];
	_ =	sdelay $0x4  }
0x90: {  	v37 =	vadd.f32 v37, v35;
	_ =	sdelay $0x1  }
0x91: {  	[tilespmem:s25+$0xFFFFFFD0] =	vst v37  }
0x92: {  	v37 =	vld [tilespmem:$0x14F0];
	_ =	sdelay $0x4  }
0x93: {  	v37 =	vadd.f32 v37, v36;
	_ =	sdelay $0x1  }
0x94: {  	[tilespmem:s25+$0xFFFFFFE0] =	vst v37  }
0x95: {  	v37 =	vld [tilespmem:$0x1500];
	_ =	sdelay $0x4  }
0x96: {  	v37 =	vadd.f32 v37, v35;
	_ =	sdelay $0x1  }
0x97: {  	[tilespmem:s25+$0xFFFFFFF0] =	vst v37  }
0x98: {  	v37 =	vld [tilespmem:$0x1510];
	_ =	sdelay $0x4  }
0x99: {  	v37 =	vadd.f32 v37, v36;
	_ =	sdelay $0x1  }
0x9a: {  	[tilespmem:s25+$0x0] =	vst v37  }
0x9b: {  	v37 =	vld [tilespmem:$0x1520];
	_ =	sdelay $0x4  }
0x9c: {  	v37 =	vadd.f32 v37, v35;
	_ =	sdelay $0x1  }
0x9d: {  	[tilespmem:s25+$0x10] =	vst v37  }
0x9e: {  	v37 =	vld [tilespmem:$0x1530];
	_ =	sdelay $0x4  }
0x9f: {  	v37 =	vadd.f32 v37, v36;
	_ =	sdelay $0x1  }
0xa0: {  	[tilespmem:s25+$0x20] =	vst v37  }
0xa1: {  	v37 =	vld [tilespmem:$0x1540];
	_ =	sdelay $0x4  }
0xa2: {  	v37 =	vadd.f32 v37, v35;
	_ =	sdelay $0x1  }
0xa3: {  	[tilespmem:s25+$0x30] =	vst v37  }
0xa4: {  	v37 =	vld [tilespmem:$0x1550];
	_ =	sdelay $0x4  }
0xa5: {  	v37 =	vadd.f32 v37, v36;
	_ =	sdelay $0x1  }
0xa6: {  	[tilespmem:s25+$0x40] =	vst v37  }
0xa7: {  	v37 =	vld [tilespmem:$0x1560];
	_ =	sdelay $0x4  }
0xa8: {  	v37 =	vadd.f32 v37, v35;
	_ =	sdelay $0x1  }
0xa9: {  	[tilespmem:s25+$0x50] =	vst v37  }
0xaa: {  	v37 =	vld [tilespmem:$0x1570];
	_ =	sdelay $0x4  }
0xab: {  	v37 =	vadd.f32 v37, v36;
	_ =	sdelay $0x1  }
0xac: {  	[tilespmem:s25+$0x60] =	vst v37  }
0xad: {  	v37 =	vld [tilespmem:$0x1580];
	_ =	sdelay $0x4  }
0xae: {  	v35 =	vadd.f32 v37, v35;
	_ =	sdelay $0x1  }
0xaf: {  	[tilespmem:s25+$0x70] =	vst v35  }
0xb0: {  	v35 =	vld [tilespmem:$0x1590];
	_ =	sdelay $0x2  }
0xb1: {  	s30 =	simm.s32 $0x2;
	s21 =	simm.s32 $0x80  }
0xb2: {  	s29 =	simm.s32 $0x11A0;
	s28 =	simm.s32 $0x2;
	s26 =	sand.u32 $0xFFFFF800, s21  }
0xb3: {  	s6 =	simm.s32 $0x1830;
	s21 =	ssub.s32 $0x0, s26;
	s26 =	simm.s32 $0x11B0;
	v35 =	vadd.f32 v35, v36  }
.LBB2_2:
0xb4: {  	s21 =	sshra.s32 s21, $0x2;
	s19 =	sand.u32 $0x3FFFFFE0, s28  }
0xb5: {  	[tilespmem:s25+$0x80] =	vst v35;
	s28 =	smov.u32 s30;
	s20 =	sadd.s32 $0x1, s30;
	s25 =	smov.u32 s6  }
0xb6: {  	p1 =	sne.s32 s30, $0xAF;
	s30 =	sadd.s32 s21, s26;
	s21 =	sadd.s32 s21, s29;
	v35 =	vld [tilespmem:s19+$0xF80]  }
0xb7: {  	v36 =	vld [tilespmem:s21+$0x0];
	_ =	sdelay $0x1  }
0xb8: {  	v37 =	vld [tilespmem:$0x1480];
	_ =	sdelay $0x2  }
0xb9: {  	v35 =	vadd.f32 v36, v35;
	_ =	sdelay $0x1  }
0xba: {  	v36 =	vld [tilespmem:s19+$0xF90];
	v37 =	vadd.f32 v37, v35  }
0xbb: {  	v38 =	vld [tilespmem:s30+$0x0]  }
0xbc: {  	[tilespmem:s6+$0xFFFFFF70] =	vst v37  }
0xbd: {  	v37 =	vld [tilespmem:$0x1490];
	_ =	sdelay $0x2  }
0xbe: {  	v36 =	vadd.f32 v38, v36;
	_ =	sdelay $0x1  }
0xbf: {  	v37 =	vadd.f32 v37, v36;
	_ =	sdelay $0x1  }
0xc0: {  	[tilespmem:s6+$0xFFFFFF80] =	vst v37  }
0xc1: {  	v37 =	vld [tilespmem:$0x14A0];
	_ =	sdelay $0x4  }
0xc2: {  	v37 =	vadd.f32 v37, v35;
	_ =	sdelay $0x1  }
0xc3: {  	[tilespmem:s6+$0xFFFFFF90] =	vst v37  }
0xc4: {  	v37 =	vld [tilespmem:$0x14B0];
	_ =	sdelay $0x4  }
0xc5: {  	v37 =	vadd.f32 v37, v36;
	_ =	sdelay $0x1  }
0xc6: {  	[tilespmem:s6+$0xFFFFFFA0] =	vst v37  }
0xc7: {  	v37 =	vld [tilespmem:$0x14C0];
	_ =	sdelay $0x4  }
0xc8: {  	v37 =	vadd.f32 v37, v35;
	_ =	sdelay $0x1  }
0xc9: {  	[tilespmem:s6+$0xFFFFFFB0] =	vst v37  }
0xca: {  	v37 =	vld [tilespmem:$0x14D0];
	_ =	sdelay $0x4  }
0xcb: {  	v37 =	vadd.f32 v37, v36;
	_ =	sdelay $0x1  }
0xcc: {  	[tilespmem:s6+$0xFFFFFFC0] =	vst v37  }
0xcd: {  	v37 =	vld [tilespmem:$0x14E0];
	_ =	sdelay $0x4  }
0xce: {  	v37 =	vadd.f32 v37, v35;
	_ =	sdelay $0x1  }
0xcf: {  	[tilespmem:s6+$0xFFFFFFD0] =	vst v37  }
0xd0: {  	v37 =	vld [tilespmem:$0x14F0];
	_ =	sdelay $0x4  }
0xd1: {  	v37 =	vadd.f32 v37, v36;
	_ =	sdelay $0x1  }
0xd2: {  	[tilespmem:s6+$0xFFFFFFE0] =	vst v37  }
0xd3: {  	v37 =	vld [tilespmem:$0x1500];
	_ =	sdelay $0x4  }
0xd4: {  	v37 =	vadd.f32 v37, v35;
	_ =	sdelay $0x1  }
0xd5: {  	[tilespmem:s6+$0xFFFFFFF0] =	vst v37  }
0xd6: {  	v37 =	vld [tilespmem:$0x1510];
	_ =	sdelay $0x4  }
0xd7: {  	v37 =	vadd.f32 v37, v36;
	_ =	sdelay $0x1  }
0xd8: {  	[tilespmem:s6+$0x0] =	vst v37  }
0xd9: {  	v37 =	vld [tilespmem:$0x1520];
	_ =	sdelay $0x4  }
0xda: {  	v37 =	vadd.f32 v37, v35;
	_ =	sdelay $0x1  }
0xdb: {  	[tilespmem:s6+$0x10] =	vst v37  }
0xdc: {  	v37 =	vld [tilespmem:$0x1530];
	_ =	sdelay $0x4  }
0xdd: {  	v37 =	vadd.f32 v37, v36;
	_ =	sdelay $0x1  }
0xde: {  	[tilespmem:s6+$0x20] =	vst v37  }
0xdf: {  	v37 =	vld [tilespmem:$0x1540];
	_ =	sdelay $0x4  }
0xe0: {  	v37 =	vadd.f32 v37, v35;
	_ =	sdelay $0x1  }
0xe1: {  	[tilespmem:s6+$0x30] =	vst v37  }
0xe2: {  	v37 =	vld [tilespmem:$0x1550];
	_ =	sdelay $0x4  }
0xe3: {  	v37 =	vadd.f32 v37, v36;
	_ =	sdelay $0x1  }
0xe4: {  	[tilespmem:s6+$0x40] =	vst v37  }
0xe5: {  	v37 =	vld [tilespmem:$0x1560];
	_ =	sdelay $0x4  }
0xe6: {  	v37 =	vadd.f32 v37, v35;
	_ =	sdelay $0x1  }
0xe7: {  	[tilespmem:s6+$0x50] =	vst v37  }
0xe8: {  	v37 =	vld [tilespmem:$0x1570];
	_ =	sdelay $0x4  }
0xe9: {  	v37 =	vadd.f32 v37, v36;
	_ =	sdelay $0x1  }
0xea: {  	[tilespmem:s6+$0x60] =	vst v37  }
0xeb: {  	v37 =	vld [tilespmem:$0x1580];
	_ =	sdelay $0x4  }
0xec: {  	v35 =	vadd.f32 v37, v35;
	_ =	sdelay $0x1  }
0xed: {  	[tilespmem:s6+$0x70] =	vst v35  }
0xee: {  	v35 =	vld [tilespmem:$0x1590];
	_ =	sdelay $0x1  }
.Ltmp2:
0xef: {  	(pc) =	sbr.rel @p1 .LBB2_2-.Ltmp2, $4  }
0xf0: {  	_ = 	snop  }
0xf1: {  	s29 =	sadd.s32 $0x20, s29;
	s19 =	sshll.u32 s28, $0x7  }
0xf2: {  	s26 =	sadd.s32 $0x20, s26;
	s19 =	sand.u32 $0xFFFFF800, s19;
	s6 =	sadd.s32 $0x120, s6;
	v35 =	vadd.f32 v35, v36  }
0xf3: {  	s28 =	sshll.u32 s28, $0x1;
	s30 =	smov.u32 s20;
	s21 =	ssub.s32 $0x0, s19  }
0xf4: {  	s19 =	sshra.s32 s21, $0x2;
	s20 =	sand.u32 $0x3FFFFFE0, s28;
	[tilespmem:s25+$0x80] =	vst v35  }
0xf5: {  	s21 =	sadd.s32 s19, s29;
	v35 =	vld [tilespmem:s20+$0xF80]  }
0xf6: {  	v36 =	vld [tilespmem:s21+$0x0];
	_ =	sdelay $0x1  }
0xf7: {  	v37 =	vld [tilespmem:$0x1480];
	_ =	sdelay $0x2  }
0xf8: {  	v35 =	vadd.f32 v36, v35;
	_ =	sdelay $0x1  }
0xf9: {  	s19 =	sadd.s32 s19, s26;
	v63 =	vld [tilespmem:s20+$0xF90];
	v37 =	vadd.f32 v37, v35  }
0xfa: {  	v38 =	vld [tilespmem:s19+$0x0]  }
0xfb: {  	[tilespmem:s6+$0xFFFFFF70] =	vst v37  }
0xfc: {  	v37 =	vld [tilespmem:$0x1490];
	_ =	sdelay $0x2  }
0xfd: {  	v36 =	vadd.f32 v38, v63;
	_ =	sdelay $0x1  }
0xfe: {  	v37 =	vadd.f32 v37, v36;
	_ =	sdelay $0x1  }
0xff: {  	[tilespmem:s6+$0xFFFFFF80] =	vst v37  }
0x100: {  	v37 =	vld [tilespmem:$0x14A0];
	_ =	sdelay $0x4  }
0x101: {  	v37 =	vadd.f32 v37, v35;
	_ =	sdelay $0x1  }
0x102: {  	[tilespmem:s6+$0xFFFFFF90] =	vst v37  }
0x103: {  	v37 =	vld [tilespmem:$0x14B0];
	_ =	sdelay $0x4  }
0x104: {  	v37 =	vadd.f32 v37, v36;
	_ =	sdelay $0x1  }
0x105: {  	[tilespmem:s6+$0xFFFFFFA0] =	vst v37  }
0x106: {  	v37 =	vld [tilespmem:$0x14C0];
	_ =	sdelay $0x4  }
0x107: {  	v37 =	vadd.f32 v37, v35;
	_ =	sdelay $0x1  }
0x108: {  	[tilespmem:s6+$0xFFFFFFB0] =	vst v37  }
0x109: {  	v37 =	vld [tilespmem:$0x14D0];
	_ =	sdelay $0x4  }
0x10a: {  	v37 =	vadd.f32 v37, v36;
	_ =	sdelay $0x1  }
0x10b: {  	[tilespmem:s6+$0xFFFFFFC0] =	vst v37  }
0x10c: {  	v37 =	vld [tilespmem:$0x14E0];
	_ =	sdelay $0x4  }
0x10d: {  	v37 =	vadd.f32 v37, v35;
	_ =	sdelay $0x1  }
0x10e: {  	[tilespmem:s6+$0xFFFFFFD0] =	vst v37  }
0x10f: {  	v37 =	vld [tilespmem:$0x14F0];
	_ =	sdelay $0x4  }
0x110: {  	v37 =	vadd.f32 v37, v36;
	_ =	sdelay $0x1  }
0x111: {  	[tilespmem:s6+$0xFFFFFFE0] =	vst v37  }
0x112: {  	v37 =	vld [tilespmem:$0x1500];
	_ =	sdelay $0x4  }
0x113: {  	v37 =	vadd.f32 v37, v35;
	_ =	sdelay $0x1  }
0x114: {  	[tilespmem:s6+$0xFFFFFFF0] =	vst v37  }
0x115: {  	v37 =	vld [tilespmem:$0x1510];
	_ =	sdelay $0x4  }
0x116: {  	v37 =	vadd.f32 v37, v36;
	_ =	sdelay $0x1  }
0x117: {  	[tilespmem:s6+$0x0] =	vst v37  }
0x118: {  	v37 =	vld [tilespmem:$0x1520];
	_ =	sdelay $0x4  }
0x119: {  	v37 =	vadd.f32 v37, v35;
	_ =	sdelay $0x1  }
0x11a: {  	[tilespmem:s6+$0x10] =	vst v37  }
0x11b: {  	v37 =	vld [tilespmem:$0x1530];
	_ =	sdelay $0x4  }
0x11c: {  	v37 =	vadd.f32 v37, v36;
	_ =	sdelay $0x1  }
0x11d: {  	[tilespmem:s6+$0x20] =	vst v37  }
0x11e: {  	v37 =	vld [tilespmem:$0x1540];
	_ =	sdelay $0x4  }
0x11f: {  	v37 =	vadd.f32 v37, v35;
	_ =	sdelay $0x1  }
0x120: {  	[tilespmem:s6+$0x30] =	vst v37  }
0x121: {  	v37 =	vld [tilespmem:$0x1550];
	_ =	sdelay $0x4  }
0x122: {  	v37 =	vadd.f32 v37, v36;
	_ =	sdelay $0x1  }
0x123: {  	[tilespmem:s6+$0x40] =	vst v37  }
0x124: {  	v37 =	vld [tilespmem:$0x1560];
	_ =	sdelay $0x4  }
0x125: {  	v37 =	vadd.f32 v37, v35;
	_ =	sdelay $0x1  }
0x126: {  	[tilespmem:s6+$0x50] =	vst v37  }
0x127: {  	v37 =	vld [tilespmem:$0x1570];
	_ =	sdelay $0x4  }
0x128: {  	v37 =	vadd.f32 v37, v36;
	_ =	sdelay $0x1  }
0x129: {  	[tilespmem:s6+$0x60] =	vst v37  }
0x12a: {  	v37 =	vld [tilespmem:$0x1580];
	_ =	sdelay $0x4  }
0x12b: {  	v35 =	vadd.f32 v37, v35;
	_ =	sdelay $0x1  }
0x12c: {  	[tilespmem:s6+$0x70] =	vst v35  }
0x12d: {  	v35 =	vld [tilespmem:$0x1590];
	_ =	sdelay $0x4  }
0x12e: {  	v35 =	vadd.f32 v35, v36;
	_ =	sdelay $0x1  }
0x12f: {  	s25 =	simm.s32 $0xDC80;
	s21 =	rddreg [dreg:$0xb];
	[tilespmem:s6+$0x80] =	vst v35;
	s6 =	simm.s32 $0x0  }
0x130: {  	[tilespmem:s25], [sflag:$0x1] =	stream.linear.gather [hbm4b:s21+s6], $0x280, $0x38;
	[tilespmem:$0x19A80] =	vst v63  }
0x131: {  	s28 =	simm.s32 $0xDF00;
	s26 =	rddreg [dreg:$0xc]  }
0x132: {  	[tilespmem:s28], [sflag:$0x1] =	stream.linear.gather [hbm4b:s26+s6], $0x280, $0x38;
	[tilespmem:$0x19A80] =	vst v63  }
0x133: {  	s30 =	simm.s32 $0xE180;
	s29 =	rddreg [dreg:$0xd]  }
0x134: {  	[tilespmem:s30], [sflag:$0x1] =	stream.linear.gather [hbm4b:s29+s6], $0x280, $0x38;
	[tilespmem:$0x19A80] =	vst v63  }
0x135: {  	s21 =	rddreg [dreg:$0xe];
	s25 =	simm.s32 $0xE400  }
0x136: {  	[tilespmem:s25], [sflag:$0x1] =	stream.linear.gather [hbm4b:s21+s6], $0x280, $0x38;
	[tilespmem:$0x19A80] =	vst v63  }
0x137: {  	s26 =	rddreg [dreg:$0xf]  }
0x138: {  	[tilespmem:s9], [sflag:$0x2] =	stream.linear.gather [hbm4b:s26+s6], $0x280, $0x38;
	[tilespmem:$0x19A80] =	vst v63  }
0x139: {  	s28 =	rddreg [dreg:$0x10]  }
0x13a: {  	[tilespmem:s10], [sflag:$0x2] =	stream.linear.gather [hbm4b:s28+s6], $0x280, $0x38;
	[tilespmem:$0x19A80] =	vst v63  }
0x13b: {  	s29 =	rddreg [dreg:$0x11]  }
0x13c: {  	[tilespmem:s11], [sflag:$0x2] =	stream.linear.gather [hbm4b:s29+s6], $0x280, $0x38;
	[tilespmem:$0x19A80] =	vst v63  }
0x13d: {  	s30 =	rddreg [dreg:$0x12]  }
0x13e: {  	[tilespmem:s12], [sflag:$0x2] =	stream.linear.gather [hbm4b:s30+s6], $0x280, $0x38;
	[tilespmem:$0x19A80] =	vst v63  }
.LBB2_4:
0x13f: {  	_ =	swait.ge [sflag:s13], $0x280  }
0x140: {  	[sflag:s13] =	ssyncset.done $0x0  }
0x141: {  	[sflag:s13] =	ssyncadd.s32 $0xFFFFFD80  }
0x142: {  	_ =	swait.ge [sflag:s13], $0x280  }
0x143: {  	[sflag:s13] =	ssyncset.done $0x0  }
0x144: {  	[sflag:s13] =	ssyncadd.s32 $0xFFFFFD80  }
0x145: {  	_ =	swait.ge [sflag:s13], $0x280  }
0x146: {  	[sflag:s13] =	ssyncset.done $0x0  }
0x147: {  	[sflag:s13] =	ssyncadd.s32 $0xFFFFFD80  }
0x148: {  	_ =	swait.ge [sflag:s13], $0x280  }
0x149: {  	p1 =	seq.s32 s6, $0x0;
	[sflag:s13] =	ssyncset.done $0x0  }
0x14a: {  	s19 =	simm.s32 @!p1 $0x3;
	[sflag:s13] =	ssyncadd.s32 $0xFFFFFD80  }
0x14b: {  	_ =	swait.ge @!p1 [sflag:s19], $0x1400  }
0x14c: {  	[sflag:s19] =	ssyncset.done @!p1 $0x0  }
0x14d: {  	[sflag:s19] =	ssyncadd.s32 @!p1 $0xFFFFEC00  }
0x14e: {  	_ =	swait.ge @!p1 [sflag:s19], $0x1400  }
0x14f: {  	[sflag:s19] =	ssyncset.done @!p1 $0x0  }
0x150: {  	[sflag:s19] =	ssyncadd.s32 @!p1 $0xFFFFEC00  }
0x151: {  	_ =	swait.ge @!p1 [sflag:s19], $0x1400  }
0x152: {  	[sflag:s19] =	ssyncset.done @!p1 $0x0  }
0x153: {  	[sflag:s19] =	ssyncadd.s32 @!p1 $0xFFFFEC00  }
0x154: {  	_ =	swait.ge @!p1 [sflag:s19], $0x1400  }
0x155: {  	s25 =	simm.s32 $0xDF00;
	[sflag:s19] =	ssyncset.done @!p1 $0x0  }
0x156: {  	s26 =	simm.s32 $0x0;
	s29 =	simm.s32 $0x0;
	[sflag:s19] =	ssyncadd.s32 @!p1 $0xFFFFEC00  }
.LBB2_5:
0x157: {  	v35 =	vld [tilespmem:s25+$0x0]  }
0x158: {  	v36 =	vld [tilespmem:s25+$0x280]  }
0x159: {  	v37 =	vld [tilespmem:s25+$0xFFFFFD80];
	_ =	sdelay $0x1  }
0x15a: {  	v38 =	vld [tilespmem:s25+$0x500]  }
0x15b: {  	v35 =	vshll.u32 v35, $0x4  }
0x15c: {  	v35 =	vadd.s32 v36, v35  }
0x15d: {  	v36 =	vshll.u32 v37, $0x5;
	v35 =	vmul.u32 $0x9, v35  }
0x15e: {  	v37 =	vperm.xlane v36, v3  }
0x15f: {  	v35 =	vadd.s32 v38, v35  }
0x160: {  	v41 =	vperm.xlane v36, v6;
	v39 =	vadd.s32 v4, v37;
	v35 =	vshll.u32 v35, $0x5  }
0x161: {  	v37 =	vadd.s32 v5, v37;
	v55 =	vperm.xlane v35, v3  }
0x162: {  	v43 =	vadd.s32 v4, v41  }
0x163: {  	s19 =	sshrl.u32 s29, $0x3;
	v38 =	vadd.s32 v5, v55  }
0x164: {  	v44 =	vmov s19;
	v46 =	vperm.xlane v36, v7;
	v40 =	vadd.s32 v4, v55  }
0x165: {  	s28 =	sand.u32 $0x70, s26;
	v44 =	vmul.u32 $0x440, v44;
	v41 =	vadd.s32 v5, v41;
	v39 =	vld.idx.msk [tilespmem:v39+s7+$0x0], $0xffff  }
0x166: {  	v48 =	vmov s28;
	v50 =	vadd.s32 v4, v46;
	v42 =	vperm.xlane v35, v6;
	v47 =	vld.idx.msk [tilespmem:v37+s7+$0x0], $0xffff  }
0x167: {  	v57 =	vshrl.u32 v48, $0x3;
	v44 =	vbroadcast v44, $0x0;
	v46 =	vadd.s32 v5, v46;
	v43 =	vld.idx.msk [tilespmem:v43+s7+$0x0], $0xffff  }
0x168: {  	v56 =	vperm.xlane v35, v7;
	v45 =	vadd.s32 v4, v42;
	v49 =	vld.idx.msk [tilespmem:v38+s14+$0x0], $0xffff;
	v38 =	vshll.u32 v57, v9  }
0x169: {  	v42 =	vadd.s32 v5, v42;
	v40 =	vld.idx.msk [tilespmem:v40+s14+$0x0], $0xffff;
	v51 =	vbroadcast v38, $0x0  }
0x16a: {  	v58 =	vadd.s32 v4, v56;
	v41 =	vld.idx.msk [tilespmem:v41+s7+$0x0], $0xffff;
	v37 =	vadd.s32 v8, v44  }
0x16b: {  	v52 =	vadd.s32 v5, v56;
	v50 =	vld.idx.msk [tilespmem:v50+s7+$0x0], $0xffff;
	v38 =	vadd.s32 v10, v44;
	v53 =	vadd.s32 v37, v51  }
0x16c: {  	v59 =	vperm.xlane v36, v11;
	v46 =	vld.idx.msk [tilespmem:v46+s7+$0x0], $0xffff;
	v51 =	vadd.s32 v38, v51  }
0x16d: {  	v54 =	vperm.xlane v35, v11;
	v45 =	vld.idx.msk [tilespmem:v45+s14+$0x0], $0xffff  }
0x16e: {  	v55 =	vadd.s32 v4, v59;
	v42 =	vld.idx.msk [tilespmem:v42+s14+$0x0], $0xffff;
	v39 =	vadd.f32 v40, v39  }
0x16f: {  	v60 =	vadd.s32 v4, v54;
	v48 =	vld.idx.msk [tilespmem:v58+s14+$0x0], $0xffff;
	v47 =	vadd.f32 v49, v47  }
0x170: {  	v52 =	vld.idx.msk [tilespmem:v52+s14+$0x0], $0xffff;
	v44 =	vadd.s32 v5, v59;
	[tilespmem:v53+s15+$0x0] =	vst.idx.msk $0xffff, v39  }
0x171: {  	v61 =	vadd.s32 v5, v54;
	[tilespmem:v51+s15+$0x0] =	vst.idx.msk $0xffff, v47;
	v47 =	vor.u32 $0x1, v53  }
0x172: {  	v62 =	vperm.xlane v36, v1;
	v63 =	vor.u32 $0x1, v51  }
0x173: {  	v56 =	vperm.xlane v35, v1;
	v54 =	vld.idx.msk [tilespmem:v55+s7+$0x0], $0xffff  }
0x174: {  	v57 =	vadd.s32 v4, v62;
	v43 =	vadd.f32 v45, v43;
	v40 =	vld.idx.msk [tilespmem:v60+s14+$0x0], $0xffff  }
0x175: {  	v41 =	vadd.f32 v42, v41;
	v44 =	vld.idx.msk [tilespmem:v44+s7+$0x0], $0xffff;
	v60 =	vadd.s32 v4, v56  }
0x176: {  	v39 =	vld.idx.msk [tilespmem:v61+s14+$0x0], $0xffff;
	v61 =	vadd.s32 v5, v62;
	[tilespmem:v47+s15+$0x0] =	vst.idx.msk $0xffff, v43  }
0x177: {  	v43 =	vadd.s32 v5, v56;
	[tilespmem:v63+s15+$0x0] =	vst.idx.msk $0xffff, v41;
	v41 =	vor.u32 $0x2, v53  }
0x178: {  	v62 =	vor.u32 $0x2, v51;
	v47 =	vperm.xlane v36, v0  }
0x179: {  	v63 =	vperm.xlane v35, v0;
	v49 =	vld.idx.msk [tilespmem:v57+s7+$0x0], $0xffff  }
0x17a: {  	v48 =	vadd.f32 v48, v50;
	v45 =	vld.idx.msk [tilespmem:v60+s14+$0x0], $0xffff;
	v60 =	vadd.s32 v4, v47  }
0x17b: {  	v46 =	vadd.f32 v52, v46;
	v42 =	vld.idx.msk [tilespmem:v61+s7+$0x0], $0xffff;
	v61 =	vadd.s32 v4, v63  }
0x17c: {  	v47 =	vadd.s32 v5, v47;
	v43 =	vld.idx.msk [tilespmem:v43+s14+$0x0], $0xffff;
	[tilespmem:v41+s15+$0x0] =	vst.idx.msk $0xffff, v48  }
0x17d: {  	v41 =	vadd.s32 v5, v63;
	[tilespmem:v62+s15+$0x0] =	vst.idx.msk $0xffff, v46;
	v46 =	vor.u32 $0x3, v53  }
0x17e: {  	v55 =	vor.u32 $0x3, v51;
	v62 =	vperm.xlane v36, v12  }
0x17f: {  	v63 =	vperm.xlane v35, v12;
	v52 =	vld.idx.msk [tilespmem:v60+s7+$0x0], $0xffff  }
0x180: {  	v40 =	vadd.f32 v40, v54;
	v50 =	vld.idx.msk [tilespmem:v61+s14+$0x0], $0xffff;
	v60 =	vadd.s32 v4, v62  }
0x181: {  	v39 =	vadd.f32 v39, v44;
	v47 =	vld.idx.msk [tilespmem:v47+s7+$0x0], $0xffff;
	v61 =	vadd.s32 v4, v63  }
0x182: {  	v62 =	vadd.s32 v5, v62;
	v41 =	vld.idx.msk [tilespmem:v41+s14+$0x0], $0xffff;
	[tilespmem:v46+s15+$0x0] =	vst.idx.msk $0xffff, v40  }
0x183: {  	v40 =	vadd.s32 v5, v63;
	[tilespmem:v55+s15+$0x0] =	vst.idx.msk $0xffff, v39;
	v39 =	vor.u32 $0x4, v53  }
0x184: {  	v63 =	vperm.xlane v36, v27;
	v55 =	vor.u32 $0x4, v51  }
0x185: {  	v48 =	vld.idx.msk [tilespmem:v60+s7+$0x0], $0xffff;
	v60 =	vperm.xlane v35, v27  }
0x186: {  	v45 =	vadd.f32 v45, v49;
	v54 =	vld.idx.msk [tilespmem:v61+s14+$0x0], $0xffff;
	v61 =	vadd.s32 v4, v63  }
0x187: {  	v42 =	vadd.f32 v43, v42;
	v44 =	vld.idx.msk [tilespmem:v62+s7+$0x0], $0xffff;
	v62 =	vadd.s32 v4, v60  }
0x188: {  	v63 =	vadd.s32 v5, v63;
	v40 =	vld.idx.msk [tilespmem:v40+s14+$0x0], $0xffff;
	[tilespmem:v39+s15+$0x0] =	vst.idx.msk $0xffff, v45  }
0x189: {  	v39 =	vadd.s32 v5, v60;
	[tilespmem:v55+s15+$0x0] =	vst.idx.msk $0xffff, v42;
	v42 =	vor.u32 $0x5, v53  }
0x18a: {  	v45 =	vperm.xlane v36, v28;
	v60 =	vor.u32 $0x5, v51  }
0x18b: {  	v46 =	vld.idx.msk [tilespmem:v61+s7+$0x0], $0xffff;
	v61 =	vperm.xlane v35, v28  }
0x18c: {  	v50 =	vadd.f32 v50, v52;
	v49 =	vld.idx.msk [tilespmem:v62+s14+$0x0], $0xffff;
	v62 =	vadd.s32 v4, v45  }
0x18d: {  	v41 =	vadd.f32 v41, v47;
	v43 =	vld.idx.msk [tilespmem:v63+s7+$0x0], $0xffff;
	v63 =	vadd.s32 v4, v61  }
0x18e: {  	v45 =	vadd.s32 v5, v45;
	v39 =	vld.idx.msk [tilespmem:v39+s14+$0x0], $0xffff;
	[tilespmem:v42+s15+$0x0] =	vst.idx.msk $0xffff, v50  }
0x18f: {  	v42 =	vadd.s32 v5, v61;
	[tilespmem:v60+s15+$0x0] =	vst.idx.msk $0xffff, v41;
	v41 =	vor.u32 $0x6, v53  }
0x190: {  	v61 =	vor.u32 $0x6, v51;
	v60 =	vperm.xlane v36, v2  }
0x191: {  	v50 =	vld.idx.msk [tilespmem:v62+s7+$0x0], $0xffff  }
0x192: {  	v48 =	vadd.f32 v54, v48;
	v62 =	vperm.xlane v35, v2;
	v52 =	vld.idx.msk [tilespmem:v63+s14+$0x0], $0xffff;
	v63 =	vadd.s32 v4, v60  }
0x193: {  	v40 =	vadd.f32 v40, v44;
	v45 =	vld.idx.msk [tilespmem:v45+s7+$0x0], $0xffff;
	v44 =	vadd.s32 v5, v60  }
0x194: {  	v59 =	vadd.s32 v4, v62;
	v42 =	vld.idx.msk [tilespmem:v42+s14+$0x0], $0xffff;
	[tilespmem:v41+s15+$0x0] =	vst.idx.msk $0xffff, v48  }
0x195: {  	s30 =	sor.u32 $0x8, s28;
	v60 =	vperm.xlane v36, v13;
	v41 =	vadd.s32 v5, v62;
	[tilespmem:v61+s15+$0x0] =	vst.idx.msk $0xffff, v40;
	v40 =	vor.u32 $0x7, v53  }
0x196: {  	v51 =	vor.u32 $0x7, v51;
	v62 =	vmov s30  }
0x197: {  	v61 =	vperm.xlane v35, v13;
	v55 =	vshrl.u32 v62, $0x3;
	v48 =	vld.idx.msk [tilespmem:v63+s7+$0x0], $0xffff;
	v63 =	vadd.s32 v4, v60  }
0x198: {  	v46 =	vadd.f32 v49, v46;
	v39 =	vadd.f32 v39, v43;
	v44 =	vld.idx.msk [tilespmem:v44+s7+$0x0], $0xffff;
	v55 =	vshll.u32 v55, v9  }
0x199: {  	v54 =	vld.idx.msk [tilespmem:v59+s14+$0x0], $0xffff;
	v58 =	vadd.s32 v4, v61;
	v59 =	vadd.s32 v5, v60;
	v60 =	vbroadcast v55, $0x0  }
0x19a: {  	v62 =	vperm.xlane v36, v14;
	v41 =	vld.idx.msk [tilespmem:v41+s14+$0x0], $0xffff;
	[tilespmem:v40+s15+$0x0] =	vst.idx.msk $0xffff, v46  }
0x19b: {  	v61 =	vadd.s32 v5, v61;
	v37 =	vadd.s32 v37, v60;
	[tilespmem:v51+s15+$0x0] =	vst.idx.msk $0xffff, v39  }
0x19c: {  	v38 =	vadd.s32 v38, v60;
	v46 =	vld.idx.msk [tilespmem:v63+s7+$0x0], $0xffff;
	v63 =	vperm.xlane v35, v14  }
0x19d: {  	v56 =	vadd.s32 v4, v62  }
0x19e: {  	v50 =	vadd.f32 v52, v50;
	v49 =	vld.idx.msk [tilespmem:v58+s14+$0x0], $0xffff;
	v57 =	vadd.s32 v4, v63  }
0x19f: {  	v42 =	vadd.f32 v42, v45;
	v60 =	vperm.xlane v36, v15;
	v43 =	vld.idx.msk [tilespmem:v59+s7+$0x0], $0xffff;
	v58 =	vadd.s32 v5, v63  }
0x1a0: {  	v39 =	vadd.s32 v5, v62;
	v40 =	vld.idx.msk [tilespmem:v61+s14+$0x0], $0xffff;
	v59 =	vor.u32 $0x1, v37;
	[tilespmem:v37+s15+$0x0] =	vst.idx.msk $0xffff, v50  }
0x1a1: {  	v62 =	vperm.xlane v35, v15;
	v61 =	vor.u32 $0x1, v38;
	[tilespmem:v38+s15+$0x0] =	vst.idx.msk $0xffff, v42  }
0x1a2: {  	v63 =	vadd.s32 v4, v60;
	v50 =	vld.idx.msk [tilespmem:v56+s7+$0x0], $0xffff  }
0x1a3: {  	v48 =	vadd.f32 v54, v48;
	v52 =	vld.idx.msk [tilespmem:v57+s14+$0x0], $0xffff;
	v57 =	vadd.s32 v4, v62  }
0x1a4: {  	v41 =	vadd.f32 v41, v44;
	v45 =	vld.idx.msk [tilespmem:v58+s14+$0x0], $0xffff;
	v58 =	vadd.s32 v5, v60  }
0x1a5: {  	v39 =	vld.idx.msk [tilespmem:v39+s7+$0x0], $0xffff;
	[tilespmem:v59+s15+$0x0] =	vst.idx.msk $0xffff, v48;
	v59 =	vadd.s32 v5, v62;
	v60 =	vor.u32 $0x2, v37  }
0x1a6: {  	[tilespmem:v61+s15+$0x0] =	vst.idx.msk $0xffff, v41;
	v61 =	vperm.xlane v36, v16  }
0x1a7: {  	v62 =	vor.u32 $0x2, v38;
	v48 =	vld.idx.msk [tilespmem:v63+s7+$0x0], $0xffff;
	v63 =	vperm.xlane v35, v16  }
0x1a8: {  	v46 =	vadd.f32 v49, v46;
	v54 =	vld.idx.msk [tilespmem:v57+s14+$0x0], $0xffff;
	v57 =	vadd.s32 v4, v61  }
0x1a9: {  	v44 =	vld.idx.msk [tilespmem:v58+s7+$0x0], $0xffff;
	v58 =	vadd.s32 v4, v63  }
0x1aa: {  	v40 =	vadd.f32 v40, v43;
	v42 =	vld.idx.msk [tilespmem:v59+s14+$0x0], $0xffff;
	[tilespmem:v60+s15+$0x0] =	vst.idx.msk $0xffff, v46;
	v60 =	vadd.s32 v5, v63  }
0x1ab: {  	v59 =	vadd.s32 v5, v61  }
0x1ac: {  	v61 =	vor.u32 $0x3, v37;
	[tilespmem:v62+s15+$0x0] =	vst.idx.msk $0xffff, v40;
	v62 =	vperm.xlane v36, v17  }
0x1ad: {  	v63 =	vor.u32 $0x3, v38;
	v47 =	vld.idx.msk [tilespmem:v57+s7+$0x0], $0xffff  }
0x1ae: {  	v57 =	vperm.xlane v35, v17;
	v49 =	vld.idx.msk [tilespmem:v58+s14+$0x0], $0xffff;
	v58 =	vadd.s32 v4, v62  }
0x1af: {  	v50 =	vadd.f32 v52, v50;
	v41 =	vld.idx.msk [tilespmem:v60+s14+$0x0], $0xffff;
	v60 =	vadd.s32 v5, v62  }
0x1b0: {  	v39 =	vadd.f32 v45, v39;
	v43 =	vld.idx.msk [tilespmem:v59+s7+$0x0], $0xffff;
	v59 =	vadd.s32 v4, v57  }
0x1b1: {  	v36 =	vperm.xlane v36, v18;
	[tilespmem:v61+s15+$0x0] =	vst.idx.msk $0xffff, v50;
	v62 =	vor.u32 $0x4, v37;
	v61 =	vadd.s32 v5, v57  }
0x1b2: {  	v35 =	vperm.xlane v35, v18;
	[tilespmem:v63+s15+$0x0] =	vst.idx.msk $0xffff, v39;
	v63 =	vor.u32 $0x4, v38  }
0x1b3: {  	v56 =	vadd.s32 v4, v36;
	v46 =	vld.idx.msk [tilespmem:v58+s7+$0x0], $0xffff  }
0x1b4: {  	v48 =	vadd.f32 v54, v48;
	v57 =	vadd.s32 v4, v35;
	v45 =	vld.idx.msk [tilespmem:v60+s7+$0x0], $0xffff  }
0x1b5: {  	v36 =	vadd.s32 v5, v36;
	v42 =	vadd.f32 v42, v44;
	v51 =	vld.idx.msk [tilespmem:v59+s14+$0x0], $0xffff  }
0x1b6: {  	v35 =	vadd.s32 v5, v35;
	v40 =	vld.idx.msk [tilespmem:v61+s14+$0x0], $0xffff;
	[tilespmem:v62+s15+$0x0] =	vst.idx.msk $0xffff, v48  }
0x1b7: {  	[tilespmem:v63+s15+$0x0] =	vst.idx.msk $0xffff, v42  }
0x1b8: {  	v58 =	vor.u32 $0x5, v37;
	v39 =	vld.idx.msk [tilespmem:v56+s7+$0x0], $0xffff  }
0x1b9: {  	v60 =	vor.u32 $0x5, v38;
	v59 =	vld.idx.msk [tilespmem:v57+s14+$0x0], $0xffff  }
0x1ba: {  	v61 =	vor.u32 $0x6, v37;
	v36 =	vld.idx.msk [tilespmem:v36+s7+$0x0], $0xffff  }
0x1bb: {  	v47 =	vadd.f32 v49, v47;
	v62 =	vor.u32 $0x6, v38;
	v35 =	vld.idx.msk [tilespmem:v35+s14+$0x0], $0xffff  }
0x1bc: {  	v41 =	vadd.f32 v41, v43;
	v37 =	vor.u32 $0x7, v37  }
0x1bd: {  	p2 =	sne.s32 s29, $0x27;
	v38 =	vor.u32 $0x7, v38;
	[tilespmem:v58+s15+$0x0] =	vst.idx.msk $0xffff, v47;
	v63 =	vadd.f32 v51, v46  }
.Ltmp3:
0x1be: {  	[tilespmem:v60+s15+$0x0] =	vst.idx.msk $0xffff, v41;
	v40 =	vadd.f32 v40, v45;
	(pc) =	sbr.rel @p2 .LBB2_5-.Ltmp3, $4  }
0x1bf: {  	[tilespmem:v61+s15+$0x0] =	vst.idx.msk $0xffff, v63;
	v39 =	vadd.f32 v59, v39  }
0x1c0: {  	v35 =	vadd.f32 v35, v36;
	[tilespmem:v62+s15+$0x0] =	vst.idx.msk $0xffff, v40  }
0x1c1: {  	[tilespmem:v37+s15+$0x0] =	vst.idx.msk $0xffff, v39  }
0x1c2: {  	s26 =	sadd.s32 $0x10, s26;
	s25 =	sadd.s32 $0x10, s25;
	s29 =	sadd.s32 $0x1, s29;
	[tilespmem:v38+s15+$0x0] =	vst.idx.msk $0xffff, v35  }
0x1c3: {  	s25 =	smul.u32 $0x500, s6;
	_ =	sdelay $0x1  }
0x1c4: {  	s26 =	sadd.s32 s8, s25  }
0x1c5: {  	s20 =	simm.s32 $0xF080;
	s28 =	sadd.s32 s5, s26  }
0x1c6: {  	s29 =	simm.s32 $0x10;
	s30 =	simm.s32 $0xF108;
	s21 =	sadd.s32 $0x0, s28  }
.LBB2_7:
0x1c7: {  	[hbm4b:s21+s7] =	stream.linear.scatter [tilespmem:s20], [sflag:$0x3], $0x80, $0x38;
	[tilespmem:$0x19A80] =	vst v63  }
0x1c8: {  	s19 =	smov.u32 s29;
	s20 =	smov.u32 s30;
	p2 =	sne.s32 s29, $0x270  }
.Ltmp4:
0x1c9: {  	s29 =	sadd.s32 $0x10, s29;
	(pc) =	sbr.rel @p2 .LBB2_7-.Ltmp4, $2  }
0x1ca: {  	_ =	sdelay $0x2  }
0x1cb: {  	s30 =	sadd.s32 $0x88, s30;
	s21 =	sadd.s32 s19, s28  }
0x1cc: {  	[hbm4b:s21+s7] =	stream.linear.scatter [tilespmem:s20], [sflag:$0x3], $0x80, $0x38;
	[tilespmem:$0x19A80] =	vst v63  }
0x1cd: {  	s28 =	sadd.s32 s26, s31;
	s20 =	simm.s32 $0x105C0  }
0x1ce: {  	s29 =	simm.s32 $0x10;
	s30 =	simm.s32 $0x10648;
	s21 =	sadd.s32 $0x0, s28  }
.LBB2_9:
0x1cf: {  	[hbm4b:s21+s7] =	stream.linear.scatter [tilespmem:s20], [sflag:$0x3], $0x80, $0x38;
	[tilespmem:$0x19A80] =	vst v63  }
0x1d0: {  	s19 =	smov.u32 s29;
	s20 =	smov.u32 s30;
	p2 =	sne.s32 s29, $0x270  }
.Ltmp5:
0x1d1: {  	s29 =	sadd.s32 $0x10, s29;
	(pc) =	sbr.rel @p2 .LBB2_9-.Ltmp5, $2  }
0x1d2: {  	_ =	sdelay $0x2  }
0x1d3: {  	s30 =	sadd.s32 $0x88, s30;
	s21 =	sadd.s32 s19, s28  }
0x1d4: {  	[hbm4b:s21+s7] =	stream.linear.scatter [tilespmem:s20], [sflag:$0x3], $0x80, $0x38;
	[tilespmem:$0x19A80] =	vst v63  }
0x1d5: {  	s28 =	sadd.s32 s26, s4;
	s20 =	simm.s32 $0x11B00  }
0x1d6: {  	s29 =	simm.s32 $0x10;
	s30 =	simm.s32 $0x11B88;
	s21 =	sadd.s32 $0x0, s28  }
.LBB2_11:
0x1d7: {  	[hbm4b:s21+s7] =	stream.linear.scatter [tilespmem:s20], [sflag:$0x3], $0x80, $0x38;
	[tilespmem:$0x19A80] =	vst v63  }
0x1d8: {  	s19 =	smov.u32 s29;
	s20 =	smov.u32 s30;
	p2 =	sne.s32 s29, $0x270  }
.Ltmp6:
0x1d9: {  	s29 =	sadd.s32 $0x10, s29;
	(pc) =	sbr.rel @p2 .LBB2_11-.Ltmp6, $2  }
0x1da: {  	_ =	sdelay $0x2  }
0x1db: {  	s30 =	sadd.s32 $0x88, s30;
	s21 =	sadd.s32 s19, s28  }
0x1dc: {  	[hbm4b:s21+s7] =	stream.linear.scatter [tilespmem:s20], [sflag:$0x3], $0x80, $0x38;
	[tilespmem:$0x19A80] =	vst v63  }
0x1dd: {  	s26 =	sadd.s32 s26, s22;
	s20 =	simm.s32 $0x13040  }
0x1de: {  	s28 =	simm.s32 $0x10;
	s29 =	simm.s32 $0x130C8;
	s21 =	sadd.s32 $0x0, s26  }
.LBB2_13:
0x1df: {  	[hbm4b:s21+s7] =	stream.linear.scatter [tilespmem:s20], [sflag:$0x3], $0x80, $0x38;
	[tilespmem:$0x19A80] =	vst v63  }
0x1e0: {  	s19 =	smov.u32 s28;
	s20 =	smov.u32 s29;
	p2 =	sne.s32 s28, $0x270  }
.Ltmp7:
0x1e1: {  	s28 =	sadd.s32 $0x10, s28;
	(pc) =	sbr.rel @p2 .LBB2_13-.Ltmp7, $2  }
0x1e2: {  	_ =	sdelay $0x2  }
0x1e3: {  	s29 =	sadd.s32 $0x88, s29;
	s21 =	sadd.s32 s19, s26  }
0x1e4: {  	[hbm4b:s21+s7] =	stream.linear.scatter [tilespmem:s20], [sflag:$0x3], $0x80, $0x38;
	[tilespmem:$0x19A80] =	vst v63  }
0x1e5: {  	p2 =	seq.s32 s6, $0x26  }
0x1e6: {  	s19 =	sadd.s32 @!p2 s25, s23  }
0x1e7: {  	s19 =	sshrl.u32 @!p2 s19, $0x3  }
0x1e8: {  	s21 =	simm.s32 @!p2 $0x0;
	s26 =	simm.s32 @!p2 $0xDC80;
	s20 =	sadd.s32 @!p2 s0, s19  }
0x1e9: {  	[tilespmem:s26], [sflag:$0x1] =	stream.linear.gather @!p2 [hbm4b:s20+s21], $0x280, $0x38;
	[tilespmem:$0x19A80] =	vst v63  }
0x1ea: {  	s20 =	sadd.s32 @!p2 s1, s19;
	s26 =	simm.s32 @!p2 $0xDF00  }
0x1eb: {  	[tilespmem:s26], [sflag:$0x1] =	stream.linear.gather @!p2 [hbm4b:s20+s21], $0x280, $0x38;
	[tilespmem:$0x19A80] =	vst v63  }
0x1ec: {  	s20 =	sadd.s32 @!p2 s2, s19;
	s26 =	simm.s32 @!p2 $0xE180  }
0x1ed: {  	[tilespmem:s26], [sflag:$0x1] =	stream.linear.gather @!p2 [hbm4b:s20+s21], $0x280, $0x38;
	[tilespmem:$0x19A80] =	vst v63  }
0x1ee: {  	s19 =	sadd.s32 @!p2 s3, s19;
	s20 =	simm.s32 @!p2 $0xE400  }
0x1ef: {  	[tilespmem:s20], [sflag:$0x1] =	stream.linear.gather @!p2 [hbm4b:s19+s21], $0x280, $0x38;
	[tilespmem:$0x19A80] =	vst v63  }
0x1f0: {  	_ =	swait.ge [sflag:s17], $0x280  }
0x1f1: {  	[sflag:s17] =	ssyncset.done $0x0  }
0x1f2: {  	[sflag:s17] =	ssyncadd.s32 $0xFFFFFD80  }
0x1f3: {  	_ =	swait.ge [sflag:s17], $0x280  }
0x1f4: {  	[sflag:s17] =	ssyncset.done $0x0  }
0x1f5: {  	[sflag:s17] =	ssyncadd.s32 $0xFFFFFD80  }
0x1f6: {  	_ =	swait.ge [sflag:s17], $0x280  }
0x1f7: {  	[sflag:s17] =	ssyncset.done $0x0  }
0x1f8: {  	[sflag:s17] =	ssyncadd.s32 $0xFFFFFD80  }
0x1f9: {  	_ =	swait.ge [sflag:s17], $0x280  }
0x1fa: {  	[sflag:s17] =	ssyncset.done $0x0  }
0x1fb: {  	s19 =	simm.s32 @!p1 $0x4;
	[sflag:s17] =	ssyncadd.s32 $0xFFFFFD80  }
0x1fc: {  	_ =	swait.ge @!p1 [sflag:s19], $0x1400  }
0x1fd: {  	[sflag:s19] =	ssyncset.done @!p1 $0x0  }
0x1fe: {  	[sflag:s19] =	ssyncadd.s32 @!p1 $0xFFFFEC00  }
0x1ff: {  	_ =	swait.ge @!p1 [sflag:s19], $0x1400  }
0x200: {  	[sflag:s19] =	ssyncset.done @!p1 $0x0  }
0x201: {  	[sflag:s19] =	ssyncadd.s32 @!p1 $0xFFFFEC00  }
0x202: {  	_ =	swait.ge @!p1 [sflag:s19], $0x1400  }
0x203: {  	[sflag:s19] =	ssyncset.done @!p1 $0x0  }
0x204: {  	[sflag:s19] =	ssyncadd.s32 @!p1 $0xFFFFEC00  }
0x205: {  	_ =	swait.ge @!p1 [sflag:s19], $0x1400  }
0x206: {  	s29 =	simm.s32 $0xE680;
	[sflag:s19] =	ssyncset.done @!p1 $0x0  }
0x207: {  	s30 =	simm.s32 $0x0;
	s26 =	simm.s32 $0x0;
	[sflag:s19] =	ssyncadd.s32 @!p1 $0xFFFFEC00  }
.LBB2_15:
0x208: {  	v35 =	vld [tilespmem:s29+$0x280]  }
0x209: {  	v36 =	vld [tilespmem:s29+$0x500]  }
0x20a: {  	v37 =	vld [tilespmem:s29+$0x0];
	_ =	sdelay $0x1  }
0x20b: {  	v38 =	vld [tilespmem:s29+$0x780]  }
0x20c: {  	v35 =	vshll.u32 v35, $0x4  }
0x20d: {  	v35 =	vadd.s32 v36, v35  }
0x20e: {  	v36 =	vshll.u32 v37, $0x5;
	v35 =	vmul.u32 $0x9, v35  }
0x20f: {  	v37 =	vperm.xlane v36, v3  }
0x210: {  	v35 =	vadd.s32 v38, v35  }
0x211: {  	v41 =	vperm.xlane v36, v6;
	v39 =	vadd.s32 v4, v37;
	v35 =	vshll.u32 v35, $0x5  }
0x212: {  	v37 =	vadd.s32 v5, v37;
	v55 =	vperm.xlane v35, v3  }
0x213: {  	v43 =	vadd.s32 v4, v41  }
0x214: {  	s19 =	sshrl.u32 s30, $0x3;
	v38 =	vadd.s32 v5, v55  }
0x215: {  	v44 =	vmov s19;
	v46 =	vperm.xlane v36, v7;
	v40 =	vadd.s32 v4, v55  }
0x216: {  	s28 =	sand.u32 $0x70, s26;
	v44 =	vmul.u32 $0x440, v44;
	v41 =	vadd.s32 v5, v41;
	v39 =	vld.idx.msk [tilespmem:v39+s7+$0x0], $0xffff  }
0x217: {  	v48 =	vmov s28;
	v50 =	vadd.s32 v4, v46;
	v42 =	vperm.xlane v35, v6;
	v47 =	vld.idx.msk [tilespmem:v37+s7+$0x0], $0xffff  }
0x218: {  	v57 =	vshrl.u32 v48, $0x3;
	v44 =	vbroadcast v44, $0x0;
	v46 =	vadd.s32 v5, v46;
	v43 =	vld.idx.msk [tilespmem:v43+s7+$0x0], $0xffff  }
0x219: {  	v56 =	vperm.xlane v35, v7;
	v45 =	vadd.s32 v4, v42;
	v49 =	vld.idx.msk [tilespmem:v38+s14+$0x0], $0xffff;
	v38 =	vshll.u32 v57, v9  }
0x21a: {  	v42 =	vadd.s32 v5, v42;
	v40 =	vld.idx.msk [tilespmem:v40+s14+$0x0], $0xffff;
	v51 =	vbroadcast v38, $0x0  }
0x21b: {  	v58 =	vadd.s32 v4, v56;
	v41 =	vld.idx.msk [tilespmem:v41+s7+$0x0], $0xffff;
	v37 =	vadd.s32 v8, v44  }
0x21c: {  	v52 =	vadd.s32 v5, v56;
	v50 =	vld.idx.msk [tilespmem:v50+s7+$0x0], $0xffff;
	v38 =	vadd.s32 v10, v44;
	v53 =	vadd.s32 v37, v51  }
0x21d: {  	v59 =	vperm.xlane v36, v11;
	v46 =	vld.idx.msk [tilespmem:v46+s7+$0x0], $0xffff;
	v51 =	vadd.s32 v38, v51  }
0x21e: {  	v54 =	vperm.xlane v35, v11;
	v45 =	vld.idx.msk [tilespmem:v45+s14+$0x0], $0xffff  }
0x21f: {  	v55 =	vadd.s32 v4, v59;
	v42 =	vld.idx.msk [tilespmem:v42+s14+$0x0], $0xffff;
	v39 =	vadd.f32 v40, v39  }
0x220: {  	v60 =	vadd.s32 v4, v54;
	v48 =	vld.idx.msk [tilespmem:v58+s14+$0x0], $0xffff;
	v47 =	vadd.f32 v49, v47  }
0x221: {  	v52 =	vld.idx.msk [tilespmem:v52+s14+$0x0], $0xffff;
	v44 =	vadd.s32 v5, v59;
	[tilespmem:v53+s18+$0x0] =	vst.idx.msk $0xffff, v39  }
0x222: {  	v61 =	vadd.s32 v5, v54;
	[tilespmem:v51+s18+$0x0] =	vst.idx.msk $0xffff, v47;
	v47 =	vor.u32 $0x1, v53  }
0x223: {  	v62 =	vperm.xlane v36, v1;
	v63 =	vor.u32 $0x1, v51  }
0x224: {  	v56 =	vperm.xlane v35, v1;
	v54 =	vld.idx.msk [tilespmem:v55+s7+$0x0], $0xffff  }
0x225: {  	v57 =	vadd.s32 v4, v62;
	v43 =	vadd.f32 v45, v43;
	v40 =	vld.idx.msk [tilespmem:v60+s14+$0x0], $0xffff  }
0x226: {  	v41 =	vadd.f32 v42, v41;
	v44 =	vld.idx.msk [tilespmem:v44+s7+$0x0], $0xffff;
	v60 =	vadd.s32 v4, v56  }
0x227: {  	v39 =	vld.idx.msk [tilespmem:v61+s14+$0x0], $0xffff;
	v61 =	vadd.s32 v5, v62;
	[tilespmem:v47+s18+$0x0] =	vst.idx.msk $0xffff, v43  }
0x228: {  	v43 =	vadd.s32 v5, v56;
	[tilespmem:v63+s18+$0x0] =	vst.idx.msk $0xffff, v41;
	v41 =	vor.u32 $0x2, v53  }
0x229: {  	v62 =	vor.u32 $0x2, v51;
	v47 =	vperm.xlane v36, v0  }
0x22a: {  	v63 =	vperm.xlane v35, v0;
	v49 =	vld.idx.msk [tilespmem:v57+s7+$0x0], $0xffff  }
0x22b: {  	v48 =	vadd.f32 v48, v50;
	v45 =	vld.idx.msk [tilespmem:v60+s14+$0x0], $0xffff;
	v60 =	vadd.s32 v4, v47  }
0x22c: {  	v46 =	vadd.f32 v52, v46;
	v42 =	vld.idx.msk [tilespmem:v61+s7+$0x0], $0xffff;
	v61 =	vadd.s32 v4, v63  }
0x22d: {  	v47 =	vadd.s32 v5, v47;
	v43 =	vld.idx.msk [tilespmem:v43+s14+$0x0], $0xffff;
	[tilespmem:v41+s18+$0x0] =	vst.idx.msk $0xffff, v48  }
0x22e: {  	v41 =	vadd.s32 v5, v63;
	[tilespmem:v62+s18+$0x0] =	vst.idx.msk $0xffff, v46;
	v46 =	vor.u32 $0x3, v53  }
0x22f: {  	v55 =	vor.u32 $0x3, v51;
	v62 =	vperm.xlane v36, v12  }
0x230: {  	v63 =	vperm.xlane v35, v12;
	v52 =	vld.idx.msk [tilespmem:v60+s7+$0x0], $0xffff  }
0x231: {  	v40 =	vadd.f32 v40, v54;
	v50 =	vld.idx.msk [tilespmem:v61+s14+$0x0], $0xffff;
	v60 =	vadd.s32 v4, v62  }
0x232: {  	v39 =	vadd.f32 v39, v44;
	v47 =	vld.idx.msk [tilespmem:v47+s7+$0x0], $0xffff;
	v61 =	vadd.s32 v4, v63  }
0x233: {  	v62 =	vadd.s32 v5, v62;
	v41 =	vld.idx.msk [tilespmem:v41+s14+$0x0], $0xffff;
	[tilespmem:v46+s18+$0x0] =	vst.idx.msk $0xffff, v40  }
0x234: {  	v40 =	vadd.s32 v5, v63;
	[tilespmem:v55+s18+$0x0] =	vst.idx.msk $0xffff, v39;
	v39 =	vor.u32 $0x4, v53  }
0x235: {  	v63 =	vperm.xlane v36, v27;
	v55 =	vor.u32 $0x4, v51  }
0x236: {  	v48 =	vld.idx.msk [tilespmem:v60+s7+$0x0], $0xffff;
	v60 =	vperm.xlane v35, v27  }
0x237: {  	v45 =	vadd.f32 v45, v49;
	v54 =	vld.idx.msk [tilespmem:v61+s14+$0x0], $0xffff;
	v61 =	vadd.s32 v4, v63  }
0x238: {  	v42 =	vadd.f32 v43, v42;
	v44 =	vld.idx.msk [tilespmem:v62+s7+$0x0], $0xffff;
	v62 =	vadd.s32 v4, v60  }
0x239: {  	v63 =	vadd.s32 v5, v63;
	v40 =	vld.idx.msk [tilespmem:v40+s14+$0x0], $0xffff;
	[tilespmem:v39+s18+$0x0] =	vst.idx.msk $0xffff, v45  }
0x23a: {  	v39 =	vadd.s32 v5, v60;
	[tilespmem:v55+s18+$0x0] =	vst.idx.msk $0xffff, v42;
	v42 =	vor.u32 $0x5, v53  }
0x23b: {  	v45 =	vperm.xlane v36, v28;
	v60 =	vor.u32 $0x5, v51  }
0x23c: {  	v46 =	vld.idx.msk [tilespmem:v61+s7+$0x0], $0xffff;
	v61 =	vperm.xlane v35, v28  }
0x23d: {  	v50 =	vadd.f32 v50, v52;
	v49 =	vld.idx.msk [tilespmem:v62+s14+$0x0], $0xffff;
	v62 =	vadd.s32 v4, v45  }
0x23e: {  	v41 =	vadd.f32 v41, v47;
	v43 =	vld.idx.msk [tilespmem:v63+s7+$0x0], $0xffff;
	v63 =	vadd.s32 v4, v61  }
0x23f: {  	v45 =	vadd.s32 v5, v45;
	v39 =	vld.idx.msk [tilespmem:v39+s14+$0x0], $0xffff;
	[tilespmem:v42+s18+$0x0] =	vst.idx.msk $0xffff, v50  }
0x240: {  	v42 =	vadd.s32 v5, v61;
	[tilespmem:v60+s18+$0x0] =	vst.idx.msk $0xffff, v41;
	v41 =	vor.u32 $0x6, v53  }
0x241: {  	v61 =	vor.u32 $0x6, v51;
	v60 =	vperm.xlane v36, v2  }
0x242: {  	v50 =	vld.idx.msk [tilespmem:v62+s7+$0x0], $0xffff  }
0x243: {  	v48 =	vadd.f32 v54, v48;
	v62 =	vperm.xlane v35, v2;
	v52 =	vld.idx.msk [tilespmem:v63+s14+$0x0], $0xffff;
	v63 =	vadd.s32 v4, v60  }
0x244: {  	v40 =	vadd.f32 v40, v44;
	v45 =	vld.idx.msk [tilespmem:v45+s7+$0x0], $0xffff;
	v44 =	vadd.s32 v5, v60  }
0x245: {  	v59 =	vadd.s32 v4, v62;
	v42 =	vld.idx.msk [tilespmem:v42+s14+$0x0], $0xffff;
	[tilespmem:v41+s18+$0x0] =	vst.idx.msk $0xffff, v48  }
0x246: {  	s28 =	sor.u32 $0x8, s28;
	v60 =	vperm.xlane v36, v13;
	v41 =	vadd.s32 v5, v62;
	[tilespmem:v61+s18+$0x0] =	vst.idx.msk $0xffff, v40;
	v40 =	vor.u32 $0x7, v53  }
0x247: {  	v51 =	vor.u32 $0x7, v51;
	v62 =	vmov s28  }
0x248: {  	v61 =	vperm.xlane v35, v13;
	v55 =	vshrl.u32 v62, $0x3;
	v48 =	vld.idx.msk [tilespmem:v63+s7+$0x0], $0xffff;
	v63 =	vadd.s32 v4, v60  }
0x249: {  	v46 =	vadd.f32 v49, v46;
	v39 =	vadd.f32 v39, v43;
	v44 =	vld.idx.msk [tilespmem:v44+s7+$0x0], $0xffff;
	v55 =	vshll.u32 v55, v9  }
0x24a: {  	v54 =	vld.idx.msk [tilespmem:v59+s14+$0x0], $0xffff;
	v58 =	vadd.s32 v4, v61;
	v59 =	vadd.s32 v5, v60;
	v60 =	vbroadcast v55, $0x0  }
0x24b: {  	v62 =	vperm.xlane v36, v14;
	v41 =	vld.idx.msk [tilespmem:v41+s14+$0x0], $0xffff;
	[tilespmem:v40+s18+$0x0] =	vst.idx.msk $0xffff, v46  }
0x24c: {  	v61 =	vadd.s32 v5, v61;
	v37 =	vadd.s32 v37, v60;
	[tilespmem:v51+s18+$0x0] =	vst.idx.msk $0xffff, v39  }
0x24d: {  	v38 =	vadd.s32 v38, v60;
	v46 =	vld.idx.msk [tilespmem:v63+s7+$0x0], $0xffff;
	v63 =	vperm.xlane v35, v14  }
0x24e: {  	v56 =	vadd.s32 v4, v62  }
0x24f: {  	v50 =	vadd.f32 v52, v50;
	v49 =	vld.idx.msk [tilespmem:v58+s14+$0x0], $0xffff;
	v57 =	vadd.s32 v4, v63  }
0x250: {  	v42 =	vadd.f32 v42, v45;
	v60 =	vperm.xlane v36, v15;
	v43 =	vld.idx.msk [tilespmem:v59+s7+$0x0], $0xffff;
	v58 =	vadd.s32 v5, v63  }
0x251: {  	v39 =	vadd.s32 v5, v62;
	v40 =	vld.idx.msk [tilespmem:v61+s14+$0x0], $0xffff;
	v59 =	vor.u32 $0x1, v37;
	[tilespmem:v37+s18+$0x0] =	vst.idx.msk $0xffff, v50  }
0x252: {  	v62 =	vperm.xlane v35, v15;
	v61 =	vor.u32 $0x1, v38;
	[tilespmem:v38+s18+$0x0] =	vst.idx.msk $0xffff, v42  }
0x253: {  	v63 =	vadd.s32 v4, v60;
	v50 =	vld.idx.msk [tilespmem:v56+s7+$0x0], $0xffff  }
0x254: {  	v48 =	vadd.f32 v54, v48;
	v52 =	vld.idx.msk [tilespmem:v57+s14+$0x0], $0xffff;
	v57 =	vadd.s32 v4, v62  }
0x255: {  	v41 =	vadd.f32 v41, v44;
	v45 =	vld.idx.msk [tilespmem:v58+s14+$0x0], $0xffff;
	v58 =	vadd.s32 v5, v60  }
0x256: {  	v39 =	vld.idx.msk [tilespmem:v39+s7+$0x0], $0xffff;
	[tilespmem:v59+s18+$0x0] =	vst.idx.msk $0xffff, v48;
	v59 =	vadd.s32 v5, v62;
	v60 =	vor.u32 $0x2, v37  }
0x257: {  	[tilespmem:v61+s18+$0x0] =	vst.idx.msk $0xffff, v41;
	v61 =	vperm.xlane v36, v16  }
0x258: {  	v62 =	vor.u32 $0x2, v38;
	v48 =	vld.idx.msk [tilespmem:v63+s7+$0x0], $0xffff;
	v63 =	vperm.xlane v35, v16  }
0x259: {  	v46 =	vadd.f32 v49, v46;
	v54 =	vld.idx.msk [tilespmem:v57+s14+$0x0], $0xffff;
	v57 =	vadd.s32 v4, v61  }
0x25a: {  	v44 =	vld.idx.msk [tilespmem:v58+s7+$0x0], $0xffff;
	v58 =	vadd.s32 v4, v63  }
0x25b: {  	v40 =	vadd.f32 v40, v43;
	v42 =	vld.idx.msk [tilespmem:v59+s14+$0x0], $0xffff;
	[tilespmem:v60+s18+$0x0] =	vst.idx.msk $0xffff, v46;
	v60 =	vadd.s32 v5, v63  }
0x25c: {  	v59 =	vadd.s32 v5, v61  }
0x25d: {  	v61 =	vor.u32 $0x3, v37;
	[tilespmem:v62+s18+$0x0] =	vst.idx.msk $0xffff, v40;
	v62 =	vperm.xlane v36, v17  }
0x25e: {  	v63 =	vor.u32 $0x3, v38;
	v47 =	vld.idx.msk [tilespmem:v57+s7+$0x0], $0xffff  }
0x25f: {  	v57 =	vperm.xlane v35, v17;
	v49 =	vld.idx.msk [tilespmem:v58+s14+$0x0], $0xffff;
	v58 =	vadd.s32 v4, v62  }
0x260: {  	v50 =	vadd.f32 v52, v50;
	v41 =	vld.idx.msk [tilespmem:v60+s14+$0x0], $0xffff;
	v60 =	vadd.s32 v5, v62  }
0x261: {  	v39 =	vadd.f32 v45, v39;
	v43 =	vld.idx.msk [tilespmem:v59+s7+$0x0], $0xffff;
	v59 =	vadd.s32 v4, v57  }
0x262: {  	v36 =	vperm.xlane v36, v18;
	[tilespmem:v61+s18+$0x0] =	vst.idx.msk $0xffff, v50;
	v62 =	vor.u32 $0x4, v37;
	v61 =	vadd.s32 v5, v57  }
0x263: {  	v35 =	vperm.xlane v35, v18;
	[tilespmem:v63+s18+$0x0] =	vst.idx.msk $0xffff, v39;
	v63 =	vor.u32 $0x4, v38  }
0x264: {  	v56 =	vadd.s32 v4, v36;
	v46 =	vld.idx.msk [tilespmem:v58+s7+$0x0], $0xffff  }
0x265: {  	v48 =	vadd.f32 v54, v48;
	v57 =	vadd.s32 v4, v35;
	v45 =	vld.idx.msk [tilespmem:v60+s7+$0x0], $0xffff  }
0x266: {  	v36 =	vadd.s32 v5, v36;
	v42 =	vadd.f32 v42, v44;
	v51 =	vld.idx.msk [tilespmem:v59+s14+$0x0], $0xffff  }
0x267: {  	v35 =	vadd.s32 v5, v35;
	v40 =	vld.idx.msk [tilespmem:v61+s14+$0x0], $0xffff;
	[tilespmem:v62+s18+$0x0] =	vst.idx.msk $0xffff, v48  }
0x268: {  	[tilespmem:v63+s18+$0x0] =	vst.idx.msk $0xffff, v42  }
0x269: {  	v58 =	vor.u32 $0x5, v37;
	v39 =	vld.idx.msk [tilespmem:v56+s7+$0x0], $0xffff  }
0x26a: {  	v60 =	vor.u32 $0x5, v38;
	v59 =	vld.idx.msk [tilespmem:v57+s14+$0x0], $0xffff  }
0x26b: {  	v61 =	vor.u32 $0x6, v37;
	v36 =	vld.idx.msk [tilespmem:v36+s7+$0x0], $0xffff  }
0x26c: {  	v47 =	vadd.f32 v49, v47;
	v62 =	vor.u32 $0x6, v38;
	v35 =	vld.idx.msk [tilespmem:v35+s14+$0x0], $0xffff  }
0x26d: {  	v41 =	vadd.f32 v41, v43;
	v37 =	vor.u32 $0x7, v37  }
0x26e: {  	p1 =	sne.s32 s30, $0x27;
	v38 =	vor.u32 $0x7, v38;
	[tilespmem:v58+s18+$0x0] =	vst.idx.msk $0xffff, v47;
	v63 =	vadd.f32 v51, v46  }
.Ltmp8:
0x26f: {  	[tilespmem:v60+s18+$0x0] =	vst.idx.msk $0xffff, v41;
	v40 =	vadd.f32 v40, v45;
	(pc) =	sbr.rel @p1 .LBB2_15-.Ltmp8, $4  }
0x270: {  	[tilespmem:v61+s18+$0x0] =	vst.idx.msk $0xffff, v63;
	v39 =	vadd.f32 v59, v39  }
0x271: {  	v35 =	vadd.f32 v35, v36;
	[tilespmem:v62+s18+$0x0] =	vst.idx.msk $0xffff, v40  }
0x272: {  	[tilespmem:v37+s18+$0x0] =	vst.idx.msk $0xffff, v39  }
0x273: {  	s26 =	sadd.s32 $0x10, s26;
	s29 =	sadd.s32 $0x10, s29;
	s30 =	sadd.s32 $0x1, s30;
	[tilespmem:v38+s18+$0x0] =	vst.idx.msk $0xffff, v35  }
0x274: {  	s26 =	sadd.s32 s25, s16  }
0x275: {  	s20 =	simm.s32 $0x14580;
	s28 =	sadd.s32 s5, s26  }
0x276: {  	s29 =	simm.s32 $0x10;
	s30 =	simm.s32 $0x14608;
	s21 =	sadd.s32 $0x0, s28  }
.LBB2_17:
0x277: {  	[hbm4b:s21+s7] =	stream.linear.scatter [tilespmem:s20], [sflag:$0x4], $0x80, $0x38;
	[tilespmem:$0x19A80] =	vst v63  }
0x278: {  	s19 =	smov.u32 s29;
	s20 =	smov.u32 s30;
	p1 =	sne.s32 s29, $0x270  }
.Ltmp9:
0x279: {  	s29 =	sadd.s32 $0x10, s29;
	(pc) =	sbr.rel @p1 .LBB2_17-.Ltmp9, $2  }
0x27a: {  	_ =	sdelay $0x2  }
0x27b: {  	s30 =	sadd.s32 $0x88, s30;
	s21 =	sadd.s32 s19, s28  }
0x27c: {  	[hbm4b:s21+s7] =	stream.linear.scatter [tilespmem:s20], [sflag:$0x4], $0x80, $0x38;
	[tilespmem:$0x19A80] =	vst v63  }
0x27d: {  	s28 =	sadd.s32 s26, s31;
	s20 =	simm.s32 $0x15AC0  }
0x27e: {  	s29 =	simm.s32 $0x10;
	s30 =	simm.s32 $0x15B48;
	s21 =	sadd.s32 $0x0, s28  }
.LBB2_19:
0x27f: {  	[hbm4b:s21+s7] =	stream.linear.scatter [tilespmem:s20], [sflag:$0x4], $0x80, $0x38;
	[tilespmem:$0x19A80] =	vst v63  }
0x280: {  	s19 =	smov.u32 s29;
	s20 =	smov.u32 s30;
	p1 =	sne.s32 s29, $0x270  }
.Ltmp10:
0x281: {  	s29 =	sadd.s32 $0x10, s29;
	(pc) =	sbr.rel @p1 .LBB2_19-.Ltmp10, $2  }
0x282: {  	_ =	sdelay $0x2  }
0x283: {  	s30 =	sadd.s32 $0x88, s30;
	s21 =	sadd.s32 s19, s28  }
0x284: {  	[hbm4b:s21+s7] =	stream.linear.scatter [tilespmem:s20], [sflag:$0x4], $0x80, $0x38;
	[tilespmem:$0x19A80] =	vst v63  }
0x285: {  	s28 =	sadd.s32 s26, s4;
	s20 =	simm.s32 $0x17000  }
0x286: {  	s29 =	simm.s32 $0x10;
	s30 =	simm.s32 $0x17088;
	s21 =	sadd.s32 $0x0, s28  }
.LBB2_21:
0x287: {  	[hbm4b:s21+s7] =	stream.linear.scatter [tilespmem:s20], [sflag:$0x4], $0x80, $0x38;
	[tilespmem:$0x19A80] =	vst v63  }
0x288: {  	s19 =	smov.u32 s29;
	s20 =	smov.u32 s30;
	p1 =	sne.s32 s29, $0x270  }
.Ltmp11:
0x289: {  	s29 =	sadd.s32 $0x10, s29;
	(pc) =	sbr.rel @p1 .LBB2_21-.Ltmp11, $2  }
0x28a: {  	_ =	sdelay $0x2  }
0x28b: {  	s30 =	sadd.s32 $0x88, s30;
	s21 =	sadd.s32 s19, s28  }
0x28c: {  	[hbm4b:s21+s7] =	stream.linear.scatter [tilespmem:s20], [sflag:$0x4], $0x80, $0x38;
	[tilespmem:$0x19A80] =	vst v63  }
0x28d: {  	s26 =	sadd.s32 s26, s22;
	s20 =	simm.s32 $0x18540  }
0x28e: {  	s28 =	simm.s32 $0x10;
	s29 =	simm.s32 $0x185C8;
	s21 =	sadd.s32 $0x0, s26  }
.LBB2_23:
0x28f: {  	[hbm4b:s21+s7] =	stream.linear.scatter [tilespmem:s20], [sflag:$0x4], $0x80, $0x38;
	[tilespmem:$0x19A80] =	vst v63  }
0x290: {  	s19 =	smov.u32 s28;
	s20 =	smov.u32 s29;
	p1 =	sne.s32 s28, $0x270  }
.Ltmp12:
0x291: {  	s28 =	sadd.s32 $0x10, s28;
	(pc) =	sbr.rel @p1 .LBB2_23-.Ltmp12, $2  }
0x292: {  	_ =	sdelay $0x2  }
0x293: {  	s29 =	sadd.s32 $0x88, s29;
	s21 =	sadd.s32 s19, s26  }
.Ltmp13:
0x294: {  	(pc) =	sbr.rel @p2 .LBB2_26-.Ltmp13, $2  }
0x295: {  	_ =	sdelay $0x2  }
0x296: {  	[hbm4b:s21+s7] =	stream.linear.scatter [tilespmem:s20], [sflag:$0x4], $0x80, $0x38;
	[tilespmem:$0x19A80] =	vst v63  }
0x297: {  	s19 =	sadd.s32 s25, s24  }
0x298: {  	s19 =	sshrl.u32 s19, $0x3  }
0x299: {  	s20 =	sadd.s32 s0, s19  }
0x29a: {  	[tilespmem:s9], [sflag:$0x2] =	stream.linear.gather [hbm4b:s20+s7], $0x280, $0x38;
	[tilespmem:$0x19A80] =	vst v63  }
0x29b: {  	s29 =	sadd.s32 s1, s19  }
0x29c: {  	[tilespmem:s10], [sflag:$0x2] =	stream.linear.gather [hbm4b:s29+s7], $0x280, $0x38;
	[tilespmem:$0x19A80] =	vst v63  }
.Ltmp14:
0x29d: {  	_ = 	snop;
	(pc) =	sbr.rel .LBB2_4-.Ltmp14, $4  }
0x29e: {  	s30 =	sadd.s32 s2, s19  }
0x29f: {  	[tilespmem:s11], [sflag:$0x2] =	stream.linear.gather [hbm4b:s30+s7], $0x280, $0x38;
	[tilespmem:$0x19A80] =	vst v63  }
0x2a0: {  	s6 =	sadd.s32 $0x1, s6;
	s19 =	sadd.s32 s3, s19  }
0x2a1: {  	[tilespmem:s12], [sflag:$0x2] =	stream.linear.gather [hbm4b:s19+s7], $0x280, $0x38;
	[tilespmem:$0x19A80] =	vst v63  }
.LBB2_26:
0x2a2: {  	s6 =	simm.s32 $0x3  }
0x2a3: {  	_ =	swait.ge [sflag:s6], $0x1400  }
0x2a4: {  	[sflag:s6] =	ssyncset.done $0x0  }
0x2a5: {  	[sflag:s6] =	ssyncadd.s32 $0xFFFFEC00  }
0x2a6: {  	_ =	swait.ge [sflag:s6], $0x1400  }
0x2a7: {  	[sflag:s6] =	ssyncset.done $0x0  }
0x2a8: {  	[sflag:s6] =	ssyncadd.s32 $0xFFFFEC00  }
0x2a9: {  	_ =	swait.ge [sflag:s6], $0x1400  }
0x2aa: {  	[sflag:s6] =	ssyncset.done $0x0  }
0x2ab: {  	[sflag:s6] =	ssyncadd.s32 $0xFFFFEC00  }
0x2ac: {  	_ =	swait.ge [sflag:s6], $0x1400  }
0x2ad: {  	[sflag:s6] =	ssyncset.done $0x0  }
0x2ae: {  	s30 =	simm.s32 $0x4;
	[sflag:s6] =	ssyncadd.s32 $0xFFFFEC00  }
0x2af: {  	_ =	swait.ge [sflag:s30], $0x1400  }
0x2b0: {  	[sflag:s30] =	ssyncset.done $0x0  }
0x2b1: {  	[sflag:s30] =	ssyncadd.s32 $0xFFFFEC00  }
0x2b2: {  	_ =	swait.ge [sflag:s30], $0x1400  }
0x2b3: {  	[sflag:s30] =	ssyncset.done $0x0  }
0x2b4: {  	[sflag:s30] =	ssyncadd.s32 $0xFFFFEC00  }
0x2b5: {  	_ =	swait.ge [sflag:s30], $0x1400  }
.Ltmp15:
0x2b6: {  	[sflag:s30] =	ssyncset.done $0x0;
	(pc) =	sbr.rel @p0 .LBB2_30-.Ltmp15, $4  }
0x2b7: {  	[sflag:s30] =	ssyncadd.s32 $0xFFFFEC00  }
0x2b8: {  	_ =	swait.ge [sflag:s30], $0x1400  }
0x2b9: {  	[sflag:s30] =	ssyncset.done $0x0  }
0x2ba: {  	s19 =	rddreg [dreg:$0x1c];
	[sflag:s30] =	ssyncadd.s32 $0xFFFFEC00  }
0x2bb: {  	s6 =	rddreg [dreg:$0x13];
	s19 =	simm.s32 $0xDC80  }
0x2bc: {  	[tilespmem:s19], [sflag:$0x1] =	stream.linear.gather [hbm4b:s6+s7], $0x80, $0x38;
	[tilespmem:$0x19A80] =	vst v63  }
0x2bd: {  	s26 =	rddreg [dreg:$0x14];
	s28 =	simm.s32 $0xDF00  }
0x2be: {  	[tilespmem:s28], [sflag:$0x1] =	stream.linear.gather [hbm4b:s26+s7], $0x80, $0x38;
	[tilespmem:$0x19A80] =	vst v63  }
0x2bf: {  	s29 =	rddreg [dreg:$0x15];
	s6 =	simm.s32 $0xE180  }
0x2c0: {  	[tilespmem:s6], [sflag:$0x1] =	stream.linear.gather [hbm4b:s29+s7], $0x80, $0x38;
	[tilespmem:$0x19A80] =	vst v63  }
0x2c1: {  	s30 =	rddreg [dreg:$0x18];
	s20 =	simm.s32 $0xE400  }
0x2c2: {  	[tilespmem:s20], [sflag:$0x1] =	stream.linear.gather [hbm4b:s30+s7], $0x80, $0x38;
	[tilespmem:$0x19A80] =	vst v63  }
0x2c3: {  	_ =	swait.ge [sflag:s13], $0x80  }
0x2c4: {  	[sflag:s13] =	ssyncset.done $0x0  }
0x2c5: {  	[sflag:s13] =	ssyncadd.s32 $0xFFFFFF80  }
0x2c6: {  	_ =	swait.ge [sflag:s13], $0x80  }
0x2c7: {  	[sflag:s13] =	ssyncset.done $0x0  }
0x2c8: {  	[sflag:s13] =	ssyncadd.s32 $0xFFFFFF80  }
0x2c9: {  	_ =	swait.ge [sflag:s13], $0x80  }
0x2ca: {  	[sflag:s13] =	ssyncset.done $0x0  }
0x2cb: {  	[sflag:s13] =	ssyncadd.s32 $0xFFFFFF80  }
0x2cc: {  	_ =	swait.ge [sflag:s13], $0x80  }
0x2cd: {  	[sflag:s13] =	ssyncset.done $0x0  }
0x2ce: {  	s25 =	simm.s32 $0xF;
	[sflag:s13] =	ssyncadd.s32 $0xFFFFFF80  }
.LBB2_28:
0x2cf: {  	v35 =	vld [tilespmem:s6+$0xFFFFFD80]  }
0x2d0: {  	v36 =	vld [tilespmem:s6+$0x0];
	_ =	sdelay $0x1  }
0x2d1: {  	v37 =	vld [tilespmem:s6+$0xFFFFFB00]  }
0x2d2: {  	v38 =	vld [tilespmem:s6+$0x280]  }
0x2d3: {  	v35 =	vshll.u32 v35, $0x4  }
0x2d4: {  	v35 =	vadd.s32 v36, v35  }
0x2d5: {  	v36 =	vmul.u32 $0x9, v35  }
0x2d6: {  	v35 =	vshll.u32 v37, $0x5  }
0x2d7: {  	v37 =	vperm.xlane v35, v3;
	v36 =	vadd.s32 v38, v36  }
0x2d8: {  	v36 =	vshll.u32 v36, $0x5  }
0x2d9: {  	v39 =	vadd.s32 v4, v37;
	v48 =	vperm.xlane v36, v3  }
0x2da: {  	v37 =	vadd.s32 v5, v37  }
0x2db: {  	v40 =	vadd.s32 v4, v48  }
0x2dc: {  	s19 =	sadd.s32 $0xFFFFFFF1, s25;
	v38 =	vadd.s32 v5, v48  }
0x2dd: {  	v41 =	vmov s19  }
0x2de: {  	v41 =	vshrl.u32 v41, $0x3;
	v39 =	vld.idx.msk [tilespmem:v39+s7+$0x0], $0xffff  }
0x2df: {  	v41 =	vshll.u32 v41, v9;
	v37 =	vld.idx.msk [tilespmem:v37+s7+$0x0], $0xffff  }
0x2e0: {  	v41 =	vbroadcast v41, $0x0;
	v40 =	vld.idx.msk [tilespmem:v40+s14+$0x0], $0xffff  }
0x2e1: {  	v38 =	vld.idx.msk [tilespmem:v38+s14+$0x0], $0xffff  }
0x2e2: {  	v42 =	vadd.s32 v8, v41;
	v43 =	vperm.xlane v35, v6  }
0x2e3: {  	v44 =	vadd.s32 v10, v41;
	v45 =	vperm.xlane v36, v6  }
0x2e4: {  	v46 =	vadd.s32 v4, v43  }
0x2e5: {  	v49 =	vadd.s32 v4, v45;
	v39 =	vadd.f32 v40, v39  }
0x2e6: {  	v50 =	vadd.s32 v5, v43;
	v37 =	vadd.f32 v38, v37  }
0x2e7: {  	v51 =	vadd.s32 v5, v45;
	[tilespmem:v42+s15+$0x0] =	vst.idx.msk $0xffff, v39  }
0x2e8: {  	[tilespmem:v44+s15+$0x0] =	vst.idx.msk $0xffff, v37  }
0x2e9: {  	v37 =	vld.idx.msk [tilespmem:v46+s7+$0x0], $0xffff  }
0x2ea: {  	v40 =	vld.idx.msk [tilespmem:v49+s14+$0x0], $0xffff  }
0x2eb: {  	v38 =	vld.idx.msk [tilespmem:v50+s7+$0x0], $0xffff  }
0x2ec: {  	v39 =	vld.idx.msk [tilespmem:v51+s14+$0x0], $0xffff  }
0x2ed: {  	v52 =	vadd.s32 v19, v41;
	v53 =	vperm.xlane v35, v7  }
0x2ee: {  	v54 =	vadd.s32 v20, v41;
	v55 =	vperm.xlane v36, v7  }
0x2ef: {  	v56 =	vadd.s32 v4, v53  }
0x2f0: {  	v57 =	vadd.s32 v4, v55;
	v37 =	vadd.f32 v40, v37  }
0x2f1: {  	v58 =	vadd.s32 v5, v53;
	v38 =	vadd.f32 v39, v38  }
0x2f2: {  	v59 =	vadd.s32 v5, v55;
	[tilespmem:v52+s15+$0x0] =	vst.idx.msk $0xffff, v37  }
0x2f3: {  	[tilespmem:v54+s15+$0x0] =	vst.idx.msk $0xffff, v38  }
0x2f4: {  	v38 =	vld.idx.msk [tilespmem:v56+s7+$0x0], $0xffff  }
0x2f5: {  	v40 =	vld.idx.msk [tilespmem:v57+s14+$0x0], $0xffff  }
0x2f6: {  	v39 =	vld.idx.msk [tilespmem:v58+s7+$0x0], $0xffff  }
0x2f7: {  	v37 =	vld.idx.msk [tilespmem:v59+s14+$0x0], $0xffff  }
0x2f8: {  	v60 =	vadd.s32 v21, v41;
	v61 =	vperm.xlane v35, v11  }
0x2f9: {  	v62 =	vadd.s32 v22, v41;
	v63 =	vperm.xlane v36, v11  }
0x2fa: {  	v48 =	vadd.s32 v4, v61  }
0x2fb: {  	v49 =	vadd.s32 v4, v63;
	v38 =	vadd.f32 v40, v38  }
0x2fc: {  	v50 =	vadd.s32 v5, v61;
	v37 =	vadd.f32 v37, v39  }
0x2fd: {  	v51 =	vadd.s32 v5, v63;
	[tilespmem:v60+s15+$0x0] =	vst.idx.msk $0xffff, v38  }
0x2fe: {  	[tilespmem:v62+s15+$0x0] =	vst.idx.msk $0xffff, v37  }
0x2ff: {  	v37 =	vld.idx.msk [tilespmem:v48+s7+$0x0], $0xffff  }
0x300: {  	v40 =	vld.idx.msk [tilespmem:v49+s14+$0x0], $0xffff  }
0x301: {  	v39 =	vld.idx.msk [tilespmem:v50+s7+$0x0], $0xffff  }
0x302: {  	v38 =	vld.idx.msk [tilespmem:v51+s14+$0x0], $0xffff  }
0x303: {  	v53 =	vperm.xlane v35, v1;
	v52 =	vadd.s32 v23, v41  }
0x304: {  	v55 =	vperm.xlane v36, v1;
	v54 =	vadd.s32 v24, v41  }
0x305: {  	v56 =	vadd.s32 v4, v53  }
0x306: {  	v57 =	vadd.s32 v4, v55;
	v37 =	vadd.f32 v40, v37  }
0x307: {  	v58 =	vadd.s32 v5, v53;
	v38 =	vadd.f32 v38, v39  }
0x308: {  	v59 =	vadd.s32 v5, v55;
	[tilespmem:v52+s15+$0x0] =	vst.idx.msk $0xffff, v37  }
0x309: {  	[tilespmem:v54+s15+$0x0] =	vst.idx.msk $0xffff, v38  }
0x30a: {  	v38 =	vld.idx.msk [tilespmem:v56+s7+$0x0], $0xffff  }
0x30b: {  	v40 =	vld.idx.msk [tilespmem:v57+s14+$0x0], $0xffff  }
0x30c: {  	v39 =	vld.idx.msk [tilespmem:v58+s7+$0x0], $0xffff  }
0x30d: {  	v37 =	vld.idx.msk [tilespmem:v59+s14+$0x0], $0xffff  }
0x30e: {  	v61 =	vperm.xlane v35, v0;
	v60 =	vadd.s32 v25, v41  }
0x30f: {  	v63 =	vperm.xlane v36, v0;
	v62 =	vadd.s32 v26, v41  }
0x310: {  	v48 =	vadd.s32 v4, v61  }
0x311: {  	v49 =	vadd.s32 v4, v63;
	v38 =	vadd.f32 v40, v38  }
0x312: {  	v50 =	vadd.s32 v5, v61;
	v37 =	vadd.f32 v37, v39  }
0x313: {  	v51 =	vadd.s32 v5, v63;
	[tilespmem:v60+s15+$0x0] =	vst.idx.msk $0xffff, v38  }
0x314: {  	[tilespmem:v62+s15+$0x0] =	vst.idx.msk $0xffff, v37  }
0x315: {  	v37 =	vld.idx.msk [tilespmem:v48+s7+$0x0], $0xffff  }
0x316: {  	v40 =	vld.idx.msk [tilespmem:v49+s14+$0x0], $0xffff  }
0x317: {  	v39 =	vld.idx.msk [tilespmem:v50+s7+$0x0], $0xffff  }
0x318: {  	v38 =	vld.idx.msk [tilespmem:v51+s14+$0x0], $0xffff  }
0x319: {  	v53 =	vperm.xlane v35, v12;
	v52 =	vadd.s32 v29, v41  }
0x31a: {  	v55 =	vperm.xlane v36, v12;
	v54 =	vadd.s32 v30, v41  }
0x31b: {  	v56 =	vadd.s32 v4, v53  }
0x31c: {  	v57 =	vadd.s32 v4, v55;
	v37 =	vadd.f32 v40, v37  }
0x31d: {  	v58 =	vadd.s32 v5, v53;
	v38 =	vadd.f32 v38, v39  }
0x31e: {  	v59 =	vadd.s32 v5, v55;
	[tilespmem:v52+s15+$0x0] =	vst.idx.msk $0xffff, v37  }
0x31f: {  	[tilespmem:v54+s15+$0x0] =	vst.idx.msk $0xffff, v38  }
0x320: {  	v38 =	vld.idx.msk [tilespmem:v56+s7+$0x0], $0xffff  }
0x321: {  	v40 =	vld.idx.msk [tilespmem:v57+s14+$0x0], $0xffff  }
0x322: {  	v39 =	vld.idx.msk [tilespmem:v58+s7+$0x0], $0xffff  }
0x323: {  	v37 =	vld.idx.msk [tilespmem:v59+s14+$0x0], $0xffff  }
0x324: {  	v61 =	vperm.xlane v35, v27;
	v60 =	vadd.s32 v31, v41  }
0x325: {  	v63 =	vperm.xlane v36, v27;
	v62 =	vadd.s32 v32, v41  }
0x326: {  	v48 =	vadd.s32 v4, v61  }
0x327: {  	v49 =	vadd.s32 v4, v63;
	v38 =	vadd.f32 v40, v38  }
0x328: {  	v50 =	vadd.s32 v5, v61;
	v37 =	vadd.f32 v37, v39  }
0x329: {  	v51 =	vadd.s32 v5, v63;
	[tilespmem:v60+s15+$0x0] =	vst.idx.msk $0xffff, v38  }
0x32a: {  	[tilespmem:v62+s15+$0x0] =	vst.idx.msk $0xffff, v37  }
0x32b: {  	v37 =	vld.idx.msk [tilespmem:v48+s7+$0x0], $0xffff  }
0x32c: {  	v40 =	vld.idx.msk [tilespmem:v49+s14+$0x0], $0xffff  }
0x32d: {  	v39 =	vld.idx.msk [tilespmem:v50+s7+$0x0], $0xffff  }
0x32e: {  	v38 =	vld.idx.msk [tilespmem:v51+s14+$0x0], $0xffff  }
0x32f: {  	v53 =	vperm.xlane v35, v28;
	v52 =	vadd.s32 v33, v41  }
0x330: {  	v41 =	vadd.s32 v34, v41;
	v54 =	vperm.xlane v36, v28  }
0x331: {  	v55 =	vadd.s32 v4, v53  }
0x332: {  	v56 =	vadd.s32 v4, v54;
	v37 =	vadd.f32 v40, v37  }
0x333: {  	v57 =	vadd.s32 v5, v53;
	v38 =	vadd.f32 v38, v39  }
0x334: {  	s30 =	sadd.s32 $0xFFFFFFF9, s25;
	v58 =	vadd.s32 v5, v54;
	[tilespmem:v52+s15+$0x0] =	vst.idx.msk $0xffff, v37  }
0x335: {  	v59 =	vmov s30;
	[tilespmem:v41+s15+$0x0] =	vst.idx.msk $0xffff, v38  }
0x336: {  	v38 =	vshrl.u32 v59, $0x3;
	v41 =	vld.idx.msk [tilespmem:v55+s7+$0x0], $0xffff  }
0x337: {  	v40 =	vld.idx.msk [tilespmem:v56+s14+$0x0], $0xffff;
	v38 =	vshll.u32 v38, v9  }
0x338: {  	v39 =	vld.idx.msk [tilespmem:v57+s7+$0x0], $0xffff;
	v38 =	vbroadcast v38, $0x0  }
0x339: {  	v37 =	vld.idx.msk [tilespmem:v58+s14+$0x0], $0xffff  }
0x33a: {  	v61 =	vperm.xlane v35, v2;
	v60 =	vadd.s32 v8, v38  }
0x33b: {  	v62 =	vperm.xlane v36, v2;
	v38 =	vadd.s32 v10, v38  }
0x33c: {  	v63 =	vadd.s32 v4, v61  }
0x33d: {  	v48 =	vadd.s32 v4, v62;
	v40 =	vadd.f32 v40, v41  }
0x33e: {  	v49 =	vadd.s32 v5, v61;
	v37 =	vadd.f32 v37, v39  }
0x33f: {  	s20 =	sadd.s32 $0xFFFFFFFA, s25;
	v50 =	vadd.s32 v5, v62;
	[tilespmem:v60+s15+$0x0] =	vst.idx.msk $0xffff, v40  }
0x340: {  	v51 =	vmov s20;
	[tilespmem:v38+s15+$0x0] =	vst.idx.msk $0xffff, v37  }
0x341: {  	v37 =	vshrl.u32 v51, $0x3;
	v38 =	vld.idx.msk [tilespmem:v63+s7+$0x0], $0xffff  }
0x342: {  	v41 =	vld.idx.msk [tilespmem:v48+s14+$0x0], $0xffff;
	v37 =	vshll.u32 v37, v9  }
0x343: {  	v39 =	vld.idx.msk [tilespmem:v49+s7+$0x0], $0xffff;
	v37 =	vbroadcast v37, $0x0  }
0x344: {  	v40 =	vld.idx.msk [tilespmem:v50+s14+$0x0], $0xffff  }
0x345: {  	v53 =	vperm.xlane v35, v13;
	v52 =	vadd.s32 v19, v37  }
0x346: {  	v54 =	vperm.xlane v36, v13;
	v37 =	vadd.s32 v20, v37  }
0x347: {  	v55 =	vadd.s32 v4, v53  }
0x348: {  	v56 =	vadd.s32 v4, v54;
	v38 =	vadd.f32 v41, v38  }
0x349: {  	v57 =	vadd.s32 v5, v53;
	v39 =	vadd.f32 v40, v39  }
0x34a: {  	s21 =	sadd.s32 $0xFFFFFFFB, s25;
	v58 =	vadd.s32 v5, v54;
	[tilespmem:v52+s15+$0x0] =	vst.idx.msk $0xffff, v38  }
0x34b: {  	v59 =	vmov s21;
	[tilespmem:v37+s15+$0x0] =	vst.idx.msk $0xffff, v39  }
0x34c: {  	v37 =	vshrl.u32 v59, $0x3;
	v39 =	vld.idx.msk [tilespmem:v55+s7+$0x0], $0xffff  }
0x34d: {  	v41 =	vld.idx.msk [tilespmem:v56+s14+$0x0], $0xffff;
	v37 =	vshll.u32 v37, v9  }
0x34e: {  	v40 =	vld.idx.msk [tilespmem:v57+s7+$0x0], $0xffff;
	v37 =	vbroadcast v37, $0x0  }
0x34f: {  	v38 =	vld.idx.msk [tilespmem:v58+s14+$0x0], $0xffff  }
0x350: {  	v61 =	vperm.xlane v35, v14;
	v60 =	vadd.s32 v21, v37  }
0x351: {  	v62 =	vperm.xlane v36, v14;
	v37 =	vadd.s32 v22, v37  }
0x352: {  	v63 =	vadd.s32 v4, v61  }
0x353: {  	v48 =	vadd.s32 v4, v62;
	v39 =	vadd.f32 v41, v39  }
0x354: {  	v49 =	vadd.s32 v5, v61;
	v38 =	vadd.f32 v38, v40  }
0x355: {  	s26 =	sadd.s32 $0xFFFFFFFC, s25;
	v50 =	vadd.s32 v5, v62;
	[tilespmem:v60+s15+$0x0] =	vst.idx.msk $0xffff, v39  }
0x356: {  	v51 =	vmov s26;
	[tilespmem:v37+s15+$0x0] =	vst.idx.msk $0xffff, v38  }
0x357: {  	v37 =	vshrl.u32 v51, $0x3;
	v38 =	vld.idx.msk [tilespmem:v63+s7+$0x0], $0xffff  }
0x358: {  	v41 =	vld.idx.msk [tilespmem:v48+s14+$0x0], $0xffff;
	v37 =	vshll.u32 v37, v9  }
0x359: {  	v40 =	vld.idx.msk [tilespmem:v49+s7+$0x0], $0xffff;
	v37 =	vbroadcast v37, $0x0  }
0x35a: {  	v39 =	vld.idx.msk [tilespmem:v50+s14+$0x0], $0xffff  }
0x35b: {  	v53 =	vperm.xlane v35, v15;
	v52 =	vadd.s32 v23, v37  }
0x35c: {  	v54 =	vperm.xlane v36, v15;
	v37 =	vadd.s32 v24, v37  }
0x35d: {  	v55 =	vadd.s32 v4, v53  }
0x35e: {  	v56 =	vadd.s32 v4, v54;
	v38 =	vadd.f32 v41, v38  }
0x35f: {  	v57 =	vadd.s32 v5, v53;
	v39 =	vadd.f32 v39, v40  }
0x360: {  	s28 =	sadd.s32 $0xFFFFFFFD, s25;
	v58 =	vadd.s32 v5, v54;
	[tilespmem:v52+s15+$0x0] =	vst.idx.msk $0xffff, v38  }
0x361: {  	v59 =	vmov s28;
	[tilespmem:v37+s15+$0x0] =	vst.idx.msk $0xffff, v39  }
0x362: {  	v37 =	vshrl.u32 v59, $0x3;
	v39 =	vld.idx.msk [tilespmem:v55+s7+$0x0], $0xffff  }
0x363: {  	v41 =	vld.idx.msk [tilespmem:v56+s14+$0x0], $0xffff;
	v37 =	vshll.u32 v37, v9  }
0x364: {  	v40 =	vld.idx.msk [tilespmem:v57+s7+$0x0], $0xffff;
	v37 =	vbroadcast v37, $0x0  }
0x365: {  	v38 =	vld.idx.msk [tilespmem:v58+s14+$0x0], $0xffff  }
0x366: {  	v61 =	vperm.xlane v35, v16;
	v60 =	vadd.s32 v25, v37  }
0x367: {  	v62 =	vperm.xlane v36, v16;
	v37 =	vadd.s32 v26, v37  }
0x368: {  	v63 =	vadd.s32 v4, v61  }
0x369: {  	v47 =	vadd.s32 v4, v62;
	v39 =	vadd.f32 v41, v39  }
0x36a: {  	v48 =	vadd.s32 v5, v61;
	v38 =	vadd.f32 v38, v40  }
0x36b: {  	s29 =	sadd.s32 $0xFFFFFFFE, s25;
	v49 =	vadd.s32 v5, v62;
	[tilespmem:v60+s15+$0x0] =	vst.idx.msk $0xffff, v39  }
0x36c: {  	v50 =	vmov s29;
	[tilespmem:v37+s15+$0x0] =	vst.idx.msk $0xffff, v38  }
0x36d: {  	v37 =	vshrl.u32 v50, $0x3;
	v38 =	vld.idx.msk [tilespmem:v63+s7+$0x0], $0xffff  }
0x36e: {  	v41 =	vld.idx.msk [tilespmem:v47+s14+$0x0], $0xffff;
	v37 =	vshll.u32 v37, v9  }
0x36f: {  	v40 =	vld.idx.msk [tilespmem:v48+s7+$0x0], $0xffff;
	v37 =	vbroadcast v37, $0x0  }
0x370: {  	v39 =	vld.idx.msk [tilespmem:v49+s14+$0x0], $0xffff  }
0x371: {  	v52 =	vperm.xlane v35, v17;
	v51 =	vadd.s32 v29, v37  }
0x372: {  	v53 =	vperm.xlane v36, v17;
	v37 =	vadd.s32 v30, v37  }
0x373: {  	v54 =	vadd.s32 v4, v52  }
0x374: {  	v55 =	vadd.s32 v4, v53;
	v38 =	vadd.f32 v41, v38  }
0x375: {  	v56 =	vadd.s32 v5, v52;
	v39 =	vadd.f32 v39, v40  }
0x376: {  	s30 =	sadd.s32 $0xFFFFFFFF, s25;
	v57 =	vadd.s32 v5, v53;
	[tilespmem:v51+s15+$0x0] =	vst.idx.msk $0xffff, v38  }
0x377: {  	v58 =	vmov s30;
	[tilespmem:v37+s15+$0x0] =	vst.idx.msk $0xffff, v39  }
0x378: {  	v37 =	vshrl.u32 v58, $0x3;
	v39 =	vld.idx.msk [tilespmem:v54+s7+$0x0], $0xffff  }
0x379: {  	v41 =	vld.idx.msk [tilespmem:v55+s14+$0x0], $0xffff;
	v37 =	vshll.u32 v37, v9  }
0x37a: {  	v40 =	vld.idx.msk [tilespmem:v56+s7+$0x0], $0xffff;
	v37 =	vbroadcast v37, $0x0  }
0x37b: {  	v38 =	vld.idx.msk [tilespmem:v57+s14+$0x0], $0xffff  }
0x37c: {  	v35 =	vperm.xlane v35, v18;
	v59 =	vadd.s32 v31, v37  }
0x37d: {  	v36 =	vperm.xlane v36, v18;
	v37 =	vadd.s32 v32, v37  }
0x37e: {  	v60 =	vadd.s32 v4, v35  }
0x37f: {  	v61 =	vadd.s32 v4, v36;
	v39 =	vadd.f32 v41, v39  }
0x380: {  	v35 =	vadd.s32 v5, v35;
	v38 =	vadd.f32 v38, v40  }
0x381: {  	v36 =	vadd.s32 v5, v36;
	[tilespmem:v59+s15+$0x0] =	vst.idx.msk $0xffff, v39  }
0x382: {  	v62 =	vmov s25;
	[tilespmem:v37+s15+$0x0] =	vst.idx.msk $0xffff, v38  }
0x383: {  	v37 =	vshrl.u32 v62, $0x3;
	v38 =	vld.idx.msk [tilespmem:v60+s7+$0x0], $0xffff  }
0x384: {  	v39 =	vld.idx.msk [tilespmem:v61+s14+$0x0], $0xffff;
	v37 =	vshll.u32 v37, v9  }
0x385: {  	v35 =	vld.idx.msk [tilespmem:v35+s7+$0x0], $0xffff;
	v37 =	vbroadcast v37, $0x0  }
0x386: {  	v36 =	vld.idx.msk [tilespmem:v36+s14+$0x0], $0xffff  }
0x387: {  	v63 =	vadd.s32 v33, v37  }
0x388: {  	p1 =	sne.s32 s25, $0x7F;
	v37 =	vadd.s32 v34, v37  }
.Ltmp16:
0x389: {  	_ = 	snop;
	(pc) =	sbr.rel @p1 .LBB2_28-.Ltmp16, $4  }
0x38a: {  	v38 =	vadd.f32 v39, v38  }
0x38b: {  	v35 =	vadd.f32 v36, v35  }
0x38c: {  	[tilespmem:v63+s15+$0x0] =	vst.idx.msk $0xffff, v38  }
0x38d: {  	s6 =	sadd.s32 $0x10, s6;
	s25 =	sadd.s32 $0x10, s25;
	[tilespmem:v37+s15+$0x0] =	vst.idx.msk $0xffff, v35  }
0x38e: {  	s19 =	rddreg [dreg:$0x1a]  }
0x38f: {  	[hbm4b:s19+s7] =	stream.linear.scatter [tilespmem:s15], [sflag:$0x3], $0x80, $0x38;
	[tilespmem:$0x19A80] =	vst v63  }
0x390: {  	s20 =	simm.s32 $0xF108;
	s6 =	sadd.s32 $0x10, s19  }
0x391: {  	[hbm4b:s6+s7] =	stream.linear.scatter [tilespmem:s20], [sflag:$0x3], $0x80, $0x38;
	[tilespmem:$0x19A80] =	vst v63  }
0x392: {  	s25 =	simm.s32 $0xF190;
	s21 =	sadd.s32 $0x20, s19  }
0x393: {  	[hbm4b:s21+s7] =	stream.linear.scatter [tilespmem:s25], [sflag:$0x3], $0x80, $0x38;
	[tilespmem:$0x19A80] =	vst v63  }
0x394: {  	s28 =	simm.s32 $0xF218;
	s26 =	sadd.s32 $0x30, s19  }
0x395: {  	[hbm4b:s26+s7] =	stream.linear.scatter [tilespmem:s28], [sflag:$0x3], $0x80, $0x38;
	[tilespmem:$0x19A80] =	vst v63  }
0x396: {  	s30 =	simm.s32 $0xF2A0;
	s29 =	sadd.s32 $0x40, s19  }
0x397: {  	[hbm4b:s29+s7] =	stream.linear.scatter [tilespmem:s30], [sflag:$0x3], $0x80, $0x38;
	[tilespmem:$0x19A80] =	vst v63  }
0x398: {  	s21 =	sadd.s32 $0x50, s19;
	s25 =	simm.s32 $0xF328  }
0x399: {  	[hbm4b:s21+s7] =	stream.linear.scatter [tilespmem:s25], [sflag:$0x3], $0x80, $0x38;
	[tilespmem:$0x19A80] =	vst v63  }
0x39a: {  	s26 =	sadd.s32 $0x60, s19;
	s28 =	simm.s32 $0xF3B0  }
0x39b: {  	[hbm4b:s26+s7] =	stream.linear.scatter [tilespmem:s28], [sflag:$0x3], $0x80, $0x38;
	[tilespmem:$0x19A80] =	vst v63  }
0x39c: {  	s29 =	sadd.s32 $0x70, s19;
	s30 =	simm.s32 $0xF438  }
0x39d: {  	[hbm4b:s29+s7] =	stream.linear.scatter [tilespmem:s30], [sflag:$0x3], $0x80, $0x38;
	[tilespmem:$0x19A80] =	vst v63  }
0x39e: {  	s20 =	simm.s32 $0x105C0;
	s19 =	rddreg [dreg:$0x16]  }
0x39f: {  	[hbm4b:s19+s7] =	stream.linear.scatter [tilespmem:s20], [sflag:$0x3], $0x80, $0x38;
	[tilespmem:$0x19A80] =	vst v63  }
0x3a0: {  	s21 =	sadd.s32 $0x10, s19;
	s25 =	simm.s32 $0x10648  }
0x3a1: {  	[hbm4b:s21+s7] =	stream.linear.scatter [tilespmem:s25], [sflag:$0x3], $0x80, $0x38;
	[tilespmem:$0x19A80] =	vst v63  }
0x3a2: {  	s26 =	sadd.s32 $0x20, s19;
	s28 =	simm.s32 $0x106D0  }
0x3a3: {  	[hbm4b:s26+s7] =	stream.linear.scatter [tilespmem:s28], [sflag:$0x3], $0x80, $0x38;
	[tilespmem:$0x19A80] =	vst v63  }
0x3a4: {  	s29 =	sadd.s32 $0x30, s19;
	s30 =	simm.s32 $0x10758  }
0x3a5: {  	[hbm4b:s29+s7] =	stream.linear.scatter [tilespmem:s30], [sflag:$0x3], $0x80, $0x38;
	[tilespmem:$0x19A80] =	vst v63  }
0x3a6: {  	s21 =	sadd.s32 $0x40, s19;
	s25 =	simm.s32 $0x107E0  }
0x3a7: {  	[hbm4b:s21+s7] =	stream.linear.scatter [tilespmem:s25], [sflag:$0x3], $0x80, $0x38;
	[tilespmem:$0x19A80] =	vst v63  }
0x3a8: {  	s26 =	sadd.s32 $0x50, s19;
	s28 =	simm.s32 $0x10868  }
0x3a9: {  	[hbm4b:s26+s7] =	stream.linear.scatter [tilespmem:s28], [sflag:$0x3], $0x80, $0x38;
	[tilespmem:$0x19A80] =	vst v63  }
0x3aa: {  	s29 =	sadd.s32 $0x60, s19;
	s30 =	simm.s32 $0x108F0  }
0x3ab: {  	[hbm4b:s29+s7] =	stream.linear.scatter [tilespmem:s30], [sflag:$0x3], $0x80, $0x38;
	[tilespmem:$0x19A80] =	vst v63  }
0x3ac: {  	s20 =	sadd.s32 $0x70, s19;
	s21 =	simm.s32 $0x10978  }
0x3ad: {  	[hbm4b:s20+s7] =	stream.linear.scatter [tilespmem:s21], [sflag:$0x3], $0x80, $0x38;
	[tilespmem:$0x19A80] =	vst v63  }
0x3ae: {  	s19 =	rddreg [dreg:$0x17];
	s25 =	simm.s32 $0x11B00  }
0x3af: {  	[hbm4b:s19+s7] =	stream.linear.scatter [tilespmem:s25], [sflag:$0x3], $0x80, $0x38;
	[tilespmem:$0x19A80] =	vst v63  }
0x3b0: {  	s26 =	sadd.s32 $0x10, s19;
	s28 =	simm.s32 $0x11B88  }
0x3b1: {  	[hbm4b:s26+s7] =	stream.linear.scatter [tilespmem:s28], [sflag:$0x3], $0x80, $0x38;
	[tilespmem:$0x19A80] =	vst v63  }
0x3b2: {  	s29 =	sadd.s32 $0x20, s19;
	s30 =	simm.s32 $0x11C10  }
0x3b3: {  	[hbm4b:s29+s7] =	stream.linear.scatter [tilespmem:s30], [sflag:$0x3], $0x80, $0x38;
	[tilespmem:$0x19A80] =	vst v63  }
0x3b4: {  	s21 =	sadd.s32 $0x30, s19;
	s25 =	simm.s32 $0x11C98  }
0x3b5: {  	[hbm4b:s21+s7] =	stream.linear.scatter [tilespmem:s25], [sflag:$0x3], $0x80, $0x38;
	[tilespmem:$0x19A80] =	vst v63  }
0x3b6: {  	s26 =	sadd.s32 $0x40, s19;
	s28 =	simm.s32 $0x11D20  }
0x3b7: {  	[hbm4b:s26+s7] =	stream.linear.scatter [tilespmem:s28], [sflag:$0x3], $0x80, $0x38;
	[tilespmem:$0x19A80] =	vst v63  }
0x3b8: {  	s29 =	sadd.s32 $0x50, s19;
	s30 =	simm.s32 $0x11DA8  }
0x3b9: {  	[hbm4b:s29+s7] =	stream.linear.scatter [tilespmem:s30], [sflag:$0x3], $0x80, $0x38;
	[tilespmem:$0x19A80] =	vst v63  }
0x3ba: {  	s20 =	sadd.s32 $0x60, s19;
	s21 =	simm.s32 $0x11E30  }
0x3bb: {  	[hbm4b:s20+s7] =	stream.linear.scatter [tilespmem:s21], [sflag:$0x3], $0x80, $0x38;
	[tilespmem:$0x19A80] =	vst v63  }
0x3bc: {  	s25 =	sadd.s32 $0x70, s19;
	s26 =	simm.s32 $0x11EB8  }
0x3bd: {  	[hbm4b:s25+s7] =	stream.linear.scatter [tilespmem:s26], [sflag:$0x3], $0x80, $0x38;
	[tilespmem:$0x19A80] =	vst v63  }
0x3be: {  	s19 =	rddreg [dreg:$0x19];
	s28 =	simm.s32 $0x13040  }
0x3bf: {  	[hbm4b:s19+s7] =	stream.linear.scatter [tilespmem:s28], [sflag:$0x3], $0x80, $0x38;
	[tilespmem:$0x19A80] =	vst v63  }
0x3c0: {  	s29 =	sadd.s32 $0x10, s19;
	s30 =	simm.s32 $0x130C8  }
0x3c1: {  	[hbm4b:s29+s7] =	stream.linear.scatter [tilespmem:s30], [sflag:$0x3], $0x80, $0x38;
	[tilespmem:$0x19A80] =	vst v63  }
0x3c2: {  	s21 =	sadd.s32 $0x20, s19;
	s25 =	simm.s32 $0x13150  }
0x3c3: {  	[hbm4b:s21+s7] =	stream.linear.scatter [tilespmem:s25], [sflag:$0x3], $0x80, $0x38;
	[tilespmem:$0x19A80] =	vst v63  }
0x3c4: {  	s26 =	sadd.s32 $0x30, s19;
	s28 =	simm.s32 $0x131D8  }
0x3c5: {  	[hbm4b:s26+s7] =	stream.linear.scatter [tilespmem:s28], [sflag:$0x3], $0x80, $0x38;
	[tilespmem:$0x19A80] =	vst v63  }
0x3c6: {  	s29 =	sadd.s32 $0x40, s19;
	s30 =	simm.s32 $0x13260  }
0x3c7: {  	[hbm4b:s29+s7] =	stream.linear.scatter [tilespmem:s30], [sflag:$0x3], $0x80, $0x38;
	[tilespmem:$0x19A80] =	vst v63  }
0x3c8: {  	s20 =	sadd.s32 $0x50, s19;
	s21 =	simm.s32 $0x132E8  }
0x3c9: {  	[hbm4b:s20+s7] =	stream.linear.scatter [tilespmem:s21], [sflag:$0x3], $0x80, $0x38;
	[tilespmem:$0x19A80] =	vst v63  }
0x3ca: {  	s25 =	sadd.s32 $0x60, s19;
	s26 =	simm.s32 $0x13370  }
0x3cb: {  	[hbm4b:s25+s7] =	stream.linear.scatter [tilespmem:s26], [sflag:$0x3], $0x80, $0x38;
	[tilespmem:$0x19A80] =	vst v63  }
0x3cc: {  	s28 =	sadd.s32 $0x70, s19;
	s29 =	simm.s32 $0x133F8;
	s30 =	simm.s32 $0x3  }
0x3cd: {  	[hbm4b:s28+s7] =	stream.linear.scatter [tilespmem:s29], [sflag:$0x3], $0x80, $0x38;
	[tilespmem:$0x19A80] =	vst v63  }
0x3ce: {  	_ =	swait.ge [sflag:s30], $0x400  }
0x3cf: {  	[sflag:s30] =	ssyncset.done $0x0  }
0x3d0: {  	[sflag:s30] =	ssyncadd.s32 $0xFFFFFC00  }
0x3d1: {  	_ =	swait.ge [sflag:s30], $0x400  }
0x3d2: {  	[sflag:s30] =	ssyncset.done $0x0  }
0x3d3: {  	[sflag:s30] =	ssyncadd.s32 $0xFFFFFC00  }
0x3d4: {  	_ =	swait.ge [sflag:s30], $0x400  }
.Ltmp17:
0x3d5: {  	[sflag:s30] =	ssyncset.done $0x0;
	(pc) =	sbr.rel .LBB2_30-.Ltmp17, $4  }
0x3d6: {  	[sflag:s30] =	ssyncadd.s32 $0xFFFFFC00  }
0x3d7: {  	_ =	swait.ge [sflag:s30], $0x400  }
0x3d8: {  	[sflag:s30] =	ssyncset.done $0x0  }
0x3d9: {  	s19 =	rddreg [dreg:$0x1c];
	[sflag:s30] =	ssyncadd.s32 $0xFFFFFC00  }
.LBB2_31:
0x3da: {  	_ =	sfence.sel $0x180000  }
0x3db: {  	[bflag:$0x0] =	sbarrier.arrive $0xFFFF  }
0x3dc: {  	_ =	strace $0x90000047  }
0x3dd: {  	s0 =	stileid.u32;
	[bflag:$0x2] =	sbarrier.arrive $0xFFFF  }
0x3de: {  	p0 =	sne.s32 s0, $0x0;
	s0 =	rddreg [dreg:$0x6]  }
0x3df: {  	s0 =	sadd.s32 @!p0 $0x100000, s0  }
0x3e0: {  	[sflag:s0] =	ssyncadd.tile.s32 @!p0 $0x1;
	_ =	shalt  }
.Lfunc_end2:
_tile_overlayer_lowered:
.L_overlay_start_2:
0x3e1: {  	(tag) =	ssettag $0x2  }
0x3e2: {  	s0 =	rddreg [dreg:$0x0];
	s2 =	stileid.u32  }
0x3e3: {  	s1 =	rddreg [dreg:$0x1];
	p0 =	sne.s32 s2, $0x0  }
0x3e4: {  	s3 =	rddreg [dreg:$0x2];
	[bflag:$0x3] =	sbarrier.arrive $0xFFFF;
	s2 =	simm.s32 @!p0 $0x1C05  }
0x3e5: {  	[timem:s3], [sflag:s2] =	dma.local @!p0 [hbm:s0], s1  }
0x3e6: {  	s0 =	simm.s32 @!p0 $0x5  }
0x3e7: {  	_ =	swait.ge @!p0 [sflag:s0], s1  }
0x3e8: {  	s1 =	ssub.s32 @!p0 $0x0, s1;
	[sflag:s0] =	ssyncset.done @!p0 $0x0  }
0x3e9: {  	[sflag:s0] =	ssyncadd.s32 @!p0 s1  }
0x3ea: {  	[bflag:$0x3] =	sbarrier.arrive $0xFFFF  }
0x3eb: {  	_ =	shalt  }

</sc_bundles>
